<compile_context>
chip_gen: v7x
topology: tpu7x:2x2x1
jax: 0.10.2.dev20260603
libtpu: 0.0.44.dev20260713+nightly
codegen_flags: <defaults>
</compile_context>

<pallas_src>
import functools

import jax
import jax.numpy as jnp
from jax import lax
from jax.experimental import pallas as pl
from jax.experimental.pallas import tpu as pltpu
from jax.experimental.pallas import tpu_sc as plsc

N_USERS = 5000
N_ITEMS = 5000
N = N_USERS + N_ITEMS
NPAD = 10240
DIM = 128
H = 64
E = 320000
E_PAD = 327680
NSLICE = E_PAD // 128
NC, NS = 2, 16
ROWS_PER_TILE = NPAD // NS
SLICES_PER_TILE = NSLICE // NS
SLICES_PER_WORKER = NSLICE // (NC * NS)

_mesh = lambda: plsc.VectorSubcoreMesh(core_axis_name="c", subcore_axis_name="s")


@functools.partial(
    pl.kernel,
    out_type=jax.ShapeDtypeStruct((NC * NS, ROWS_PER_TILE, 16), jnp.float32),
    mesh=_mesh(),
    scratch_types=[
        pltpu.VMEM((SLICES_PER_WORKER, 128), jnp.int32),
        pltpu.VMEM((ROWS_PER_TILE, 16), jnp.float32),
    ],
    compiler_params=pltpu.CompilerParams(needs_layout_passes=False),
)
def _deg_kernel(col_hbm, hist_out, colb, hist):
    c = lax.axis_index("c")
    s = lax.axis_index("s")
    wid = s * NC + c
    pltpu.sync_copy(col_hbm.at[pl.ds(wid * SLICES_PER_WORKER, SLICES_PER_WORKER)], colb)

    zeros16 = jnp.zeros((16,), jnp.float32)

    def zero_body(i, _):
        hist[i, :] = zeros16
        return 0

    lax.fori_loop(0, ROWS_PER_TILE, zero_body, 0)

    ones16 = jnp.ones((16,), jnp.float32)

    def acc_body(i, _):
        j = i // 8
        k = i % 8
        idx = colb[j, pl.ds(k * 16, 16)]
        hi = jax.lax.shift_right_logical(idx, 4)
        lo = jax.lax.bitwise_and(idx, 15)
        plsc.addupdate_scatter(hist, [hi, lo], ones16)
        return 0

    lax.fori_loop(0, SLICES_PER_WORKER * 8, acc_body, 0)
    pltpu.sync_copy(hist, hist_out.at[wid])


_BN = 2048


def _prep_body(hist_ref, x0_ref, y0_ref, d2_ref, dbq_ref, x0q_ref):
    deg = jnp.sum(hist_ref[...], axis=0)
    pos = deg > 0.0
    dis = jnp.where(pos, lax.rsqrt(jnp.where(pos, deg, 1.0)), 0.0)
    x0 = x0_ref[...]
    xa = x0[:, :H]
    xb = x0[:, H:]
    y0_ref[0] = dis[:, None] * xa
    y0_ref[1] = dis[:, None] * xb
    d2_ref[...] = jnp.broadcast_to((dis * dis)[:, None], (_BN, H))
    dbq_ref[...] = jnp.broadcast_to((dis * 0.25)[:, None], (_BN, H))
    x0q_ref[0] = xa * 0.25
    x0q_ref[1] = xb * 0.25


def _prep_call(hist2, x0p):
    grid = (NPAD // _BN,)
    return pl.pallas_call(
        _prep_body,
        grid=grid,
        in_specs=[
            pl.BlockSpec((NC * NS, _BN), lambda i: (0, i)),
            pl.BlockSpec((_BN, DIM), lambda i: (i, 0)),
        ],
        out_specs=[
            pl.BlockSpec((2, _BN, H), lambda i: (0, i, 0)),
            pl.BlockSpec((_BN, H), lambda i: (i, 0)),
            pl.BlockSpec((_BN, H), lambda i: (i, 0)),
            pl.BlockSpec((2, _BN, H), lambda i: (0, i, 0)),
        ],
        out_shape=[
            jax.ShapeDtypeStruct((2, NPAD, H), jnp.float32),
            jax.ShapeDtypeStruct((NPAD, H), jnp.float32),
            jax.ShapeDtypeStruct((NPAD, H), jnp.float32),
            jax.ShapeDtypeStruct((2, NPAD, H), jnp.float32),
        ],
    )(hist2, x0p)


_HROWS = ROWS_PER_TILE // 5
_CHUNK = 16


@functools.partial(
    pl.kernel,
    out_type=(
        jax.ShapeDtypeStruct((2 * NPAD, H), jnp.float32),
        jax.ShapeDtypeStruct((2 * NPAD, H), jnp.float32),
    ),
    mesh=_mesh(),
    scratch_types=[
        pltpu.VMEM((2 * _CHUNK, 128), jnp.int32),
        pltpu.VMEM((2 * _CHUNK, 128), jnp.int32),
        pltpu.VMEM((256, H), jnp.float32),
        pltpu.VMEM((_HROWS, H), jnp.float32),
        pltpu.VMEM_SHARED((NPAD, H), jnp.float32),
        pltpu.VMEM_SHARED((NPAD, H), jnp.float32),
        pltpu.SemaphoreType.DMA,
        pltpu.SemaphoreType.DMA,
        pltpu.SemaphoreType.DMA,
    ],
    compiler_params=pltpu.CompilerParams(needs_layout_passes=False,
                                         use_tc_tiling_on_sc=False),
)
def _prop_kernel(row_hbm, col_hbm, y0f, d2b, dbq, x0q, zrows,
                 outf, sumacc,
                 row_buf, col_buf, g_buf, d2_buf, ytab, accum,
                 sem_g, sem_s, sem_i):
    c = lax.axis_index("c")
    s = lax.axis_index("s")
    rbase = s * SLICES_PER_TILE
    mybase = s * ROWS_PER_TILE
    off = c * NPAD

    for h in range(ROWS_PER_TILE // _HROWS):
        hb = mybase + h * _HROWS
        pltpu.sync_copy(y0f.at[pl.ds(off + hb, _HROWS)],
                        g_buf.at[pl.ds(0, _HROWS)])
        pltpu.sync_copy(g_buf.at[pl.ds(0, _HROWS)], ytab.at[pl.ds(hb, _HROWS)])

    def phase_a():
        nh = SLICES_PER_TILE

        def drain(sem):
            pltpu.make_async_copy(y0f.at[pl.ds(0, 128)],
                                  g_buf.at[pl.ds(0, 128)], sem).wait()

        def fetch_block(m):
            b2 = (m & 1) * _CHUNK
            pltpu.async_copy(row_hbm.at[pl.ds(rbase + m * _CHUNK, _CHUNK)],
                             row_buf.at[pl.ds(b2, _CHUNK)], sem_i)
            pltpu.async_copy(col_hbm.at[pl.ds(rbase + m * _CHUNK, _CHUNK)],
                             col_buf.at[pl.ds(b2, _CHUNK)], sem_i)

        def wait_block():
            for _ in range(2):
                pltpu.make_async_copy(row_hbm.at[pl.ds(0, _CHUNK)],
                                      row_buf.at[pl.ds(0, _CHUNK)],
                                      sem_i).wait()

        fetch_block(0)

        def body(i, _):
            p = i & 1
            m = i >> 4
            b = (m & 1) * _CHUNK

            @pl.when(jnp.logical_and((i & 15) == 0, i < nh))
            def _():
                wait_block()

            @pl.when(jnp.logical_and((i & 15) == 2, i < nh - _CHUNK + 2))
            def _():
                fetch_block(m + 1)

            @pl.when(i >= 2)
            def _():
                drain(sem_s)

            @pl.when(i < nh)
            def _():
                pltpu.async_copy(
                    ytab.at[row_buf.at[b + (i & 15)]],
                    g_buf.at[pl.ds(p * 128, 128)], sem_g)

            @pl.when(i >= 1)
            def _():
                q = 1 - p
                bq = (((i - 1) >> 4) & 1) * _CHUNK
                drain(sem_g)
                pltpu.async_copy(
                    g_buf.at[pl.ds(q * 128, 128)],
                    accum.at[col_buf.at[bq + ((i - 1) & 15)]], sem_s, add=True)
            return 0

        lax.fori_loop(0, nh + 1, body, 0)
        drain(sem_s)

    def _ewise(op):
        def body(i, _):
            for k in range(0, H, 16):
                op(i, pl.ds(k, 16))
            return 0

        lax.fori_loop(0, _HROWS, body, 0)

    def mul_into_g(i, sl):
        g_buf[i, sl] = g_buf[i, sl] * d2_buf[i, sl]

    def add_into_g(i, sl):
        g_buf[i, sl] = g_buf[i, sl] + d2_buf[i, sl]

    def add_into_d2(i, sl):
        d2_buf[i, sl] = d2_buf[i, sl] + g_buf[i, sl]

    for layer in range(3):
        pltpu.sync_copy(zrows, accum.at[pl.ds(mybase, ROWS_PER_TILE)])
        plsc.subcore_barrier()
        phase_a()
        plsc.subcore_barrier()
        for h in range(ROWS_PER_TILE // _HROWS):
            hb = mybase + h * _HROWS
            ohb = off + hb
            pltpu.sync_copy(accum.at[pl.ds(hb, _HROWS)],
                            g_buf.at[pl.ds(0, _HROWS)])
            if layer == 0:
                pltpu.sync_copy(g_buf.at[pl.ds(0, _HROWS)],
                                sumacc.at[pl.ds(ohb, _HROWS)])
            elif layer == 1:
                pltpu.sync_copy(sumacc.at[pl.ds(ohb, _HROWS)], d2_buf)
                _ewise(add_into_d2)
                pltpu.sync_copy(d2_buf, sumacc.at[pl.ds(ohb, _HROWS)])
            if layer < 2:
                pltpu.sync_copy(d2b.at[pl.ds(hb, _HROWS)], d2_buf)
                _ewise(mul_into_g)
                pltpu.sync_copy(g_buf.at[pl.ds(0, _HROWS)],
                                ytab.at[pl.ds(hb, _HROWS)])
            else:
                pltpu.sync_copy(sumacc.at[pl.ds(ohb, _HROWS)], d2_buf)
                _ewise(add_into_g)
                pltpu.sync_copy(dbq.at[pl.ds(hb, _HROWS)], d2_buf)
                _ewise(mul_into_g)
                pltpu.sync_copy(x0q.at[pl.ds(ohb, _HROWS)], d2_buf)
                _ewise(add_into_g)
                pltpu.sync_copy(g_buf.at[pl.ds(0, _HROWS)],
                                outf.at[pl.ds(ohb, _HROWS)])
        plsc.subcore_barrier()


def kernel(edge_index, user_weight, item_weight):
    row = edge_index[0]
    col = edge_index[1]
    pad = jnp.full((E_PAD - E,), NPAD - 1, jnp.int32)
    row2d = jnp.concatenate([row, pad]).reshape(NSLICE, 128)
    col2d = jnp.concatenate([col, pad]).reshape(NSLICE, 128)
    x0 = jnp.concatenate([user_weight, item_weight], axis=0)
    x0p = jnp.pad(x0, ((0, NPAD - N), (0, 0)))

    hist = _deg_kernel(col2d)
    hist2 = hist.reshape(NC * NS, NPAD)
    y0, d2b, dbq, x0q = _prep_call(hist2, x0p)

    zrows = jnp.zeros((ROWS_PER_TILE, H), jnp.float32)
    outf, _ = _prop_kernel(row2d, col2d, y0.reshape(2 * NPAD, H), d2b, dbq,
                           x0q.reshape(2 * NPAD, H), zrows)
    fin = jnp.concatenate([outf[:NPAD], outf[NPAD:]], axis=1)[:N]
    return (fin[:N_USERS], fin[N_USERS:])

# --- scband reference (transcript-rebuilt; emitter-appended) ---
"""Pipeline reference for scband-light-gcn-12154757447905 (READ-ONLY COPY).

The authoritative reference and input builder live on the scoring server;
editing this copy changes nothing except your own understanding.
"""

import jax, jax.numpy as jnp
import numpy as np

NUM_USERS = 5000
NUM_ITEMS = 5000
DIM = 128
NUM_LAYERS = 3
N_EDGES = 320000


def setup_inputs(seed: int = 0) -> dict:
    key = jax.random.key(seed)
    k1, k2, k3 = jax.random.split(key, 3)
    edge_index = jax.random.randint(k1, (2, N_EDGES), 0, NUM_USERS + NUM_ITEMS, dtype=jnp.int32)
    # xavier-normal-ish init for embedding tables
    std = float(np.sqrt(2.0 / (NUM_USERS + DIM)))
    user_weight = jax.random.normal(k2, (NUM_USERS, DIM), dtype=jnp.float32) * std
    item_weight = jax.random.normal(k3, (NUM_ITEMS, DIM), dtype=jnp.float32) * std
    return {"edge_index": edge_index, "user_weight": user_weight, "item_weight": item_weight}


def reference(edge_index, user_weight, item_weight):
    N = NUM_USERS + NUM_ITEMS
    all_emb = jnp.concatenate([user_weight, item_weight], axis=0)
    row = edge_index[0]
    col = edge_index[1]
    # symmetric normalization: deg computed over destination (col), as in the torch code
    deg = jax.ops.segment_sum(jnp.ones((row.shape[0],), dtype=all_emb.dtype), col, num_segments=N)
    deg_inv_sqrt = jnp.where(deg > 0, jax.lax.rsqrt(jnp.where(deg > 0, deg, 1.0)), 0.0)
    norm = deg_inv_sqrt[row] * deg_inv_sqrt[col]
    layers = [all_emb]
    x = all_emb
    for _ in range(NUM_LAYERS):
        msg = norm[:, None] * jnp.take(x, row, axis=0)
        x = jax.ops.segment_sum(msg, col, num_segments=N)
        # dropout p=0.0 -> identity (eval mode)
        layers.append(x)
    final_emb = jnp.mean(jnp.stack(layers, axis=0), axis=0)
    user_final = final_emb[:NUM_USERS]
    item_final = final_emb[NUM_USERS:]
    return (user_final, item_final)

if __name__ == "__main__":
    import jax
    _d = setup_inputs()
    print(jax.jit(kernel)(*tuple(_d.values())))

</pallas_src>

<mosaic_0001>
#map = affine_map<(d0, d1) -> (0, 0)>
#map1 = affine_map<(d0, d1) -> (0, 0, 0)>
module attributes {stable_mosaic.version = 14 : i64} {
  func.func @_deg_kernel(%arg0: i32, %arg1: i32, %arg2: memref<2560x128xi32, #tpu.memory_space<hbm>>, %arg3: memref<32x640x16xf32, #tpu.memory_space<hbm>>, %arg4: memref<80x128xi32, #tpu.memory_space<vmem>>, %arg5: memref<640x16xf32, #tpu.memory_space<vmem>>) attributes {dimension_semantics = [#tpu.dimension_semantics<core_parallel>, #tpu.dimension_semantics<subcore_parallel>], iteration_bounds = array<i64: 2, 16>, scalar_prefetch = 0 : i64, scratch_operands = 2 : i64, tpu.core_type = #tpu.core_type<sc_vector_subcore>, window_params = [{transform_indices = #map}, {transform_indices = #map1}]} {
    %mul3A = arith.constant 2 : i32
    %mul3A_0 = arith.muli %arg1, %mul3A : i32
    %add3A = arith.addi %mul3A_0, %arg0 : i32
    %mul3A_1 = arith.constant 80 : i32
    %mul3A_2 = arith.muli %add3A, %mul3A_1 : i32
    "tpu.region"() ({
      %run_scoped3A = tpu.sem_alloc : memref<!tpu.dma_semaphore, #tpu.memory_space<semaphore_mem>>
      %dma_start3A = arith.constant 0 : i32
      %dma_start3A_19 = tpu.memref_slice %arg2[%mul3A_2, %dma_start3A] : memref<2560x128xi32, #tpu.memory_space<hbm>> -> memref<80x128xi32, #tpu.memory_space<hbm>>
      %dma_start3A_20 = arith.constant 0 : i32
      %dma_start3A_21 = tpu.memref_slice %arg2[%mul3A_2, %dma_start3A_20] : memref<2560x128xi32, #tpu.memory_space<hbm>> -> memref<80x128xi32, #tpu.memory_space<hbm>>
      tpu.enqueue_dma source(%dma_start3A_21 : memref<80x128xi32, #tpu.memory_space<hbm>>) target(%arg4 : memref<80x128xi32, #tpu.memory_space<vmem>>) target_semaphore(%run_scoped3A : memref<!tpu.dma_semaphore, #tpu.memory_space<semaphore_mem>>)
      %dma_wait3A = arith.constant 0 : i32
      %dma_wait3A_22 = tpu.memref_slice %arg2[%mul3A_2, %dma_wait3A] : memref<2560x128xi32, #tpu.memory_space<hbm>> -> memref<80x128xi32, #tpu.memory_space<hbm>>
      %dma_wait3A_23 = arith.constant 0 : i32
      %dma_wait3A_24 = tpu.memref_slice %arg2[%mul3A_2, %dma_wait3A_23] : memref<2560x128xi32, #tpu.memory_space<hbm>> -> memref<80x128xi32, #tpu.memory_space<hbm>>
      tpu.wait_dma2 semaphore(%run_scoped3A : memref<!tpu.dma_semaphore, #tpu.memory_space<semaphore_mem>>) src(%dma_wait3A_24 : memref<80x128xi32, #tpu.memory_space<hbm>>) dst(%arg4 : memref<80x128xi32, #tpu.memory_space<vmem>>)
      tpu.yield
    }) : () -> ()
    %broadcast_in_dim3A = arith.constant 0.000000e+00 : f32
    %broadcast_in_dim3A_3 = vector.broadcast %broadcast_in_dim3A : f32 to vector<16xf32>
    %scan3A = arith.constant 0 : i32
    %scan3A_4 = arith.constant 0 : i32
    %scan3A_5 = arith.constant 640 : i32
    %scan3A_6 = arith.addi %scan3A_4, %scan3A_5 : i32
    %scan3A_7 = arith.constant 1 : i32
    %scan3A_8 = scf.for %scan3A_19 = %scan3A_4 to %scan3A_6 step %scan3A_7 iter_args(%scan3A_20 = %scan3A) -> (i32)  : i32 {
      %swap3A = arith.index_cast %scan3A_19 : i32 to index
      %swap3A_21 = arith.constant 0 : index
      %swap3A_22 = tpu.vector_load %arg5[%swap3A, %swap3A_21] {strides = array<i32>} : memref<640x16xf32, #tpu.memory_space<vmem>>, vector<16xf32>,
      tpu.vector_store %arg5[%swap3A, %swap3A_21], %broadcast_in_dim3A_3 {strides = array<i32>} : memref<640x16xf32, #tpu.memory_space<vmem>>, vector<16xf32>,
      %scan3A_23 = arith.constant 0 : i32
      scf.yield %scan3A_23 : i32
    }
    %scan3A_9 = arith.constant 640 : i32
    %broadcast_in_dim3A_10 = arith.constant 1.000000e+00 : f32
    %broadcast_in_dim3A_11 = vector.broadcast %broadcast_in_dim3A_10 : f32 to vector<16xf32>
    %scan3A_12 = arith.constant 0 : i32
    %scan3A_13 = arith.constant 0 : i32
    %scan3A_14 = arith.constant 640 : i32
    %scan3A_15 = arith.addi %scan3A_13, %scan3A_14 : i32
    %scan3A_16 = arith.constant 1 : i32
    %scan3A_17 = scf.for %scan3A_19 = %scan3A_13 to %scan3A_15 step %scan3A_16 iter_args(%scan3A_20 = %scan3A_12) -> (i32)  : i32 {
      %jit3A = arith.constant 8 : i32
      %div3A = arith.divsi %scan3A_19, %jit3A : i32
      %sign3A = arith.constant 0 : i32
      %sign3A_21 = arith.cmpi sgt, %scan3A_19, %sign3A : i32
      %sign3A_22 = arith.extui %sign3A_21 : i1 to i32
      %sign3A_23 = arith.constant 0 : i32
      %sign3A_24 = arith.cmpi slt, %scan3A_19, %sign3A_23 : i32
      %sign3A_25 = arith.extui %sign3A_24 : i1 to i32
      %sign3A_26 = arith.subi %sign3A_22, %sign3A_25 : i32
      %sign3A_27 = arith.constant 0 : i32
      %sign3A_28 = arith.cmpi sgt, %jit3A, %sign3A_27 : i32
      %sign3A_29 = arith.extui %sign3A_28 : i1 to i32
      %sign3A_30 = arith.constant 0 : i32
      %sign3A_31 = arith.cmpi slt, %jit3A, %sign3A_30 : i32
      %sign3A_32 = arith.extui %sign3A_31 : i1 to i32
      %sign3A_33 = arith.subi %sign3A_29, %sign3A_32 : i32
      %ne3A = arith.cmpi ne, %sign3A_26, %sign3A_33 : i32
      %rem3A = arith.remsi %scan3A_19, %jit3A : i32
      %ne3A_34 = arith.constant 0 : i32
      %ne3A_35 = arith.cmpi ne, %rem3A, %ne3A_34 : i32
      %and3A = arith.andi %ne3A, %ne3A_35 : i1
      %sub3A = arith.constant 1 : i32
      %sub3A_36 = arith.subi %div3A, %sub3A : i32
      %select_n3A = arith.select %and3A, %sub3A_36, %div3A : i32
      %jit3A_37 = arith.constant 8 : i32
      %eq3A = arith.constant 0 : i32
      %eq3A_38 = arith.cmpi eq, %jit3A_37, %eq3A : i32
      %jit3A_39 = arith.constant 1 : i32
      %select_n3A_40 = arith.select %eq3A_38, %jit3A_39, %jit3A_37 : i32
      %rem3A_41 = arith.remsi %scan3A_19, %select_n3A_40 : i32
      %ne3A_42 = arith.constant 0 : i32
      %ne3A_43 = arith.cmpi ne, %rem3A_41, %ne3A_42 : i32
      %lt3A = arith.constant 0 : i32
      %lt3A_44 = arith.cmpi slt, %rem3A_41, %lt3A : i32
      %lt3A_45 = arith.constant 0 : i32
      %lt3A_46 = arith.cmpi slt, %select_n3A_40, %lt3A_45 : i32
      %ne3A_47 = arith.xori %lt3A_44, %lt3A_46 : i1
      %and3A_48 = arith.andi %ne3A_47, %ne3A_43 : i1
      %add3A_49 = arith.addi %rem3A_41, %select_n3A_40 : i32
      %select_n3A_50 = arith.select %and3A_48, %add3A_49, %rem3A_41 : i32
      %mul3A_51 = arith.constant 16 : i32
      %mul3A_52 = arith.muli %select_n3A_50, %mul3A_51 : i32
      %get3A = arith.index_cast %select_n3A : i32 to index
      %get3A_53 = arith.index_cast %mul3A_52 : i32 to index
      %get3A_54 = tpu.vector_load %arg4[%get3A, %get3A_53] {strides = array<i32>} : memref<80x128xi32, #tpu.memory_space<vmem>>, vector<16xi32>,
      %shift_right_logical3A = arith.constant 4 : i32
      %shift_right_logical3A_55 = vector.broadcast %shift_right_logical3A : i32 to vector<16xi32>
      %shift_right_logical3A_56 = arith.shrui %get3A_54, %shift_right_logical3A_55 : vector<16xi32>
      %and3A_57 = arith.constant 15 : i32
      %and3A_58 = vector.broadcast %and3A_57 : i32 to vector<16xi32>
      %and3A_59 = arith.andi %get3A_54, %and3A_58 : vector<16xi32>
      tpu.vector_store_idx %arg5[%shift_right_logical3A_56, %and3A_59], %broadcast_in_dim3A_11 {add = true} : memref<640x16xf32, #tpu.memory_space<vmem>>[vector<16xi32>, vector<16xi32>], vector<16xf32>,
      %scan3A_60 = arith.constant 0 : i32
      scf.yield %scan3A_60 : i32
    }
    %scan3A_18 = arith.constant 640 : i32
    "tpu.region"() ({
      %run_scoped3A = tpu.sem_alloc : memref<!tpu.dma_semaphore, #tpu.memory_space<semaphore_mem>>
      %dma_start3A = arith.constant 0 : i32
      %dma_start3A_19 = arith.constant 0 : i32
      %dma_start3A_20 = tpu.memref_slice %arg3[%add3A, %dma_start3A, %dma_start3A_19] : memref<32x640x16xf32, #tpu.memory_space<hbm>> -> memref<1x640x16xf32, #tpu.memory_space<hbm>>
      %dma_start3A_21 = tpu.memref_squeeze %dma_start3A_20 : memref<1x640x16xf32, #tpu.memory_space<hbm>> -> memref<640x16xf32, #tpu.memory_space<hbm>>
      %dma_start3A_22 = arith.constant 0 : i32
      %dma_start3A_23 = arith.constant 0 : i32
      %dma_start3A_24 = tpu.memref_slice %arg3[%add3A, %dma_start3A_22, %dma_start3A_23] : memref<32x640x16xf32, #tpu.memory_space<hbm>> -> memref<1x640x16xf32, #tpu.memory_space<hbm>>
      %dma_start3A_25 = tpu.memref_squeeze %dma_start3A_24 : memref<1x640x16xf32, #tpu.memory_space<hbm>> -> memref<640x16xf32, #tpu.memory_space<hbm>>
      tpu.enqueue_dma source(%arg5 : memref<640x16xf32, #tpu.memory_space<vmem>>) target(%dma_start3A_25 : memref<640x16xf32, #tpu.memory_space<hbm>>) target_semaphore(%run_scoped3A : memref<!tpu.dma_semaphore, #tpu.memory_space<semaphore_mem>>)
      %dma_wait3A = arith.constant 0 : i32
      %dma_wait3A_26 = arith.constant 0 : i32
      %dma_wait3A_27 = tpu.memref_slice %arg3[%add3A, %dma_wait3A, %dma_wait3A_26] : memref<32x640x16xf32, #tpu.memory_space<hbm>> -> memref<1x640x16xf32, #tpu.memory_space<hbm>>
      %dma_wait3A_28 = tpu.memref_squeeze %dma_wait3A_27 : memref<1x640x16xf32, #tpu.memory_space<hbm>> -> memref<640x16xf32, #tpu.memory_space<hbm>>
      %dma_wait3A_29 = arith.constant 0 : i32
      %dma_wait3A_30 = arith.constant 0 : i32
      %dma_wait3A_31 = tpu.memref_slice %arg3[%add3A, %dma_wait3A_29, %dma_wait3A_30] : memref<32x640x16xf32, #tpu.memory_space<hbm>> -> memref<1x640x16xf32, #tpu.memory_space<hbm>>
      %dma_wait3A_32 = tpu.memref_squeeze %dma_wait3A_31 : memref<1x640x16xf32, #tpu.memory_space<hbm>> -> memref<640x16xf32, #tpu.memory_space<hbm>>
      tpu.wait_dma2 semaphore(%run_scoped3A : memref<!tpu.dma_semaphore, #tpu.memory_space<semaphore_mem>>) src(%arg5 : memref<640x16xf32, #tpu.memory_space<vmem>>) dst(%dma_wait3A_32 : memref<640x16xf32, #tpu.memory_space<hbm>>)
      tpu.yield
    }) : () -> ()
    return
  }
}

#map = affine_map<(d0, d1) -> (0, 0)>
module attributes {stable_mosaic.version = 14 : i64} {
  func.func @_prop_kernel(%arg0: i32, %arg1: i32, %arg2: memref<2560x128xi32, #tpu.memory_space<hbm>>, %arg3: memref<2560x128xi32, #tpu.memory_space<hbm>>, %arg4: memref<20480x64xf32, #tpu.memory_space<hbm>>, %arg5: memref<10240x64xf32, #tpu.memory_space<hbm>>, %arg6: memref<10240x64xf32, #tpu.memory_space<hbm>>, %arg7: memref<20480x64xf32, #tpu.memory_space<hbm>>, %arg8: memref<640x64xf32, #tpu.memory_space<hbm>>, %arg9: memref<20480x64xf32, #tpu.memory_space<hbm>>, %arg10: memref<20480x64xf32, #tpu.memory_space<hbm>>, %arg11: memref<32x128xi32, #tpu.memory_space<vmem>>, %arg12: memref<32x128xi32, #tpu.memory_space<vmem>>, %arg13: memref<256x64xf32, #tpu.memory_space<vmem>>, %arg14: memref<128x64xf32, #tpu.memory_space<vmem>>, %arg15: memref<10240x64xf32, #tpu.memory_space<vmem_shared>>, %arg16: memref<10240x64xf32, #tpu.memory_space<vmem_shared>>, %arg17: memref<!tpu.dma_semaphore, #tpu.memory_space<semaphore_mem>>, %arg18: memref<!tpu.dma_semaphore, #tpu.memory_space<semaphore_mem>>, %arg19: memref<!tpu.dma_semaphore, #tpu.memory_space<semaphore_mem>>) attributes {dimension_semantics = [#tpu.dimension_semantics<core_parallel>, #tpu.dimension_semantics<subcore_parallel>], iteration_bounds = array<i64: 2, 16>, scalar_prefetch = 0 : i64, scratch_operands = 9 : i64, tpu.core_type = #tpu.core_type<sc_vector_subcore>, window_params = [{transform_indices = #map}, {transform_indices = #map}, {transform_indices = #map}, {transform_indices = #map}, {transform_indices = #map}, {transform_indices = #map}, {transform_indices = #map}, {transform_indices = #map}, {transform_indices = #map}]} {
    %mul3A = arith.constant 160 : i32
    %mul3A_0 = arith.muli %arg1, %mul3A : i32
    %mul3A_1 = arith.constant 640 : i32
    %mul3A_2 = arith.muli %arg1, %mul3A_1 : i32
    %mul3A_3 = arith.constant 10240 : i32
    %mul3A_4 = arith.muli %arg0, %mul3A_3 : i32
    %add3A = arith.constant 0 : i32
    %add3A_5 = arith.addi %mul3A_2, %add3A : i32
    %add3A_6 = arith.addi %mul3A_4, %add3A_5 : i32
    "tpu.region"() ({
      %run_scoped3A = tpu.sem_alloc : memref<!tpu.dma_semaphore, #tpu.memory_space<semaphore_mem>>
      %dma_start3A_408 = arith.constant 0 : i32
      %dma_start3A_409 = arith.constant 0 : i32
      %dma_start3A_410 = tpu.memref_slice %arg13[%dma_start3A_408, %dma_start3A_409] : memref<256x64xf32, #tpu.memory_space<vmem>> -> memref<128x64xf32, #tpu.memory_space<vmem>>
      %dma_start3A_411 = arith.constant 0 : i32
      %dma_start3A_412 = tpu.memref_slice %arg4[%add3A_6, %dma_start3A_411] : memref<20480x64xf32, #tpu.memory_space<hbm>> -> memref<128x64xf32, #tpu.memory_space<hbm>>
      %dma_start3A_413 = arith.constant 0 : i32
      %dma_start3A_414 = arith.constant 0 : i32
      %dma_start3A_415 = tpu.memref_slice %arg13[%dma_start3A_413, %dma_start3A_414] : memref<256x64xf32, #tpu.memory_space<vmem>> -> memref<128x64xf32, #tpu.memory_space<vmem>>
      %dma_start3A_416 = arith.constant 0 : i32
      %dma_start3A_417 = tpu.memref_slice %arg4[%add3A_6, %dma_start3A_416] : memref<20480x64xf32, #tpu.memory_space<hbm>> -> memref<128x64xf32, #tpu.memory_space<hbm>>
      tpu.enqueue_dma source(%dma_start3A_417 : memref<128x64xf32, #tpu.memory_space<hbm>>) target(%dma_start3A_415 : memref<128x64xf32, #tpu.memory_space<vmem>>) target_semaphore(%run_scoped3A : memref<!tpu.dma_semaphore, #tpu.memory_space<semaphore_mem>>)
      %dma_wait3A_418 = arith.constant 0 : i32
      %dma_wait3A_419 = arith.constant 0 : i32
      %dma_wait3A_420 = tpu.memref_slice %arg13[%dma_wait3A_418, %dma_wait3A_419] : memref<256x64xf32, #tpu.memory_space<vmem>> -> memref<128x64xf32, #tpu.memory_space<vmem>>
      %dma_wait3A_421 = arith.constant 0 : i32
      %dma_wait3A_422 = tpu.memref_slice %arg4[%add3A_6, %dma_wait3A_421] : memref<20480x64xf32, #tpu.memory_space<hbm>> -> memref<128x64xf32, #tpu.memory_space<hbm>>
      %dma_wait3A_423 = arith.constant 0 : i32
      %dma_wait3A_424 = arith.constant 0 : i32
      %dma_wait3A_425 = tpu.memref_slice %arg13[%dma_wait3A_423, %dma_wait3A_424] : memref<256x64xf32, #tpu.memory_space<vmem>> -> memref<128x64xf32, #tpu.memory_space<vmem>>
      %dma_wait3A_426 = arith.constant 0 : i32
      %dma_wait3A_427 = tpu.memref_slice %arg4[%add3A_6, %dma_wait3A_426] : memref<20480x64xf32, #tpu.memory_space<hbm>> -> memref<128x64xf32, #tpu.memory_space<hbm>>
      tpu.wait_dma2 semaphore(%run_scoped3A : memref<!tpu.dma_semaphore, #tpu.memory_space<semaphore_mem>>) src(%dma_wait3A_427 : memref<128x64xf32, #tpu.memory_space<hbm>>) dst(%dma_wait3A_425 : memref<128x64xf32, #tpu.memory_space<vmem>>)
      tpu.yield
    }) : () -> ()
    "tpu.region"() ({
      %run_scoped3A = tpu.sem_alloc : memref<!tpu.dma_semaphore, #tpu.memory_space<semaphore_mem>>
      %dma_start3A_408 = arith.constant 0 : i32
      %dma_start3A_409 = arith.constant 0 : i32
      %dma_start3A_410 = tpu.memref_slice %arg13[%dma_start3A_408, %dma_start3A_409] : memref<256x64xf32, #tpu.memory_space<vmem>> -> memref<128x64xf32, #tpu.memory_space<vmem>>
      %dma_start3A_411 = arith.constant 0 : i32
      %dma_start3A_412 = tpu.memref_slice %arg15[%add3A_5, %dma_start3A_411] : memref<10240x64xf32, #tpu.memory_space<vmem_shared>> -> memref<128x64xf32, #tpu.memory_space<vmem_shared>>
      %dma_start3A_413 = arith.constant 0 : i32
      %dma_start3A_414 = tpu.memref_slice %arg15[%add3A_5, %dma_start3A_413] : memref<10240x64xf32, #tpu.memory_space<vmem_shared>> -> memref<128x64xf32, #tpu.memory_space<vmem_shared>>
      %dma_start3A_415 = arith.constant 0 : i32
      %dma_start3A_416 = arith.constant 0 : i32
      %dma_start3A_417 = tpu.memref_slice %arg13[%dma_start3A_415, %dma_start3A_416] : memref<256x64xf32, #tpu.memory_space<vmem>> -> memref<128x64xf32, #tpu.memory_space<vmem>>
      tpu.enqueue_dma source(%dma_start3A_417 : memref<128x64xf32, #tpu.memory_space<vmem>>) target(%dma_start3A_414 : memref<128x64xf32, #tpu.memory_space<vmem_shared>>) target_semaphore(%run_scoped3A : memref<!tpu.dma_semaphore, #tpu.memory_space<semaphore_mem>>)
      %dma_wait3A_418 = arith.constant 0 : i32
      %dma_wait3A_419 = arith.constant 0 : i32
      %dma_wait3A_420 = tpu.memref_slice %arg13[%dma_wait3A_418, %dma_wait3A_419] : memref<256x64xf32, #tpu.memory_space<vmem>> -> memref<128x64xf32, #tpu.memory_space<vmem>>
      %dma_wait3A_421 = arith.constant 0 : i32
      %dma_wait3A_422 = tpu.memref_slice %arg15[%add3A_5, %dma_wait3A_421] : memref<10240x64xf32, #tpu.memory_space<vmem_shared>> -> memref<128x64xf32, #tpu.memory_space<vmem_shared>>
      %dma_wait3A_423 = arith.constant 0 : i32
      %dma_wait3A_424 = tpu.memref_slice %arg15[%add3A_5, %dma_wait3A_423] : memref<10240x64xf32, #tpu.memory_space<vmem_shared>> -> memref<128x64xf32, #tpu.memory_space<vmem_shared>>
      %dma_wait3A_425 = arith.constant 0 : i32
      %dma_wait3A_426 = arith.constant 0 : i32
      %dma_wait3A_427 = tpu.memref_slice %arg13[%dma_wait3A_425, %dma_wait3A_426] : memref<256x64xf32, #tpu.memory_space<vmem>> -> memref<128x64xf32, #tpu.memory_space<vmem>>
      tpu.wait_dma2 semaphore(%run_scoped3A : memref<!tpu.dma_semaphore, #tpu.memory_space<semaphore_mem>>) src(%dma_wait3A_427 : memref<128x64xf32, #tpu.memory_space<vmem>>) dst(%dma_wait3A_424 : memref<128x64xf32, #tpu.memory_space<vmem_shared>>)
      tpu.yield
    }) : () -> ()
    %add3A_7 = arith.constant 128 : i32
    %add3A_8 = arith.addi %mul3A_2, %add3A_7 : i32
    %add3A_9 = arith.addi %mul3A_4, %add3A_8 : i32
    "tpu.region"() ({
      %run_scoped3A = tpu.sem_alloc : memref<!tpu.dma_semaphore, #tpu.memory_space<semaphore_mem>>
      %dma_start3A_408 = arith.constant 0 : i32
      %dma_start3A_409 = arith.constant 0 : i32
      %dma_start3A_410 = tpu.memref_slice %arg13[%dma_start3A_408, %dma_start3A_409] : memref<256x64xf32, #tpu.memory_space<vmem>> -> memref<128x64xf32, #tpu.memory_space<vmem>>
      %dma_start3A_411 = arith.constant 0 : i32
      %dma_start3A_412 = tpu.memref_slice %arg4[%add3A_9, %dma_start3A_411] : memref<20480x64xf32, #tpu.memory_space<hbm>> -> memref<128x64xf32, #tpu.memory_space<hbm>>
      %dma_start3A_413 = arith.constant 0 : i32
      %dma_start3A_414 = arith.constant 0 : i32
      %dma_start3A_415 = tpu.memref_slice %arg13[%dma_start3A_413, %dma_start3A_414] : memref<256x64xf32, #tpu.memory_space<vmem>> -> memref<128x64xf32, #tpu.memory_space<vmem>>
      %dma_start3A_416 = arith.constant 0 : i32
      %dma_start3A_417 = tpu.memref_slice %arg4[%add3A_9, %dma_start3A_416] : memref<20480x64xf32, #tpu.memory_space<hbm>> -> memref<128x64xf32, #tpu.memory_space<hbm>>
      tpu.enqueue_dma source(%dma_start3A_417 : memref<128x64xf32, #tpu.memory_space<hbm>>) target(%dma_start3A_415 : memref<128x64xf32, #tpu.memory_space<vmem>>) target_semaphore(%run_scoped3A : memref<!tpu.dma_semaphore, #tpu.memory_space<semaphore_mem>>)
      %dma_wait3A_418 = arith.constant 0 : i32
      %dma_wait3A_419 = arith.constant 0 : i32
      %dma_wait3A_420 = tpu.memref_slice %arg13[%dma_wait3A_418, %dma_wait3A_419] : memref<256x64xf32, #tpu.memory_space<vmem>> -> memref<128x64xf32, #tpu.memory_space<vmem>>
      %dma_wait3A_421 = arith.constant 0 : i32
      %dma_wait3A_422 = tpu.memref_slice %arg4[%add3A_9, %dma_wait3A_421] : memref<20480x64xf32, #tpu.memory_space<hbm>> -> memref<128x64xf32, #tpu.memory_space<hbm>>
      %dma_wait3A_423 = arith.constant 0 : i32
      %dma_wait3A_424 = arith.constant 0 : i32
      %dma_wait3A_425 = tpu.memref_slice %arg13[%dma_wait3A_423, %dma_wait3A_424] : memref<256x64xf32, #tpu.memory_space<vmem>> -> memref<128x64xf32, #tpu.memory_space<vmem>>
      %dma_wait3A_426 = arith.constant 0 : i32
      %dma_wait3A_427 = tpu.memref_slice %arg4[%add3A_9, %dma_wait3A_426] : memref<20480x64xf32, #tpu.memory_space<hbm>> -> memref<128x64xf32, #tpu.memory_space<hbm>>
      tpu.wait_dma2 semaphore(%run_scoped3A : memref<!tpu.dma_semaphore, #tpu.memory_space<semaphore_mem>>) src(%dma_wait3A_427 : memref<128x64xf32, #tpu.memory_space<hbm>>) dst(%dma_wait3A_425 : memref<128x64xf32, #tpu.memory_space<vmem>>)
      tpu.yield
    }) : () -> ()
    "tpu.region"() ({
      %run_scoped3A = tpu.sem_alloc : memref<!tpu.dma_semaphore, #tpu.memory_space<semaphore_mem>>
      %dma_start3A_408 = arith.constant 0 : i32
      %dma_start3A_409 = arith.constant 0 : i32
      %dma_start3A_410 = tpu.memref_slice %arg13[%dma_start3A_408, %dma_start3A_409] : memref<256x64xf32, #tpu.memory_space<vmem>> -> memref<128x64xf32, #tpu.memory_space<vmem>>
      %dma_start3A_411 = arith.constant 0 : i32
      %dma_start3A_412 = tpu.memref_slice %arg15[%add3A_8, %dma_start3A_411] : memref<10240x64xf32, #tpu.memory_space<vmem_shared>> -> memref<128x64xf32, #tpu.memory_space<vmem_shared>>
      %dma_start3A_413 = arith.constant 0 : i32
      %dma_start3A_414 = tpu.memref_slice %arg15[%add3A_8, %dma_start3A_413] : memref<10240x64xf32, #tpu.memory_space<vmem_shared>> -> memref<128x64xf32, #tpu.memory_space<vmem_shared>>
      %dma_start3A_415 = arith.constant 0 : i32
      %dma_start3A_416 = arith.constant 0 : i32
      %dma_start3A_417 = tpu.memref_slice %arg13[%dma_start3A_415, %dma_start3A_416] : memref<256x64xf32, #tpu.memory_space<vmem>> -> memref<128x64xf32, #tpu.memory_space<vmem>>
      tpu.enqueue_dma source(%dma_start3A_417 : memref<128x64xf32, #tpu.memory_space<vmem>>) target(%dma_start3A_414 : memref<128x64xf32, #tpu.memory_space<vmem_shared>>) target_semaphore(%run_scoped3A : memref<!tpu.dma_semaphore, #tpu.memory_space<semaphore_mem>>)
      %dma_wait3A_418 = arith.constant 0 : i32
      %dma_wait3A_419 = arith.constant 0 : i32
      %dma_wait3A_420 = tpu.memref_slice %arg13[%dma_wait3A_418, %dma_wait3A_419] : memref<256x64xf32, #tpu.memory_space<vmem>> -> memref<128x64xf32, #tpu.memory_space<vmem>>
      %dma_wait3A_421 = arith.constant 0 : i32
      %dma_wait3A_422 = tpu.memref_slice %arg15[%add3A_8, %dma_wait3A_421] : memref<10240x64xf32, #tpu.memory_space<vmem_shared>> -> memref<128x64xf32, #tpu.memory_space<vmem_shared>>
      %dma_wait3A_423 = arith.constant 0 : i32
      %dma_wait3A_424 = tpu.memref_slice %arg15[%add3A_8, %dma_wait3A_423] : memref<10240x64xf32, #tpu.memory_space<vmem_shared>> -> memref<128x64xf32, #tpu.memory_space<vmem_shared>>
      %dma_wait3A_425 = arith.constant 0 : i32
      %dma_wait3A_426 = arith.constant 0 : i32
      %dma_wait3A_427 = tpu.memref_slice %arg13[%dma_wait3A_425, %dma_wait3A_426] : memref<256x64xf32, #tpu.memory_space<vmem>> -> memref<128x64xf32, #tpu.memory_space<vmem>>
      tpu.wait_dma2 semaphore(%run_scoped3A : memref<!tpu.dma_semaphore, #tpu.memory_space<semaphore_mem>>) src(%dma_wait3A_427 : memref<128x64xf32, #tpu.memory_space<vmem>>) dst(%dma_wait3A_424 : memref<128x64xf32, #tpu.memory_space<vmem_shared>>)
      tpu.yield
    }) : () -> ()
    %add3A_10 = arith.constant 256 : i32
    %add3A_11 = arith.addi %mul3A_2, %add3A_10 : i32
    %add3A_12 = arith.addi %mul3A_4, %add3A_11 : i32
    "tpu.region"() ({
      %run_scoped3A = tpu.sem_alloc : memref<!tpu.dma_semaphore, #tpu.memory_space<semaphore_mem>>
      %dma_start3A_408 = arith.constant 0 : i32
      %dma_start3A_409 = arith.constant 0 : i32
      %dma_start3A_410 = tpu.memref_slice %arg13[%dma_start3A_408, %dma_start3A_409] : memref<256x64xf32, #tpu.memory_space<vmem>> -> memref<128x64xf32, #tpu.memory_space<vmem>>
      %dma_start3A_411 = arith.constant 0 : i32
      %dma_start3A_412 = tpu.memref_slice %arg4[%add3A_12, %dma_start3A_411] : memref<20480x64xf32, #tpu.memory_space<hbm>> -> memref<128x64xf32, #tpu.memory_space<hbm>>
      %dma_start3A_413 = arith.constant 0 : i32
      %dma_start3A_414 = arith.constant 0 : i32
      %dma_start3A_415 = tpu.memref_slice %arg13[%dma_start3A_413, %dma_start3A_414] : memref<256x64xf32, #tpu.memory_space<vmem>> -> memref<128x64xf32, #tpu.memory_space<vmem>>
      %dma_start3A_416 = arith.constant 0 : i32
      %dma_start3A_417 = tpu.memref_slice %arg4[%add3A_12, %dma_start3A_416] : memref<20480x64xf32, #tpu.memory_space<hbm>> -> memref<128x64xf32, #tpu.memory_space<hbm>>
      tpu.enqueue_dma source(%dma_start3A_417 : memref<128x64xf32, #tpu.memory_space<hbm>>) target(%dma_start3A_415 : memref<128x64xf32, #tpu.memory_space<vmem>>) target_semaphore(%run_scoped3A : memref<!tpu.dma_semaphore, #tpu.memory_space<semaphore_mem>>)
      %dma_wait3A_418 = arith.constant 0 : i32
      %dma_wait3A_419 = arith.constant 0 : i32
      %dma_wait3A_420 = tpu.memref_slice %arg13[%dma_wait3A_418, %dma_wait3A_419] : memref<256x64xf32, #tpu.memory_space<vmem>> -> memref<128x64xf32, #tpu.memory_space<vmem>>
      %dma_wait3A_421 = arith.constant 0 : i32
      %dma_wait3A_422 = tpu.memref_slice %arg4[%add3A_12, %dma_wait3A_421] : memref<20480x64xf32, #tpu.memory_space<hbm>> -> memref<128x64xf32, #tpu.memory_space<hbm>>
      %dma_wait3A_423 = arith.constant 0 : i32
      %dma_wait3A_424 = arith.constant 0 : i32
      %dma_wait3A_425 = tpu.memref_slice %arg13[%dma_wait3A_423, %dma_wait3A_424] : memref<256x64xf32, #tpu.memory_space<vmem>> -> memref<128x64xf32, #tpu.memory_space<vmem>>
      %dma_wait3A_426 = arith.constant 0 : i32
      %dma_wait3A_427 = tpu.memref_slice %arg4[%add3A_12, %dma_wait3A_426] : memref<20480x64xf32, #tpu.memory_space<hbm>> -> memref<128x64xf32, #tpu.memory_space<hbm>>
      tpu.wait_dma2 semaphore(%run_scoped3A : memref<!tpu.dma_semaphore, #tpu.memory_space<semaphore_mem>>) src(%dma_wait3A_427 : memref<128x64xf32, #tpu.memory_space<hbm>>) dst(%dma_wait3A_425 : memref<128x64xf32, #tpu.memory_space<vmem>>)
      tpu.yield
    }) : () -> ()
    "tpu.region"() ({
      %run_scoped3A = tpu.sem_alloc : memref<!tpu.dma_semaphore, #tpu.memory_space<semaphore_mem>>
      %dma_start3A_408 = arith.constant 0 : i32
      %dma_start3A_409 = arith.constant 0 : i32
      %dma_start3A_410 = tpu.memref_slice %arg13[%dma_start3A_408, %dma_start3A_409] : memref<256x64xf32, #tpu.memory_space<vmem>> -> memref<128x64xf32, #tpu.memory_space<vmem>>
      %dma_start3A_411 = arith.constant 0 : i32
      %dma_start3A_412 = tpu.memref_slice %arg15[%add3A_11, %dma_start3A_411] : memref<10240x64xf32, #tpu.memory_space<vmem_shared>> -> memref<128x64xf32, #tpu.memory_space<vmem_shared>>
      %dma_start3A_413 = arith.constant 0 : i32
      %dma_start3A_414 = tpu.memref_slice %arg15[%add3A_11, %dma_start3A_413] : memref<10240x64xf32, #tpu.memory_space<vmem_shared>> -> memref<128x64xf32, #tpu.memory_space<vmem_shared>>
      %dma_start3A_415 = arith.constant 0 : i32
      %dma_start3A_416 = arith.constant 0 : i32
      %dma_start3A_417 = tpu.memref_slice %arg13[%dma_start3A_415, %dma_start3A_416] : memref<256x64xf32, #tpu.memory_space<vmem>> -> memref<128x64xf32, #tpu.memory_space<vmem>>
      tpu.enqueue_dma source(%dma_start3A_417 : memref<128x64xf32, #tpu.memory_space<vmem>>) target(%dma_start3A_414 : memref<128x64xf32, #tpu.memory_space<vmem_shared>>) target_semaphore(%run_scoped3A : memref<!tpu.dma_semaphore, #tpu.memory_space<semaphore_mem>>)
      %dma_wait3A_418 = arith.constant 0 : i32
      %dma_wait3A_419 = arith.constant 0 : i32
      %dma_wait3A_420 = tpu.memref_slice %arg13[%dma_wait3A_418, %dma_wait3A_419] : memref<256x64xf32, #tpu.memory_space<vmem>> -> memref<128x64xf32, #tpu.memory_space<vmem>>
      %dma_wait3A_421 = arith.constant 0 : i32
      %dma_wait3A_422 = tpu.memref_slice %arg15[%add3A_11, %dma_wait3A_421] : memref<10240x64xf32, #tpu.memory_space<vmem_shared>> -> memref<128x64xf32, #tpu.memory_space<vmem_shared>>
      %dma_wait3A_423 = arith.constant 0 : i32
      %dma_wait3A_424 = tpu.memref_slice %arg15[%add3A_11, %dma_wait3A_423] : memref<10240x64xf32, #tpu.memory_space<vmem_shared>> -> memref<128x64xf32, #tpu.memory_space<vmem_shared>>
      %dma_wait3A_425 = arith.constant 0 : i32
      %dma_wait3A_426 = arith.constant 0 : i32
      %dma_wait3A_427 = tpu.memref_slice %arg13[%dma_wait3A_425, %dma_wait3A_426] : memref<256x64xf32, #tpu.memory_space<vmem>> -> memref<128x64xf32, #tpu.memory_space<vmem>>
      tpu.wait_dma2 semaphore(%run_scoped3A : memref<!tpu.dma_semaphore, #tpu.memory_space<semaphore_mem>>) src(%dma_wait3A_427 : memref<128x64xf32, #tpu.memory_space<vmem>>) dst(%dma_wait3A_424 : memref<128x64xf32, #tpu.memory_space<vmem_shared>>)
      tpu.yield
    }) : () -> ()
    %add3A_13 = arith.constant 384 : i32
    %add3A_14 = arith.addi %mul3A_2, %add3A_13 : i32
    %add3A_15 = arith.addi %mul3A_4, %add3A_14 : i32
    "tpu.region"() ({
      %run_scoped3A = tpu.sem_alloc : memref<!tpu.dma_semaphore, #tpu.memory_space<semaphore_mem>>
      %dma_start3A_408 = arith.constant 0 : i32
      %dma_start3A_409 = arith.constant 0 : i32
      %dma_start3A_410 = tpu.memref_slice %arg13[%dma_start3A_408, %dma_start3A_409] : memref<256x64xf32, #tpu.memory_space<vmem>> -> memref<128x64xf32, #tpu.memory_space<vmem>>
      %dma_start3A_411 = arith.constant 0 : i32
      %dma_start3A_412 = tpu.memref_slice %arg4[%add3A_15, %dma_start3A_411] : memref<20480x64xf32, #tpu.memory_space<hbm>> -> memref<128x64xf32, #tpu.memory_space<hbm>>
      %dma_start3A_413 = arith.constant 0 : i32
      %dma_start3A_414 = arith.constant 0 : i32
      %dma_start3A_415 = tpu.memref_slice %arg13[%dma_start3A_413, %dma_start3A_414] : memref<256x64xf32, #tpu.memory_space<vmem>> -> memref<128x64xf32, #tpu.memory_space<vmem>>
      %dma_start3A_416 = arith.constant 0 : i32
      %dma_start3A_417 = tpu.memref_slice %arg4[%add3A_15, %dma_start3A_416] : memref<20480x64xf32, #tpu.memory_space<hbm>> -> memref<128x64xf32, #tpu.memory_space<hbm>>
      tpu.enqueue_dma source(%dma_start3A_417 : memref<128x64xf32, #tpu.memory_space<hbm>>) target(%dma_start3A_415 : memref<128x64xf32, #tpu.memory_space<vmem>>) target_semaphore(%run_scoped3A : memref<!tpu.dma_semaphore, #tpu.memory_space<semaphore_mem>>)
      %dma_wait3A_418 = arith.constant 0 : i32
      %dma_wait3A_419 = arith.constant 0 : i32
      %dma_wait3A_420 = tpu.memref_slice %arg13[%dma_wait3A_418, %dma_wait3A_419] : memref<256x64xf32, #tpu.memory_space<vmem>> -> memref<128x64xf32, #tpu.memory_space<vmem>>
      %dma_wait3A_421 = arith.constant 0 : i32
      %dma_wait3A_422 = tpu.memref_slice %arg4[%add3A_15, %dma_wait3A_421] : memref<20480x64xf32, #tpu.memory_space<hbm>> -> memref<128x64xf32, #tpu.memory_space<hbm>>
      %dma_wait3A_423 = arith.constant 0 : i32
      %dma_wait3A_424 = arith.constant 0 : i32
      %dma_wait3A_425 = tpu.memref_slice %arg13[%dma_wait3A_423, %dma_wait3A_424] : memref<256x64xf32, #tpu.memory_space<vmem>> -> memref<128x64xf32, #tpu.memory_space<vmem>>
      %dma_wait3A_426 = arith.constant 0 : i32
      %dma_wait3A_427 = tpu.memref_slice %arg4[%add3A_15, %dma_wait3A_426] : memref<20480x64xf32, #tpu.memory_space<hbm>> -> memref<128x64xf32, #tpu.memory_space<hbm>>
      tpu.wait_dma2 semaphore(%run_scoped3A : memref<!tpu.dma_semaphore, #tpu.memory_space<semaphore_mem>>) src(%dma_wait3A_427 : memref<128x64xf32, #tpu.memory_space<hbm>>) dst(%dma_wait3A_425 : memref<128x64xf32, #tpu.memory_space<vmem>>)
      tpu.yield
    }) : () -> ()
    "tpu.region"() ({
      %run_scoped3A = tpu.sem_alloc : memref<!tpu.dma_semaphore, #tpu.memory_space<semaphore_mem>>
      %dma_start3A_408 = arith.constant 0 : i32
      %dma_start3A_409 = arith.constant 0 : i32
      %dma_start3A_410 = tpu.memref_slice %arg13[%dma_start3A_408, %dma_start3A_409] : memref<256x64xf32, #tpu.memory_space<vmem>> -> memref<128x64xf32, #tpu.memory_space<vmem>>
      %dma_start3A_411 = arith.constant 0 : i32
      %dma_start3A_412 = tpu.memref_slice %arg15[%add3A_14, %dma_start3A_411] : memref<10240x64xf32, #tpu.memory_space<vmem_shared>> -> memref<128x64xf32, #tpu.memory_space<vmem_shared>>
      %dma_start3A_413 = arith.constant 0 : i32
      %dma_start3A_414 = tpu.memref_slice %arg15[%add3A_14, %dma_start3A_413] : memref<10240x64xf32, #tpu.memory_space<vmem_shared>> -> memref<128x64xf32, #tpu.memory_space<vmem_shared>>
      %dma_start3A_415 = arith.constant 0 : i32
      %dma_start3A_416 = arith.constant 0 : i32
      %dma_start3A_417 = tpu.memref_slice %arg13[%dma_start3A_415, %dma_start3A_416] : memref<256x64xf32, #tpu.memory_space<vmem>> -> memref<128x64xf32, #tpu.memory_space<vmem>>
      tpu.enqueue_dma source(%dma_start3A_417 : memref<128x64xf32, #tpu.memory_space<vmem>>) target(%dma_start3A_414 : memref<128x64xf32, #tpu.memory_space<vmem_shared>>) target_semaphore(%run_scoped3A : memref<!tpu.dma_semaphore, #tpu.memory_space<semaphore_mem>>)
      %dma_wait3A_418 = arith.constant 0 : i32
      %dma_wait3A_419 = arith.constant 0 : i32
      %dma_wait3A_420 = tpu.memref_slice %arg13[%dma_wait3A_418, %dma_wait3A_419] : memref<256x64xf32, #tpu.memory_space<vmem>> -> memref<128x64xf32, #tpu.memory_space<vmem>>
      %dma_wait3A_421 = arith.constant 0 : i32
      %dma_wait3A_422 = tpu.memref_slice %arg15[%add3A_14, %dma_wait3A_421] : memref<10240x64xf32, #tpu.memory_space<vmem_shared>> -> memref<128x64xf32, #tpu.memory_space<vmem_shared>>
      %dma_wait3A_423 = arith.constant 0 : i32
      %dma_wait3A_424 = tpu.memref_slice %arg15[%add3A_14, %dma_wait3A_423] : memref<10240x64xf32, #tpu.memory_space<vmem_shared>> -> memref<128x64xf32, #tpu.memory_space<vmem_shared>>
      %dma_wait3A_425 = arith.constant 0 : i32
      %dma_wait3A_426 = arith.constant 0 : i32
      %dma_wait3A_427 = tpu.memref_slice %arg13[%dma_wait3A_425, %dma_wait3A_426] : memref<256x64xf32, #tpu.memory_space<vmem>> -> memref<128x64xf32, #tpu.memory_space<vmem>>
      tpu.wait_dma2 semaphore(%run_scoped3A : memref<!tpu.dma_semaphore, #tpu.memory_space<semaphore_mem>>) src(%dma_wait3A_427 : memref<128x64xf32, #tpu.memory_space<vmem>>) dst(%dma_wait3A_424 : memref<128x64xf32, #tpu.memory_space<vmem_shared>>)
      tpu.yield
    }) : () -> ()
    %add3A_16 = arith.constant 512 : i32
    %add3A_17 = arith.addi %mul3A_2, %add3A_16 : i32
    %add3A_18 = arith.addi %mul3A_4, %add3A_17 : i32
    "tpu.region"() ({
      %run_scoped3A = tpu.sem_alloc : memref<!tpu.dma_semaphore, #tpu.memory_space<semaphore_mem>>
      %dma_start3A_408 = arith.constant 0 : i32
      %dma_start3A_409 = arith.constant 0 : i32
      %dma_start3A_410 = tpu.memref_slice %arg13[%dma_start3A_408, %dma_start3A_409] : memref<256x64xf32, #tpu.memory_space<vmem>> -> memref<128x64xf32, #tpu.memory_space<vmem>>
      %dma_start3A_411 = arith.constant 0 : i32
      %dma_start3A_412 = tpu.memref_slice %arg4[%add3A_18, %dma_start3A_411] : memref<20480x64xf32, #tpu.memory_space<hbm>> -> memref<128x64xf32, #tpu.memory_space<hbm>>
      %dma_start3A_413 = arith.constant 0 : i32
      %dma_start3A_414 = arith.constant 0 : i32
      %dma_start3A_415 = tpu.memref_slice %arg13[%dma_start3A_413, %dma_start3A_414] : memref<256x64xf32, #tpu.memory_space<vmem>> -> memref<128x64xf32, #tpu.memory_space<vmem>>
      %dma_start3A_416 = arith.constant 0 : i32
      %dma_start3A_417 = tpu.memref_slice %arg4[%add3A_18, %dma_start3A_416] : memref<20480x64xf32, #tpu.memory_space<hbm>> -> memref<128x64xf32, #tpu.memory_space<hbm>>
      tpu.enqueue_dma source(%dma_start3A_417 : memref<128x64xf32, #tpu.memory_space<hbm>>) target(%dma_start3A_415 : memref<128x64xf32, #tpu.memory_space<vmem>>) target_semaphore(%run_scoped3A : memref<!tpu.dma_semaphore, #tpu.memory_space<semaphore_mem>>)
      %dma_wait3A_418 = arith.constant 0 : i32
      %dma_wait3A_419 = arith.constant 0 : i32
      %dma_wait3A_420 = tpu.memref_slice %arg13[%dma_wait3A_418, %dma_wait3A_419] : memref<256x64xf32, #tpu.memory_space<vmem>> -> memref<128x64xf32, #tpu.memory_space<vmem>>
      %dma_wait3A_421 = arith.constant 0 : i32
      %dma_wait3A_422 = tpu.memref_slice %arg4[%add3A_18, %dma_wait3A_421] : memref<20480x64xf32, #tpu.memory_space<hbm>> -> memref<128x64xf32, #tpu.memory_space<hbm>>
      %dma_wait3A_423 = arith.constant 0 : i32
      %dma_wait3A_424 = arith.constant 0 : i32
      %dma_wait3A_425 = tpu.memref_slice %arg13[%dma_wait3A_423, %dma_wait3A_424] : memref<256x64xf32, #tpu.memory_space<vmem>> -> memref<128x64xf32, #tpu.memory_space<vmem>>
      %dma_wait3A_426 = arith.constant 0 : i32
      %dma_wait3A_427 = tpu.memref_slice %arg4[%add3A_18, %dma_wait3A_426] : memref<20480x64xf32, #tpu.memory_space<hbm>> -> memref<128x64xf32, #tpu.memory_space<hbm>>
      tpu.wait_dma2 semaphore(%run_scoped3A : memref<!tpu.dma_semaphore, #tpu.memory_space<semaphore_mem>>) src(%dma_wait3A_427 : memref<128x64xf32, #tpu.memory_space<hbm>>) dst(%dma_wait3A_425 : memref<128x64xf32, #tpu.memory_space<vmem>>)
      tpu.yield
    }) : () -> ()
    "tpu.region"() ({
      %run_scoped3A = tpu.sem_alloc : memref<!tpu.dma_semaphore, #tpu.memory_space<semaphore_mem>>
      %dma_start3A_408 = arith.constant 0 : i32
      %dma_start3A_409 = arith.constant 0 : i32
      %dma_start3A_410 = tpu.memref_slice %arg13[%dma_start3A_408, %dma_start3A_409] : memref<256x64xf32, #tpu.memory_space<vmem>> -> memref<128x64xf32, #tpu.memory_space<vmem>>
      %dma_start3A_411 = arith.constant 0 : i32
      %dma_start3A_412 = tpu.memref_slice %arg15[%add3A_17, %dma_start3A_411] : memref<10240x64xf32, #tpu.memory_space<vmem_shared>> -> memref<128x64xf32, #tpu.memory_space<vmem_shared>>
      %dma_start3A_413 = arith.constant 0 : i32
      %dma_start3A_414 = tpu.memref_slice %arg15[%add3A_17, %dma_start3A_413] : memref<10240x64xf32, #tpu.memory_space<vmem_shared>> -> memref<128x64xf32, #tpu.memory_space<vmem_shared>>
      %dma_start3A_415 = arith.constant 0 : i32
      %dma_start3A_416 = arith.constant 0 : i32
      %dma_start3A_417 = tpu.memref_slice %arg13[%dma_start3A_415, %dma_start3A_416] : memref<256x64xf32, #tpu.memory_space<vmem>> -> memref<128x64xf32, #tpu.memory_space<vmem>>
      tpu.enqueue_dma source(%dma_start3A_417 : memref<128x64xf32, #tpu.memory_space<vmem>>) target(%dma_start3A_414 : memref<128x64xf32, #tpu.memory_space<vmem_shared>>) target_semaphore(%run_scoped3A : memref<!tpu.dma_semaphore, #tpu.memory_space<semaphore_mem>>)
      %dma_wait3A_418 = arith.constant 0 : i32
      %dma_wait3A_419 = arith.constant 0 : i32
      %dma_wait3A_420 = tpu.memref_slice %arg13[%dma_wait3A_418, %dma_wait3A_419] : memref<256x64xf32, #tpu.memory_space<vmem>> -> memref<128x64xf32, #tpu.memory_space<vmem>>
      %dma_wait3A_421 = arith.constant 0 : i32
      %dma_wait3A_422 = tpu.memref_slice %arg15[%add3A_17, %dma_wait3A_421] : memref<10240x64xf32, #tpu.memory_space<vmem_shared>> -> memref<128x64xf32, #tpu.memory_space<vmem_shared>>
      %dma_wait3A_423 = arith.constant 0 : i32
      %dma_wait3A_424 = tpu.memref_slice %arg15[%add3A_17, %dma_wait3A_423] : memref<10240x64xf32, #tpu.memory_space<vmem_shared>> -> memref<128x64xf32, #tpu.memory_space<vmem_shared>>
      %dma_wait3A_425 = arith.constant 0 : i32
      %dma_wait3A_426 = arith.constant 0 : i32
      %dma_wait3A_427 = tpu.memref_slice %arg13[%dma_wait3A_425, %dma_wait3A_426] : memref<256x64xf32, #tpu.memory_space<vmem>> -> memref<128x64xf32, #tpu.memory_space<vmem>>
      tpu.wait_dma2 semaphore(%run_scoped3A : memref<!tpu.dma_semaphore, #tpu.memory_space<semaphore_mem>>) src(%dma_wait3A_427 : memref<128x64xf32, #tpu.memory_space<vmem>>) dst(%dma_wait3A_424 : memref<128x64xf32, #tpu.memory_space<vmem_shared>>)
      tpu.yield
    }) : () -> ()
    "tpu.region"() ({
      %run_scoped3A = tpu.sem_alloc : memref<!tpu.dma_semaphore, #tpu.memory_space<semaphore_mem>>
      %dma_start3A_408 = arith.constant 0 : i32
      %dma_start3A_409 = tpu.memref_slice %arg16[%mul3A_2, %dma_start3A_408] : memref<10240x64xf32, #tpu.memory_space<vmem_shared>> -> memref<640x64xf32, #tpu.memory_space<vmem_shared>>
      tpu.enqueue_dma source(%arg8 : memref<640x64xf32, #tpu.memory_space<hbm>>) target(%dma_start3A_409 : memref<640x64xf32, #tpu.memory_space<vmem_shared>>) target_semaphore(%run_scoped3A : memref<!tpu.dma_semaphore, #tpu.memory_space<semaphore_mem>>)
      %dma_wait3A_410 = arith.constant 0 : i32
      %dma_wait3A_411 = tpu.memref_slice %arg16[%mul3A_2, %dma_wait3A_410] : memref<10240x64xf32, #tpu.memory_space<vmem_shared>> -> memref<640x64xf32, #tpu.memory_space<vmem_shared>>
      tpu.wait_dma2 semaphore(%run_scoped3A : memref<!tpu.dma_semaphore, #tpu.memory_space<semaphore_mem>>) src(%arg8 : memref<640x64xf32, #tpu.memory_space<hbm>>) dst(%dma_wait3A_411 : memref<640x64xf32, #tpu.memory_space<vmem_shared>>)
      tpu.yield
    }) : () -> ()
    %barrier3A = arith.constant 0 : index
    tpu.barrier barrier_id(%barrier3A)
    %add3A_19 = arith.constant 0 : i32
    %add3A_20 = arith.addi %mul3A_0, %add3A_19 : i32
    %dma_start3A = arith.constant 0 : i32
    %dma_start3A_21 = arith.constant 0 : i32
    %dma_start3A_22 = tpu.memref_slice %arg11[%dma_start3A, %dma_start3A_21] : memref<32x128xi32, #tpu.memory_space<vmem>> -> memref<16x128xi32, #tpu.memory_space<vmem>>
    %dma_start3A_23 = arith.constant 0 : i32
    %dma_start3A_24 = tpu.memref_slice %arg2[%add3A_20, %dma_start3A_23] : memref<2560x128xi32, #tpu.memory_space<hbm>> -> memref<16x128xi32, #tpu.memory_space<hbm>>
    %dma_start3A_25 = arith.constant 0 : i32
    %dma_start3A_26 = arith.constant 0 : i32
    %dma_start3A_27 = tpu.memref_slice %arg11[%dma_start3A_25, %dma_start3A_26] : memref<32x128xi32, #tpu.memory_space<vmem>> -> memref<16x128xi32, #tpu.memory_space<vmem>>
    %dma_start3A_28 = arith.constant 0 : i32
    %dma_start3A_29 = tpu.memref_slice %arg2[%add3A_20, %dma_start3A_28] : memref<2560x128xi32, #tpu.memory_space<hbm>> -> memref<16x128xi32, #tpu.memory_space<hbm>>
    tpu.enqueue_dma source(%dma_start3A_29 : memref<16x128xi32, #tpu.memory_space<hbm>>) target(%dma_start3A_27 : memref<16x128xi32, #tpu.memory_space<vmem>>) target_semaphore(%arg19 : memref<!tpu.dma_semaphore, #tpu.memory_space<semaphore_mem>>)
    %add3A_30 = arith.constant 0 : i32
    %add3A_31 = arith.addi %mul3A_0, %add3A_30 : i32
    %dma_start3A_32 = arith.constant 0 : i32
    %dma_start3A_33 = arith.constant 0 : i32
    %dma_start3A_34 = tpu.memref_slice %arg12[%dma_start3A_32, %dma_start3A_33] : memref<32x128xi32, #tpu.memory_space<vmem>> -> memref<16x128xi32, #tpu.memory_space<vmem>>
    %dma_start3A_35 = arith.constant 0 : i32
    %dma_start3A_36 = tpu.memref_slice %arg3[%add3A_31, %dma_start3A_35] : memref<2560x128xi32, #tpu.memory_space<hbm>> -> memref<16x128xi32, #tpu.memory_space<hbm>>
    %dma_start3A_37 = arith.constant 0 : i32
    %dma_start3A_38 = arith.constant 0 : i32
    %dma_start3A_39 = tpu.memref_slice %arg12[%dma_start3A_37, %dma_start3A_38] : memref<32x128xi32, #tpu.memory_space<vmem>> -> memref<16x128xi32, #tpu.memory_space<vmem>>
    %dma_start3A_40 = arith.constant 0 : i32
    %dma_start3A_41 = tpu.memref_slice %arg3[%add3A_31, %dma_start3A_40] : memref<2560x128xi32, #tpu.memory_space<hbm>> -> memref<16x128xi32, #tpu.memory_space<hbm>>
    tpu.enqueue_dma source(%dma_start3A_41 : memref<16x128xi32, #tpu.memory_space<hbm>>) target(%dma_start3A_39 : memref<16x128xi32, #tpu.memory_space<vmem>>) target_semaphore(%arg19 : memref<!tpu.dma_semaphore, #tpu.memory_space<semaphore_mem>>)
    %scan3A = arith.constant 0 : i32
    %scan3A_42 = arith.constant 0 : i32
    %scan3A_43 = arith.constant 161 : i32
    %scan3A_44 = arith.addi %scan3A_42, %scan3A_43 : i32
    %scan3A_45 = arith.constant 1 : i32
    %scan3A_46 = scf.for %scan3A_408 = %scan3A_42 to %scan3A_44 step %scan3A_45 iter_args(%scan3A_409 = %scan3A) -> (i32)  : i32 {
      %and3A = arith.constant 1 : i32
      %and3A_410 = arith.andi %scan3A_408, %and3A : i32
      %shift_right_arithmetic3A = arith.constant 4 : i32
      %shift_right_arithmetic3A_411 = arith.shrsi %scan3A_408, %shift_right_arithmetic3A : i32
      %and3A_412 = arith.constant 1 : i32
      %and3A_413 = arith.andi %shift_right_arithmetic3A_411, %and3A_412 : i32
      %mul3A_414 = arith.constant 16 : i32
      %mul3A_415 = arith.muli %and3A_413, %mul3A_414 : i32
      %and3A_416 = arith.constant 15 : i32
      %and3A_417 = arith.andi %scan3A_408, %and3A_416 : i32
      %eq3A = arith.constant 0 : i32
      %eq3A_418 = arith.cmpi eq, %and3A_417, %eq3A : i32
      %lt3A = arith.constant 160 : i32
      %lt3A_419 = arith.cmpi slt, %scan3A_408, %lt3A : i32
      %and3A_420 = arith.andi %eq3A_418, %lt3A_419 : i1
      %convert_element_type3A = arith.extui %and3A_420 : i1 to i32
      %cond3A = arith.constant 0 : i32
      %cond3A_421 = arith.cmpi ne, %convert_element_type3A, %cond3A : i32
      scf.if %cond3A_421 {
        %dma_wait3A_447 = arith.constant 0 : i32
        %dma_wait3A_448 = arith.constant 0 : i32
        %dma_wait3A_449 = tpu.memref_slice %arg11[%dma_wait3A_447, %dma_wait3A_448] : memref<32x128xi32, #tpu.memory_space<vmem>> -> memref<16x128xi32, #tpu.memory_space<vmem>>
        %dma_wait3A_450 = arith.constant 0 : i32
        %dma_wait3A_451 = arith.constant 0 : i32
        %dma_wait3A_452 = tpu.memref_slice %arg2[%dma_wait3A_450, %dma_wait3A_451] : memref<2560x128xi32, #tpu.memory_space<hbm>> -> memref<16x128xi32, #tpu.memory_space<hbm>>
        %dma_wait3A_453 = arith.constant 0 : i32
        %dma_wait3A_454 = arith.constant 0 : i32
        %dma_wait3A_455 = tpu.memref_slice %arg11[%dma_wait3A_453, %dma_wait3A_454] : memref<32x128xi32, #tpu.memory_space<vmem>> -> memref<16x128xi32, #tpu.memory_space<vmem>>
        %dma_wait3A_456 = arith.constant 0 : i32
        %dma_wait3A_457 = arith.constant 0 : i32
        %dma_wait3A_458 = tpu.memref_slice %arg2[%dma_wait3A_456, %dma_wait3A_457] : memref<2560x128xi32, #tpu.memory_space<hbm>> -> memref<16x128xi32, #tpu.memory_space<hbm>>
        tpu.wait_dma2 semaphore(%arg19 : memref<!tpu.dma_semaphore, #tpu.memory_space<semaphore_mem>>) src(%dma_wait3A_458 : memref<16x128xi32, #tpu.memory_space<hbm>>) dst(%dma_wait3A_455 : memref<16x128xi32, #tpu.memory_space<vmem>>)
        %dma_wait3A_459 = arith.constant 0 : i32
        %dma_wait3A_460 = arith.constant 0 : i32
        %dma_wait3A_461 = tpu.memref_slice %arg11[%dma_wait3A_459, %dma_wait3A_460] : memref<32x128xi32, #tpu.memory_space<vmem>> -> memref<16x128xi32, #tpu.memory_space<vmem>>
        %dma_wait3A_462 = arith.constant 0 : i32
        %dma_wait3A_463 = arith.constant 0 : i32
        %dma_wait3A_464 = tpu.memref_slice %arg2[%dma_wait3A_462, %dma_wait3A_463] : memref<2560x128xi32, #tpu.memory_space<hbm>> -> memref<16x128xi32, #tpu.memory_space<hbm>>
        %dma_wait3A_465 = arith.constant 0 : i32
        %dma_wait3A_466 = arith.constant 0 : i32
        %dma_wait3A_467 = tpu.memref_slice %arg11[%dma_wait3A_465, %dma_wait3A_466] : memref<32x128xi32, #tpu.memory_space<vmem>> -> memref<16x128xi32, #tpu.memory_space<vmem>>
        %dma_wait3A_468 = arith.constant 0 : i32
        %dma_wait3A_469 = arith.constant 0 : i32
        %dma_wait3A_470 = tpu.memref_slice %arg2[%dma_wait3A_468, %dma_wait3A_469] : memref<2560x128xi32, #tpu.memory_space<hbm>> -> memref<16x128xi32, #tpu.memory_space<hbm>>
        tpu.wait_dma2 semaphore(%arg19 : memref<!tpu.dma_semaphore, #tpu.memory_space<semaphore_mem>>) src(%dma_wait3A_470 : memref<16x128xi32, #tpu.memory_space<hbm>>) dst(%dma_wait3A_467 : memref<16x128xi32, #tpu.memory_space<vmem>>)
      } else {
      }
      %and3A_422 = arith.constant 15 : i32
      %and3A_423 = arith.andi %scan3A_408, %and3A_422 : i32
      %eq3A_424 = arith.constant 2 : i32
      %eq3A_425 = arith.cmpi eq, %and3A_423, %eq3A_424 : i32
      %lt3A_426 = arith.constant 146 : i32
      %lt3A_427 = arith.cmpi slt, %scan3A_408, %lt3A_426 : i32
      %and3A_428 = arith.andi %eq3A_425, %lt3A_427 : i1
      %convert_element_type3A_429 = arith.extui %and3A_428 : i1 to i32
      %cond3A_430 = arith.constant 0 : i32
      %cond3A_431 = arith.cmpi ne, %convert_element_type3A_429, %cond3A_430 : i32
      scf.if %cond3A_431 {
        %add3A_447 = arith.constant 1 : i32
        %add3A_448 = arith.addi %shift_right_arithmetic3A_411, %add3A_447 : i32
        %and3A_449 = arith.constant 1 : i32
        %and3A_450 = arith.andi %add3A_448, %and3A_449 : i32
        %mul3A_451 = arith.constant 16 : i32
        %mul3A_452 = arith.muli %and3A_450, %mul3A_451 : i32
        %mul3A_453 = arith.constant 16 : i32
        %mul3A_454 = arith.muli %add3A_448, %mul3A_453 : i32
        %add3A_455 = arith.addi %mul3A_0, %mul3A_454 : i32
        %dma_start3A_456 = arith.constant 0 : i32
        %dma_start3A_457 = tpu.memref_slice %arg11[%mul3A_452, %dma_start3A_456] : memref<32x128xi32, #tpu.memory_space<vmem>> -> memref<16x128xi32, #tpu.memory_space<vmem>>
        %dma_start3A_458 = arith.constant 0 : i32
        %dma_start3A_459 = tpu.memref_slice %arg2[%add3A_455, %dma_start3A_458] : memref<2560x128xi32, #tpu.memory_space<hbm>> -> memref<16x128xi32, #tpu.memory_space<hbm>>
        %dma_start3A_460 = arith.constant 0 : i32
        %dma_start3A_461 = tpu.memref_slice %arg11[%mul3A_452, %dma_start3A_460] : memref<32x128xi32, #tpu.memory_space<vmem>> -> memref<16x128xi32, #tpu.memory_space<vmem>>
        %dma_start3A_462 = arith.constant 0 : i32
        %dma_start3A_463 = tpu.memref_slice %arg2[%add3A_455, %dma_start3A_462] : memref<2560x128xi32, #tpu.memory_space<hbm>> -> memref<16x128xi32, #tpu.memory_space<hbm>>
        tpu.enqueue_dma source(%dma_start3A_463 : memref<16x128xi32, #tpu.memory_space<hbm>>) target(%dma_start3A_461 : memref<16x128xi32, #tpu.memory_space<vmem>>) target_semaphore(%arg19 : memref<!tpu.dma_semaphore, #tpu.memory_space<semaphore_mem>>)
        %mul3A_464 = arith.constant 16 : i32
        %mul3A_465 = arith.muli %add3A_448, %mul3A_464 : i32
        %add3A_466 = arith.addi %mul3A_0, %mul3A_465 : i32
        %dma_start3A_467 = arith.constant 0 : i32
        %dma_start3A_468 = tpu.memref_slice %arg12[%mul3A_452, %dma_start3A_467] : memref<32x128xi32, #tpu.memory_space<vmem>> -> memref<16x128xi32, #tpu.memory_space<vmem>>
        %dma_start3A_469 = arith.constant 0 : i32
        %dma_start3A_470 = tpu.memref_slice %arg3[%add3A_466, %dma_start3A_469] : memref<2560x128xi32, #tpu.memory_space<hbm>> -> memref<16x128xi32, #tpu.memory_space<hbm>>
        %dma_start3A_471 = arith.constant 0 : i32
        %dma_start3A_472 = tpu.memref_slice %arg12[%mul3A_452, %dma_start3A_471] : memref<32x128xi32, #tpu.memory_space<vmem>> -> memref<16x128xi32, #tpu.memory_space<vmem>>
        %dma_start3A_473 = arith.constant 0 : i32
        %dma_start3A_474 = tpu.memref_slice %arg3[%add3A_466, %dma_start3A_473] : memref<2560x128xi32, #tpu.memory_space<hbm>> -> memref<16x128xi32, #tpu.memory_space<hbm>>
        tpu.enqueue_dma source(%dma_start3A_474 : memref<16x128xi32, #tpu.memory_space<hbm>>) target(%dma_start3A_472 : memref<16x128xi32, #tpu.memory_space<vmem>>) target_semaphore(%arg19 : memref<!tpu.dma_semaphore, #tpu.memory_space<semaphore_mem>>)
      } else {
      }
      %ge3A = arith.constant 2 : i32
      %ge3A_432 = arith.cmpi sge, %scan3A_408, %ge3A : i32
      %convert_element_type3A_433 = arith.extui %ge3A_432 : i1 to i32
      %cond3A_434 = arith.constant 0 : i32
      %cond3A_435 = arith.cmpi ne, %convert_element_type3A_433, %cond3A_434 : i32
      scf.if %cond3A_435 {
        %dma_wait3A_447 = arith.constant 0 : i32
        %dma_wait3A_448 = arith.constant 0 : i32
        %dma_wait3A_449 = tpu.memref_slice %arg13[%dma_wait3A_447, %dma_wait3A_448] : memref<256x64xf32, #tpu.memory_space<vmem>> -> memref<128x64xf32, #tpu.memory_space<vmem>>
        %dma_wait3A_450 = arith.constant 0 : i32
        %dma_wait3A_451 = arith.constant 0 : i32
        %dma_wait3A_452 = tpu.memref_slice %arg4[%dma_wait3A_450, %dma_wait3A_451] : memref<20480x64xf32, #tpu.memory_space<hbm>> -> memref<128x64xf32, #tpu.memory_space<hbm>>
        %dma_wait3A_453 = arith.constant 0 : i32
        %dma_wait3A_454 = arith.constant 0 : i32
        %dma_wait3A_455 = tpu.memref_slice %arg13[%dma_wait3A_453, %dma_wait3A_454] : memref<256x64xf32, #tpu.memory_space<vmem>> -> memref<128x64xf32, #tpu.memory_space<vmem>>
        %dma_wait3A_456 = arith.constant 0 : i32
        %dma_wait3A_457 = arith.constant 0 : i32
        %dma_wait3A_458 = tpu.memref_slice %arg4[%dma_wait3A_456, %dma_wait3A_457] : memref<20480x64xf32, #tpu.memory_space<hbm>> -> memref<128x64xf32, #tpu.memory_space<hbm>>
        tpu.wait_dma2 semaphore(%arg18 : memref<!tpu.dma_semaphore, #tpu.memory_space<semaphore_mem>>) src(%dma_wait3A_458 : memref<128x64xf32, #tpu.memory_space<hbm>>) dst(%dma_wait3A_455 : memref<128x64xf32, #tpu.memory_space<vmem>>)
      } else {
      }
      %lt3A_436 = arith.constant 160 : i32
      %lt3A_437 = arith.cmpi slt, %scan3A_408, %lt3A_436 : i32
      %convert_element_type3A_438 = arith.extui %lt3A_437 : i1 to i32
      %cond3A_439 = arith.constant 0 : i32
      %cond3A_440 = arith.cmpi ne, %convert_element_type3A_438, %cond3A_439 : i32
      scf.if %cond3A_440 {
        %and3A_447 = arith.constant 15 : i32
        %and3A_448 = arith.andi %scan3A_408, %and3A_447 : i32
        %add3A_449 = arith.addi %mul3A_415, %and3A_448 : i32
        %mul3A_450 = arith.constant 128 : i32
        %mul3A_451 = arith.muli %and3A_410, %mul3A_450 : i32
        %dma_start3A_452 = arith.constant 0 : i32
        %dma_start3A_453 = tpu.memref_slice %arg13[%mul3A_451, %dma_start3A_452] : memref<256x64xf32, #tpu.memory_space<vmem>> -> memref<128x64xf32, #tpu.memory_space<vmem>>
        %dma_start3A_454 = arith.constant 0 : i32
        %dma_start3A_455 = tpu.memref_slice %arg11[%add3A_449, %dma_start3A_454] : memref<32x128xi32, #tpu.memory_space<vmem>> -> memref<1x128xi32, #tpu.memory_space<vmem>>
        %dma_start3A_456 = tpu.memref_squeeze %dma_start3A_455 : memref<1x128xi32, #tpu.memory_space<vmem>> -> memref<128xi32, #tpu.memory_space<vmem>>
        %dma_start3A_457 = arith.constant 0 : i32
        %dma_start3A_458 = arith.constant 0 : i32
        %dma_start3A_459 = tpu.memref_slice %arg15[%dma_start3A_457, %dma_start3A_458] : memref<10240x64xf32, #tpu.memory_space<vmem_shared>> -> memref<10240x64xf32, #tpu.memory_space<vmem_shared>>
        tpu.enqueue_indirect_dma source(%dma_start3A_459 : memref<10240x64xf32, #tpu.memory_space<vmem_shared>>) target(%dma_start3A_453 : memref<128x64xf32, #tpu.memory_space<vmem>>) offsets(%dma_start3A_456 : memref<128xi32, #tpu.memory_space<vmem>>) semaphore(%arg17 : memref<!tpu.dma_semaphore, #tpu.memory_space<semaphore_mem>>)
      } else {
      }
      %ge3A_441 = arith.constant 1 : i32
      %ge3A_442 = arith.cmpi sge, %scan3A_408, %ge3A_441 : i32
      %convert_element_type3A_443 = arith.extui %ge3A_442 : i1 to i32
      %cond3A_444 = arith.constant 0 : i32
      %cond3A_445 = arith.cmpi ne, %convert_element_type3A_443, %cond3A_444 : i32
      scf.if %cond3A_445 {
        %sub3A = arith.constant 1 : i32
        %sub3A_447 = arith.subi %sub3A, %and3A_410 : i32
        %sub3A_448 = arith.constant 1 : i32
        %sub3A_449 = arith.subi %scan3A_408, %sub3A_448 : i32
        %shift_right_arithmetic3A_450 = arith.constant 4 : i32
        %shift_right_arithmetic3A_451 = arith.shrsi %sub3A_449, %shift_right_arithmetic3A_450 : i32
        %and3A_452 = arith.constant 1 : i32
        %and3A_453 = arith.andi %shift_right_arithmetic3A_451, %and3A_452 : i32
        %mul3A_454 = arith.constant 16 : i32
        %mul3A_455 = arith.muli %and3A_453, %mul3A_454 : i32
        %dma_wait3A_456 = arith.constant 0 : i32
        %dma_wait3A_457 = arith.constant 0 : i32
        %dma_wait3A_458 = tpu.memref_slice %arg13[%dma_wait3A_456, %dma_wait3A_457] : memref<256x64xf32, #tpu.memory_space<vmem>> -> memref<128x64xf32, #tpu.memory_space<vmem>>
        %dma_wait3A_459 = arith.constant 0 : i32
        %dma_wait3A_460 = arith.constant 0 : i32
        %dma_wait3A_461 = tpu.memref_slice %arg4[%dma_wait3A_459, %dma_wait3A_460] : memref<20480x64xf32, #tpu.memory_space<hbm>> -> memref<128x64xf32, #tpu.memory_space<hbm>>
        %dma_wait3A_462 = arith.constant 0 : i32
        %dma_wait3A_463 = arith.constant 0 : i32
        %dma_wait3A_464 = tpu.memref_slice %arg13[%dma_wait3A_462, %dma_wait3A_463] : memref<256x64xf32, #tpu.memory_space<vmem>> -> memref<128x64xf32, #tpu.memory_space<vmem>>
        %dma_wait3A_465 = arith.constant 0 : i32
        %dma_wait3A_466 = arith.constant 0 : i32
        %dma_wait3A_467 = tpu.memref_slice %arg4[%dma_wait3A_465, %dma_wait3A_466] : memref<20480x64xf32, #tpu.memory_space<hbm>> -> memref<128x64xf32, #tpu.memory_space<hbm>>
        tpu.wait_dma2 semaphore(%arg17 : memref<!tpu.dma_semaphore, #tpu.memory_space<semaphore_mem>>) src(%dma_wait3A_467 : memref<128x64xf32, #tpu.memory_space<hbm>>) dst(%dma_wait3A_464 : memref<128x64xf32, #tpu.memory_space<vmem>>)
        %mul3A_468 = arith.constant 128 : i32
        %mul3A_469 = arith.muli %sub3A_447, %mul3A_468 : i32
        %sub3A_470 = arith.constant 1 : i32
        %sub3A_471 = arith.subi %scan3A_408, %sub3A_470 : i32
        %and3A_472 = arith.constant 15 : i32
        %and3A_473 = arith.andi %sub3A_471, %and3A_472 : i32
        %add3A_474 = arith.addi %mul3A_455, %and3A_473 : i32
        %dma_start3A_475 = arith.constant 0 : i32
        %dma_start3A_476 = tpu.memref_slice %arg13[%mul3A_469, %dma_start3A_475] : memref<256x64xf32, #tpu.memory_space<vmem>> -> memref<128x64xf32, #tpu.memory_space<vmem>>
        %dma_start3A_477 = arith.constant 0 : i32
        %dma_start3A_478 = tpu.memref_slice %arg12[%add3A_474, %dma_start3A_477] : memref<32x128xi32, #tpu.memory_space<vmem>> -> memref<1x128xi32, #tpu.memory_space<vmem>>
        %dma_start3A_479 = tpu.memref_squeeze %dma_start3A_478 : memref<1x128xi32, #tpu.memory_space<vmem>> -> memref<128xi32, #tpu.memory_space<vmem>>
        %dma_start3A_480 = arith.constant 0 : i32
        %dma_start3A_481 = arith.constant 0 : i32
        %dma_start3A_482 = tpu.memref_slice %arg16[%dma_start3A_480, %dma_start3A_481] : memref<10240x64xf32, #tpu.memory_space<vmem_shared>> -> memref<10240x64xf32, #tpu.memory_space<vmem_shared>>
        tpu.enqueue_indirect_dma source(%dma_start3A_476 : memref<128x64xf32, #tpu.memory_space<vmem>>) target(%dma_start3A_482 : memref<10240x64xf32, #tpu.memory_space<vmem_shared>>) offsets(%dma_start3A_479 : memref<128xi32, #tpu.memory_space<vmem>>) semaphore(%arg18 : memref<!tpu.dma_semaphore, #tpu.memory_space<semaphore_mem>>) {add = true}
      } else {
      }
      %scan3A_446 = arith.constant 0 : i32
      scf.yield %scan3A_446 : i32
    }
    %scan3A_47 = arith.constant 161 : i32
    %dma_wait3A = arith.constant 0 : i32
    %dma_wait3A_48 = arith.constant 0 : i32
    %dma_wait3A_49 = tpu.memref_slice %arg13[%dma_wait3A, %dma_wait3A_48] : memref<256x64xf32, #tpu.memory_space<vmem>> -> memref<128x64xf32, #tpu.memory_space<vmem>>
    %dma_wait3A_50 = arith.constant 0 : i32
    %dma_wait3A_51 = arith.constant 0 : i32
    %dma_wait3A_52 = tpu.memref_slice %arg4[%dma_wait3A_50, %dma_wait3A_51] : memref<20480x64xf32, #tpu.memory_space<hbm>> -> memref<128x64xf32, #tpu.memory_space<hbm>>
    %dma_wait3A_53 = arith.constant 0 : i32
    %dma_wait3A_54 = arith.constant 0 : i32
    %dma_wait3A_55 = tpu.memref_slice %arg13[%dma_wait3A_53, %dma_wait3A_54] : memref<256x64xf32, #tpu.memory_space<vmem>> -> memref<128x64xf32, #tpu.memory_space<vmem>>
    %dma_wait3A_56 = arith.constant 0 : i32
    %dma_wait3A_57 = arith.constant 0 : i32
    %dma_wait3A_58 = tpu.memref_slice %arg4[%dma_wait3A_56, %dma_wait3A_57] : memref<20480x64xf32, #tpu.memory_space<hbm>> -> memref<128x64xf32, #tpu.memory_space<hbm>>
    tpu.wait_dma2 semaphore(%arg18 : memref<!tpu.dma_semaphore, #tpu.memory_space<semaphore_mem>>) src(%dma_wait3A_58 : memref<128x64xf32, #tpu.memory_space<hbm>>) dst(%dma_wait3A_55 : memref<128x64xf32, #tpu.memory_space<vmem>>)
    %barrier3A_59 = arith.constant 0 : index
    tpu.barrier barrier_id(%barrier3A_59)
    %add3A_60 = arith.constant 0 : i32
    %add3A_61 = arith.addi %mul3A_2, %add3A_60 : i32
    %add3A_62 = arith.addi %mul3A_4, %add3A_61 : i32
    "tpu.region"() ({
      %run_scoped3A = tpu.sem_alloc : memref<!tpu.dma_semaphore, #tpu.memory_space<semaphore_mem>>
      %dma_start3A_408 = arith.constant 0 : i32
      %dma_start3A_409 = arith.constant 0 : i32
      %dma_start3A_410 = tpu.memref_slice %arg13[%dma_start3A_408, %dma_start3A_409] : memref<256x64xf32, #tpu.memory_space<vmem>> -> memref<128x64xf32, #tpu.memory_space<vmem>>
      %dma_start3A_411 = arith.constant 0 : i32
      %dma_start3A_412 = tpu.memref_slice %arg16[%add3A_61, %dma_start3A_411] : memref<10240x64xf32, #tpu.memory_space<vmem_shared>> -> memref<128x64xf32, #tpu.memory_space<vmem_shared>>
      %dma_start3A_413 = arith.constant 0 : i32
      %dma_start3A_414 = arith.constant 0 : i32
      %dma_start3A_415 = tpu.memref_slice %arg13[%dma_start3A_413, %dma_start3A_414] : memref<256x64xf32, #tpu.memory_space<vmem>> -> memref<128x64xf32, #tpu.memory_space<vmem>>
      %dma_start3A_416 = arith.constant 0 : i32
      %dma_start3A_417 = tpu.memref_slice %arg16[%add3A_61, %dma_start3A_416] : memref<10240x64xf32, #tpu.memory_space<vmem_shared>> -> memref<128x64xf32, #tpu.memory_space<vmem_shared>>
      tpu.enqueue_dma source(%dma_start3A_417 : memref<128x64xf32, #tpu.memory_space<vmem_shared>>) target(%dma_start3A_415 : memref<128x64xf32, #tpu.memory_space<vmem>>) target_semaphore(%run_scoped3A : memref<!tpu.dma_semaphore, #tpu.memory_space<semaphore_mem>>)
      %dma_wait3A_418 = arith.constant 0 : i32
      %dma_wait3A_419 = arith.constant 0 : i32
      %dma_wait3A_420 = tpu.memref_slice %arg13[%dma_wait3A_418, %dma_wait3A_419] : memref<256x64xf32, #tpu.memory_space<vmem>> -> memref<128x64xf32, #tpu.memory_space<vmem>>
      %dma_wait3A_421 = arith.constant 0 : i32
      %dma_wait3A_422 = tpu.memref_slice %arg16[%add3A_61, %dma_wait3A_421] : memref<10240x64xf32, #tpu.memory_space<vmem_shared>> -> memref<128x64xf32, #tpu.memory_space<vmem_shared>>
      %dma_wait3A_423 = arith.constant 0 : i32
      %dma_wait3A_424 = arith.constant 0 : i32
      %dma_wait3A_425 = tpu.memref_slice %arg13[%dma_wait3A_423, %dma_wait3A_424] : memref<256x64xf32, #tpu.memory_space<vmem>> -> memref<128x64xf32, #tpu.memory_space<vmem>>
      %dma_wait3A_426 = arith.constant 0 : i32
      %dma_wait3A_427 = tpu.memref_slice %arg16[%add3A_61, %dma_wait3A_426] : memref<10240x64xf32, #tpu.memory_space<vmem_shared>> -> memref<128x64xf32, #tpu.memory_space<vmem_shared>>
      tpu.wait_dma2 semaphore(%run_scoped3A : memref<!tpu.dma_semaphore, #tpu.memory_space<semaphore_mem>>) src(%dma_wait3A_427 : memref<128x64xf32, #tpu.memory_space<vmem_shared>>) dst(%dma_wait3A_425 : memref<128x64xf32, #tpu.memory_space<vmem>>)
      tpu.yield
    }) : () -> ()
    "tpu.region"() ({
      %run_scoped3A = tpu.sem_alloc : memref<!tpu.dma_semaphore, #tpu.memory_space<semaphore_mem>>
      %dma_start3A_408 = arith.constant 0 : i32
      %dma_start3A_409 = arith.constant 0 : i32
      %dma_start3A_410 = tpu.memref_slice %arg13[%dma_start3A_408, %dma_start3A_409] : memref<256x64xf32, #tpu.memory_space<vmem>> -> memref<128x64xf32, #tpu.memory_space<vmem>>
      %dma_start3A_411 = arith.constant 0 : i32
      %dma_start3A_412 = tpu.memref_slice %arg10[%add3A_62, %dma_start3A_411] : memref<20480x64xf32, #tpu.memory_space<hbm>> -> memref<128x64xf32, #tpu.memory_space<hbm>>
      %dma_start3A_413 = arith.constant 0 : i32
      %dma_start3A_414 = tpu.memref_slice %arg10[%add3A_62, %dma_start3A_413] : memref<20480x64xf32, #tpu.memory_space<hbm>> -> memref<128x64xf32, #tpu.memory_space<hbm>>
      %dma_start3A_415 = arith.constant 0 : i32
      %dma_start3A_416 = arith.constant 0 : i32
      %dma_start3A_417 = tpu.memref_slice %arg13[%dma_start3A_415, %dma_start3A_416] : memref<256x64xf32, #tpu.memory_space<vmem>> -> memref<128x64xf32, #tpu.memory_space<vmem>>
      tpu.enqueue_dma source(%dma_start3A_417 : memref<128x64xf32, #tpu.memory_space<vmem>>) target(%dma_start3A_414 : memref<128x64xf32, #tpu.memory_space<hbm>>) target_semaphore(%run_scoped3A : memref<!tpu.dma_semaphore, #tpu.memory_space<semaphore_mem>>)
      %dma_wait3A_418 = arith.constant 0 : i32
      %dma_wait3A_419 = arith.constant 0 : i32
      %dma_wait3A_420 = tpu.memref_slice %arg13[%dma_wait3A_418, %dma_wait3A_419] : memref<256x64xf32, #tpu.memory_space<vmem>> -> memref<128x64xf32, #tpu.memory_space<vmem>>
      %dma_wait3A_421 = arith.constant 0 : i32
      %dma_wait3A_422 = tpu.memref_slice %arg10[%add3A_62, %dma_wait3A_421] : memref<20480x64xf32, #tpu.memory_space<hbm>> -> memref<128x64xf32, #tpu.memory_space<hbm>>
      %dma_wait3A_423 = arith.constant 0 : i32
      %dma_wait3A_424 = tpu.memref_slice %arg10[%add3A_62, %dma_wait3A_423] : memref<20480x64xf32, #tpu.memory_space<hbm>> -> memref<128x64xf32, #tpu.memory_space<hbm>>
      %dma_wait3A_425 = arith.constant 0 : i32
      %dma_wait3A_426 = arith.constant 0 : i32
      %dma_wait3A_427 = tpu.memref_slice %arg13[%dma_wait3A_425, %dma_wait3A_426] : memref<256x64xf32, #tpu.memory_space<vmem>> -> memref<128x64xf32, #tpu.memory_space<vmem>>
      tpu.wait_dma2 semaphore(%run_scoped3A : memref<!tpu.dma_semaphore, #tpu.memory_space<semaphore_mem>>) src(%dma_wait3A_427 : memref<128x64xf32, #tpu.memory_space<vmem>>) dst(%dma_wait3A_424 : memref<128x64xf32, #tpu.memory_space<hbm>>)
      tpu.yield
    }) : () -> ()
    "tpu.region"() ({
      %run_scoped3A = tpu.sem_alloc : memref<!tpu.dma_semaphore, #tpu.memory_space<semaphore_mem>>
      %dma_start3A_408 = arith.constant 0 : i32
      %dma_start3A_409 = tpu.memref_slice %arg5[%add3A_61, %dma_start3A_408] : memref<10240x64xf32, #tpu.memory_space<hbm>> -> memref<128x64xf32, #tpu.memory_space<hbm>>
      %dma_start3A_410 = arith.constant 0 : i32
      %dma_start3A_411 = tpu.memref_slice %arg5[%add3A_61, %dma_start3A_410] : memref<10240x64xf32, #tpu.memory_space<hbm>> -> memref<128x64xf32, #tpu.memory_space<hbm>>
      tpu.enqueue_dma source(%dma_start3A_411 : memref<128x64xf32, #tpu.memory_space<hbm>>) target(%arg14 : memref<128x64xf32, #tpu.memory_space<vmem>>) target_semaphore(%run_scoped3A : memref<!tpu.dma_semaphore, #tpu.memory_space<semaphore_mem>>)
      %dma_wait3A_412 = arith.constant 0 : i32
      %dma_wait3A_413 = tpu.memref_slice %arg5[%add3A_61, %dma_wait3A_412] : memref<10240x64xf32, #tpu.memory_space<hbm>> -> memref<128x64xf32, #tpu.memory_space<hbm>>
      %dma_wait3A_414 = arith.constant 0 : i32
      %dma_wait3A_415 = tpu.memref_slice %arg5[%add3A_61, %dma_wait3A_414] : memref<10240x64xf32, #tpu.memory_space<hbm>> -> memref<128x64xf32, #tpu.memory_space<hbm>>
      tpu.wait_dma2 semaphore(%run_scoped3A : memref<!tpu.dma_semaphore, #tpu.memory_space<semaphore_mem>>) src(%dma_wait3A_415 : memref<128x64xf32, #tpu.memory_space<hbm>>) dst(%arg14 : memref<128x64xf32, #tpu.memory_space<vmem>>)
      tpu.yield
    }) : () -> ()
    %scan3A_63 = arith.constant 0 : i32
    %scan3A_64 = arith.constant 0 : i32
    %scan3A_65 = arith.constant 128 : i32
    %scan3A_66 = arith.addi %scan3A_64, %scan3A_65 : i32
    %scan3A_67 = arith.constant 1 : i32
    %scan3A_68 = scf.for %scan3A_408 = %scan3A_64 to %scan3A_66 step %scan3A_67 iter_args(%scan3A_409 = %scan3A_63) -> (i32)  : i32 {
      %get3A = arith.index_cast %scan3A_408 : i32 to index
      %get3A_410 = arith.constant 0 : index
      %get3A_411 = tpu.vector_load %arg13[%get3A, %get3A_410] {strides = array<i32>} : memref<256x64xf32, #tpu.memory_space<vmem>>, vector<16xf32>,
      %get3A_412 = arith.index_cast %scan3A_408 : i32 to index
      %get3A_413 = arith.constant 0 : index
      %get3A_414 = tpu.vector_load %arg14[%get3A_412, %get3A_413] {strides = array<i32>} : memref<128x64xf32, #tpu.memory_space<vmem>>, vector<16xf32>,
      %mul3A_415 = arith.mulf %get3A_411, %get3A_414 : vector<16xf32>
      %swap3A = arith.index_cast %scan3A_408 : i32 to index
      %swap3A_416 = arith.constant 0 : index
      %swap3A_417 = tpu.vector_load %arg13[%swap3A, %swap3A_416] {strides = array<i32>} : memref<256x64xf32, #tpu.memory_space<vmem>>, vector<16xf32>,
      tpu.vector_store %arg13[%swap3A, %swap3A_416], %mul3A_415 {strides = array<i32>} : memref<256x64xf32, #tpu.memory_space<vmem>>, vector<16xf32>,
      %get3A_418 = arith.index_cast %scan3A_408 : i32 to index
      %get3A_419 = arith.constant 16 : index
      %get3A_420 = tpu.vector_load %arg13[%get3A_418, %get3A_419] {strides = array<i32>} : memref<256x64xf32, #tpu.memory_space<vmem>>, vector<16xf32>,
      %get3A_421 = arith.index_cast %scan3A_408 : i32 to index
      %get3A_422 = arith.constant 16 : index
      %get3A_423 = tpu.vector_load %arg14[%get3A_421, %get3A_422] {strides = array<i32>} : memref<128x64xf32, #tpu.memory_space<vmem>>, vector<16xf32>,
      %mul3A_424 = arith.mulf %get3A_420, %get3A_423 : vector<16xf32>
      %swap3A_425 = arith.index_cast %scan3A_408 : i32 to index
      %swap3A_426 = arith.constant 16 : index
      %swap3A_427 = tpu.vector_load %arg13[%swap3A_425, %swap3A_426] {strides = array<i32>} : memref<256x64xf32, #tpu.memory_space<vmem>>, vector<16xf32>,
      tpu.vector_store %arg13[%swap3A_425, %swap3A_426], %mul3A_424 {strides = array<i32>} : memref<256x64xf32, #tpu.memory_space<vmem>>, vector<16xf32>,
      %get3A_428 = arith.index_cast %scan3A_408 : i32 to index
      %get3A_429 = arith.constant 32 : index
      %get3A_430 = tpu.vector_load %arg13[%get3A_428, %get3A_429] {strides = array<i32>} : memref<256x64xf32, #tpu.memory_space<vmem>>, vector<16xf32>,
      %get3A_431 = arith.index_cast %scan3A_408 : i32 to index
      %get3A_432 = arith.constant 32 : index
      %get3A_433 = tpu.vector_load %arg14[%get3A_431, %get3A_432] {strides = array<i32>} : memref<128x64xf32, #tpu.memory_space<vmem>>, vector<16xf32>,
      %mul3A_434 = arith.mulf %get3A_430, %get3A_433 : vector<16xf32>
      %swap3A_435 = arith.index_cast %scan3A_408 : i32 to index
      %swap3A_436 = arith.constant 32 : index
      %swap3A_437 = tpu.vector_load %arg13[%swap3A_435, %swap3A_436] {strides = array<i32>} : memref<256x64xf32, #tpu.memory_space<vmem>>, vector<16xf32>,
      tpu.vector_store %arg13[%swap3A_435, %swap3A_436], %mul3A_434 {strides = array<i32>} : memref<256x64xf32, #tpu.memory_space<vmem>>, vector<16xf32>,
      %get3A_438 = arith.index_cast %scan3A_408 : i32 to index
      %get3A_439 = arith.constant 48 : index
      %get3A_440 = tpu.vector_load %arg13[%get3A_438, %get3A_439] {strides = array<i32>} : memref<256x64xf32, #tpu.memory_space<vmem>>, vector<16xf32>,
      %get3A_441 = arith.index_cast %scan3A_408 : i32 to index
      %get3A_442 = arith.constant 48 : index
      %get3A_443 = tpu.vector_load %arg14[%get3A_441, %get3A_442] {strides = array<i32>} : memref<128x64xf32, #tpu.memory_space<vmem>>, vector<16xf32>,
      %mul3A_444 = arith.mulf %get3A_440, %get3A_443 : vector<16xf32>
      %swap3A_445 = arith.index_cast %scan3A_408 : i32 to index
      %swap3A_446 = arith.constant 48 : index
      %swap3A_447 = tpu.vector_load %arg13[%swap3A_445, %swap3A_446] {strides = array<i32>} : memref<256x64xf32, #tpu.memory_space<vmem>>, vector<16xf32>,
      tpu.vector_store %arg13[%swap3A_445, %swap3A_446], %mul3A_444 {strides = array<i32>} : memref<256x64xf32, #tpu.memory_space<vmem>>, vector<16xf32>,
      %scan3A_448 = arith.constant 0 : i32
      scf.yield %scan3A_448 : i32
    }
    %scan3A_69 = arith.constant 128 : i32
    "tpu.region"() ({
      %run_scoped3A = tpu.sem_alloc : memref<!tpu.dma_semaphore, #tpu.memory_space<semaphore_mem>>
      %dma_start3A_408 = arith.constant 0 : i32
      %dma_start3A_409 = arith.constant 0 : i32
      %dma_start3A_410 = tpu.memref_slice %arg13[%dma_start3A_408, %dma_start3A_409] : memref<256x64xf32, #tpu.memory_space<vmem>> -> memref<128x64xf32, #tpu.memory_space<vmem>>
      %dma_start3A_411 = arith.constant 0 : i32
      %dma_start3A_412 = tpu.memref_slice %arg15[%add3A_61, %dma_start3A_411] : memref<10240x64xf32, #tpu.memory_space<vmem_shared>> -> memref<128x64xf32, #tpu.memory_space<vmem_shared>>
      %dma_start3A_413 = arith.constant 0 : i32
      %dma_start3A_414 = tpu.memref_slice %arg15[%add3A_61, %dma_start3A_413] : memref<10240x64xf32, #tpu.memory_space<vmem_shared>> -> memref<128x64xf32, #tpu.memory_space<vmem_shared>>
      %dma_start3A_415 = arith.constant 0 : i32
      %dma_start3A_416 = arith.constant 0 : i32
      %dma_start3A_417 = tpu.memref_slice %arg13[%dma_start3A_415, %dma_start3A_416] : memref<256x64xf32, #tpu.memory_space<vmem>> -> memref<128x64xf32, #tpu.memory_space<vmem>>
      tpu.enqueue_dma source(%dma_start3A_417 : memref<128x64xf32, #tpu.memory_space<vmem>>) target(%dma_start3A_414 : memref<128x64xf32, #tpu.memory_space<vmem_shared>>) target_semaphore(%run_scoped3A : memref<!tpu.dma_semaphore, #tpu.memory_space<semaphore_mem>>)
      %dma_wait3A_418 = arith.constant 0 : i32
      %dma_wait3A_419 = arith.constant 0 : i32
      %dma_wait3A_420 = tpu.memref_slice %arg13[%dma_wait3A_418, %dma_wait3A_419] : memref<256x64xf32, #tpu.memory_space<vmem>> -> memref<128x64xf32, #tpu.memory_space<vmem>>
      %dma_wait3A_421 = arith.constant 0 : i32
      %dma_wait3A_422 = tpu.memref_slice %arg15[%add3A_61, %dma_wait3A_421] : memref<10240x64xf32, #tpu.memory_space<vmem_shared>> -> memref<128x64xf32, #tpu.memory_space<vmem_shared>>
      %dma_wait3A_423 = arith.constant 0 : i32
      %dma_wait3A_424 = tpu.memref_slice %arg15[%add3A_61, %dma_wait3A_423] : memref<10240x64xf32, #tpu.memory_space<vmem_shared>> -> memref<128x64xf32, #tpu.memory_space<vmem_shared>>
      %dma_wait3A_425 = arith.constant 0 : i32
      %dma_wait3A_426 = arith.constant 0 : i32
      %dma_wait3A_427 = tpu.memref_slice %arg13[%dma_wait3A_425, %dma_wait3A_426] : memref<256x64xf32, #tpu.memory_space<vmem>> -> memref<128x64xf32, #tpu.memory_space<vmem>>
      tpu.wait_dma2 semaphore(%run_scoped3A : memref<!tpu.dma_semaphore, #tpu.memory_space<semaphore_mem>>) src(%dma_wait3A_427 : memref<128x64xf32, #tpu.memory_space<vmem>>) dst(%dma_wait3A_424 : memref<128x64xf32, #tpu.memory_space<vmem_shared>>)
      tpu.yield
    }) : () -> ()
    %add3A_70 = arith.constant 128 : i32
    %add3A_71 = arith.addi %mul3A_2, %add3A_70 : i32
    %add3A_72 = arith.addi %mul3A_4, %add3A_71 : i32
    "tpu.region"() ({
      %run_scoped3A = tpu.sem_alloc : memref<!tpu.dma_semaphore, #tpu.memory_space<semaphore_mem>>
      %dma_start3A_408 = arith.constant 0 : i32
      %dma_start3A_409 = arith.constant 0 : i32
      %dma_start3A_410 = tpu.memref_slice %arg13[%dma_start3A_408, %dma_start3A_409] : memref<256x64xf32, #tpu.memory_space<vmem>> -> memref<128x64xf32, #tpu.memory_space<vmem>>
      %dma_start3A_411 = arith.constant 0 : i32
      %dma_start3A_412 = tpu.memref_slice %arg16[%add3A_71, %dma_start3A_411] : memref<10240x64xf32, #tpu.memory_space<vmem_shared>> -> memref<128x64xf32, #tpu.memory_space<vmem_shared>>
      %dma_start3A_413 = arith.constant 0 : i32
      %dma_start3A_414 = arith.constant 0 : i32
      %dma_start3A_415 = tpu.memref_slice %arg13[%dma_start3A_413, %dma_start3A_414] : memref<256x64xf32, #tpu.memory_space<vmem>> -> memref<128x64xf32, #tpu.memory_space<vmem>>
      %dma_start3A_416 = arith.constant 0 : i32
      %dma_start3A_417 = tpu.memref_slice %arg16[%add3A_71, %dma_start3A_416] : memref<10240x64xf32, #tpu.memory_space<vmem_shared>> -> memref<128x64xf32, #tpu.memory_space<vmem_shared>>
      tpu.enqueue_dma source(%dma_start3A_417 : memref<128x64xf32, #tpu.memory_space<vmem_shared>>) target(%dma_start3A_415 : memref<128x64xf32, #tpu.memory_space<vmem>>) target_semaphore(%run_scoped3A : memref<!tpu.dma_semaphore, #tpu.memory_space<semaphore_mem>>)
      %dma_wait3A_418 = arith.constant 0 : i32
      %dma_wait3A_419 = arith.constant 0 : i32
      %dma_wait3A_420 = tpu.memref_slice %arg13[%dma_wait3A_418, %dma_wait3A_419] : memref<256x64xf32, #tpu.memory_space<vmem>> -> memref<128x64xf32, #tpu.memory_space<vmem>>
      %dma_wait3A_421 = arith.constant 0 : i32
      %dma_wait3A_422 = tpu.memref_slice %arg16[%add3A_71, %dma_wait3A_421] : memref<10240x64xf32, #tpu.memory_space<vmem_shared>> -> memref<128x64xf32, #tpu.memory_space<vmem_shared>>
      %dma_wait3A_423 = arith.constant 0 : i32
      %dma_wait3A_424 = arith.constant 0 : i32
      %dma_wait3A_425 = tpu.memref_slice %arg13[%dma_wait3A_423, %dma_wait3A_424] : memref<256x64xf32, #tpu.memory_space<vmem>> -> memref<128x64xf32, #tpu.memory_space<vmem>>
      %dma_wait3A_426 = arith.constant 0 : i32
      %dma_wait3A_427 = tpu.memref_slice %arg16[%add3A_71, %dma_wait3A_426] : memref<10240x64xf32, #tpu.memory_space<vmem_shared>> -> memref<128x64xf32, #tpu.memory_space<vmem_shared>>
      tpu.wait_dma2 semaphore(%run_scoped3A : memref<!tpu.dma_semaphore, #tpu.memory_space<semaphore_mem>>) src(%dma_wait3A_427 : memref<128x64xf32, #tpu.memory_space<vmem_shared>>) dst(%dma_wait3A_425 : memref<128x64xf32, #tpu.memory_space<vmem>>)
      tpu.yield
    }) : () -> ()
    "tpu.region"() ({
      %run_scoped3A = tpu.sem_alloc : memref<!tpu.dma_semaphore, #tpu.memory_space<semaphore_mem>>
      %dma_start3A_408 = arith.constant 0 : i32
      %dma_start3A_409 = arith.constant 0 : i32
      %dma_start3A_410 = tpu.memref_slice %arg13[%dma_start3A_408, %dma_start3A_409] : memref<256x64xf32, #tpu.memory_space<vmem>> -> memref<128x64xf32, #tpu.memory_space<vmem>>
      %dma_start3A_411 = arith.constant 0 : i32
      %dma_start3A_412 = tpu.memref_slice %arg10[%add3A_72, %dma_start3A_411] : memref<20480x64xf32, #tpu.memory_space<hbm>> -> memref<128x64xf32, #tpu.memory_space<hbm>>
      %dma_start3A_413 = arith.constant 0 : i32
      %dma_start3A_414 = tpu.memref_slice %arg10[%add3A_72, %dma_start3A_413] : memref<20480x64xf32, #tpu.memory_space<hbm>> -> memref<128x64xf32, #tpu.memory_space<hbm>>
      %dma_start3A_415 = arith.constant 0 : i32
      %dma_start3A_416 = arith.constant 0 : i32
      %dma_start3A_417 = tpu.memref_slice %arg13[%dma_start3A_415, %dma_start3A_416] : memref<256x64xf32, #tpu.memory_space<vmem>> -> memref<128x64xf32, #tpu.memory_space<vmem>>
      tpu.enqueue_dma source(%dma_start3A_417 : memref<128x64xf32, #tpu.memory_space<vmem>>) target(%dma_start3A_414 : memref<128x64xf32, #tpu.memory_space<hbm>>) target_semaphore(%run_scoped3A : memref<!tpu.dma_semaphore, #tpu.memory_space<semaphore_mem>>)
      %dma_wait3A_418 = arith.constant 0 : i32
      %dma_wait3A_419 = arith.constant 0 : i32
      %dma_wait3A_420 = tpu.memref_slice %arg13[%dma_wait3A_418, %dma_wait3A_419] : memref<256x64xf32, #tpu.memory_space<vmem>> -> memref<128x64xf32, #tpu.memory_space<vmem>>
      %dma_wait3A_421 = arith.constant 0 : i32
      %dma_wait3A_422 = tpu.memref_slice %arg10[%add3A_72, %dma_wait3A_421] : memref<20480x64xf32, #tpu.memory_space<hbm>> -> memref<128x64xf32, #tpu.memory_space<hbm>>
      %dma_wait3A_423 = arith.constant 0 : i32
      %dma_wait3A_424 = tpu.memref_slice %arg10[%add3A_72, %dma_wait3A_423] : memref<20480x64xf32, #tpu.memory_space<hbm>> -> memref<128x64xf32, #tpu.memory_space<hbm>>
      %dma_wait3A_425 = arith.constant 0 : i32
      %dma_wait3A_426 = arith.constant 0 : i32
      %dma_wait3A_427 = tpu.memref_slice %arg13[%dma_wait3A_425, %dma_wait3A_426] : memref<256x64xf32, #tpu.memory_space<vmem>> -> memref<128x64xf32, #tpu.memory_space<vmem>>
      tpu.wait_dma2 semaphore(%run_scoped3A : memref<!tpu.dma_semaphore, #tpu.memory_space<semaphore_mem>>) src(%dma_wait3A_427 : memref<128x64xf32, #tpu.memory_space<vmem>>) dst(%dma_wait3A_424 : memref<128x64xf32, #tpu.memory_space<hbm>>)
      tpu.yield
    }) : () -> ()
    "tpu.region"() ({
      %run_scoped3A = tpu.sem_alloc : memref<!tpu.dma_semaphore, #tpu.memory_space<semaphore_mem>>
      %dma_start3A_408 = arith.constant 0 : i32
      %dma_start3A_409 = tpu.memref_slice %arg5[%add3A_71, %dma_start3A_408] : memref<10240x64xf32, #tpu.memory_space<hbm>> -> memref<128x64xf32, #tpu.memory_space<hbm>>
      %dma_start3A_410 = arith.constant 0 : i32
      %dma_start3A_411 = tpu.memref_slice %arg5[%add3A_71, %dma_start3A_410] : memref<10240x64xf32, #tpu.memory_space<hbm>> -> memref<128x64xf32, #tpu.memory_space<hbm>>
      tpu.enqueue_dma source(%dma_start3A_411 : memref<128x64xf32, #tpu.memory_space<hbm>>) target(%arg14 : memref<128x64xf32, #tpu.memory_space<vmem>>) target_semaphore(%run_scoped3A : memref<!tpu.dma_semaphore, #tpu.memory_space<semaphore_mem>>)
      %dma_wait3A_412 = arith.constant 0 : i32
      %dma_wait3A_413 = tpu.memref_slice %arg5[%add3A_71, %dma_wait3A_412] : memref<10240x64xf32, #tpu.memory_space<hbm>> -> memref<128x64xf32, #tpu.memory_space<hbm>>
      %dma_wait3A_414 = arith.constant 0 : i32
      %dma_wait3A_415 = tpu.memref_slice %arg5[%add3A_71, %dma_wait3A_414] : memref<10240x64xf32, #tpu.memory_space<hbm>> -> memref<128x64xf32, #tpu.memory_space<hbm>>
      tpu.wait_dma2 semaphore(%run_scoped3A : memref<!tpu.dma_semaphore, #tpu.memory_space<semaphore_mem>>) src(%dma_wait3A_415 : memref<128x64xf32, #tpu.memory_space<hbm>>) dst(%arg14 : memref<128x64xf32, #tpu.memory_space<vmem>>)
      tpu.yield
    }) : () -> ()
    %scan3A_73 = arith.constant 0 : i32
    %scan3A_74 = arith.constant 0 : i32
    %scan3A_75 = arith.constant 128 : i32
    %scan3A_76 = arith.addi %scan3A_74, %scan3A_75 : i32
    %scan3A_77 = arith.constant 1 : i32
    %scan3A_78 = scf.for %scan3A_408 = %scan3A_74 to %scan3A_76 step %scan3A_77 iter_args(%scan3A_409 = %scan3A_73) -> (i32)  : i32 {
      %get3A = arith.index_cast %scan3A_408 : i32 to index
      %get3A_410 = arith.constant 0 : index
      %get3A_411 = tpu.vector_load %arg13[%get3A, %get3A_410] {strides = array<i32>} : memref<256x64xf32, #tpu.memory_space<vmem>>, vector<16xf32>,
      %get3A_412 = arith.index_cast %scan3A_408 : i32 to index
      %get3A_413 = arith.constant 0 : index
      %get3A_414 = tpu.vector_load %arg14[%get3A_412, %get3A_413] {strides = array<i32>} : memref<128x64xf32, #tpu.memory_space<vmem>>, vector<16xf32>,
      %mul3A_415 = arith.mulf %get3A_411, %get3A_414 : vector<16xf32>
      %swap3A = arith.index_cast %scan3A_408 : i32 to index
      %swap3A_416 = arith.constant 0 : index
      %swap3A_417 = tpu.vector_load %arg13[%swap3A, %swap3A_416] {strides = array<i32>} : memref<256x64xf32, #tpu.memory_space<vmem>>, vector<16xf32>,
      tpu.vector_store %arg13[%swap3A, %swap3A_416], %mul3A_415 {strides = array<i32>} : memref<256x64xf32, #tpu.memory_space<vmem>>, vector<16xf32>,
      %get3A_418 = arith.index_cast %scan3A_408 : i32 to index
      %get3A_419 = arith.constant 16 : index
      %get3A_420 = tpu.vector_load %arg13[%get3A_418, %get3A_419] {strides = array<i32>} : memref<256x64xf32, #tpu.memory_space<vmem>>, vector<16xf32>,
      %get3A_421 = arith.index_cast %scan3A_408 : i32 to index
      %get3A_422 = arith.constant 16 : index
      %get3A_423 = tpu.vector_load %arg14[%get3A_421, %get3A_422] {strides = array<i32>} : memref<128x64xf32, #tpu.memory_space<vmem>>, vector<16xf32>,
      %mul3A_424 = arith.mulf %get3A_420, %get3A_423 : vector<16xf32>
      %swap3A_425 = arith.index_cast %scan3A_408 : i32 to index
      %swap3A_426 = arith.constant 16 : index
      %swap3A_427 = tpu.vector_load %arg13[%swap3A_425, %swap3A_426] {strides = array<i32>} : memref<256x64xf32, #tpu.memory_space<vmem>>, vector<16xf32>,
      tpu.vector_store %arg13[%swap3A_425, %swap3A_426], %mul3A_424 {strides = array<i32>} : memref<256x64xf32, #tpu.memory_space<vmem>>, vector<16xf32>,
      %get3A_428 = arith.index_cast %scan3A_408 : i32 to index
      %get3A_429 = arith.constant 32 : index
      %get3A_430 = tpu.vector_load %arg13[%get3A_428, %get3A_429] {strides = array<i32>} : memref<256x64xf32, #tpu.memory_space<vmem>>, vector<16xf32>,
      %get3A_431 = arith.index_cast %scan3A_408 : i32 to index
      %get3A_432 = arith.constant 32 : index
      %get3A_433 = tpu.vector_load %arg14[%get3A_431, %get3A_432] {strides = array<i32>} : memref<128x64xf32, #tpu.memory_space<vmem>>, vector<16xf32>,
      %mul3A_434 = arith.mulf %get3A_430, %get3A_433 : vector<16xf32>
      %swap3A_435 = arith.index_cast %scan3A_408 : i32 to index
      %swap3A_436 = arith.constant 32 : index
      %swap3A_437 = tpu.vector_load %arg13[%swap3A_435, %swap3A_436] {strides = array<i32>} : memref<256x64xf32, #tpu.memory_space<vmem>>, vector<16xf32>,
      tpu.vector_store %arg13[%swap3A_435, %swap3A_436], %mul3A_434 {strides = array<i32>} : memref<256x64xf32, #tpu.memory_space<vmem>>, vector<16xf32>,
      %get3A_438 = arith.index_cast %scan3A_408 : i32 to index
      %get3A_439 = arith.constant 48 : index
      %get3A_440 = tpu.vector_load %arg13[%get3A_438, %get3A_439] {strides = array<i32>} : memref<256x64xf32, #tpu.memory_space<vmem>>, vector<16xf32>,
      %get3A_441 = arith.index_cast %scan3A_408 : i32 to index
      %get3A_442 = arith.constant 48 : index
      %get3A_443 = tpu.vector_load %arg14[%get3A_441, %get3A_442] {strides = array<i32>} : memref<128x64xf32, #tpu.memory_space<vmem>>, vector<16xf32>,
      %mul3A_444 = arith.mulf %get3A_440, %get3A_443 : vector<16xf32>
      %swap3A_445 = arith.index_cast %scan3A_408 : i32 to index
      %swap3A_446 = arith.constant 48 : index
      %swap3A_447 = tpu.vector_load %arg13[%swap3A_445, %swap3A_446] {strides = array<i32>} : memref<256x64xf32, #tpu.memory_space<vmem>>, vector<16xf32>,
      tpu.vector_store %arg13[%swap3A_445, %swap3A_446], %mul3A_444 {strides = array<i32>} : memref<256x64xf32, #tpu.memory_space<vmem>>, vector<16xf32>,
      %scan3A_448 = arith.constant 0 : i32
      scf.yield %scan3A_448 : i32
    }
    %scan3A_79 = arith.constant 128 : i32
    "tpu.region"() ({
      %run_scoped3A = tpu.sem_alloc : memref<!tpu.dma_semaphore, #tpu.memory_space<semaphore_mem>>
      %dma_start3A_408 = arith.constant 0 : i32
      %dma_start3A_409 = arith.constant 0 : i32
      %dma_start3A_410 = tpu.memref_slice %arg13[%dma_start3A_408, %dma_start3A_409] : memref<256x64xf32, #tpu.memory_space<vmem>> -> memref<128x64xf32, #tpu.memory_space<vmem>>
      %dma_start3A_411 = arith.constant 0 : i32
      %dma_start3A_412 = tpu.memref_slice %arg15[%add3A_71, %dma_start3A_411] : memref<10240x64xf32, #tpu.memory_space<vmem_shared>> -> memref<128x64xf32, #tpu.memory_space<vmem_shared>>
      %dma_start3A_413 = arith.constant 0 : i32
      %dma_start3A_414 = tpu.memref_slice %arg15[%add3A_71, %dma_start3A_413] : memref<10240x64xf32, #tpu.memory_space<vmem_shared>> -> memref<128x64xf32, #tpu.memory_space<vmem_shared>>
      %dma_start3A_415 = arith.constant 0 : i32
      %dma_start3A_416 = arith.constant 0 : i32
      %dma_start3A_417 = tpu.memref_slice %arg13[%dma_start3A_415, %dma_start3A_416] : memref<256x64xf32, #tpu.memory_space<vmem>> -> memref<128x64xf32, #tpu.memory_space<vmem>>
      tpu.enqueue_dma source(%dma_start3A_417 : memref<128x64xf32, #tpu.memory_space<vmem>>) target(%dma_start3A_414 : memref<128x64xf32, #tpu.memory_space<vmem_shared>>) target_semaphore(%run_scoped3A : memref<!tpu.dma_semaphore, #tpu.memory_space<semaphore_mem>>)
      %dma_wait3A_418 = arith.constant 0 : i32
      %dma_wait3A_419 = arith.constant 0 : i32
      %dma_wait3A_420 = tpu.memref_slice %arg13[%dma_wait3A_418, %dma_wait3A_419] : memref<256x64xf32, #tpu.memory_space<vmem>> -> memref<128x64xf32, #tpu.memory_space<vmem>>
      %dma_wait3A_421 = arith.constant 0 : i32
      %dma_wait3A_422 = tpu.memref_slice %arg15[%add3A_71, %dma_wait3A_421] : memref<10240x64xf32, #tpu.memory_space<vmem_shared>> -> memref<128x64xf32, #tpu.memory_space<vmem_shared>>
      %dma_wait3A_423 = arith.constant 0 : i32
      %dma_wait3A_424 = tpu.memref_slice %arg15[%add3A_71, %dma_wait3A_423] : memref<10240x64xf32, #tpu.memory_space<vmem_shared>> -> memref<128x64xf32, #tpu.memory_space<vmem_shared>>
      %dma_wait3A_425 = arith.constant 0 : i32
      %dma_wait3A_426 = arith.constant 0 : i32
      %dma_wait3A_427 = tpu.memref_slice %arg13[%dma_wait3A_425, %dma_wait3A_426] : memref<256x64xf32, #tpu.memory_space<vmem>> -> memref<128x64xf32, #tpu.memory_space<vmem>>
      tpu.wait_dma2 semaphore(%run_scoped3A : memref<!tpu.dma_semaphore, #tpu.memory_space<semaphore_mem>>) src(%dma_wait3A_427 : memref<128x64xf32, #tpu.memory_space<vmem>>) dst(%dma_wait3A_424 : memref<128x64xf32, #tpu.memory_space<vmem_shared>>)
      tpu.yield
    }) : () -> ()
    %add3A_80 = arith.constant 256 : i32
    %add3A_81 = arith.addi %mul3A_2, %add3A_80 : i32
    %add3A_82 = arith.addi %mul3A_4, %add3A_81 : i32
    "tpu.region"() ({
      %run_scoped3A = tpu.sem_alloc : memref<!tpu.dma_semaphore, #tpu.memory_space<semaphore_mem>>
      %dma_start3A_408 = arith.constant 0 : i32
      %dma_start3A_409 = arith.constant 0 : i32
      %dma_start3A_410 = tpu.memref_slice %arg13[%dma_start3A_408, %dma_start3A_409] : memref<256x64xf32, #tpu.memory_space<vmem>> -> memref<128x64xf32, #tpu.memory_space<vmem>>
      %dma_start3A_411 = arith.constant 0 : i32
      %dma_start3A_412 = tpu.memref_slice %arg16[%add3A_81, %dma_start3A_411] : memref<10240x64xf32, #tpu.memory_space<vmem_shared>> -> memref<128x64xf32, #tpu.memory_space<vmem_shared>>
      %dma_start3A_413 = arith.constant 0 : i32
      %dma_start3A_414 = arith.constant 0 : i32
      %dma_start3A_415 = tpu.memref_slice %arg13[%dma_start3A_413, %dma_start3A_414] : memref<256x64xf32, #tpu.memory_space<vmem>> -> memref<128x64xf32, #tpu.memory_space<vmem>>
      %dma_start3A_416 = arith.constant 0 : i32
      %dma_start3A_417 = tpu.memref_slice %arg16[%add3A_81, %dma_start3A_416] : memref<10240x64xf32, #tpu.memory_space<vmem_shared>> -> memref<128x64xf32, #tpu.memory_space<vmem_shared>>
      tpu.enqueue_dma source(%dma_start3A_417 : memref<128x64xf32, #tpu.memory_space<vmem_shared>>) target(%dma_start3A_415 : memref<128x64xf32, #tpu.memory_space<vmem>>) target_semaphore(%run_scoped3A : memref<!tpu.dma_semaphore, #tpu.memory_space<semaphore_mem>>)
      %dma_wait3A_418 = arith.constant 0 : i32
      %dma_wait3A_419 = arith.constant 0 : i32
      %dma_wait3A_420 = tpu.memref_slice %arg13[%dma_wait3A_418, %dma_wait3A_419] : memref<256x64xf32, #tpu.memory_space<vmem>> -> memref<128x64xf32, #tpu.memory_space<vmem>>
      %dma_wait3A_421 = arith.constant 0 : i32
      %dma_wait3A_422 = tpu.memref_slice %arg16[%add3A_81, %dma_wait3A_421] : memref<10240x64xf32, #tpu.memory_space<vmem_shared>> -> memref<128x64xf32, #tpu.memory_space<vmem_shared>>
      %dma_wait3A_423 = arith.constant 0 : i32
      %dma_wait3A_424 = arith.constant 0 : i32
      %dma_wait3A_425 = tpu.memref_slice %arg13[%dma_wait3A_423, %dma_wait3A_424] : memref<256x64xf32, #tpu.memory_space<vmem>> -> memref<128x64xf32, #tpu.memory_space<vmem>>
      %dma_wait3A_426 = arith.constant 0 : i32
      %dma_wait3A_427 = tpu.memref_slice %arg16[%add3A_81, %dma_wait3A_426] : memref<10240x64xf32, #tpu.memory_space<vmem_shared>> -> memref<128x64xf32, #tpu.memory_space<vmem_shared>>
      tpu.wait_dma2 semaphore(%run_scoped3A : memref<!tpu.dma_semaphore, #tpu.memory_space<semaphore_mem>>) src(%dma_wait3A_427 : memref<128x64xf32, #tpu.memory_space<vmem_shared>>) dst(%dma_wait3A_425 : memref<128x64xf32, #tpu.memory_space<vmem>>)
      tpu.yield
    }) : () -> ()
    "tpu.region"() ({
      %run_scoped3A = tpu.sem_alloc : memref<!tpu.dma_semaphore, #tpu.memory_space<semaphore_mem>>
      %dma_start3A_408 = arith.constant 0 : i32
      %dma_start3A_409 = arith.constant 0 : i32
      %dma_start3A_410 = tpu.memref_slice %arg13[%dma_start3A_408, %dma_start3A_409] : memref<256x64xf32, #tpu.memory_space<vmem>> -> memref<128x64xf32, #tpu.memory_space<vmem>>
      %dma_start3A_411 = arith.constant 0 : i32
      %dma_start3A_412 = tpu.memref_slice %arg10[%add3A_82, %dma_start3A_411] : memref<20480x64xf32, #tpu.memory_space<hbm>> -> memref<128x64xf32, #tpu.memory_space<hbm>>
      %dma_start3A_413 = arith.constant 0 : i32
      %dma_start3A_414 = tpu.memref_slice %arg10[%add3A_82, %dma_start3A_413] : memref<20480x64xf32, #tpu.memory_space<hbm>> -> memref<128x64xf32, #tpu.memory_space<hbm>>
      %dma_start3A_415 = arith.constant 0 : i32
      %dma_start3A_416 = arith.constant 0 : i32
      %dma_start3A_417 = tpu.memref_slice %arg13[%dma_start3A_415, %dma_start3A_416] : memref<256x64xf32, #tpu.memory_space<vmem>> -> memref<128x64xf32, #tpu.memory_space<vmem>>
      tpu.enqueue_dma source(%dma_start3A_417 : memref<128x64xf32, #tpu.memory_space<vmem>>) target(%dma_start3A_414 : memref<128x64xf32, #tpu.memory_space<hbm>>) target_semaphore(%run_scoped3A : memref<!tpu.dma_semaphore, #tpu.memory_space<semaphore_mem>>)
      %dma_wait3A_418 = arith.constant 0 : i32
      %dma_wait3A_419 = arith.constant 0 : i32
      %dma_wait3A_420 = tpu.memref_slice %arg13[%dma_wait3A_418, %dma_wait3A_419] : memref<256x64xf32, #tpu.memory_space<vmem>> -> memref<128x64xf32, #tpu.memory_space<vmem>>
      %dma_wait3A_421 = arith.constant 0 : i32
      %dma_wait3A_422 = tpu.memref_slice %arg10[%add3A_82, %dma_wait3A_421] : memref<20480x64xf32, #tpu.memory_space<hbm>> -> memref<128x64xf32, #tpu.memory_space<hbm>>
      %dma_wait3A_423 = arith.constant 0 : i32
      %dma_wait3A_424 = tpu.memref_slice %arg10[%add3A_82, %dma_wait3A_423] : memref<20480x64xf32, #tpu.memory_space<hbm>> -> memref<128x64xf32, #tpu.memory_space<hbm>>
      %dma_wait3A_425 = arith.constant 0 : i32
      %dma_wait3A_426 = arith.constant 0 : i32
      %dma_wait3A_427 = tpu.memref_slice %arg13[%dma_wait3A_425, %dma_wait3A_426] : memref<256x64xf32, #tpu.memory_space<vmem>> -> memref<128x64xf32, #tpu.memory_space<vmem>>
      tpu.wait_dma2 semaphore(%run_scoped3A : memref<!tpu.dma_semaphore, #tpu.memory_space<semaphore_mem>>) src(%dma_wait3A_427 : memref<128x64xf32, #tpu.memory_space<vmem>>) dst(%dma_wait3A_424 : memref<128x64xf32, #tpu.memory_space<hbm>>)
      tpu.yield
    }) : () -> ()
    "tpu.region"() ({
      %run_scoped3A = tpu.sem_alloc : memref<!tpu.dma_semaphore, #tpu.memory_space<semaphore_mem>>
      %dma_start3A_408 = arith.constant 0 : i32
      %dma_start3A_409 = tpu.memref_slice %arg5[%add3A_81, %dma_start3A_408] : memref<10240x64xf32, #tpu.memory_space<hbm>> -> memref<128x64xf32, #tpu.memory_space<hbm>>
      %dma_start3A_410 = arith.constant 0 : i32
      %dma_start3A_411 = tpu.memref_slice %arg5[%add3A_81, %dma_start3A_410] : memref<10240x64xf32, #tpu.memory_space<hbm>> -> memref<128x64xf32, #tpu.memory_space<hbm>>
      tpu.enqueue_dma source(%dma_start3A_411 : memref<128x64xf32, #tpu.memory_space<hbm>>) target(%arg14 : memref<128x64xf32, #tpu.memory_space<vmem>>) target_semaphore(%run_scoped3A : memref<!tpu.dma_semaphore, #tpu.memory_space<semaphore_mem>>)
      %dma_wait3A_412 = arith.constant 0 : i32
      %dma_wait3A_413 = tpu.memref_slice %arg5[%add3A_81, %dma_wait3A_412] : memref<10240x64xf32, #tpu.memory_space<hbm>> -> memref<128x64xf32, #tpu.memory_space<hbm>>
      %dma_wait3A_414 = arith.constant 0 : i32
      %dma_wait3A_415 = tpu.memref_slice %arg5[%add3A_81, %dma_wait3A_414] : memref<10240x64xf32, #tpu.memory_space<hbm>> -> memref<128x64xf32, #tpu.memory_space<hbm>>
      tpu.wait_dma2 semaphore(%run_scoped3A : memref<!tpu.dma_semaphore, #tpu.memory_space<semaphore_mem>>) src(%dma_wait3A_415 : memref<128x64xf32, #tpu.memory_space<hbm>>) dst(%arg14 : memref<128x64xf32, #tpu.memory_space<vmem>>)
      tpu.yield
    }) : () -> ()
    %scan3A_83 = arith.constant 0 : i32
    %scan3A_84 = arith.constant 0 : i32
    %scan3A_85 = arith.constant 128 : i32
    %scan3A_86 = arith.addi %scan3A_84, %scan3A_85 : i32
    %scan3A_87 = arith.constant 1 : i32
    %scan3A_88 = scf.for %scan3A_408 = %scan3A_84 to %scan3A_86 step %scan3A_87 iter_args(%scan3A_409 = %scan3A_83) -> (i32)  : i32 {
      %get3A = arith.index_cast %scan3A_408 : i32 to index
      %get3A_410 = arith.constant 0 : index
      %get3A_411 = tpu.vector_load %arg13[%get3A, %get3A_410] {strides = array<i32>} : memref<256x64xf32, #tpu.memory_space<vmem>>, vector<16xf32>,
      %get3A_412 = arith.index_cast %scan3A_408 : i32 to index
      %get3A_413 = arith.constant 0 : index
      %get3A_414 = tpu.vector_load %arg14[%get3A_412, %get3A_413] {strides = array<i32>} : memref<128x64xf32, #tpu.memory_space<vmem>>, vector<16xf32>,
      %mul3A_415 = arith.mulf %get3A_411, %get3A_414 : vector<16xf32>
      %swap3A = arith.index_cast %scan3A_408 : i32 to index
      %swap3A_416 = arith.constant 0 : index
      %swap3A_417 = tpu.vector_load %arg13[%swap3A, %swap3A_416] {strides = array<i32>} : memref<256x64xf32, #tpu.memory_space<vmem>>, vector<16xf32>,
      tpu.vector_store %arg13[%swap3A, %swap3A_416], %mul3A_415 {strides = array<i32>} : memref<256x64xf32, #tpu.memory_space<vmem>>, vector<16xf32>,
      %get3A_418 = arith.index_cast %scan3A_408 : i32 to index
      %get3A_419 = arith.constant 16 : index
      %get3A_420 = tpu.vector_load %arg13[%get3A_418, %get3A_419] {strides = array<i32>} : memref<256x64xf32, #tpu.memory_space<vmem>>, vector<16xf32>,
      %get3A_421 = arith.index_cast %scan3A_408 : i32 to index
      %get3A_422 = arith.constant 16 : index
      %get3A_423 = tpu.vector_load %arg14[%get3A_421, %get3A_422] {strides = array<i32>} : memref<128x64xf32, #tpu.memory_space<vmem>>, vector<16xf32>,
      %mul3A_424 = arith.mulf %get3A_420, %get3A_423 : vector<16xf32>
      %swap3A_425 = arith.index_cast %scan3A_408 : i32 to index
      %swap3A_426 = arith.constant 16 : index
      %swap3A_427 = tpu.vector_load %arg13[%swap3A_425, %swap3A_426] {strides = array<i32>} : memref<256x64xf32, #tpu.memory_space<vmem>>, vector<16xf32>,
      tpu.vector_store %arg13[%swap3A_425, %swap3A_426], %mul3A_424 {strides = array<i32>} : memref<256x64xf32, #tpu.memory_space<vmem>>, vector<16xf32>,
      %get3A_428 = arith.index_cast %scan3A_408 : i32 to index
      %get3A_429 = arith.constant 32 : index
      %get3A_430 = tpu.vector_load %arg13[%get3A_428, %get3A_429] {strides = array<i32>} : memref<256x64xf32, #tpu.memory_space<vmem>>, vector<16xf32>,
      %get3A_431 = arith.index_cast %scan3A_408 : i32 to index
      %get3A_432 = arith.constant 32 : index
      %get3A_433 = tpu.vector_load %arg14[%get3A_431, %get3A_432] {strides = array<i32>} : memref<128x64xf32, #tpu.memory_space<vmem>>, vector<16xf32>,
      %mul3A_434 = arith.mulf %get3A_430, %get3A_433 : vector<16xf32>
      %swap3A_435 = arith.index_cast %scan3A_408 : i32 to index
      %swap3A_436 = arith.constant 32 : index
      %swap3A_437 = tpu.vector_load %arg13[%swap3A_435, %swap3A_436] {strides = array<i32>} : memref<256x64xf32, #tpu.memory_space<vmem>>, vector<16xf32>,
      tpu.vector_store %arg13[%swap3A_435, %swap3A_436], %mul3A_434 {strides = array<i32>} : memref<256x64xf32, #tpu.memory_space<vmem>>, vector<16xf32>,
      %get3A_438 = arith.index_cast %scan3A_408 : i32 to index
      %get3A_439 = arith.constant 48 : index
      %get3A_440 = tpu.vector_load %arg13[%get3A_438, %get3A_439] {strides = array<i32>} : memref<256x64xf32, #tpu.memory_space<vmem>>, vector<16xf32>,
      %get3A_441 = arith.index_cast %scan3A_408 : i32 to index
      %get3A_442 = arith.constant 48 : index
      %get3A_443 = tpu.vector_load %arg14[%get3A_441, %get3A_442] {strides = array<i32>} : memref<128x64xf32, #tpu.memory_space<vmem>>, vector<16xf32>,
      %mul3A_444 = arith.mulf %get3A_440, %get3A_443 : vector<16xf32>
      %swap3A_445 = arith.index_cast %scan3A_408 : i32 to index
      %swap3A_446 = arith.constant 48 : index
      %swap3A_447 = tpu.vector_load %arg13[%swap3A_445, %swap3A_446] {strides = array<i32>} : memref<256x64xf32, #tpu.memory_space<vmem>>, vector<16xf32>,
      tpu.vector_store %arg13[%swap3A_445, %swap3A_446], %mul3A_444 {strides = array<i32>} : memref<256x64xf32, #tpu.memory_space<vmem>>, vector<16xf32>,
      %scan3A_448 = arith.constant 0 : i32
      scf.yield %scan3A_448 : i32
    }
    %scan3A_89 = arith.constant 128 : i32
    "tpu.region"() ({
      %run_scoped3A = tpu.sem_alloc : memref<!tpu.dma_semaphore, #tpu.memory_space<semaphore_mem>>
      %dma_start3A_408 = arith.constant 0 : i32
      %dma_start3A_409 = arith.constant 0 : i32
      %dma_start3A_410 = tpu.memref_slice %arg13[%dma_start3A_408, %dma_start3A_409] : memref<256x64xf32, #tpu.memory_space<vmem>> -> memref<128x64xf32, #tpu.memory_space<vmem>>
      %dma_start3A_411 = arith.constant 0 : i32
      %dma_start3A_412 = tpu.memref_slice %arg15[%add3A_81, %dma_start3A_411] : memref<10240x64xf32, #tpu.memory_space<vmem_shared>> -> memref<128x64xf32, #tpu.memory_space<vmem_shared>>
      %dma_start3A_413 = arith.constant 0 : i32
      %dma_start3A_414 = tpu.memref_slice %arg15[%add3A_81, %dma_start3A_413] : memref<10240x64xf32, #tpu.memory_space<vmem_shared>> -> memref<128x64xf32, #tpu.memory_space<vmem_shared>>
      %dma_start3A_415 = arith.constant 0 : i32
      %dma_start3A_416 = arith.constant 0 : i32
      %dma_start3A_417 = tpu.memref_slice %arg13[%dma_start3A_415, %dma_start3A_416] : memref<256x64xf32, #tpu.memory_space<vmem>> -> memref<128x64xf32, #tpu.memory_space<vmem>>
      tpu.enqueue_dma source(%dma_start3A_417 : memref<128x64xf32, #tpu.memory_space<vmem>>) target(%dma_start3A_414 : memref<128x64xf32, #tpu.memory_space<vmem_shared>>) target_semaphore(%run_scoped3A : memref<!tpu.dma_semaphore, #tpu.memory_space<semaphore_mem>>)
      %dma_wait3A_418 = arith.constant 0 : i32
      %dma_wait3A_419 = arith.constant 0 : i32
      %dma_wait3A_420 = tpu.memref_slice %arg13[%dma_wait3A_418, %dma_wait3A_419] : memref<256x64xf32, #tpu.memory_space<vmem>> -> memref<128x64xf32, #tpu.memory_space<vmem>>
      %dma_wait3A_421 = arith.constant 0 : i32
      %dma_wait3A_422 = tpu.memref_slice %arg15[%add3A_81, %dma_wait3A_421] : memref<10240x64xf32, #tpu.memory_space<vmem_shared>> -> memref<128x64xf32, #tpu.memory_space<vmem_shared>>
      %dma_wait3A_423 = arith.constant 0 : i32
      %dma_wait3A_424 = tpu.memref_slice %arg15[%add3A_81, %dma_wait3A_423] : memref<10240x64xf32, #tpu.memory_space<vmem_shared>> -> memref<128x64xf32, #tpu.memory_space<vmem_shared>>
      %dma_wait3A_425 = arith.constant 0 : i32
      %dma_wait3A_426 = arith.constant 0 : i32
      %dma_wait3A_427 = tpu.memref_slice %arg13[%dma_wait3A_425, %dma_wait3A_426] : memref<256x64xf32, #tpu.memory_space<vmem>> -> memref<128x64xf32, #tpu.memory_space<vmem>>
      tpu.wait_dma2 semaphore(%run_scoped3A : memref<!tpu.dma_semaphore, #tpu.memory_space<semaphore_mem>>) src(%dma_wait3A_427 : memref<128x64xf32, #tpu.memory_space<vmem>>) dst(%dma_wait3A_424 : memref<128x64xf32, #tpu.memory_space<vmem_shared>>)
      tpu.yield
    }) : () -> ()
    %add3A_90 = arith.constant 384 : i32
    %add3A_91 = arith.addi %mul3A_2, %add3A_90 : i32
    %add3A_92 = arith.addi %mul3A_4, %add3A_91 : i32
    "tpu.region"() ({
      %run_scoped3A = tpu.sem_alloc : memref<!tpu.dma_semaphore, #tpu.memory_space<semaphore_mem>>
      %dma_start3A_408 = arith.constant 0 : i32
      %dma_start3A_409 = arith.constant 0 : i32
      %dma_start3A_410 = tpu.memref_slice %arg13[%dma_start3A_408, %dma_start3A_409] : memref<256x64xf32, #tpu.memory_space<vmem>> -> memref<128x64xf32, #tpu.memory_space<vmem>>
      %dma_start3A_411 = arith.constant 0 : i32
      %dma_start3A_412 = tpu.memref_slice %arg16[%add3A_91, %dma_start3A_411] : memref<10240x64xf32, #tpu.memory_space<vmem_shared>> -> memref<128x64xf32, #tpu.memory_space<vmem_shared>>
      %dma_start3A_413 = arith.constant 0 : i32
      %dma_start3A_414 = arith.constant 0 : i32
      %dma_start3A_415 = tpu.memref_slice %arg13[%dma_start3A_413, %dma_start3A_414] : memref<256x64xf32, #tpu.memory_space<vmem>> -> memref<128x64xf32, #tpu.memory_space<vmem>>
      %dma_start3A_416 = arith.constant 0 : i32
      %dma_start3A_417 = tpu.memref_slice %arg16[%add3A_91, %dma_start3A_416] : memref<10240x64xf32, #tpu.memory_space<vmem_shared>> -> memref<128x64xf32, #tpu.memory_space<vmem_shared>>
      tpu.enqueue_dma source(%dma_start3A_417 : memref<128x64xf32, #tpu.memory_space<vmem_shared>>) target(%dma_start3A_415 : memref<128x64xf32, #tpu.memory_space<vmem>>) target_semaphore(%run_scoped3A : memref<!tpu.dma_semaphore, #tpu.memory_space<semaphore_mem>>)
      %dma_wait3A_418 = arith.constant 0 : i32
      %dma_wait3A_419 = arith.constant 0 : i32
      %dma_wait3A_420 = tpu.memref_slice %arg13[%dma_wait3A_418, %dma_wait3A_419] : memref<256x64xf32, #tpu.memory_space<vmem>> -> memref<128x64xf32, #tpu.memory_space<vmem>>
      %dma_wait3A_421 = arith.constant 0 : i32
      %dma_wait3A_422 = tpu.memref_slice %arg16[%add3A_91, %dma_wait3A_421] : memref<10240x64xf32, #tpu.memory_space<vmem_shared>> -> memref<128x64xf32, #tpu.memory_space<vmem_shared>>
      %dma_wait3A_423 = arith.constant 0 : i32
      %dma_wait3A_424 = arith.constant 0 : i32
      %dma_wait3A_425 = tpu.memref_slice %arg13[%dma_wait3A_423, %dma_wait3A_424] : memref<256x64xf32, #tpu.memory_space<vmem>> -> memref<128x64xf32, #tpu.memory_space<vmem>>
      %dma_wait3A_426 = arith.constant 0 : i32
      %dma_wait3A_427 = tpu.memref_slice %arg16[%add3A_91, %dma_wait3A_426] : memref<10240x64xf32, #tpu.memory_space<vmem_shared>> -> memref<128x64xf32, #tpu.memory_space<vmem_shared>>
      tpu.wait_dma2 semaphore(%run_scoped3A : memref<!tpu.dma_semaphore, #tpu.memory_space<semaphore_mem>>) src(%dma_wait3A_427 : memref<128x64xf32, #tpu.memory_space<vmem_shared>>) dst(%dma_wait3A_425 : memref<128x64xf32, #tpu.memory_space<vmem>>)
      tpu.yield
    }) : () -> ()
    "tpu.region"() ({
      %run_scoped3A = tpu.sem_alloc : memref<!tpu.dma_semaphore, #tpu.memory_space<semaphore_mem>>
      %dma_start3A_408 = arith.constant 0 : i32
      %dma_start3A_409 = arith.constant 0 : i32
      %dma_start3A_410 = tpu.memref_slice %arg13[%dma_start3A_408, %dma_start3A_409] : memref<256x64xf32, #tpu.memory_space<vmem>> -> memref<128x64xf32, #tpu.memory_space<vmem>>
      %dma_start3A_411 = arith.constant 0 : i32
      %dma_start3A_412 = tpu.memref_slice %arg10[%add3A_92, %dma_start3A_411] : memref<20480x64xf32, #tpu.memory_space<hbm>> -> memref<128x64xf32, #tpu.memory_space<hbm>>
      %dma_start3A_413 = arith.constant 0 : i32
      %dma_start3A_414 = tpu.memref_slice %arg10[%add3A_92, %dma_start3A_413] : memref<20480x64xf32, #tpu.memory_space<hbm>> -> memref<128x64xf32, #tpu.memory_space<hbm>>
      %dma_start3A_415 = arith.constant 0 : i32
      %dma_start3A_416 = arith.constant 0 : i32
      %dma_start3A_417 = tpu.memref_slice %arg13[%dma_start3A_415, %dma_start3A_416] : memref<256x64xf32, #tpu.memory_space<vmem>> -> memref<128x64xf32, #tpu.memory_space<vmem>>
      tpu.enqueue_dma source(%dma_start3A_417 : memref<128x64xf32, #tpu.memory_space<vmem>>) target(%dma_start3A_414 : memref<128x64xf32, #tpu.memory_space<hbm>>) target_semaphore(%run_scoped3A : memref<!tpu.dma_semaphore, #tpu.memory_space<semaphore_mem>>)
      %dma_wait3A_418 = arith.constant 0 : i32
      %dma_wait3A_419 = arith.constant 0 : i32
      %dma_wait3A_420 = tpu.memref_slice %arg13[%dma_wait3A_418, %dma_wait3A_419] : memref<256x64xf32, #tpu.memory_space<vmem>> -> memref<128x64xf32, #tpu.memory_space<vmem>>
      %dma_wait3A_421 = arith.constant 0 : i32
      %dma_wait3A_422 = tpu.memref_slice %arg10[%add3A_92, %dma_wait3A_421] : memref<20480x64xf32, #tpu.memory_space<hbm>> -> memref<128x64xf32, #tpu.memory_space<hbm>>
      %dma_wait3A_423 = arith.constant 0 : i32
      %dma_wait3A_424 = tpu.memref_slice %arg10[%add3A_92, %dma_wait3A_423] : memref<20480x64xf32, #tpu.memory_space<hbm>> -> memref<128x64xf32, #tpu.memory_space<hbm>>
      %dma_wait3A_425 = arith.constant 0 : i32
      %dma_wait3A_426 = arith.constant 0 : i32
      %dma_wait3A_427 = tpu.memref_slice %arg13[%dma_wait3A_425, %dma_wait3A_426] : memref<256x64xf32, #tpu.memory_space<vmem>> -> memref<128x64xf32, #tpu.memory_space<vmem>>
      tpu.wait_dma2 semaphore(%run_scoped3A : memref<!tpu.dma_semaphore, #tpu.memory_space<semaphore_mem>>) src(%dma_wait3A_427 : memref<128x64xf32, #tpu.memory_space<vmem>>) dst(%dma_wait3A_424 : memref<128x64xf32, #tpu.memory_space<hbm>>)
      tpu.yield
    }) : () -> ()
    "tpu.region"() ({
      %run_scoped3A = tpu.sem_alloc : memref<!tpu.dma_semaphore, #tpu.memory_space<semaphore_mem>>
      %dma_start3A_408 = arith.constant 0 : i32
      %dma_start3A_409 = tpu.memref_slice %arg5[%add3A_91, %dma_start3A_408] : memref<10240x64xf32, #tpu.memory_space<hbm>> -> memref<128x64xf32, #tpu.memory_space<hbm>>
      %dma_start3A_410 = arith.constant 0 : i32
      %dma_start3A_411 = tpu.memref_slice %arg5[%add3A_91, %dma_start3A_410] : memref<10240x64xf32, #tpu.memory_space<hbm>> -> memref<128x64xf32, #tpu.memory_space<hbm>>
      tpu.enqueue_dma source(%dma_start3A_411 : memref<128x64xf32, #tpu.memory_space<hbm>>) target(%arg14 : memref<128x64xf32, #tpu.memory_space<vmem>>) target_semaphore(%run_scoped3A : memref<!tpu.dma_semaphore, #tpu.memory_space<semaphore_mem>>)
      %dma_wait3A_412 = arith.constant 0 : i32
      %dma_wait3A_413 = tpu.memref_slice %arg5[%add3A_91, %dma_wait3A_412] : memref<10240x64xf32, #tpu.memory_space<hbm>> -> memref<128x64xf32, #tpu.memory_space<hbm>>
      %dma_wait3A_414 = arith.constant 0 : i32
      %dma_wait3A_415 = tpu.memref_slice %arg5[%add3A_91, %dma_wait3A_414] : memref<10240x64xf32, #tpu.memory_space<hbm>> -> memref<128x64xf32, #tpu.memory_space<hbm>>
      tpu.wait_dma2 semaphore(%run_scoped3A : memref<!tpu.dma_semaphore, #tpu.memory_space<semaphore_mem>>) src(%dma_wait3A_415 : memref<128x64xf32, #tpu.memory_space<hbm>>) dst(%arg14 : memref<128x64xf32, #tpu.memory_space<vmem>>)
      tpu.yield
    }) : () -> ()
    %scan3A_93 = arith.constant 0 : i32
    %scan3A_94 = arith.constant 0 : i32
    %scan3A_95 = arith.constant 128 : i32
    %scan3A_96 = arith.addi %scan3A_94, %scan3A_95 : i32
    %scan3A_97 = arith.constant 1 : i32
    %scan3A_98 = scf.for %scan3A_408 = %scan3A_94 to %scan3A_96 step %scan3A_97 iter_args(%scan3A_409 = %scan3A_93) -> (i32)  : i32 {
      %get3A = arith.index_cast %scan3A_408 : i32 to index
      %get3A_410 = arith.constant 0 : index
      %get3A_411 = tpu.vector_load %arg13[%get3A, %get3A_410] {strides = array<i32>} : memref<256x64xf32, #tpu.memory_space<vmem>>, vector<16xf32>,
      %get3A_412 = arith.index_cast %scan3A_408 : i32 to index
      %get3A_413 = arith.constant 0 : index
      %get3A_414 = tpu.vector_load %arg14[%get3A_412, %get3A_413] {strides = array<i32>} : memref<128x64xf32, #tpu.memory_space<vmem>>, vector<16xf32>,
      %mul3A_415 = arith.mulf %get3A_411, %get3A_414 : vector<16xf32>
      %swap3A = arith.index_cast %scan3A_408 : i32 to index
      %swap3A_416 = arith.constant 0 : index
      %swap3A_417 = tpu.vector_load %arg13[%swap3A, %swap3A_416] {strides = array<i32>} : memref<256x64xf32, #tpu.memory_space<vmem>>, vector<16xf32>,
      tpu.vector_store %arg13[%swap3A, %swap3A_416], %mul3A_415 {strides = array<i32>} : memref<256x64xf32, #tpu.memory_space<vmem>>, vector<16xf32>,
      %get3A_418 = arith.index_cast %scan3A_408 : i32 to index
      %get3A_419 = arith.constant 16 : index
      %get3A_420 = tpu.vector_load %arg13[%get3A_418, %get3A_419] {strides = array<i32>} : memref<256x64xf32, #tpu.memory_space<vmem>>, vector<16xf32>,
      %get3A_421 = arith.index_cast %scan3A_408 : i32 to index
      %get3A_422 = arith.constant 16 : index
      %get3A_423 = tpu.vector_load %arg14[%get3A_421, %get3A_422] {strides = array<i32>} : memref<128x64xf32, #tpu.memory_space<vmem>>, vector<16xf32>,
      %mul3A_424 = arith.mulf %get3A_420, %get3A_423 : vector<16xf32>
      %swap3A_425 = arith.index_cast %scan3A_408 : i32 to index
      %swap3A_426 = arith.constant 16 : index
      %swap3A_427 = tpu.vector_load %arg13[%swap3A_425, %swap3A_426] {strides = array<i32>} : memref<256x64xf32, #tpu.memory_space<vmem>>, vector<16xf32>,
      tpu.vector_store %arg13[%swap3A_425, %swap3A_426], %mul3A_424 {strides = array<i32>} : memref<256x64xf32, #tpu.memory_space<vmem>>, vector<16xf32>,
      %get3A_428 = arith.index_cast %scan3A_408 : i32 to index
      %get3A_429 = arith.constant 32 : index
      %get3A_430 = tpu.vector_load %arg13[%get3A_428, %get3A_429] {strides = array<i32>} : memref<256x64xf32, #tpu.memory_space<vmem>>, vector<16xf32>,
      %get3A_431 = arith.index_cast %scan3A_408 : i32 to index
      %get3A_432 = arith.constant 32 : index
      %get3A_433 = tpu.vector_load %arg14[%get3A_431, %get3A_432] {strides = array<i32>} : memref<128x64xf32, #tpu.memory_space<vmem>>, vector<16xf32>,
      %mul3A_434 = arith.mulf %get3A_430, %get3A_433 : vector<16xf32>
      %swap3A_435 = arith.index_cast %scan3A_408 : i32 to index
      %swap3A_436 = arith.constant 32 : index
      %swap3A_437 = tpu.vector_load %arg13[%swap3A_435, %swap3A_436] {strides = array<i32>} : memref<256x64xf32, #tpu.memory_space<vmem>>, vector<16xf32>,
      tpu.vector_store %arg13[%swap3A_435, %swap3A_436], %mul3A_434 {strides = array<i32>} : memref<256x64xf32, #tpu.memory_space<vmem>>, vector<16xf32>,
      %get3A_438 = arith.index_cast %scan3A_408 : i32 to index
      %get3A_439 = arith.constant 48 : index
      %get3A_440 = tpu.vector_load %arg13[%get3A_438, %get3A_439] {strides = array<i32>} : memref<256x64xf32, #tpu.memory_space<vmem>>, vector<16xf32>,
      %get3A_441 = arith.index_cast %scan3A_408 : i32 to index
      %get3A_442 = arith.constant 48 : index
      %get3A_443 = tpu.vector_load %arg14[%get3A_441, %get3A_442] {strides = array<i32>} : memref<128x64xf32, #tpu.memory_space<vmem>>, vector<16xf32>,
      %mul3A_444 = arith.mulf %get3A_440, %get3A_443 : vector<16xf32>
      %swap3A_445 = arith.index_cast %scan3A_408 : i32 to index
      %swap3A_446 = arith.constant 48 : index
      %swap3A_447 = tpu.vector_load %arg13[%swap3A_445, %swap3A_446] {strides = array<i32>} : memref<256x64xf32, #tpu.memory_space<vmem>>, vector<16xf32>,
      tpu.vector_store %arg13[%swap3A_445, %swap3A_446], %mul3A_444 {strides = array<i32>} : memref<256x64xf32, #tpu.memory_space<vmem>>, vector<16xf32>,
      %scan3A_448 = arith.constant 0 : i32
      scf.yield %scan3A_448 : i32
    }
    %scan3A_99 = arith.constant 128 : i32
    "tpu.region"() ({
      %run_scoped3A = tpu.sem_alloc : memref<!tpu.dma_semaphore, #tpu.memory_space<semaphore_mem>>
      %dma_start3A_408 = arith.constant 0 : i32
      %dma_start3A_409 = arith.constant 0 : i32
      %dma_start3A_410 = tpu.memref_slice %arg13[%dma_start3A_408, %dma_start3A_409] : memref<256x64xf32, #tpu.memory_space<vmem>> -> memref<128x64xf32, #tpu.memory_space<vmem>>
      %dma_start3A_411 = arith.constant 0 : i32
      %dma_start3A_412 = tpu.memref_slice %arg15[%add3A_91, %dma_start3A_411] : memref<10240x64xf32, #tpu.memory_space<vmem_shared>> -> memref<128x64xf32, #tpu.memory_space<vmem_shared>>
      %dma_start3A_413 = arith.constant 0 : i32
      %dma_start3A_414 = tpu.memref_slice %arg15[%add3A_91, %dma_start3A_413] : memref<10240x64xf32, #tpu.memory_space<vmem_shared>> -> memref<128x64xf32, #tpu.memory_space<vmem_shared>>
      %dma_start3A_415 = arith.constant 0 : i32
      %dma_start3A_416 = arith.constant 0 : i32
      %dma_start3A_417 = tpu.memref_slice %arg13[%dma_start3A_415, %dma_start3A_416] : memref<256x64xf32, #tpu.memory_space<vmem>> -> memref<128x64xf32, #tpu.memory_space<vmem>>
      tpu.enqueue_dma source(%dma_start3A_417 : memref<128x64xf32, #tpu.memory_space<vmem>>) target(%dma_start3A_414 : memref<128x64xf32, #tpu.memory_space<vmem_shared>>) target_semaphore(%run_scoped3A : memref<!tpu.dma_semaphore, #tpu.memory_space<semaphore_mem>>)
      %dma_wait3A_418 = arith.constant 0 : i32
      %dma_wait3A_419 = arith.constant 0 : i32
      %dma_wait3A_420 = tpu.memref_slice %arg13[%dma_wait3A_418, %dma_wait3A_419] : memref<256x64xf32, #tpu.memory_space<vmem>> -> memref<128x64xf32, #tpu.memory_space<vmem>>
      %dma_wait3A_421 = arith.constant 0 : i32
      %dma_wait3A_422 = tpu.memref_slice %arg15[%add3A_91, %dma_wait3A_421] : memref<10240x64xf32, #tpu.memory_space<vmem_shared>> -> memref<128x64xf32, #tpu.memory_space<vmem_shared>>
      %dma_wait3A_423 = arith.constant 0 : i32
      %dma_wait3A_424 = tpu.memref_slice %arg15[%add3A_91, %dma_wait3A_423] : memref<10240x64xf32, #tpu.memory_space<vmem_shared>> -> memref<128x64xf32, #tpu.memory_space<vmem_shared>>
      %dma_wait3A_425 = arith.constant 0 : i32
      %dma_wait3A_426 = arith.constant 0 : i32
      %dma_wait3A_427 = tpu.memref_slice %arg13[%dma_wait3A_425, %dma_wait3A_426] : memref<256x64xf32, #tpu.memory_space<vmem>> -> memref<128x64xf32, #tpu.memory_space<vmem>>
      tpu.wait_dma2 semaphore(%run_scoped3A : memref<!tpu.dma_semaphore, #tpu.memory_space<semaphore_mem>>) src(%dma_wait3A_427 : memref<128x64xf32, #tpu.memory_space<vmem>>) dst(%dma_wait3A_424 : memref<128x64xf32, #tpu.memory_space<vmem_shared>>)
      tpu.yield
    }) : () -> ()
    %add3A_100 = arith.constant 512 : i32
    %add3A_101 = arith.addi %mul3A_2, %add3A_100 : i32
    %add3A_102 = arith.addi %mul3A_4, %add3A_101 : i32
    "tpu.region"() ({
      %run_scoped3A = tpu.sem_alloc : memref<!tpu.dma_semaphore, #tpu.memory_space<semaphore_mem>>
      %dma_start3A_408 = arith.constant 0 : i32
      %dma_start3A_409 = arith.constant 0 : i32
      %dma_start3A_410 = tpu.memref_slice %arg13[%dma_start3A_408, %dma_start3A_409] : memref<256x64xf32, #tpu.memory_space<vmem>> -> memref<128x64xf32, #tpu.memory_space<vmem>>
      %dma_start3A_411 = arith.constant 0 : i32
      %dma_start3A_412 = tpu.memref_slice %arg16[%add3A_101, %dma_start3A_411] : memref<10240x64xf32, #tpu.memory_space<vmem_shared>> -> memref<128x64xf32, #tpu.memory_space<vmem_shared>>
      %dma_start3A_413 = arith.constant 0 : i32
      %dma_start3A_414 = arith.constant 0 : i32
      %dma_start3A_415 = tpu.memref_slice %arg13[%dma_start3A_413, %dma_start3A_414] : memref<256x64xf32, #tpu.memory_space<vmem>> -> memref<128x64xf32, #tpu.memory_space<vmem>>
      %dma_start3A_416 = arith.constant 0 : i32
      %dma_start3A_417 = tpu.memref_slice %arg16[%add3A_101, %dma_start3A_416] : memref<10240x64xf32, #tpu.memory_space<vmem_shared>> -> memref<128x64xf32, #tpu.memory_space<vmem_shared>>
      tpu.enqueue_dma source(%dma_start3A_417 : memref<128x64xf32, #tpu.memory_space<vmem_shared>>) target(%dma_start3A_415 : memref<128x64xf32, #tpu.memory_space<vmem>>) target_semaphore(%run_scoped3A : memref<!tpu.dma_semaphore, #tpu.memory_space<semaphore_mem>>)
      %dma_wait3A_418 = arith.constant 0 : i32
      %dma_wait3A_419 = arith.constant 0 : i32
      %dma_wait3A_420 = tpu.memref_slice %arg13[%dma_wait3A_418, %dma_wait3A_419] : memref<256x64xf32, #tpu.memory_space<vmem>> -> memref<128x64xf32, #tpu.memory_space<vmem>>
      %dma_wait3A_421 = arith.constant 0 : i32
      %dma_wait3A_422 = tpu.memref_slice %arg16[%add3A_101, %dma_wait3A_421] : memref<10240x64xf32, #tpu.memory_space<vmem_shared>> -> memref<128x64xf32, #tpu.memory_space<vmem_shared>>
      %dma_wait3A_423 = arith.constant 0 : i32
      %dma_wait3A_424 = arith.constant 0 : i32
      %dma_wait3A_425 = tpu.memref_slice %arg13[%dma_wait3A_423, %dma_wait3A_424] : memref<256x64xf32, #tpu.memory_space<vmem>> -> memref<128x64xf32, #tpu.memory_space<vmem>>
      %dma_wait3A_426 = arith.constant 0 : i32
      %dma_wait3A_427 = tpu.memref_slice %arg16[%add3A_101, %dma_wait3A_426] : memref<10240x64xf32, #tpu.memory_space<vmem_shared>> -> memref<128x64xf32, #tpu.memory_space<vmem_shared>>
      tpu.wait_dma2 semaphore(%run_scoped3A : memref<!tpu.dma_semaphore, #tpu.memory_space<semaphore_mem>>) src(%dma_wait3A_427 : memref<128x64xf32, #tpu.memory_space<vmem_shared>>) dst(%dma_wait3A_425 : memref<128x64xf32, #tpu.memory_space<vmem>>)
      tpu.yield
    }) : () -> ()
    "tpu.region"() ({
      %run_scoped3A = tpu.sem_alloc : memref<!tpu.dma_semaphore, #tpu.memory_space<semaphore_mem>>
      %dma_start3A_408 = arith.constant 0 : i32
      %dma_start3A_409 = arith.constant 0 : i32
      %dma_start3A_410 = tpu.memref_slice %arg13[%dma_start3A_408, %dma_start3A_409] : memref<256x64xf32, #tpu.memory_space<vmem>> -> memref<128x64xf32, #tpu.memory_space<vmem>>
      %dma_start3A_411 = arith.constant 0 : i32
      %dma_start3A_412 = tpu.memref_slice %arg10[%add3A_102, %dma_start3A_411] : memref<20480x64xf32, #tpu.memory_space<hbm>> -> memref<128x64xf32, #tpu.memory_space<hbm>>
      %dma_start3A_413 = arith.constant 0 : i32
      %dma_start3A_414 = tpu.memref_slice %arg10[%add3A_102, %dma_start3A_413] : memref<20480x64xf32, #tpu.memory_space<hbm>> -> memref<128x64xf32, #tpu.memory_space<hbm>>
      %dma_start3A_415 = arith.constant 0 : i32
      %dma_start3A_416 = arith.constant 0 : i32
      %dma_start3A_417 = tpu.memref_slice %arg13[%dma_start3A_415, %dma_start3A_416] : memref<256x64xf32, #tpu.memory_space<vmem>> -> memref<128x64xf32, #tpu.memory_space<vmem>>
      tpu.enqueue_dma source(%dma_start3A_417 : memref<128x64xf32, #tpu.memory_space<vmem>>) target(%dma_start3A_414 : memref<128x64xf32, #tpu.memory_space<hbm>>) target_semaphore(%run_scoped3A : memref<!tpu.dma_semaphore, #tpu.memory_space<semaphore_mem>>)
      %dma_wait3A_418 = arith.constant 0 : i32
      %dma_wait3A_419 = arith.constant 0 : i32
      %dma_wait3A_420 = tpu.memref_slice %arg13[%dma_wait3A_418, %dma_wait3A_419] : memref<256x64xf32, #tpu.memory_space<vmem>> -> memref<128x64xf32, #tpu.memory_space<vmem>>
      %dma_wait3A_421 = arith.constant 0 : i32
      %dma_wait3A_422 = tpu.memref_slice %arg10[%add3A_102, %dma_wait3A_421] : memref<20480x64xf32, #tpu.memory_space<hbm>> -> memref<128x64xf32, #tpu.memory_space<hbm>>
      %dma_wait3A_423 = arith.constant 0 : i32
      %dma_wait3A_424 = tpu.memref_slice %arg10[%add3A_102, %dma_wait3A_423] : memref<20480x64xf32, #tpu.memory_space<hbm>> -> memref<128x64xf32, #tpu.memory_space<hbm>>
      %dma_wait3A_425 = arith.constant 0 : i32
      %dma_wait3A_426 = arith.constant 0 : i32
      %dma_wait3A_427 = tpu.memref_slice %arg13[%dma_wait3A_425, %dma_wait3A_426] : memref<256x64xf32, #tpu.memory_space<vmem>> -> memref<128x64xf32, #tpu.memory_space<vmem>>
      tpu.wait_dma2 semaphore(%run_scoped3A : memref<!tpu.dma_semaphore, #tpu.memory_space<semaphore_mem>>) src(%dma_wait3A_427 : memref<128x64xf32, #tpu.memory_space<vmem>>) dst(%dma_wait3A_424 : memref<128x64xf32, #tpu.memory_space<hbm>>)
      tpu.yield
    }) : () -> ()
    "tpu.region"() ({
      %run_scoped3A = tpu.sem_alloc : memref<!tpu.dma_semaphore, #tpu.memory_space<semaphore_mem>>
      %dma_start3A_408 = arith.constant 0 : i32
      %dma_start3A_409 = tpu.memref_slice %arg5[%add3A_101, %dma_start3A_408] : memref<10240x64xf32, #tpu.memory_space<hbm>> -> memref<128x64xf32, #tpu.memory_space<hbm>>
      %dma_start3A_410 = arith.constant 0 : i32
      %dma_start3A_411 = tpu.memref_slice %arg5[%add3A_101, %dma_start3A_410] : memref<10240x64xf32, #tpu.memory_space<hbm>> -> memref<128x64xf32, #tpu.memory_space<hbm>>
      tpu.enqueue_dma source(%dma_start3A_411 : memref<128x64xf32, #tpu.memory_space<hbm>>) target(%arg14 : memref<128x64xf32, #tpu.memory_space<vmem>>) target_semaphore(%run_scoped3A : memref<!tpu.dma_semaphore, #tpu.memory_space<semaphore_mem>>)
      %dma_wait3A_412 = arith.constant 0 : i32
      %dma_wait3A_413 = tpu.memref_slice %arg5[%add3A_101, %dma_wait3A_412] : memref<10240x64xf32, #tpu.memory_space<hbm>> -> memref<128x64xf32, #tpu.memory_space<hbm>>
      %dma_wait3A_414 = arith.constant 0 : i32
      %dma_wait3A_415 = tpu.memref_slice %arg5[%add3A_101, %dma_wait3A_414] : memref<10240x64xf32, #tpu.memory_space<hbm>> -> memref<128x64xf32, #tpu.memory_space<hbm>>
      tpu.wait_dma2 semaphore(%run_scoped3A : memref<!tpu.dma_semaphore, #tpu.memory_space<semaphore_mem>>) src(%dma_wait3A_415 : memref<128x64xf32, #tpu.memory_space<hbm>>) dst(%arg14 : memref<128x64xf32, #tpu.memory_space<vmem>>)
      tpu.yield
    }) : () -> ()
    %scan3A_103 = arith.constant 0 : i32
    %scan3A_104 = arith.constant 0 : i32
    %scan3A_105 = arith.constant 128 : i32
    %scan3A_106 = arith.addi %scan3A_104, %scan3A_105 : i32
    %scan3A_107 = arith.constant 1 : i32
    %scan3A_108 = scf.for %scan3A_408 = %scan3A_104 to %scan3A_106 step %scan3A_107 iter_args(%scan3A_409 = %scan3A_103) -> (i32)  : i32 {
      %get3A = arith.index_cast %scan3A_408 : i32 to index
      %get3A_410 = arith.constant 0 : index
      %get3A_411 = tpu.vector_load %arg13[%get3A, %get3A_410] {strides = array<i32>} : memref<256x64xf32, #tpu.memory_space<vmem>>, vector<16xf32>,
      %get3A_412 = arith.index_cast %scan3A_408 : i32 to index
      %get3A_413 = arith.constant 0 : index
      %get3A_414 = tpu.vector_load %arg14[%get3A_412, %get3A_413] {strides = array<i32>} : memref<128x64xf32, #tpu.memory_space<vmem>>, vector<16xf32>,
      %mul3A_415 = arith.mulf %get3A_411, %get3A_414 : vector<16xf32>
      %swap3A = arith.index_cast %scan3A_408 : i32 to index
      %swap3A_416 = arith.constant 0 : index
      %swap3A_417 = tpu.vector_load %arg13[%swap3A, %swap3A_416] {strides = array<i32>} : memref<256x64xf32, #tpu.memory_space<vmem>>, vector<16xf32>,
      tpu.vector_store %arg13[%swap3A, %swap3A_416], %mul3A_415 {strides = array<i32>} : memref<256x64xf32, #tpu.memory_space<vmem>>, vector<16xf32>,
      %get3A_418 = arith.index_cast %scan3A_408 : i32 to index
      %get3A_419 = arith.constant 16 : index
      %get3A_420 = tpu.vector_load %arg13[%get3A_418, %get3A_419] {strides = array<i32>} : memref<256x64xf32, #tpu.memory_space<vmem>>, vector<16xf32>,
      %get3A_421 = arith.index_cast %scan3A_408 : i32 to index
      %get3A_422 = arith.constant 16 : index
      %get3A_423 = tpu.vector_load %arg14[%get3A_421, %get3A_422] {strides = array<i32>} : memref<128x64xf32, #tpu.memory_space<vmem>>, vector<16xf32>,
      %mul3A_424 = arith.mulf %get3A_420, %get3A_423 : vector<16xf32>
      %swap3A_425 = arith.index_cast %scan3A_408 : i32 to index
      %swap3A_426 = arith.constant 16 : index
      %swap3A_427 = tpu.vector_load %arg13[%swap3A_425, %swap3A_426] {strides = array<i32>} : memref<256x64xf32, #tpu.memory_space<vmem>>, vector<16xf32>,
      tpu.vector_store %arg13[%swap3A_425, %swap3A_426], %mul3A_424 {strides = array<i32>} : memref<256x64xf32, #tpu.memory_space<vmem>>, vector<16xf32>,
      %get3A_428 = arith.index_cast %scan3A_408 : i32 to index
      %get3A_429 = arith.constant 32 : index
      %get3A_430 = tpu.vector_load %arg13[%get3A_428, %get3A_429] {strides = array<i32>} : memref<256x64xf32, #tpu.memory_space<vmem>>, vector<16xf32>,
      %get3A_431 = arith.index_cast %scan3A_408 : i32 to index
      %get3A_432 = arith.constant 32 : index
      %get3A_433 = tpu.vector_load %arg14[%get3A_431, %get3A_432] {strides = array<i32>} : memref<128x64xf32, #tpu.memory_space<vmem>>, vector<16xf32>,
      %mul3A_434 = arith.mulf %get3A_430, %get3A_433 : vector<16xf32>
      %swap3A_435 = arith.index_cast %scan3A_408 : i32 to index
      %swap3A_436 = arith.constant 32 : index
      %swap3A_437 = tpu.vector_load %arg13[%swap3A_435, %swap3A_436] {strides = array<i32>} : memref<256x64xf32, #tpu.memory_space<vmem>>, vector<16xf32>,
      tpu.vector_store %arg13[%swap3A_435, %swap3A_436], %mul3A_434 {strides = array<i32>} : memref<256x64xf32, #tpu.memory_space<vmem>>, vector<16xf32>,
      %get3A_438 = arith.index_cast %scan3A_408 : i32 to index
      %get3A_439 = arith.constant 48 : index
      %get3A_440 = tpu.vector_load %arg13[%get3A_438, %get3A_439] {strides = array<i32>} : memref<256x64xf32, #tpu.memory_space<vmem>>, vector<16xf32>,
      %get3A_441 = arith.index_cast %scan3A_408 : i32 to index
      %get3A_442 = arith.constant 48 : index
      %get3A_443 = tpu.vector_load %arg14[%get3A_441, %get3A_442] {strides = array<i32>} : memref<128x64xf32, #tpu.memory_space<vmem>>, vector<16xf32>,
      %mul3A_444 = arith.mulf %get3A_440, %get3A_443 : vector<16xf32>
      %swap3A_445 = arith.index_cast %scan3A_408 : i32 to index
      %swap3A_446 = arith.constant 48 : index
      %swap3A_447 = tpu.vector_load %arg13[%swap3A_445, %swap3A_446] {strides = array<i32>} : memref<256x64xf32, #tpu.memory_space<vmem>>, vector<16xf32>,
      tpu.vector_store %arg13[%swap3A_445, %swap3A_446], %mul3A_444 {strides = array<i32>} : memref<256x64xf32, #tpu.memory_space<vmem>>, vector<16xf32>,
      %scan3A_448 = arith.constant 0 : i32
      scf.yield %scan3A_448 : i32
    }
    %scan3A_109 = arith.constant 128 : i32
    "tpu.region"() ({
      %run_scoped3A = tpu.sem_alloc : memref<!tpu.dma_semaphore, #tpu.memory_space<semaphore_mem>>
      %dma_start3A_408 = arith.constant 0 : i32
      %dma_start3A_409 = arith.constant 0 : i32
      %dma_start3A_410 = tpu.memref_slice %arg13[%dma_start3A_408, %dma_start3A_409] : memref<256x64xf32, #tpu.memory_space<vmem>> -> memref<128x64xf32, #tpu.memory_space<vmem>>
      %dma_start3A_411 = arith.constant 0 : i32
      %dma_start3A_412 = tpu.memref_slice %arg15[%add3A_101, %dma_start3A_411] : memref<10240x64xf32, #tpu.memory_space<vmem_shared>> -> memref<128x64xf32, #tpu.memory_space<vmem_shared>>
      %dma_start3A_413 = arith.constant 0 : i32
      %dma_start3A_414 = tpu.memref_slice %arg15[%add3A_101, %dma_start3A_413] : memref<10240x64xf32, #tpu.memory_space<vmem_shared>> -> memref<128x64xf32, #tpu.memory_space<vmem_shared>>
      %dma_start3A_415 = arith.constant 0 : i32
      %dma_start3A_416 = arith.constant 0 : i32
      %dma_start3A_417 = tpu.memref_slice %arg13[%dma_start3A_415, %dma_start3A_416] : memref<256x64xf32, #tpu.memory_space<vmem>> -> memref<128x64xf32, #tpu.memory_space<vmem>>
      tpu.enqueue_dma source(%dma_start3A_417 : memref<128x64xf32, #tpu.memory_space<vmem>>) target(%dma_start3A_414 : memref<128x64xf32, #tpu.memory_space<vmem_shared>>) target_semaphore(%run_scoped3A : memref<!tpu.dma_semaphore, #tpu.memory_space<semaphore_mem>>)
      %dma_wait3A_418 = arith.constant 0 : i32
      %dma_wait3A_419 = arith.constant 0 : i32
      %dma_wait3A_420 = tpu.memref_slice %arg13[%dma_wait3A_418, %dma_wait3A_419] : memref<256x64xf32, #tpu.memory_space<vmem>> -> memref<128x64xf32, #tpu.memory_space<vmem>>
      %dma_wait3A_421 = arith.constant 0 : i32
      %dma_wait3A_422 = tpu.memref_slice %arg15[%add3A_101, %dma_wait3A_421] : memref<10240x64xf32, #tpu.memory_space<vmem_shared>> -> memref<128x64xf32, #tpu.memory_space<vmem_shared>>
      %dma_wait3A_423 = arith.constant 0 : i32
      %dma_wait3A_424 = tpu.memref_slice %arg15[%add3A_101, %dma_wait3A_423] : memref<10240x64xf32, #tpu.memory_space<vmem_shared>> -> memref<128x64xf32, #tpu.memory_space<vmem_shared>>
      %dma_wait3A_425 = arith.constant 0 : i32
      %dma_wait3A_426 = arith.constant 0 : i32
      %dma_wait3A_427 = tpu.memref_slice %arg13[%dma_wait3A_425, %dma_wait3A_426] : memref<256x64xf32, #tpu.memory_space<vmem>> -> memref<128x64xf32, #tpu.memory_space<vmem>>
      tpu.wait_dma2 semaphore(%run_scoped3A : memref<!tpu.dma_semaphore, #tpu.memory_space<semaphore_mem>>) src(%dma_wait3A_427 : memref<128x64xf32, #tpu.memory_space<vmem>>) dst(%dma_wait3A_424 : memref<128x64xf32, #tpu.memory_space<vmem_shared>>)
      tpu.yield
    }) : () -> ()
    %barrier3A_110 = arith.constant 0 : index
    tpu.barrier barrier_id(%barrier3A_110)
    "tpu.region"() ({
      %run_scoped3A = tpu.sem_alloc : memref<!tpu.dma_semaphore, #tpu.memory_space<semaphore_mem>>
      %dma_start3A_408 = arith.constant 0 : i32
      %dma_start3A_409 = tpu.memref_slice %arg16[%mul3A_2, %dma_start3A_408] : memref<10240x64xf32, #tpu.memory_space<vmem_shared>> -> memref<640x64xf32, #tpu.memory_space<vmem_shared>>
      tpu.enqueue_dma source(%arg8 : memref<640x64xf32, #tpu.memory_space<hbm>>) target(%dma_start3A_409 : memref<640x64xf32, #tpu.memory_space<vmem_shared>>) target_semaphore(%run_scoped3A : memref<!tpu.dma_semaphore, #tpu.memory_space<semaphore_mem>>)
      %dma_wait3A_410 = arith.constant 0 : i32
      %dma_wait3A_411 = tpu.memref_slice %arg16[%mul3A_2, %dma_wait3A_410] : memref<10240x64xf32, #tpu.memory_space<vmem_shared>> -> memref<640x64xf32, #tpu.memory_space<vmem_shared>>
      tpu.wait_dma2 semaphore(%run_scoped3A : memref<!tpu.dma_semaphore, #tpu.memory_space<semaphore_mem>>) src(%arg8 : memref<640x64xf32, #tpu.memory_space<hbm>>) dst(%dma_wait3A_411 : memref<640x64xf32, #tpu.memory_space<vmem_shared>>)
      tpu.yield
    }) : () -> ()
    %barrier3A_111 = arith.constant 0 : index
    tpu.barrier barrier_id(%barrier3A_111)
    %add3A_112 = arith.constant 0 : i32
    %add3A_113 = arith.addi %mul3A_0, %add3A_112 : i32
    %dma_start3A_114 = arith.constant 0 : i32
    %dma_start3A_115 = arith.constant 0 : i32
    %dma_start3A_116 = tpu.memref_slice %arg11[%dma_start3A_114, %dma_start3A_115] : memref<32x128xi32, #tpu.memory_space<vmem>> -> memref<16x128xi32, #tpu.memory_space<vmem>>
    %dma_start3A_117 = arith.constant 0 : i32
    %dma_start3A_118 = tpu.memref_slice %arg2[%add3A_113, %dma_start3A_117] : memref<2560x128xi32, #tpu.memory_space<hbm>> -> memref<16x128xi32, #tpu.memory_space<hbm>>
    %dma_start3A_119 = arith.constant 0 : i32
    %dma_start3A_120 = arith.constant 0 : i32
    %dma_start3A_121 = tpu.memref_slice %arg11[%dma_start3A_119, %dma_start3A_120] : memref<32x128xi32, #tpu.memory_space<vmem>> -> memref<16x128xi32, #tpu.memory_space<vmem>>
    %dma_start3A_122 = arith.constant 0 : i32
    %dma_start3A_123 = tpu.memref_slice %arg2[%add3A_113, %dma_start3A_122] : memref<2560x128xi32, #tpu.memory_space<hbm>> -> memref<16x128xi32, #tpu.memory_space<hbm>>
    tpu.enqueue_dma source(%dma_start3A_123 : memref<16x128xi32, #tpu.memory_space<hbm>>) target(%dma_start3A_121 : memref<16x128xi32, #tpu.memory_space<vmem>>) target_semaphore(%arg19 : memref<!tpu.dma_semaphore, #tpu.memory_space<semaphore_mem>>)
    %add3A_124 = arith.constant 0 : i32
    %add3A_125 = arith.addi %mul3A_0, %add3A_124 : i32
    %dma_start3A_126 = arith.constant 0 : i32
    %dma_start3A_127 = arith.constant 0 : i32
    %dma_start3A_128 = tpu.memref_slice %arg12[%dma_start3A_126, %dma_start3A_127] : memref<32x128xi32, #tpu.memory_space<vmem>> -> memref<16x128xi32, #tpu.memory_space<vmem>>
    %dma_start3A_129 = arith.constant 0 : i32
    %dma_start3A_130 = tpu.memref_slice %arg3[%add3A_125, %dma_start3A_129] : memref<2560x128xi32, #tpu.memory_space<hbm>> -> memref<16x128xi32, #tpu.memory_space<hbm>>
    %dma_start3A_131 = arith.constant 0 : i32
    %dma_start3A_132 = arith.constant 0 : i32
    %dma_start3A_133 = tpu.memref_slice %arg12[%dma_start3A_131, %dma_start3A_132] : memref<32x128xi32, #tpu.memory_space<vmem>> -> memref<16x128xi32, #tpu.memory_space<vmem>>
    %dma_start3A_134 = arith.constant 0 : i32
    %dma_start3A_135 = tpu.memref_slice %arg3[%add3A_125, %dma_start3A_134] : memref<2560x128xi32, #tpu.memory_space<hbm>> -> memref<16x128xi32, #tpu.memory_space<hbm>>
    tpu.enqueue_dma source(%dma_start3A_135 : memref<16x128xi32, #tpu.memory_space<hbm>>) target(%dma_start3A_133 : memref<16x128xi32, #tpu.memory_space<vmem>>) target_semaphore(%arg19 : memref<!tpu.dma_semaphore, #tpu.memory_space<semaphore_mem>>)
    %scan3A_136 = arith.constant 0 : i32
    %scan3A_137 = arith.constant 0 : i32
    %scan3A_138 = arith.constant 161 : i32
    %scan3A_139 = arith.addi %scan3A_137, %scan3A_138 : i32
    %scan3A_140 = arith.constant 1 : i32
    %scan3A_141 = scf.for %scan3A_408 = %scan3A_137 to %scan3A_139 step %scan3A_140 iter_args(%scan3A_409 = %scan3A_136) -> (i32)  : i32 {
      %and3A = arith.constant 1 : i32
      %and3A_410 = arith.andi %scan3A_408, %and3A : i32
      %shift_right_arithmetic3A = arith.constant 4 : i32
      %shift_right_arithmetic3A_411 = arith.shrsi %scan3A_408, %shift_right_arithmetic3A : i32
      %and3A_412 = arith.constant 1 : i32
      %and3A_413 = arith.andi %shift_right_arithmetic3A_411, %and3A_412 : i32
      %mul3A_414 = arith.constant 16 : i32
      %mul3A_415 = arith.muli %and3A_413, %mul3A_414 : i32
      %and3A_416 = arith.constant 15 : i32
      %and3A_417 = arith.andi %scan3A_408, %and3A_416 : i32
      %eq3A = arith.constant 0 : i32
      %eq3A_418 = arith.cmpi eq, %and3A_417, %eq3A : i32
      %lt3A = arith.constant 160 : i32
      %lt3A_419 = arith.cmpi slt, %scan3A_408, %lt3A : i32
      %and3A_420 = arith.andi %eq3A_418, %lt3A_419 : i1
      %convert_element_type3A = arith.extui %and3A_420 : i1 to i32
      %cond3A = arith.constant 0 : i32
      %cond3A_421 = arith.cmpi ne, %convert_element_type3A, %cond3A : i32
      scf.if %cond3A_421 {
        %dma_wait3A_447 = arith.constant 0 : i32
        %dma_wait3A_448 = arith.constant 0 : i32
        %dma_wait3A_449 = tpu.memref_slice %arg11[%dma_wait3A_447, %dma_wait3A_448] : memref<32x128xi32, #tpu.memory_space<vmem>> -> memref<16x128xi32, #tpu.memory_space<vmem>>
        %dma_wait3A_450 = arith.constant 0 : i32
        %dma_wait3A_451 = arith.constant 0 : i32
        %dma_wait3A_452 = tpu.memref_slice %arg2[%dma_wait3A_450, %dma_wait3A_451] : memref<2560x128xi32, #tpu.memory_space<hbm>> -> memref<16x128xi32, #tpu.memory_space<hbm>>
        %dma_wait3A_453 = arith.constant 0 : i32
        %dma_wait3A_454 = arith.constant 0 : i32
        %dma_wait3A_455 = tpu.memref_slice %arg11[%dma_wait3A_453, %dma_wait3A_454] : memref<32x128xi32, #tpu.memory_space<vmem>> -> memref<16x128xi32, #tpu.memory_space<vmem>>
        %dma_wait3A_456 = arith.constant 0 : i32
        %dma_wait3A_457 = arith.constant 0 : i32
        %dma_wait3A_458 = tpu.memref_slice %arg2[%dma_wait3A_456, %dma_wait3A_457] : memref<2560x128xi32, #tpu.memory_space<hbm>> -> memref<16x128xi32, #tpu.memory_space<hbm>>
        tpu.wait_dma2 semaphore(%arg19 : memref<!tpu.dma_semaphore, #tpu.memory_space<semaphore_mem>>) src(%dma_wait3A_458 : memref<16x128xi32, #tpu.memory_space<hbm>>) dst(%dma_wait3A_455 : memref<16x128xi32, #tpu.memory_space<vmem>>)
        %dma_wait3A_459 = arith.constant 0 : i32
        %dma_wait3A_460 = arith.constant 0 : i32
        %dma_wait3A_461 = tpu.memref_slice %arg11[%dma_wait3A_459, %dma_wait3A_460] : memref<32x128xi32, #tpu.memory_space<vmem>> -> memref<16x128xi32, #tpu.memory_space<vmem>>
        %dma_wait3A_462 = arith.constant 0 : i32
        %dma_wait3A_463 = arith.constant 0 : i32
        %dma_wait3A_464 = tpu.memref_slice %arg2[%dma_wait3A_462, %dma_wait3A_463] : memref<2560x128xi32, #tpu.memory_space<hbm>> -> memref<16x128xi32, #tpu.memory_space<hbm>>
        %dma_wait3A_465 = arith.constant 0 : i32
        %dma_wait3A_466 = arith.constant 0 : i32
        %dma_wait3A_467 = tpu.memref_slice %arg11[%dma_wait3A_465, %dma_wait3A_466] : memref<32x128xi32, #tpu.memory_space<vmem>> -> memref<16x128xi32, #tpu.memory_space<vmem>>
        %dma_wait3A_468 = arith.constant 0 : i32
        %dma_wait3A_469 = arith.constant 0 : i32
        %dma_wait3A_470 = tpu.memref_slice %arg2[%dma_wait3A_468, %dma_wait3A_469] : memref<2560x128xi32, #tpu.memory_space<hbm>> -> memref<16x128xi32, #tpu.memory_space<hbm>>
        tpu.wait_dma2 semaphore(%arg19 : memref<!tpu.dma_semaphore, #tpu.memory_space<semaphore_mem>>) src(%dma_wait3A_470 : memref<16x128xi32, #tpu.memory_space<hbm>>) dst(%dma_wait3A_467 : memref<16x128xi32, #tpu.memory_space<vmem>>)
      } else {
      }
      %and3A_422 = arith.constant 15 : i32
      %and3A_423 = arith.andi %scan3A_408, %and3A_422 : i32
      %eq3A_424 = arith.constant 2 : i32
      %eq3A_425 = arith.cmpi eq, %and3A_423, %eq3A_424 : i32
      %lt3A_426 = arith.constant 146 : i32
      %lt3A_427 = arith.cmpi slt, %scan3A_408, %lt3A_426 : i32
      %and3A_428 = arith.andi %eq3A_425, %lt3A_427 : i1
      %convert_element_type3A_429 = arith.extui %and3A_428 : i1 to i32
      %cond3A_430 = arith.constant 0 : i32
      %cond3A_431 = arith.cmpi ne, %convert_element_type3A_429, %cond3A_430 : i32
      scf.if %cond3A_431 {
        %add3A_447 = arith.constant 1 : i32
        %add3A_448 = arith.addi %shift_right_arithmetic3A_411, %add3A_447 : i32
        %and3A_449 = arith.constant 1 : i32
        %and3A_450 = arith.andi %add3A_448, %and3A_449 : i32
        %mul3A_451 = arith.constant 16 : i32
        %mul3A_452 = arith.muli %and3A_450, %mul3A_451 : i32
        %mul3A_453 = arith.constant 16 : i32
        %mul3A_454 = arith.muli %add3A_448, %mul3A_453 : i32
        %add3A_455 = arith.addi %mul3A_0, %mul3A_454 : i32
        %dma_start3A_456 = arith.constant 0 : i32
        %dma_start3A_457 = tpu.memref_slice %arg11[%mul3A_452, %dma_start3A_456] : memref<32x128xi32, #tpu.memory_space<vmem>> -> memref<16x128xi32, #tpu.memory_space<vmem>>
        %dma_start3A_458 = arith.constant 0 : i32
        %dma_start3A_459 = tpu.memref_slice %arg2[%add3A_455, %dma_start3A_458] : memref<2560x128xi32, #tpu.memory_space<hbm>> -> memref<16x128xi32, #tpu.memory_space<hbm>>
        %dma_start3A_460 = arith.constant 0 : i32
        %dma_start3A_461 = tpu.memref_slice %arg11[%mul3A_452, %dma_start3A_460] : memref<32x128xi32, #tpu.memory_space<vmem>> -> memref<16x128xi32, #tpu.memory_space<vmem>>
        %dma_start3A_462 = arith.constant 0 : i32
        %dma_start3A_463 = tpu.memref_slice %arg2[%add3A_455, %dma_start3A_462] : memref<2560x128xi32, #tpu.memory_space<hbm>> -> memref<16x128xi32, #tpu.memory_space<hbm>>
        tpu.enqueue_dma source(%dma_start3A_463 : memref<16x128xi32, #tpu.memory_space<hbm>>) target(%dma_start3A_461 : memref<16x128xi32, #tpu.memory_space<vmem>>) target_semaphore(%arg19 : memref<!tpu.dma_semaphore, #tpu.memory_space<semaphore_mem>>)
        %mul3A_464 = arith.constant 16 : i32
        %mul3A_465 = arith.muli %add3A_448, %mul3A_464 : i32
        %add3A_466 = arith.addi %mul3A_0, %mul3A_465 : i32
        %dma_start3A_467 = arith.constant 0 : i32
        %dma_start3A_468 = tpu.memref_slice %arg12[%mul3A_452, %dma_start3A_467] : memref<32x128xi32, #tpu.memory_space<vmem>> -> memref<16x128xi32, #tpu.memory_space<vmem>>
        %dma_start3A_469 = arith.constant 0 : i32
        %dma_start3A_470 = tpu.memref_slice %arg3[%add3A_466, %dma_start3A_469] : memref<2560x128xi32, #tpu.memory_space<hbm>> -> memref<16x128xi32, #tpu.memory_space<hbm>>
        %dma_start3A_471 = arith.constant 0 : i32
        %dma_start3A_472 = tpu.memref_slice %arg12[%mul3A_452, %dma_start3A_471] : memref<32x128xi32, #tpu.memory_space<vmem>> -> memref<16x128xi32, #tpu.memory_space<vmem>>
        %dma_start3A_473 = arith.constant 0 : i32
        %dma_start3A_474 = tpu.memref_slice %arg3[%add3A_466, %dma_start3A_473] : memref<2560x128xi32, #tpu.memory_space<hbm>> -> memref<16x128xi32, #tpu.memory_space<hbm>>
        tpu.enqueue_dma source(%dma_start3A_474 : memref<16x128xi32, #tpu.memory_space<hbm>>) target(%dma_start3A_472 : memref<16x128xi32, #tpu.memory_space<vmem>>) target_semaphore(%arg19 : memref<!tpu.dma_semaphore, #tpu.memory_space<semaphore_mem>>)
      } else {
      }
      %ge3A = arith.constant 2 : i32
      %ge3A_432 = arith.cmpi sge, %scan3A_408, %ge3A : i32
      %convert_element_type3A_433 = arith.extui %ge3A_432 : i1 to i32
      %cond3A_434 = arith.constant 0 : i32
      %cond3A_435 = arith.cmpi ne, %convert_element_type3A_433, %cond3A_434 : i32
      scf.if %cond3A_435 {
        %dma_wait3A_447 = arith.constant 0 : i32
        %dma_wait3A_448 = arith.constant 0 : i32
        %dma_wait3A_449 = tpu.memref_slice %arg13[%dma_wait3A_447, %dma_wait3A_448] : memref<256x64xf32, #tpu.memory_space<vmem>> -> memref<128x64xf32, #tpu.memory_space<vmem>>
        %dma_wait3A_450 = arith.constant 0 : i32
        %dma_wait3A_451 = arith.constant 0 : i32
        %dma_wait3A_452 = tpu.memref_slice %arg4[%dma_wait3A_450, %dma_wait3A_451] : memref<20480x64xf32, #tpu.memory_space<hbm>> -> memref<128x64xf32, #tpu.memory_space<hbm>>
        %dma_wait3A_453 = arith.constant 0 : i32
        %dma_wait3A_454 = arith.constant 0 : i32
        %dma_wait3A_455 = tpu.memref_slice %arg13[%dma_wait3A_453, %dma_wait3A_454] : memref<256x64xf32, #tpu.memory_space<vmem>> -> memref<128x64xf32, #tpu.memory_space<vmem>>
        %dma_wait3A_456 = arith.constant 0 : i32
        %dma_wait3A_457 = arith.constant 0 : i32
        %dma_wait3A_458 = tpu.memref_slice %arg4[%dma_wait3A_456, %dma_wait3A_457] : memref<20480x64xf32, #tpu.memory_space<hbm>> -> memref<128x64xf32, #tpu.memory_space<hbm>>
        tpu.wait_dma2 semaphore(%arg18 : memref<!tpu.dma_semaphore, #tpu.memory_space<semaphore_mem>>) src(%dma_wait3A_458 : memref<128x64xf32, #tpu.memory_space<hbm>>) dst(%dma_wait3A_455 : memref<128x64xf32, #tpu.memory_space<vmem>>)
      } else {
      }
      %lt3A_436 = arith.constant 160 : i32
      %lt3A_437 = arith.cmpi slt, %scan3A_408, %lt3A_436 : i32
      %convert_element_type3A_438 = arith.extui %lt3A_437 : i1 to i32
      %cond3A_439 = arith.constant 0 : i32
      %cond3A_440 = arith.cmpi ne, %convert_element_type3A_438, %cond3A_439 : i32
      scf.if %cond3A_440 {
        %and3A_447 = arith.constant 15 : i32
        %and3A_448 = arith.andi %scan3A_408, %and3A_447 : i32
        %add3A_449 = arith.addi %mul3A_415, %and3A_448 : i32
        %mul3A_450 = arith.constant 128 : i32
        %mul3A_451 = arith.muli %and3A_410, %mul3A_450 : i32
        %dma_start3A_452 = arith.constant 0 : i32
        %dma_start3A_453 = tpu.memref_slice %arg13[%mul3A_451, %dma_start3A_452] : memref<256x64xf32, #tpu.memory_space<vmem>> -> memref<128x64xf32, #tpu.memory_space<vmem>>
        %dma_start3A_454 = arith.constant 0 : i32
        %dma_start3A_455 = tpu.memref_slice %arg11[%add3A_449, %dma_start3A_454] : memref<32x128xi32, #tpu.memory_space<vmem>> -> memref<1x128xi32, #tpu.memory_space<vmem>>
        %dma_start3A_456 = tpu.memref_squeeze %dma_start3A_455 : memref<1x128xi32, #tpu.memory_space<vmem>> -> memref<128xi32, #tpu.memory_space<vmem>>
        %dma_start3A_457 = arith.constant 0 : i32
        %dma_start3A_458 = arith.constant 0 : i32
        %dma_start3A_459 = tpu.memref_slice %arg15[%dma_start3A_457, %dma_start3A_458] : memref<10240x64xf32, #tpu.memory_space<vmem_shared>> -> memref<10240x64xf32, #tpu.memory_space<vmem_shared>>
        tpu.enqueue_indirect_dma source(%dma_start3A_459 : memref<10240x64xf32, #tpu.memory_space<vmem_shared>>) target(%dma_start3A_453 : memref<128x64xf32, #tpu.memory_space<vmem>>) offsets(%dma_start3A_456 : memref<128xi32, #tpu.memory_space<vmem>>) semaphore(%arg17 : memref<!tpu.dma_semaphore, #tpu.memory_space<semaphore_mem>>)
      } else {
      }
      %ge3A_441 = arith.constant 1 : i32
      %ge3A_442 = arith.cmpi sge, %scan3A_408, %ge3A_441 : i32
      %convert_element_type3A_443 = arith.extui %ge3A_442 : i1 to i32
      %cond3A_444 = arith.constant 0 : i32
      %cond3A_445 = arith.cmpi ne, %convert_element_type3A_443, %cond3A_444 : i32
      scf.if %cond3A_445 {
        %sub3A = arith.constant 1 : i32
        %sub3A_447 = arith.subi %sub3A, %and3A_410 : i32
        %sub3A_448 = arith.constant 1 : i32
        %sub3A_449 = arith.subi %scan3A_408, %sub3A_448 : i32
        %shift_right_arithmetic3A_450 = arith.constant 4 : i32
        %shift_right_arithmetic3A_451 = arith.shrsi %sub3A_449, %shift_right_arithmetic3A_450 : i32
        %and3A_452 = arith.constant 1 : i32
        %and3A_453 = arith.andi %shift_right_arithmetic3A_451, %and3A_452 : i32
        %mul3A_454 = arith.constant 16 : i32
        %mul3A_455 = arith.muli %and3A_453, %mul3A_454 : i32
        %dma_wait3A_456 = arith.constant 0 : i32
        %dma_wait3A_457 = arith.constant 0 : i32
        %dma_wait3A_458 = tpu.memref_slice %arg13[%dma_wait3A_456, %dma_wait3A_457] : memref<256x64xf32, #tpu.memory_space<vmem>> -> memref<128x64xf32, #tpu.memory_space<vmem>>
        %dma_wait3A_459 = arith.constant 0 : i32
        %dma_wait3A_460 = arith.constant 0 : i32
        %dma_wait3A_461 = tpu.memref_slice %arg4[%dma_wait3A_459, %dma_wait3A_460] : memref<20480x64xf32, #tpu.memory_space<hbm>> -> memref<128x64xf32, #tpu.memory_space<hbm>>
        %dma_wait3A_462 = arith.constant 0 : i32
        %dma_wait3A_463 = arith.constant 0 : i32
        %dma_wait3A_464 = tpu.memref_slice %arg13[%dma_wait3A_462, %dma_wait3A_463] : memref<256x64xf32, #tpu.memory_space<vmem>> -> memref<128x64xf32, #tpu.memory_space<vmem>>
        %dma_wait3A_465 = arith.constant 0 : i32
        %dma_wait3A_466 = arith.constant 0 : i32
        %dma_wait3A_467 = tpu.memref_slice %arg4[%dma_wait3A_465, %dma_wait3A_466] : memref<20480x64xf32, #tpu.memory_space<hbm>> -> memref<128x64xf32, #tpu.memory_space<hbm>>
        tpu.wait_dma2 semaphore(%arg17 : memref<!tpu.dma_semaphore, #tpu.memory_space<semaphore_mem>>) src(%dma_wait3A_467 : memref<128x64xf32, #tpu.memory_space<hbm>>) dst(%dma_wait3A_464 : memref<128x64xf32, #tpu.memory_space<vmem>>)
        %mul3A_468 = arith.constant 128 : i32
        %mul3A_469 = arith.muli %sub3A_447, %mul3A_468 : i32
        %sub3A_470 = arith.constant 1 : i32
        %sub3A_471 = arith.subi %scan3A_408, %sub3A_470 : i32
        %and3A_472 = arith.constant 15 : i32
        %and3A_473 = arith.andi %sub3A_471, %and3A_472 : i32
        %add3A_474 = arith.addi %mul3A_455, %and3A_473 : i32
        %dma_start3A_475 = arith.constant 0 : i32
        %dma_start3A_476 = tpu.memref_slice %arg13[%mul3A_469, %dma_start3A_475] : memref<256x64xf32, #tpu.memory_space<vmem>> -> memref<128x64xf32, #tpu.memory_space<vmem>>
        %dma_start3A_477 = arith.constant 0 : i32
        %dma_start3A_478 = tpu.memref_slice %arg12[%add3A_474, %dma_start3A_477] : memref<32x128xi32, #tpu.memory_space<vmem>> -> memref<1x128xi32, #tpu.memory_space<vmem>>
        %dma_start3A_479 = tpu.memref_squeeze %dma_start3A_478 : memref<1x128xi32, #tpu.memory_space<vmem>> -> memref<128xi32, #tpu.memory_space<vmem>>
        %dma_start3A_480 = arith.constant 0 : i32
        %dma_start3A_481 = arith.constant 0 : i32
        %dma_start3A_482 = tpu.memref_slice %arg16[%dma_start3A_480, %dma_start3A_481] : memref<10240x64xf32, #tpu.memory_space<vmem_shared>> -> memref<10240x64xf32, #tpu.memory_space<vmem_shared>>
        tpu.enqueue_indirect_dma source(%dma_start3A_476 : memref<128x64xf32, #tpu.memory_space<vmem>>) target(%dma_start3A_482 : memref<10240x64xf32, #tpu.memory_space<vmem_shared>>) offsets(%dma_start3A_479 : memref<128xi32, #tpu.memory_space<vmem>>) semaphore(%arg18 : memref<!tpu.dma_semaphore, #tpu.memory_space<semaphore_mem>>) {add = true}
      } else {
      }
      %scan3A_446 = arith.constant 0 : i32
      scf.yield %scan3A_446 : i32
    }
    %scan3A_142 = arith.constant 161 : i32
    %dma_wait3A_143 = arith.constant 0 : i32
    %dma_wait3A_144 = arith.constant 0 : i32
    %dma_wait3A_145 = tpu.memref_slice %arg13[%dma_wait3A_143, %dma_wait3A_144] : memref<256x64xf32, #tpu.memory_space<vmem>> -> memref<128x64xf32, #tpu.memory_space<vmem>>
    %dma_wait3A_146 = arith.constant 0 : i32
    %dma_wait3A_147 = arith.constant 0 : i32
    %dma_wait3A_148 = tpu.memref_slice %arg4[%dma_wait3A_146, %dma_wait3A_147] : memref<20480x64xf32, #tpu.memory_space<hbm>> -> memref<128x64xf32, #tpu.memory_space<hbm>>
    %dma_wait3A_149 = arith.constant 0 : i32
    %dma_wait3A_150 = arith.constant 0 : i32
    %dma_wait3A_151 = tpu.memref_slice %arg13[%dma_wait3A_149, %dma_wait3A_150] : memref<256x64xf32, #tpu.memory_space<vmem>> -> memref<128x64xf32, #tpu.memory_space<vmem>>
    %dma_wait3A_152 = arith.constant 0 : i32
    %dma_wait3A_153 = arith.constant 0 : i32
    %dma_wait3A_154 = tpu.memref_slice %arg4[%dma_wait3A_152, %dma_wait3A_153] : memref<20480x64xf32, #tpu.memory_space<hbm>> -> memref<128x64xf32, #tpu.memory_space<hbm>>
    tpu.wait_dma2 semaphore(%arg18 : memref<!tpu.dma_semaphore, #tpu.memory_space<semaphore_mem>>) src(%dma_wait3A_154 : memref<128x64xf32, #tpu.memory_space<hbm>>) dst(%dma_wait3A_151 : memref<128x64xf32, #tpu.memory_space<vmem>>)
    %barrier3A_155 = arith.constant 0 : index
    tpu.barrier barrier_id(%barrier3A_155)
    %add3A_156 = arith.constant 0 : i32
    %add3A_157 = arith.addi %mul3A_2, %add3A_156 : i32
    %add3A_158 = arith.addi %mul3A_4, %add3A_157 : i32
    "tpu.region"() ({
      %run_scoped3A = tpu.sem_alloc : memref<!tpu.dma_semaphore, #tpu.memory_space<semaphore_mem>>
      %dma_start3A_408 = arith.constant 0 : i32
      %dma_start3A_409 = arith.constant 0 : i32
      %dma_start3A_410 = tpu.memref_slice %arg13[%dma_start3A_408, %dma_start3A_409] : memref<256x64xf32, #tpu.memory_space<vmem>> -> memref<128x64xf32, #tpu.memory_space<vmem>>
      %dma_start3A_411 = arith.constant 0 : i32
      %dma_start3A_412 = tpu.memref_slice %arg16[%add3A_157, %dma_start3A_411] : memref<10240x64xf32, #tpu.memory_space<vmem_shared>> -> memref<128x64xf32, #tpu.memory_space<vmem_shared>>
      %dma_start3A_413 = arith.constant 0 : i32
      %dma_start3A_414 = arith.constant 0 : i32
      %dma_start3A_415 = tpu.memref_slice %arg13[%dma_start3A_413, %dma_start3A_414] : memref<256x64xf32, #tpu.memory_space<vmem>> -> memref<128x64xf32, #tpu.memory_space<vmem>>
      %dma_start3A_416 = arith.constant 0 : i32
      %dma_start3A_417 = tpu.memref_slice %arg16[%add3A_157, %dma_start3A_416] : memref<10240x64xf32, #tpu.memory_space<vmem_shared>> -> memref<128x64xf32, #tpu.memory_space<vmem_shared>>
      tpu.enqueue_dma source(%dma_start3A_417 : memref<128x64xf32, #tpu.memory_space<vmem_shared>>) target(%dma_start3A_415 : memref<128x64xf32, #tpu.memory_space<vmem>>) target_semaphore(%run_scoped3A : memref<!tpu.dma_semaphore, #tpu.memory_space<semaphore_mem>>)
      %dma_wait3A_418 = arith.constant 0 : i32
      %dma_wait3A_419 = arith.constant 0 : i32
      %dma_wait3A_420 = tpu.memref_slice %arg13[%dma_wait3A_418, %dma_wait3A_419] : memref<256x64xf32, #tpu.memory_space<vmem>> -> memref<128x64xf32, #tpu.memory_space<vmem>>
      %dma_wait3A_421 = arith.constant 0 : i32
      %dma_wait3A_422 = tpu.memref_slice %arg16[%add3A_157, %dma_wait3A_421] : memref<10240x64xf32, #tpu.memory_space<vmem_shared>> -> memref<128x64xf32, #tpu.memory_space<vmem_shared>>
      %dma_wait3A_423 = arith.constant 0 : i32
      %dma_wait3A_424 = arith.constant 0 : i32
      %dma_wait3A_425 = tpu.memref_slice %arg13[%dma_wait3A_423, %dma_wait3A_424] : memref<256x64xf32, #tpu.memory_space<vmem>> -> memref<128x64xf32, #tpu.memory_space<vmem>>
      %dma_wait3A_426 = arith.constant 0 : i32
      %dma_wait3A_427 = tpu.memref_slice %arg16[%add3A_157, %dma_wait3A_426] : memref<10240x64xf32, #tpu.memory_space<vmem_shared>> -> memref<128x64xf32, #tpu.memory_space<vmem_shared>>
      tpu.wait_dma2 semaphore(%run_scoped3A : memref<!tpu.dma_semaphore, #tpu.memory_space<semaphore_mem>>) src(%dma_wait3A_427 : memref<128x64xf32, #tpu.memory_space<vmem_shared>>) dst(%dma_wait3A_425 : memref<128x64xf32, #tpu.memory_space<vmem>>)
      tpu.yield
    }) : () -> ()
    "tpu.region"() ({
      %run_scoped3A = tpu.sem_alloc : memref<!tpu.dma_semaphore, #tpu.memory_space<semaphore_mem>>
      %dma_start3A_408 = arith.constant 0 : i32
      %dma_start3A_409 = tpu.memref_slice %arg10[%add3A_158, %dma_start3A_408] : memref<20480x64xf32, #tpu.memory_space<hbm>> -> memref<128x64xf32, #tpu.memory_space<hbm>>
      %dma_start3A_410 = arith.constant 0 : i32
      %dma_start3A_411 = tpu.memref_slice %arg10[%add3A_158, %dma_start3A_410] : memref<20480x64xf32, #tpu.memory_space<hbm>> -> memref<128x64xf32, #tpu.memory_space<hbm>>
      tpu.enqueue_dma source(%dma_start3A_411 : memref<128x64xf32, #tpu.memory_space<hbm>>) target(%arg14 : memref<128x64xf32, #tpu.memory_space<vmem>>) target_semaphore(%run_scoped3A : memref<!tpu.dma_semaphore, #tpu.memory_space<semaphore_mem>>)
      %dma_wait3A_412 = arith.constant 0 : i32
      %dma_wait3A_413 = tpu.memref_slice %arg10[%add3A_158, %dma_wait3A_412] : memref<20480x64xf32, #tpu.memory_space<hbm>> -> memref<128x64xf32, #tpu.memory_space<hbm>>
      %dma_wait3A_414 = arith.constant 0 : i32
      %dma_wait3A_415 = tpu.memref_slice %arg10[%add3A_158, %dma_wait3A_414] : memref<20480x64xf32, #tpu.memory_space<hbm>> -> memref<128x64xf32, #tpu.memory_space<hbm>>
      tpu.wait_dma2 semaphore(%run_scoped3A : memref<!tpu.dma_semaphore, #tpu.memory_space<semaphore_mem>>) src(%dma_wait3A_415 : memref<128x64xf32, #tpu.memory_space<hbm>>) dst(%arg14 : memref<128x64xf32, #tpu.memory_space<vmem>>)
      tpu.yield
    }) : () -> ()
    %scan3A_159 = arith.constant 0 : i32
    %scan3A_160 = arith.constant 0 : i32
    %scan3A_161 = arith.constant 128 : i32
    %scan3A_162 = arith.addi %scan3A_160, %scan3A_161 : i32
    %scan3A_163 = arith.constant 1 : i32
    %scan3A_164 = scf.for %scan3A_408 = %scan3A_160 to %scan3A_162 step %scan3A_163 iter_args(%scan3A_409 = %scan3A_159) -> (i32)  : i32 {
      %get3A = arith.index_cast %scan3A_408 : i32 to index
      %get3A_410 = arith.constant 0 : index
      %get3A_411 = tpu.vector_load %arg14[%get3A, %get3A_410] {strides = array<i32>} : memref<128x64xf32, #tpu.memory_space<vmem>>, vector<16xf32>,
      %get3A_412 = arith.index_cast %scan3A_408 : i32 to index
      %get3A_413 = arith.constant 0 : index
      %get3A_414 = tpu.vector_load %arg13[%get3A_412, %get3A_413] {strides = array<i32>} : memref<256x64xf32, #tpu.memory_space<vmem>>, vector<16xf32>,
      %add3A_415 = arith.addf %get3A_411, %get3A_414 : vector<16xf32>
      %swap3A = arith.index_cast %scan3A_408 : i32 to index
      %swap3A_416 = arith.constant 0 : index
      %swap3A_417 = tpu.vector_load %arg14[%swap3A, %swap3A_416] {strides = array<i32>} : memref<128x64xf32, #tpu.memory_space<vmem>>, vector<16xf32>,
      tpu.vector_store %arg14[%swap3A, %swap3A_416], %add3A_415 {strides = array<i32>} : memref<128x64xf32, #tpu.memory_space<vmem>>, vector<16xf32>,
      %get3A_418 = arith.index_cast %scan3A_408 : i32 to index
      %get3A_419 = arith.constant 16 : index
      %get3A_420 = tpu.vector_load %arg14[%get3A_418, %get3A_419] {strides = array<i32>} : memref<128x64xf32, #tpu.memory_space<vmem>>, vector<16xf32>,
      %get3A_421 = arith.index_cast %scan3A_408 : i32 to index
      %get3A_422 = arith.constant 16 : index
      %get3A_423 = tpu.vector_load %arg13[%get3A_421, %get3A_422] {strides = array<i32>} : memref<256x64xf32, #tpu.memory_space<vmem>>, vector<16xf32>,
      %add3A_424 = arith.addf %get3A_420, %get3A_423 : vector<16xf32>
      %swap3A_425 = arith.index_cast %scan3A_408 : i32 to index
      %swap3A_426 = arith.constant 16 : index
      %swap3A_427 = tpu.vector_load %arg14[%swap3A_425, %swap3A_426] {strides = array<i32>} : memref<128x64xf32, #tpu.memory_space<vmem>>, vector<16xf32>,
      tpu.vector_store %arg14[%swap3A_425, %swap3A_426], %add3A_424 {strides = array<i32>} : memref<128x64xf32, #tpu.memory_space<vmem>>, vector<16xf32>,
      %get3A_428 = arith.index_cast %scan3A_408 : i32 to index
      %get3A_429 = arith.constant 32 : index
      %get3A_430 = tpu.vector_load %arg14[%get3A_428, %get3A_429] {strides = array<i32>} : memref<128x64xf32, #tpu.memory_space<vmem>>, vector<16xf32>,
      %get3A_431 = arith.index_cast %scan3A_408 : i32 to index
      %get3A_432 = arith.constant 32 : index
      %get3A_433 = tpu.vector_load %arg13[%get3A_431, %get3A_432] {strides = array<i32>} : memref<256x64xf32, #tpu.memory_space<vmem>>, vector<16xf32>,
      %add3A_434 = arith.addf %get3A_430, %get3A_433 : vector<16xf32>
      %swap3A_435 = arith.index_cast %scan3A_408 : i32 to index
      %swap3A_436 = arith.constant 32 : index
      %swap3A_437 = tpu.vector_load %arg14[%swap3A_435, %swap3A_436] {strides = array<i32>} : memref<128x64xf32, #tpu.memory_space<vmem>>, vector<16xf32>,
      tpu.vector_store %arg14[%swap3A_435, %swap3A_436], %add3A_434 {strides = array<i32>} : memref<128x64xf32, #tpu.memory_space<vmem>>, vector<16xf32>,
      %get3A_438 = arith.index_cast %scan3A_408 : i32 to index
      %get3A_439 = arith.constant 48 : index
      %get3A_440 = tpu.vector_load %arg14[%get3A_438, %get3A_439] {strides = array<i32>} : memref<128x64xf32, #tpu.memory_space<vmem>>, vector<16xf32>,
      %get3A_441 = arith.index_cast %scan3A_408 : i32 to index
      %get3A_442 = arith.constant 48 : index
      %get3A_443 = tpu.vector_load %arg13[%get3A_441, %get3A_442] {strides = array<i32>} : memref<256x64xf32, #tpu.memory_space<vmem>>, vector<16xf32>,
      %add3A_444 = arith.addf %get3A_440, %get3A_443 : vector<16xf32>
      %swap3A_445 = arith.index_cast %scan3A_408 : i32 to index
      %swap3A_446 = arith.constant 48 : index
      %swap3A_447 = tpu.vector_load %arg14[%swap3A_445, %swap3A_446] {strides = array<i32>} : memref<128x64xf32, #tpu.memory_space<vmem>>, vector<16xf32>,
      tpu.vector_store %arg14[%swap3A_445, %swap3A_446], %add3A_444 {strides = array<i32>} : memref<128x64xf32, #tpu.memory_space<vmem>>, vector<16xf32>,
      %scan3A_448 = arith.constant 0 : i32
      scf.yield %scan3A_448 : i32
    }
    %scan3A_165 = arith.constant 128 : i32
    "tpu.region"() ({
      %run_scoped3A = tpu.sem_alloc : memref<!tpu.dma_semaphore, #tpu.memory_space<semaphore_mem>>
      %dma_start3A_408 = arith.constant 0 : i32
      %dma_start3A_409 = tpu.memref_slice %arg10[%add3A_158, %dma_start3A_408] : memref<20480x64xf32, #tpu.memory_space<hbm>> -> memref<128x64xf32, #tpu.memory_space<hbm>>
      %dma_start3A_410 = arith.constant 0 : i32
      %dma_start3A_411 = tpu.memref_slice %arg10[%add3A_158, %dma_start3A_410] : memref<20480x64xf32, #tpu.memory_space<hbm>> -> memref<128x64xf32, #tpu.memory_space<hbm>>
      tpu.enqueue_dma source(%arg14 : memref<128x64xf32, #tpu.memory_space<vmem>>) target(%dma_start3A_411 : memref<128x64xf32, #tpu.memory_space<hbm>>) target_semaphore(%run_scoped3A : memref<!tpu.dma_semaphore, #tpu.memory_space<semaphore_mem>>)
      %dma_wait3A_412 = arith.constant 0 : i32
      %dma_wait3A_413 = tpu.memref_slice %arg10[%add3A_158, %dma_wait3A_412] : memref<20480x64xf32, #tpu.memory_space<hbm>> -> memref<128x64xf32, #tpu.memory_space<hbm>>
      %dma_wait3A_414 = arith.constant 0 : i32
      %dma_wait3A_415 = tpu.memref_slice %arg10[%add3A_158, %dma_wait3A_414] : memref<20480x64xf32, #tpu.memory_space<hbm>> -> memref<128x64xf32, #tpu.memory_space<hbm>>
      tpu.wait_dma2 semaphore(%run_scoped3A : memref<!tpu.dma_semaphore, #tpu.memory_space<semaphore_mem>>) src(%arg14 : memref<128x64xf32, #tpu.memory_space<vmem>>) dst(%dma_wait3A_415 : memref<128x64xf32, #tpu.memory_space<hbm>>)
      tpu.yield
    }) : () -> ()
    "tpu.region"() ({
      %run_scoped3A = tpu.sem_alloc : memref<!tpu.dma_semaphore, #tpu.memory_space<semaphore_mem>>
      %dma_start3A_408 = arith.constant 0 : i32
      %dma_start3A_409 = tpu.memref_slice %arg5[%add3A_157, %dma_start3A_408] : memref<10240x64xf32, #tpu.memory_space<hbm>> -> memref<128x64xf32, #tpu.memory_space<hbm>>
      %dma_start3A_410 = arith.constant 0 : i32
      %dma_start3A_411 = tpu.memref_slice %arg5[%add3A_157, %dma_start3A_410] : memref<10240x64xf32, #tpu.memory_space<hbm>> -> memref<128x64xf32, #tpu.memory_space<hbm>>
      tpu.enqueue_dma source(%dma_start3A_411 : memref<128x64xf32, #tpu.memory_space<hbm>>) target(%arg14 : memref<128x64xf32, #tpu.memory_space<vmem>>) target_semaphore(%run_scoped3A : memref<!tpu.dma_semaphore, #tpu.memory_space<semaphore_mem>>)
      %dma_wait3A_412 = arith.constant 0 : i32
      %dma_wait3A_413 = tpu.memref_slice %arg5[%add3A_157, %dma_wait3A_412] : memref<10240x64xf32, #tpu.memory_space<hbm>> -> memref<128x64xf32, #tpu.memory_space<hbm>>
      %dma_wait3A_414 = arith.constant 0 : i32
      %dma_wait3A_415 = tpu.memref_slice %arg5[%add3A_157, %dma_wait3A_414] : memref<10240x64xf32, #tpu.memory_space<hbm>> -> memref<128x64xf32, #tpu.memory_space<hbm>>
      tpu.wait_dma2 semaphore(%run_scoped3A : memref<!tpu.dma_semaphore, #tpu.memory_space<semaphore_mem>>) src(%dma_wait3A_415 : memref<128x64xf32, #tpu.memory_space<hbm>>) dst(%arg14 : memref<128x64xf32, #tpu.memory_space<vmem>>)
      tpu.yield
    }) : () -> ()
    %scan3A_166 = arith.constant 0 : i32
    %scan3A_167 = arith.constant 0 : i32
    %scan3A_168 = arith.constant 128 : i32
    %scan3A_169 = arith.addi %scan3A_167, %scan3A_168 : i32
    %scan3A_170 = arith.constant 1 : i32
    %scan3A_171 = scf.for %scan3A_408 = %scan3A_167 to %scan3A_169 step %scan3A_170 iter_args(%scan3A_409 = %scan3A_166) -> (i32)  : i32 {
      %get3A = arith.index_cast %scan3A_408 : i32 to index
      %get3A_410 = arith.constant 0 : index
      %get3A_411 = tpu.vector_load %arg13[%get3A, %get3A_410] {strides = array<i32>} : memref<256x64xf32, #tpu.memory_space<vmem>>, vector<16xf32>,
      %get3A_412 = arith.index_cast %scan3A_408 : i32 to index
      %get3A_413 = arith.constant 0 : index
      %get3A_414 = tpu.vector_load %arg14[%get3A_412, %get3A_413] {strides = array<i32>} : memref<128x64xf32, #tpu.memory_space<vmem>>, vector<16xf32>,
      %mul3A_415 = arith.mulf %get3A_411, %get3A_414 : vector<16xf32>
      %swap3A = arith.index_cast %scan3A_408 : i32 to index
      %swap3A_416 = arith.constant 0 : index
      %swap3A_417 = tpu.vector_load %arg13[%swap3A, %swap3A_416] {strides = array<i32>} : memref<256x64xf32, #tpu.memory_space<vmem>>, vector<16xf32>,
      tpu.vector_store %arg13[%swap3A, %swap3A_416], %mul3A_415 {strides = array<i32>} : memref<256x64xf32, #tpu.memory_space<vmem>>, vector<16xf32>,
      %get3A_418 = arith.index_cast %scan3A_408 : i32 to index
      %get3A_419 = arith.constant 16 : index
      %get3A_420 = tpu.vector_load %arg13[%get3A_418, %get3A_419] {strides = array<i32>} : memref<256x64xf32, #tpu.memory_space<vmem>>, vector<16xf32>,
      %get3A_421 = arith.index_cast %scan3A_408 : i32 to index
      %get3A_422 = arith.constant 16 : index
      %get3A_423 = tpu.vector_load %arg14[%get3A_421, %get3A_422] {strides = array<i32>} : memref<128x64xf32, #tpu.memory_space<vmem>>, vector<16xf32>,
      %mul3A_424 = arith.mulf %get3A_420, %get3A_423 : vector<16xf32>
      %swap3A_425 = arith.index_cast %scan3A_408 : i32 to index
      %swap3A_426 = arith.constant 16 : index
      %swap3A_427 = tpu.vector_load %arg13[%swap3A_425, %swap3A_426] {strides = array<i32>} : memref<256x64xf32, #tpu.memory_space<vmem>>, vector<16xf32>,
      tpu.vector_store %arg13[%swap3A_425, %swap3A_426], %mul3A_424 {strides = array<i32>} : memref<256x64xf32, #tpu.memory_space<vmem>>, vector<16xf32>,
      %get3A_428 = arith.index_cast %scan3A_408 : i32 to index
      %get3A_429 = arith.constant 32 : index
      %get3A_430 = tpu.vector_load %arg13[%get3A_428, %get3A_429] {strides = array<i32>} : memref<256x64xf32, #tpu.memory_space<vmem>>, vector<16xf32>,
      %get3A_431 = arith.index_cast %scan3A_408 : i32 to index
      %get3A_432 = arith.constant 32 : index
      %get3A_433 = tpu.vector_load %arg14[%get3A_431, %get3A_432] {strides = array<i32>} : memref<128x64xf32, #tpu.memory_space<vmem>>, vector<16xf32>,
      %mul3A_434 = arith.mulf %get3A_430, %get3A_433 : vector<16xf32>
      %swap3A_435 = arith.index_cast %scan3A_408 : i32 to index
      %swap3A_436 = arith.constant 32 : index
      %swap3A_437 = tpu.vector_load %arg13[%swap3A_435, %swap3A_436] {strides = array<i32>} : memref<256x64xf32, #tpu.memory_space<vmem>>, vector<16xf32>,
      tpu.vector_store %arg13[%swap3A_435, %swap3A_436], %mul3A_434 {strides = array<i32>} : memref<256x64xf32, #tpu.memory_space<vmem>>, vector<16xf32>,
      %get3A_438 = arith.index_cast %scan3A_408 : i32 to index
      %get3A_439 = arith.constant 48 : index
      %get3A_440 = tpu.vector_load %arg13[%get3A_438, %get3A_439] {strides = array<i32>} : memref<256x64xf32, #tpu.memory_space<vmem>>, vector<16xf32>,
      %get3A_441 = arith.index_cast %scan3A_408 : i32 to index
      %get3A_442 = arith.constant 48 : index
      %get3A_443 = tpu.vector_load %arg14[%get3A_441, %get3A_442] {strides = array<i32>} : memref<128x64xf32, #tpu.memory_space<vmem>>, vector<16xf32>,
      %mul3A_444 = arith.mulf %get3A_440, %get3A_443 : vector<16xf32>
      %swap3A_445 = arith.index_cast %scan3A_408 : i32 to index
      %swap3A_446 = arith.constant 48 : index
      %swap3A_447 = tpu.vector_load %arg13[%swap3A_445, %swap3A_446] {strides = array<i32>} : memref<256x64xf32, #tpu.memory_space<vmem>>, vector<16xf32>,
      tpu.vector_store %arg13[%swap3A_445, %swap3A_446], %mul3A_444 {strides = array<i32>} : memref<256x64xf32, #tpu.memory_space<vmem>>, vector<16xf32>,
      %scan3A_448 = arith.constant 0 : i32
      scf.yield %scan3A_448 : i32
    }
    %scan3A_172 = arith.constant 128 : i32
    "tpu.region"() ({
      %run_scoped3A = tpu.sem_alloc : memref<!tpu.dma_semaphore, #tpu.memory_space<semaphore_mem>>
      %dma_start3A_408 = arith.constant 0 : i32
      %dma_start3A_409 = arith.constant 0 : i32
      %dma_start3A_410 = tpu.memref_slice %arg13[%dma_start3A_408, %dma_start3A_409] : memref<256x64xf32, #tpu.memory_space<vmem>> -> memref<128x64xf32, #tpu.memory_space<vmem>>
      %dma_start3A_411 = arith.constant 0 : i32
      %dma_start3A_412 = tpu.memref_slice %arg15[%add3A_157, %dma_start3A_411] : memref<10240x64xf32, #tpu.memory_space<vmem_shared>> -> memref<128x64xf32, #tpu.memory_space<vmem_shared>>
      %dma_start3A_413 = arith.constant 0 : i32
      %dma_start3A_414 = tpu.memref_slice %arg15[%add3A_157, %dma_start3A_413] : memref<10240x64xf32, #tpu.memory_space<vmem_shared>> -> memref<128x64xf32, #tpu.memory_space<vmem_shared>>
      %dma_start3A_415 = arith.constant 0 : i32
      %dma_start3A_416 = arith.constant 0 : i32
      %dma_start3A_417 = tpu.memref_slice %arg13[%dma_start3A_415, %dma_start3A_416] : memref<256x64xf32, #tpu.memory_space<vmem>> -> memref<128x64xf32, #tpu.memory_space<vmem>>
      tpu.enqueue_dma source(%dma_start3A_417 : memref<128x64xf32, #tpu.memory_space<vmem>>) target(%dma_start3A_414 : memref<128x64xf32, #tpu.memory_space<vmem_shared>>) target_semaphore(%run_scoped3A : memref<!tpu.dma_semaphore, #tpu.memory_space<semaphore_mem>>)
      %dma_wait3A_418 = arith.constant 0 : i32
      %dma_wait3A_419 = arith.constant 0 : i32
      %dma_wait3A_420 = tpu.memref_slice %arg13[%dma_wait3A_418, %dma_wait3A_419] : memref<256x64xf32, #tpu.memory_space<vmem>> -> memref<128x64xf32, #tpu.memory_space<vmem>>
      %dma_wait3A_421 = arith.constant 0 : i32
      %dma_wait3A_422 = tpu.memref_slice %arg15[%add3A_157, %dma_wait3A_421] : memref<10240x64xf32, #tpu.memory_space<vmem_shared>> -> memref<128x64xf32, #tpu.memory_space<vmem_shared>>
      %dma_wait3A_423 = arith.constant 0 : i32
      %dma_wait3A_424 = tpu.memref_slice %arg15[%add3A_157, %dma_wait3A_423] : memref<10240x64xf32, #tpu.memory_space<vmem_shared>> -> memref<128x64xf32, #tpu.memory_space<vmem_shared>>
      %dma_wait3A_425 = arith.constant 0 : i32
      %dma_wait3A_426 = arith.constant 0 : i32
      %dma_wait3A_427 = tpu.memref_slice %arg13[%dma_wait3A_425, %dma_wait3A_426] : memref<256x64xf32, #tpu.memory_space<vmem>> -> memref<128x64xf32, #tpu.memory_space<vmem>>
      tpu.wait_dma2 semaphore(%run_scoped3A : memref<!tpu.dma_semaphore, #tpu.memory_space<semaphore_mem>>) src(%dma_wait3A_427 : memref<128x64xf32, #tpu.memory_space<vmem>>) dst(%dma_wait3A_424 : memref<128x64xf32, #tpu.memory_space<vmem_shared>>)
      tpu.yield
    }) : () -> ()
    %add3A_173 = arith.constant 128 : i32
    %add3A_174 = arith.addi %mul3A_2, %add3A_173 : i32
    %add3A_175 = arith.addi %mul3A_4, %add3A_174 : i32
    "tpu.region"() ({
      %run_scoped3A = tpu.sem_alloc : memref<!tpu.dma_semaphore, #tpu.memory_space<semaphore_mem>>
      %dma_start3A_408 = arith.constant 0 : i32
      %dma_start3A_409 = arith.constant 0 : i32
      %dma_start3A_410 = tpu.memref_slice %arg13[%dma_start3A_408, %dma_start3A_409] : memref<256x64xf32, #tpu.memory_space<vmem>> -> memref<128x64xf32, #tpu.memory_space<vmem>>
      %dma_start3A_411 = arith.constant 0 : i32
      %dma_start3A_412 = tpu.memref_slice %arg16[%add3A_174, %dma_start3A_411] : memref<10240x64xf32, #tpu.memory_space<vmem_shared>> -> memref<128x64xf32, #tpu.memory_space<vmem_shared>>
      %dma_start3A_413 = arith.constant 0 : i32
      %dma_start3A_414 = arith.constant 0 : i32
      %dma_start3A_415 = tpu.memref_slice %arg13[%dma_start3A_413, %dma_start3A_414] : memref<256x64xf32, #tpu.memory_space<vmem>> -> memref<128x64xf32, #tpu.memory_space<vmem>>
      %dma_start3A_416 = arith.constant 0 : i32
      %dma_start3A_417 = tpu.memref_slice %arg16[%add3A_174, %dma_start3A_416] : memref<10240x64xf32, #tpu.memory_space<vmem_shared>> -> memref<128x64xf32, #tpu.memory_space<vmem_shared>>
      tpu.enqueue_dma source(%dma_start3A_417 : memref<128x64xf32, #tpu.memory_space<vmem_shared>>) target(%dma_start3A_415 : memref<128x64xf32, #tpu.memory_space<vmem>>) target_semaphore(%run_scoped3A : memref<!tpu.dma_semaphore, #tpu.memory_space<semaphore_mem>>)
      %dma_wait3A_418 = arith.constant 0 : i32
      %dma_wait3A_419 = arith.constant 0 : i32
      %dma_wait3A_420 = tpu.memref_slice %arg13[%dma_wait3A_418, %dma_wait3A_419] : memref<256x64xf32, #tpu.memory_space<vmem>> -> memref<128x64xf32, #tpu.memory_space<vmem>>
      %dma_wait3A_421 = arith.constant 0 : i32
      %dma_wait3A_422 = tpu.memref_slice %arg16[%add3A_174, %dma_wait3A_421] : memref<10240x64xf32, #tpu.memory_space<vmem_shared>> -> memref<128x64xf32, #tpu.memory_space<vmem_shared>>
      %dma_wait3A_423 = arith.constant 0 : i32
      %dma_wait3A_424 = arith.constant 0 : i32
      %dma_wait3A_425 = tpu.memref_slice %arg13[%dma_wait3A_423, %dma_wait3A_424] : memref<256x64xf32, #tpu.memory_space<vmem>> -> memref<128x64xf32, #tpu.memory_space<vmem>>
      %dma_wait3A_426 = arith.constant 0 : i32
      %dma_wait3A_427 = tpu.memref_slice %arg16[%add3A_174, %dma_wait3A_426] : memref<10240x64xf32, #tpu.memory_space<vmem_shared>> -> memref<128x64xf32, #tpu.memory_space<vmem_shared>>
      tpu.wait_dma2 semaphore(%run_scoped3A : memref<!tpu.dma_semaphore, #tpu.memory_space<semaphore_mem>>) src(%dma_wait3A_427 : memref<128x64xf32, #tpu.memory_space<vmem_shared>>) dst(%dma_wait3A_425 : memref<128x64xf32, #tpu.memory_space<vmem>>)
      tpu.yield
    }) : () -> ()
    "tpu.region"() ({
      %run_scoped3A = tpu.sem_alloc : memref<!tpu.dma_semaphore, #tpu.memory_space<semaphore_mem>>
      %dma_start3A_408 = arith.constant 0 : i32
      %dma_start3A_409 = tpu.memref_slice %arg10[%add3A_175, %dma_start3A_408] : memref<20480x64xf32, #tpu.memory_space<hbm>> -> memref<128x64xf32, #tpu.memory_space<hbm>>
      %dma_start3A_410 = arith.constant 0 : i32
      %dma_start3A_411 = tpu.memref_slice %arg10[%add3A_175, %dma_start3A_410] : memref<20480x64xf32, #tpu.memory_space<hbm>> -> memref<128x64xf32, #tpu.memory_space<hbm>>
      tpu.enqueue_dma source(%dma_start3A_411 : memref<128x64xf32, #tpu.memory_space<hbm>>) target(%arg14 : memref<128x64xf32, #tpu.memory_space<vmem>>) target_semaphore(%run_scoped3A : memref<!tpu.dma_semaphore, #tpu.memory_space<semaphore_mem>>)
      %dma_wait3A_412 = arith.constant 0 : i32
      %dma_wait3A_413 = tpu.memref_slice %arg10[%add3A_175, %dma_wait3A_412] : memref<20480x64xf32, #tpu.memory_space<hbm>> -> memref<128x64xf32, #tpu.memory_space<hbm>>
      %dma_wait3A_414 = arith.constant 0 : i32
      %dma_wait3A_415 = tpu.memref_slice %arg10[%add3A_175, %dma_wait3A_414] : memref<20480x64xf32, #tpu.memory_space<hbm>> -> memref<128x64xf32, #tpu.memory_space<hbm>>
      tpu.wait_dma2 semaphore(%run_scoped3A : memref<!tpu.dma_semaphore, #tpu.memory_space<semaphore_mem>>) src(%dma_wait3A_415 : memref<128x64xf32, #tpu.memory_space<hbm>>) dst(%arg14 : memref<128x64xf32, #tpu.memory_space<vmem>>)
      tpu.yield
    }) : () -> ()
    %scan3A_176 = arith.constant 0 : i32
    %scan3A_177 = arith.constant 0 : i32
    %scan3A_178 = arith.constant 128 : i32
    %scan3A_179 = arith.addi %scan3A_177, %scan3A_178 : i32
    %scan3A_180 = arith.constant 1 : i32
    %scan3A_181 = scf.for %scan3A_408 = %scan3A_177 to %scan3A_179 step %scan3A_180 iter_args(%scan3A_409 = %scan3A_176) -> (i32)  : i32 {
      %get3A = arith.index_cast %scan3A_408 : i32 to index
      %get3A_410 = arith.constant 0 : index
      %get3A_411 = tpu.vector_load %arg14[%get3A, %get3A_410] {strides = array<i32>} : memref<128x64xf32, #tpu.memory_space<vmem>>, vector<16xf32>,
      %get3A_412 = arith.index_cast %scan3A_408 : i32 to index
      %get3A_413 = arith.constant 0 : index
      %get3A_414 = tpu.vector_load %arg13[%get3A_412, %get3A_413] {strides = array<i32>} : memref<256x64xf32, #tpu.memory_space<vmem>>, vector<16xf32>,
      %add3A_415 = arith.addf %get3A_411, %get3A_414 : vector<16xf32>
      %swap3A = arith.index_cast %scan3A_408 : i32 to index
      %swap3A_416 = arith.constant 0 : index
      %swap3A_417 = tpu.vector_load %arg14[%swap3A, %swap3A_416] {strides = array<i32>} : memref<128x64xf32, #tpu.memory_space<vmem>>, vector<16xf32>,
      tpu.vector_store %arg14[%swap3A, %swap3A_416], %add3A_415 {strides = array<i32>} : memref<128x64xf32, #tpu.memory_space<vmem>>, vector<16xf32>,
      %get3A_418 = arith.index_cast %scan3A_408 : i32 to index
      %get3A_419 = arith.constant 16 : index
      %get3A_420 = tpu.vector_load %arg14[%get3A_418, %get3A_419] {strides = array<i32>} : memref<128x64xf32, #tpu.memory_space<vmem>>, vector<16xf32>,
      %get3A_421 = arith.index_cast %scan3A_408 : i32 to index
      %get3A_422 = arith.constant 16 : index
      %get3A_423 = tpu.vector_load %arg13[%get3A_421, %get3A_422] {strides = array<i32>} : memref<256x64xf32, #tpu.memory_space<vmem>>, vector<16xf32>,
      %add3A_424 = arith.addf %get3A_420, %get3A_423 : vector<16xf32>
      %swap3A_425 = arith.index_cast %scan3A_408 : i32 to index
      %swap3A_426 = arith.constant 16 : index
      %swap3A_427 = tpu.vector_load %arg14[%swap3A_425, %swap3A_426] {strides = array<i32>} : memref<128x64xf32, #tpu.memory_space<vmem>>, vector<16xf32>,
      tpu.vector_store %arg14[%swap3A_425, %swap3A_426], %add3A_424 {strides = array<i32>} : memref<128x64xf32, #tpu.memory_space<vmem>>, vector<16xf32>,
      %get3A_428 = arith.index_cast %scan3A_408 : i32 to index
      %get3A_429 = arith.constant 32 : index
      %get3A_430 = tpu.vector_load %arg14[%get3A_428, %get3A_429] {strides = array<i32>} : memref<128x64xf32, #tpu.memory_space<vmem>>, vector<16xf32>,
      %get3A_431 = arith.index_cast %scan3A_408 : i32 to index
      %get3A_432 = arith.constant 32 : index
      %get3A_433 = tpu.vector_load %arg13[%get3A_431, %get3A_432] {strides = array<i32>} : memref<256x64xf32, #tpu.memory_space<vmem>>, vector<16xf32>,
      %add3A_434 = arith.addf %get3A_430, %get3A_433 : vector<16xf32>
      %swap3A_435 = arith.index_cast %scan3A_408 : i32 to index
      %swap3A_436 = arith.constant 32 : index
      %swap3A_437 = tpu.vector_load %arg14[%swap3A_435, %swap3A_436] {strides = array<i32>} : memref<128x64xf32, #tpu.memory_space<vmem>>, vector<16xf32>,
      tpu.vector_store %arg14[%swap3A_435, %swap3A_436], %add3A_434 {strides = array<i32>} : memref<128x64xf32, #tpu.memory_space<vmem>>, vector<16xf32>,
      %get3A_438 = arith.index_cast %scan3A_408 : i32 to index
      %get3A_439 = arith.constant 48 : index
      %get3A_440 = tpu.vector_load %arg14[%get3A_438, %get3A_439] {strides = array<i32>} : memref<128x64xf32, #tpu.memory_space<vmem>>, vector<16xf32>,
      %get3A_441 = arith.index_cast %scan3A_408 : i32 to index
      %get3A_442 = arith.constant 48 : index
      %get3A_443 = tpu.vector_load %arg13[%get3A_441, %get3A_442] {strides = array<i32>} : memref<256x64xf32, #tpu.memory_space<vmem>>, vector<16xf32>,
      %add3A_444 = arith.addf %get3A_440, %get3A_443 : vector<16xf32>
      %swap3A_445 = arith.index_cast %scan3A_408 : i32 to index
      %swap3A_446 = arith.constant 48 : index
      %swap3A_447 = tpu.vector_load %arg14[%swap3A_445, %swap3A_446] {strides = array<i32>} : memref<128x64xf32, #tpu.memory_space<vmem>>, vector<16xf32>,
      tpu.vector_store %arg14[%swap3A_445, %swap3A_446], %add3A_444 {strides = array<i32>} : memref<128x64xf32, #tpu.memory_space<vmem>>, vector<16xf32>,
      %scan3A_448 = arith.constant 0 : i32
      scf.yield %scan3A_448 : i32
    }
    %scan3A_182 = arith.constant 128 : i32
    "tpu.region"() ({
      %run_scoped3A = tpu.sem_alloc : memref<!tpu.dma_semaphore, #tpu.memory_space<semaphore_mem>>
      %dma_start3A_408 = arith.constant 0 : i32
      %dma_start3A_409 = tpu.memref_slice %arg10[%add3A_175, %dma_start3A_408] : memref<20480x64xf32, #tpu.memory_space<hbm>> -> memref<128x64xf32, #tpu.memory_space<hbm>>
      %dma_start3A_410 = arith.constant 0 : i32
      %dma_start3A_411 = tpu.memref_slice %arg10[%add3A_175, %dma_start3A_410] : memref<20480x64xf32, #tpu.memory_space<hbm>> -> memref<128x64xf32, #tpu.memory_space<hbm>>
      tpu.enqueue_dma source(%arg14 : memref<128x64xf32, #tpu.memory_space<vmem>>) target(%dma_start3A_411 : memref<128x64xf32, #tpu.memory_space<hbm>>) target_semaphore(%run_scoped3A : memref<!tpu.dma_semaphore, #tpu.memory_space<semaphore_mem>>)
      %dma_wait3A_412 = arith.constant 0 : i32
      %dma_wait3A_413 = tpu.memref_slice %arg10[%add3A_175, %dma_wait3A_412] : memref<20480x64xf32, #tpu.memory_space<hbm>> -> memref<128x64xf32, #tpu.memory_space<hbm>>
      %dma_wait3A_414 = arith.constant 0 : i32
      %dma_wait3A_415 = tpu.memref_slice %arg10[%add3A_175, %dma_wait3A_414] : memref<20480x64xf32, #tpu.memory_space<hbm>> -> memref<128x64xf32, #tpu.memory_space<hbm>>
      tpu.wait_dma2 semaphore(%run_scoped3A : memref<!tpu.dma_semaphore, #tpu.memory_space<semaphore_mem>>) src(%arg14 : memref<128x64xf32, #tpu.memory_space<vmem>>) dst(%dma_wait3A_415 : memref<128x64xf32, #tpu.memory_space<hbm>>)
      tpu.yield
    }) : () -> ()
    "tpu.region"() ({
      %run_scoped3A = tpu.sem_alloc : memref<!tpu.dma_semaphore, #tpu.memory_space<semaphore_mem>>
      %dma_start3A_408 = arith.constant 0 : i32
      %dma_start3A_409 = tpu.memref_slice %arg5[%add3A_174, %dma_start3A_408] : memref<10240x64xf32, #tpu.memory_space<hbm>> -> memref<128x64xf32, #tpu.memory_space<hbm>>
      %dma_start3A_410 = arith.constant 0 : i32
      %dma_start3A_411 = tpu.memref_slice %arg5[%add3A_174, %dma_start3A_410] : memref<10240x64xf32, #tpu.memory_space<hbm>> -> memref<128x64xf32, #tpu.memory_space<hbm>>
      tpu.enqueue_dma source(%dma_start3A_411 : memref<128x64xf32, #tpu.memory_space<hbm>>) target(%arg14 : memref<128x64xf32, #tpu.memory_space<vmem>>) target_semaphore(%run_scoped3A : memref<!tpu.dma_semaphore, #tpu.memory_space<semaphore_mem>>)
      %dma_wait3A_412 = arith.constant 0 : i32
      %dma_wait3A_413 = tpu.memref_slice %arg5[%add3A_174, %dma_wait3A_412] : memref<10240x64xf32, #tpu.memory_space<hbm>> -> memref<128x64xf32, #tpu.memory_space<hbm>>
      %dma_wait3A_414 = arith.constant 0 : i32
      %dma_wait3A_415 = tpu.memref_slice %arg5[%add3A_174, %dma_wait3A_414] : memref<10240x64xf32, #tpu.memory_space<hbm>> -> memref<128x64xf32, #tpu.memory_space<hbm>>
      tpu.wait_dma2 semaphore(%run_scoped3A : memref<!tpu.dma_semaphore, #tpu.memory_space<semaphore_mem>>) src(%dma_wait3A_415 : memref<128x64xf32, #tpu.memory_space<hbm>>) dst(%arg14 : memref<128x64xf32, #tpu.memory_space<vmem>>)
      tpu.yield
    }) : () -> ()
    %scan3A_183 = arith.constant 0 : i32
    %scan3A_184 = arith.constant 0 : i32
    %scan3A_185 = arith.constant 128 : i32
    %scan3A_186 = arith.addi %scan3A_184, %scan3A_185 : i32
    %scan3A_187 = arith.constant 1 : i32
    %scan3A_188 = scf.for %scan3A_408 = %scan3A_184 to %scan3A_186 step %scan3A_187 iter_args(%scan3A_409 = %scan3A_183) -> (i32)  : i32 {
      %get3A = arith.index_cast %scan3A_408 : i32 to index
      %get3A_410 = arith.constant 0 : index
      %get3A_411 = tpu.vector_load %arg13[%get3A, %get3A_410] {strides = array<i32>} : memref<256x64xf32, #tpu.memory_space<vmem>>, vector<16xf32>,
      %get3A_412 = arith.index_cast %scan3A_408 : i32 to index
      %get3A_413 = arith.constant 0 : index
      %get3A_414 = tpu.vector_load %arg14[%get3A_412, %get3A_413] {strides = array<i32>} : memref<128x64xf32, #tpu.memory_space<vmem>>, vector<16xf32>,
      %mul3A_415 = arith.mulf %get3A_411, %get3A_414 : vector<16xf32>
      %swap3A = arith.index_cast %scan3A_408 : i32 to index
      %swap3A_416 = arith.constant 0 : index
      %swap3A_417 = tpu.vector_load %arg13[%swap3A, %swap3A_416] {strides = array<i32>} : memref<256x64xf32, #tpu.memory_space<vmem>>, vector<16xf32>,
      tpu.vector_store %arg13[%swap3A, %swap3A_416], %mul3A_415 {strides = array<i32>} : memref<256x64xf32, #tpu.memory_space<vmem>>, vector<16xf32>,
      %get3A_418 = arith.index_cast %scan3A_408 : i32 to index
      %get3A_419 = arith.constant 16 : index
      %get3A_420 = tpu.vector_load %arg13[%get3A_418, %get3A_419] {strides = array<i32>} : memref<256x64xf32, #tpu.memory_space<vmem>>, vector<16xf32>,
      %get3A_421 = arith.index_cast %scan3A_408 : i32 to index
      %get3A_422 = arith.constant 16 : index
      %get3A_423 = tpu.vector_load %arg14[%get3A_421, %get3A_422] {strides = array<i32>} : memref<128x64xf32, #tpu.memory_space<vmem>>, vector<16xf32>,
      %mul3A_424 = arith.mulf %get3A_420, %get3A_423 : vector<16xf32>
      %swap3A_425 = arith.index_cast %scan3A_408 : i32 to index
      %swap3A_426 = arith.constant 16 : index
      %swap3A_427 = tpu.vector_load %arg13[%swap3A_425, %swap3A_426] {strides = array<i32>} : memref<256x64xf32, #tpu.memory_space<vmem>>, vector<16xf32>,
      tpu.vector_store %arg13[%swap3A_425, %swap3A_426], %mul3A_424 {strides = array<i32>} : memref<256x64xf32, #tpu.memory_space<vmem>>, vector<16xf32>,
      %get3A_428 = arith.index_cast %scan3A_408 : i32 to index
      %get3A_429 = arith.constant 32 : index
      %get3A_430 = tpu.vector_load %arg13[%get3A_428, %get3A_429] {strides = array<i32>} : memref<256x64xf32, #tpu.memory_space<vmem>>, vector<16xf32>,
      %get3A_431 = arith.index_cast %scan3A_408 : i32 to index
      %get3A_432 = arith.constant 32 : index
      %get3A_433 = tpu.vector_load %arg14[%get3A_431, %get3A_432] {strides = array<i32>} : memref<128x64xf32, #tpu.memory_space<vmem>>, vector<16xf32>,
      %mul3A_434 = arith.mulf %get3A_430, %get3A_433 : vector<16xf32>
      %swap3A_435 = arith.index_cast %scan3A_408 : i32 to index
      %swap3A_436 = arith.constant 32 : index
      %swap3A_437 = tpu.vector_load %arg13[%swap3A_435, %swap3A_436] {strides = array<i32>} : memref<256x64xf32, #tpu.memory_space<vmem>>, vector<16xf32>,
      tpu.vector_store %arg13[%swap3A_435, %swap3A_436], %mul3A_434 {strides = array<i32>} : memref<256x64xf32, #tpu.memory_space<vmem>>, vector<16xf32>,
      %get3A_438 = arith.index_cast %scan3A_408 : i32 to index
      %get3A_439 = arith.constant 48 : index
      %get3A_440 = tpu.vector_load %arg13[%get3A_438, %get3A_439] {strides = array<i32>} : memref<256x64xf32, #tpu.memory_space<vmem>>, vector<16xf32>,
      %get3A_441 = arith.index_cast %scan3A_408 : i32 to index
      %get3A_442 = arith.constant 48 : index
      %get3A_443 = tpu.vector_load %arg14[%get3A_441, %get3A_442] {strides = array<i32>} : memref<128x64xf32, #tpu.memory_space<vmem>>, vector<16xf32>,
      %mul3A_444 = arith.mulf %get3A_440, %get3A_443 : vector<16xf32>
      %swap3A_445 = arith.index_cast %scan3A_408 : i32 to index
      %swap3A_446 = arith.constant 48 : index
      %swap3A_447 = tpu.vector_load %arg13[%swap3A_445, %swap3A_446] {strides = array<i32>} : memref<256x64xf32, #tpu.memory_space<vmem>>, vector<16xf32>,
      tpu.vector_store %arg13[%swap3A_445, %swap3A_446], %mul3A_444 {strides = array<i32>} : memref<256x64xf32, #tpu.memory_space<vmem>>, vector<16xf32>,
      %scan3A_448 = arith.constant 0 : i32
      scf.yield %scan3A_448 : i32
    }
    %scan3A_189 = arith.constant 128 : i32
    "tpu.region"() ({
      %run_scoped3A = tpu.sem_alloc : memref<!tpu.dma_semaphore, #tpu.memory_space<semaphore_mem>>
      %dma_start3A_408 = arith.constant 0 : i32
      %dma_start3A_409 = arith.constant 0 : i32
      %dma_start3A_410 = tpu.memref_slice %arg13[%dma_start3A_408, %dma_start3A_409] : memref<256x64xf32, #tpu.memory_space<vmem>> -> memref<128x64xf32, #tpu.memory_space<vmem>>
      %dma_start3A_411 = arith.constant 0 : i32
      %dma_start3A_412 = tpu.memref_slice %arg15[%add3A_174, %dma_start3A_411] : memref<10240x64xf32, #tpu.memory_space<vmem_shared>> -> memref<128x64xf32, #tpu.memory_space<vmem_shared>>
      %dma_start3A_413 = arith.constant 0 : i32
      %dma_start3A_414 = tpu.memref_slice %arg15[%add3A_174, %dma_start3A_413] : memref<10240x64xf32, #tpu.memory_space<vmem_shared>> -> memref<128x64xf32, #tpu.memory_space<vmem_shared>>
      %dma_start3A_415 = arith.constant 0 : i32
      %dma_start3A_416 = arith.constant 0 : i32
      %dma_start3A_417 = tpu.memref_slice %arg13[%dma_start3A_415, %dma_start3A_416] : memref<256x64xf32, #tpu.memory_space<vmem>> -> memref<128x64xf32, #tpu.memory_space<vmem>>
      tpu.enqueue_dma source(%dma_start3A_417 : memref<128x64xf32, #tpu.memory_space<vmem>>) target(%dma_start3A_414 : memref<128x64xf32, #tpu.memory_space<vmem_shared>>) target_semaphore(%run_scoped3A : memref<!tpu.dma_semaphore, #tpu.memory_space<semaphore_mem>>)
      %dma_wait3A_418 = arith.constant 0 : i32
      %dma_wait3A_419 = arith.constant 0 : i32
      %dma_wait3A_420 = tpu.memref_slice %arg13[%dma_wait3A_418, %dma_wait3A_419] : memref<256x64xf32, #tpu.memory_space<vmem>> -> memref<128x64xf32, #tpu.memory_space<vmem>>
      %dma_wait3A_421 = arith.constant 0 : i32
      %dma_wait3A_422 = tpu.memref_slice %arg15[%add3A_174, %dma_wait3A_421] : memref<10240x64xf32, #tpu.memory_space<vmem_shared>> -> memref<128x64xf32, #tpu.memory_space<vmem_shared>>
      %dma_wait3A_423 = arith.constant 0 : i32
      %dma_wait3A_424 = tpu.memref_slice %arg15[%add3A_174, %dma_wait3A_423] : memref<10240x64xf32, #tpu.memory_space<vmem_shared>> -> memref<128x64xf32, #tpu.memory_space<vmem_shared>>
      %dma_wait3A_425 = arith.constant 0 : i32
      %dma_wait3A_426 = arith.constant 0 : i32
      %dma_wait3A_427 = tpu.memref_slice %arg13[%dma_wait3A_425, %dma_wait3A_426] : memref<256x64xf32, #tpu.memory_space<vmem>> -> memref<128x64xf32, #tpu.memory_space<vmem>>
      tpu.wait_dma2 semaphore(%run_scoped3A : memref<!tpu.dma_semaphore, #tpu.memory_space<semaphore_mem>>) src(%dma_wait3A_427 : memref<128x64xf32, #tpu.memory_space<vmem>>) dst(%dma_wait3A_424 : memref<128x64xf32, #tpu.memory_space<vmem_shared>>)
      tpu.yield
    }) : () -> ()
    %add3A_190 = arith.constant 256 : i32
    %add3A_191 = arith.addi %mul3A_2, %add3A_190 : i32
    %add3A_192 = arith.addi %mul3A_4, %add3A_191 : i32
    "tpu.region"() ({
      %run_scoped3A = tpu.sem_alloc : memref<!tpu.dma_semaphore, #tpu.memory_space<semaphore_mem>>
      %dma_start3A_408 = arith.constant 0 : i32
      %dma_start3A_409 = arith.constant 0 : i32
      %dma_start3A_410 = tpu.memref_slice %arg13[%dma_start3A_408, %dma_start3A_409] : memref<256x64xf32, #tpu.memory_space<vmem>> -> memref<128x64xf32, #tpu.memory_space<vmem>>
      %dma_start3A_411 = arith.constant 0 : i32
      %dma_start3A_412 = tpu.memref_slice %arg16[%add3A_191, %dma_start3A_411] : memref<10240x64xf32, #tpu.memory_space<vmem_shared>> -> memref<128x64xf32, #tpu.memory_space<vmem_shared>>
      %dma_start3A_413 = arith.constant 0 : i32
      %dma_start3A_414 = arith.constant 0 : i32
      %dma_start3A_415 = tpu.memref_slice %arg13[%dma_start3A_413, %dma_start3A_414] : memref<256x64xf32, #tpu.memory_space<vmem>> -> memref<128x64xf32, #tpu.memory_space<vmem>>
      %dma_start3A_416 = arith.constant 0 : i32
      %dma_start3A_417 = tpu.memref_slice %arg16[%add3A_191, %dma_start3A_416] : memref<10240x64xf32, #tpu.memory_space<vmem_shared>> -> memref<128x64xf32, #tpu.memory_space<vmem_shared>>
      tpu.enqueue_dma source(%dma_start3A_417 : memref<128x64xf32, #tpu.memory_space<vmem_shared>>) target(%dma_start3A_415 : memref<128x64xf32, #tpu.memory_space<vmem>>) target_semaphore(%run_scoped3A : memref<!tpu.dma_semaphore, #tpu.memory_space<semaphore_mem>>)
      %dma_wait3A_418 = arith.constant 0 : i32
      %dma_wait3A_419 = arith.constant 0 : i32
      %dma_wait3A_420 = tpu.memref_slice %arg13[%dma_wait3A_418, %dma_wait3A_419] : memref<256x64xf32, #tpu.memory_space<vmem>> -> memref<128x64xf32, #tpu.memory_space<vmem>>
      %dma_wait3A_421 = arith.constant 0 : i32
      %dma_wait3A_422 = tpu.memref_slice %arg16[%add3A_191, %dma_wait3A_421] : memref<10240x64xf32, #tpu.memory_space<vmem_shared>> -> memref<128x64xf32, #tpu.memory_space<vmem_shared>>
      %dma_wait3A_423 = arith.constant 0 : i32
      %dma_wait3A_424 = arith.constant 0 : i32
      %dma_wait3A_425 = tpu.memref_slice %arg13[%dma_wait3A_423, %dma_wait3A_424] : memref<256x64xf32, #tpu.memory_space<vmem>> -> memref<128x64xf32, #tpu.memory_space<vmem>>
      %dma_wait3A_426 = arith.constant 0 : i32
      %dma_wait3A_427 = tpu.memref_slice %arg16[%add3A_191, %dma_wait3A_426] : memref<10240x64xf32, #tpu.memory_space<vmem_shared>> -> memref<128x64xf32, #tpu.memory_space<vmem_shared>>
      tpu.wait_dma2 semaphore(%run_scoped3A : memref<!tpu.dma_semaphore, #tpu.memory_space<semaphore_mem>>) src(%dma_wait3A_427 : memref<128x64xf32, #tpu.memory_space<vmem_shared>>) dst(%dma_wait3A_425 : memref<128x64xf32, #tpu.memory_space<vmem>>)
      tpu.yield
    }) : () -> ()
    "tpu.region"() ({
      %run_scoped3A = tpu.sem_alloc : memref<!tpu.dma_semaphore, #tpu.memory_space<semaphore_mem>>
      %dma_start3A_408 = arith.constant 0 : i32
      %dma_start3A_409 = tpu.memref_slice %arg10[%add3A_192, %dma_start3A_408] : memref<20480x64xf32, #tpu.memory_space<hbm>> -> memref<128x64xf32, #tpu.memory_space<hbm>>
      %dma_start3A_410 = arith.constant 0 : i32
      %dma_start3A_411 = tpu.memref_slice %arg10[%add3A_192, %dma_start3A_410] : memref<20480x64xf32, #tpu.memory_space<hbm>> -> memref<128x64xf32, #tpu.memory_space<hbm>>
      tpu.enqueue_dma source(%dma_start3A_411 : memref<128x64xf32, #tpu.memory_space<hbm>>) target(%arg14 : memref<128x64xf32, #tpu.memory_space<vmem>>) target_semaphore(%run_scoped3A : memref<!tpu.dma_semaphore, #tpu.memory_space<semaphore_mem>>)
      %dma_wait3A_412 = arith.constant 0 : i32
      %dma_wait3A_413 = tpu.memref_slice %arg10[%add3A_192, %dma_wait3A_412] : memref<20480x64xf32, #tpu.memory_space<hbm>> -> memref<128x64xf32, #tpu.memory_space<hbm>>
      %dma_wait3A_414 = arith.constant 0 : i32
      %dma_wait3A_415 = tpu.memref_slice %arg10[%add3A_192, %dma_wait3A_414] : memref<20480x64xf32, #tpu.memory_space<hbm>> -> memref<128x64xf32, #tpu.memory_space<hbm>>
      tpu.wait_dma2 semaphore(%run_scoped3A : memref<!tpu.dma_semaphore, #tpu.memory_space<semaphore_mem>>) src(%dma_wait3A_415 : memref<128x64xf32, #tpu.memory_space<hbm>>) dst(%arg14 : memref<128x64xf32, #tpu.memory_space<vmem>>)
      tpu.yield
    }) : () -> ()
    %scan3A_193 = arith.constant 0 : i32
    %scan3A_194 = arith.constant 0 : i32
    %scan3A_195 = arith.constant 128 : i32
    %scan3A_196 = arith.addi %scan3A_194, %scan3A_195 : i32
    %scan3A_197 = arith.constant 1 : i32
    %scan3A_198 = scf.for %scan3A_408 = %scan3A_194 to %scan3A_196 step %scan3A_197 iter_args(%scan3A_409 = %scan3A_193) -> (i32)  : i32 {
      %get3A = arith.index_cast %scan3A_408 : i32 to index
      %get3A_410 = arith.constant 0 : index
      %get3A_411 = tpu.vector_load %arg14[%get3A, %get3A_410] {strides = array<i32>} : memref<128x64xf32, #tpu.memory_space<vmem>>, vector<16xf32>,
      %get3A_412 = arith.index_cast %scan3A_408 : i32 to index
      %get3A_413 = arith.constant 0 : index
      %get3A_414 = tpu.vector_load %arg13[%get3A_412, %get3A_413] {strides = array<i32>} : memref<256x64xf32, #tpu.memory_space<vmem>>, vector<16xf32>,
      %add3A_415 = arith.addf %get3A_411, %get3A_414 : vector<16xf32>
      %swap3A = arith.index_cast %scan3A_408 : i32 to index
      %swap3A_416 = arith.constant 0 : index
      %swap3A_417 = tpu.vector_load %arg14[%swap3A, %swap3A_416] {strides = array<i32>} : memref<128x64xf32, #tpu.memory_space<vmem>>, vector<16xf32>,
      tpu.vector_store %arg14[%swap3A, %swap3A_416], %add3A_415 {strides = array<i32>} : memref<128x64xf32, #tpu.memory_space<vmem>>, vector<16xf32>,
      %get3A_418 = arith.index_cast %scan3A_408 : i32 to index
      %get3A_419 = arith.constant 16 : index
      %get3A_420 = tpu.vector_load %arg14[%get3A_418, %get3A_419] {strides = array<i32>} : memref<128x64xf32, #tpu.memory_space<vmem>>, vector<16xf32>,
      %get3A_421 = arith.index_cast %scan3A_408 : i32 to index
      %get3A_422 = arith.constant 16 : index
      %get3A_423 = tpu.vector_load %arg13[%get3A_421, %get3A_422] {strides = array<i32>} : memref<256x64xf32, #tpu.memory_space<vmem>>, vector<16xf32>,
      %add3A_424 = arith.addf %get3A_420, %get3A_423 : vector<16xf32>
      %swap3A_425 = arith.index_cast %scan3A_408 : i32 to index
      %swap3A_426 = arith.constant 16 : index
      %swap3A_427 = tpu.vector_load %arg14[%swap3A_425, %swap3A_426] {strides = array<i32>} : memref<128x64xf32, #tpu.memory_space<vmem>>, vector<16xf32>,
      tpu.vector_store %arg14[%swap3A_425, %swap3A_426], %add3A_424 {strides = array<i32>} : memref<128x64xf32, #tpu.memory_space<vmem>>, vector<16xf32>,
      %get3A_428 = arith.index_cast %scan3A_408 : i32 to index
      %get3A_429 = arith.constant 32 : index
      %get3A_430 = tpu.vector_load %arg14[%get3A_428, %get3A_429] {strides = array<i32>} : memref<128x64xf32, #tpu.memory_space<vmem>>, vector<16xf32>,
      %get3A_431 = arith.index_cast %scan3A_408 : i32 to index
      %get3A_432 = arith.constant 32 : index
      %get3A_433 = tpu.vector_load %arg13[%get3A_431, %get3A_432] {strides = array<i32>} : memref<256x64xf32, #tpu.memory_space<vmem>>, vector<16xf32>,
      %add3A_434 = arith.addf %get3A_430, %get3A_433 : vector<16xf32>
      %swap3A_435 = arith.index_cast %scan3A_408 : i32 to index
      %swap3A_436 = arith.constant 32 : index
      %swap3A_437 = tpu.vector_load %arg14[%swap3A_435, %swap3A_436] {strides = array<i32>} : memref<128x64xf32, #tpu.memory_space<vmem>>, vector<16xf32>,
      tpu.vector_store %arg14[%swap3A_435, %swap3A_436], %add3A_434 {strides = array<i32>} : memref<128x64xf32, #tpu.memory_space<vmem>>, vector<16xf32>,
      %get3A_438 = arith.index_cast %scan3A_408 : i32 to index
      %get3A_439 = arith.constant 48 : index
      %get3A_440 = tpu.vector_load %arg14[%get3A_438, %get3A_439] {strides = array<i32>} : memref<128x64xf32, #tpu.memory_space<vmem>>, vector<16xf32>,
      %get3A_441 = arith.index_cast %scan3A_408 : i32 to index
      %get3A_442 = arith.constant 48 : index
      %get3A_443 = tpu.vector_load %arg13[%get3A_441, %get3A_442] {strides = array<i32>} : memref<256x64xf32, #tpu.memory_space<vmem>>, vector<16xf32>,
      %add3A_444 = arith.addf %get3A_440, %get3A_443 : vector<16xf32>
      %swap3A_445 = arith.index_cast %scan3A_408 : i32 to index
      %swap3A_446 = arith.constant 48 : index
      %swap3A_447 = tpu.vector_load %arg14[%swap3A_445, %swap3A_446] {strides = array<i32>} : memref<128x64xf32, #tpu.memory_space<vmem>>, vector<16xf32>,
      tpu.vector_store %arg14[%swap3A_445, %swap3A_446], %add3A_444 {strides = array<i32>} : memref<128x64xf32, #tpu.memory_space<vmem>>, vector<16xf32>,
      %scan3A_448 = arith.constant 0 : i32
      scf.yield %scan3A_448 : i32
    }
    %scan3A_199 = arith.constant 128 : i32
    "tpu.region"() ({
      %run_scoped3A = tpu.sem_alloc : memref<!tpu.dma_semaphore, #tpu.memory_space<semaphore_mem>>
      %dma_start3A_408 = arith.constant 0 : i32
      %dma_start3A_409 = tpu.memref_slice %arg10[%add3A_192, %dma_start3A_408] : memref<20480x64xf32, #tpu.memory_space<hbm>> -> memref<128x64xf32, #tpu.memory_space<hbm>>
      %dma_start3A_410 = arith.constant 0 : i32
      %dma_start3A_411 = tpu.memref_slice %arg10[%add3A_192, %dma_start3A_410] : memref<20480x64xf32, #tpu.memory_space<hbm>> -> memref<128x64xf32, #tpu.memory_space<hbm>>
      tpu.enqueue_dma source(%arg14 : memref<128x64xf32, #tpu.memory_space<vmem>>) target(%dma_start3A_411 : memref<128x64xf32, #tpu.memory_space<hbm>>) target_semaphore(%run_scoped3A : memref<!tpu.dma_semaphore, #tpu.memory_space<semaphore_mem>>)
      %dma_wait3A_412 = arith.constant 0 : i32
      %dma_wait3A_413 = tpu.memref_slice %arg10[%add3A_192, %dma_wait3A_412] : memref<20480x64xf32, #tpu.memory_space<hbm>> -> memref<128x64xf32, #tpu.memory_space<hbm>>
      %dma_wait3A_414 = arith.constant 0 : i32
      %dma_wait3A_415 = tpu.memref_slice %arg10[%add3A_192, %dma_wait3A_414] : memref<20480x64xf32, #tpu.memory_space<hbm>> -> memref<128x64xf32, #tpu.memory_space<hbm>>
      tpu.wait_dma2 semaphore(%run_scoped3A : memref<!tpu.dma_semaphore, #tpu.memory_space<semaphore_mem>>) src(%arg14 : memref<128x64xf32, #tpu.memory_space<vmem>>) dst(%dma_wait3A_415 : memref<128x64xf32, #tpu.memory_space<hbm>>)
      tpu.yield
    }) : () -> ()
    "tpu.region"() ({
      %run_scoped3A = tpu.sem_alloc : memref<!tpu.dma_semaphore, #tpu.memory_space<semaphore_mem>>
      %dma_start3A_408 = arith.constant 0 : i32
      %dma_start3A_409 = tpu.memref_slice %arg5[%add3A_191, %dma_start3A_408] : memref<10240x64xf32, #tpu.memory_space<hbm>> -> memref<128x64xf32, #tpu.memory_space<hbm>>
      %dma_start3A_410 = arith.constant 0 : i32
      %dma_start3A_411 = tpu.memref_slice %arg5[%add3A_191, %dma_start3A_410] : memref<10240x64xf32, #tpu.memory_space<hbm>> -> memref<128x64xf32, #tpu.memory_space<hbm>>
      tpu.enqueue_dma source(%dma_start3A_411 : memref<128x64xf32, #tpu.memory_space<hbm>>) target(%arg14 : memref<128x64xf32, #tpu.memory_space<vmem>>) target_semaphore(%run_scoped3A : memref<!tpu.dma_semaphore, #tpu.memory_space<semaphore_mem>>)
      %dma_wait3A_412 = arith.constant 0 : i32
      %dma_wait3A_413 = tpu.memref_slice %arg5[%add3A_191, %dma_wait3A_412] : memref<10240x64xf32, #tpu.memory_space<hbm>> -> memref<128x64xf32, #tpu.memory_space<hbm>>
      %dma_wait3A_414 = arith.constant 0 : i32
      %dma_wait3A_415 = tpu.memref_slice %arg5[%add3A_191, %dma_wait3A_414] : memref<10240x64xf32, #tpu.memory_space<hbm>> -> memref<128x64xf32, #tpu.memory_space<hbm>>
      tpu.wait_dma2 semaphore(%run_scoped3A : memref<!tpu.dma_semaphore, #tpu.memory_space<semaphore_mem>>) src(%dma_wait3A_415 : memref<128x64xf32, #tpu.memory_space<hbm>>) dst(%arg14 : memref<128x64xf32, #tpu.memory_space<vmem>>)
      tpu.yield
    }) : () -> ()
    %scan3A_200 = arith.constant 0 : i32
    %scan3A_201 = arith.constant 0 : i32
    %scan3A_202 = arith.constant 128 : i32
    %scan3A_203 = arith.addi %scan3A_201, %scan3A_202 : i32
    %scan3A_204 = arith.constant 1 : i32
    %scan3A_205 = scf.for %scan3A_408 = %scan3A_201 to %scan3A_203 step %scan3A_204 iter_args(%scan3A_409 = %scan3A_200) -> (i32)  : i32 {
      %get3A = arith.index_cast %scan3A_408 : i32 to index
      %get3A_410 = arith.constant 0 : index
      %get3A_411 = tpu.vector_load %arg13[%get3A, %get3A_410] {strides = array<i32>} : memref<256x64xf32, #tpu.memory_space<vmem>>, vector<16xf32>,
      %get3A_412 = arith.index_cast %scan3A_408 : i32 to index
      %get3A_413 = arith.constant 0 : index
      %get3A_414 = tpu.vector_load %arg14[%get3A_412, %get3A_413] {strides = array<i32>} : memref<128x64xf32, #tpu.memory_space<vmem>>, vector<16xf32>,
      %mul3A_415 = arith.mulf %get3A_411, %get3A_414 : vector<16xf32>
      %swap3A = arith.index_cast %scan3A_408 : i32 to index
      %swap3A_416 = arith.constant 0 : index
      %swap3A_417 = tpu.vector_load %arg13[%swap3A, %swap3A_416] {strides = array<i32>} : memref<256x64xf32, #tpu.memory_space<vmem>>, vector<16xf32>,
      tpu.vector_store %arg13[%swap3A, %swap3A_416], %mul3A_415 {strides = array<i32>} : memref<256x64xf32, #tpu.memory_space<vmem>>, vector<16xf32>,
      %get3A_418 = arith.index_cast %scan3A_408 : i32 to index
      %get3A_419 = arith.constant 16 : index
      %get3A_420 = tpu.vector_load %arg13[%get3A_418, %get3A_419] {strides = array<i32>} : memref<256x64xf32, #tpu.memory_space<vmem>>, vector<16xf32>,
      %get3A_421 = arith.index_cast %scan3A_408 : i32 to index
      %get3A_422 = arith.constant 16 : index
      %get3A_423 = tpu.vector_load %arg14[%get3A_421, %get3A_422] {strides = array<i32>} : memref<128x64xf32, #tpu.memory_space<vmem>>, vector<16xf32>,
      %mul3A_424 = arith.mulf %get3A_420, %get3A_423 : vector<16xf32>
      %swap3A_425 = arith.index_cast %scan3A_408 : i32 to index
      %swap3A_426 = arith.constant 16 : index
      %swap3A_427 = tpu.vector_load %arg13[%swap3A_425, %swap3A_426] {strides = array<i32>} : memref<256x64xf32, #tpu.memory_space<vmem>>, vector<16xf32>,
      tpu.vector_store %arg13[%swap3A_425, %swap3A_426], %mul3A_424 {strides = array<i32>} : memref<256x64xf32, #tpu.memory_space<vmem>>, vector<16xf32>,
      %get3A_428 = arith.index_cast %scan3A_408 : i32 to index
      %get3A_429 = arith.constant 32 : index
      %get3A_430 = tpu.vector_load %arg13[%get3A_428, %get3A_429] {strides = array<i32>} : memref<256x64xf32, #tpu.memory_space<vmem>>, vector<16xf32>,
      %get3A_431 = arith.index_cast %scan3A_408 : i32 to index
      %get3A_432 = arith.constant 32 : index
      %get3A_433 = tpu.vector_load %arg14[%get3A_431, %get3A_432] {strides = array<i32>} : memref<128x64xf32, #tpu.memory_space<vmem>>, vector<16xf32>,
      %mul3A_434 = arith.mulf %get3A_430, %get3A_433 : vector<16xf32>
      %swap3A_435 = arith.index_cast %scan3A_408 : i32 to index
      %swap3A_436 = arith.constant 32 : index
      %swap3A_437 = tpu.vector_load %arg13[%swap3A_435, %swap3A_436] {strides = array<i32>} : memref<256x64xf32, #tpu.memory_space<vmem>>, vector<16xf32>,
      tpu.vector_store %arg13[%swap3A_435, %swap3A_436], %mul3A_434 {strides = array<i32>} : memref<256x64xf32, #tpu.memory_space<vmem>>, vector<16xf32>,
      %get3A_438 = arith.index_cast %scan3A_408 : i32 to index
      %get3A_439 = arith.constant 48 : index
      %get3A_440 = tpu.vector_load %arg13[%get3A_438, %get3A_439] {strides = array<i32>} : memref<256x64xf32, #tpu.memory_space<vmem>>, vector<16xf32>,
      %get3A_441 = arith.index_cast %scan3A_408 : i32 to index
      %get3A_442 = arith.constant 48 : index
      %get3A_443 = tpu.vector_load %arg14[%get3A_441, %get3A_442] {strides = array<i32>} : memref<128x64xf32, #tpu.memory_space<vmem>>, vector<16xf32>,
      %mul3A_444 = arith.mulf %get3A_440, %get3A_443 : vector<16xf32>
      %swap3A_445 = arith.index_cast %scan3A_408 : i32 to index
      %swap3A_446 = arith.constant 48 : index
      %swap3A_447 = tpu.vector_load %arg13[%swap3A_445, %swap3A_446] {strides = array<i32>} : memref<256x64xf32, #tpu.memory_space<vmem>>, vector<16xf32>,
      tpu.vector_store %arg13[%swap3A_445, %swap3A_446], %mul3A_444 {strides = array<i32>} : memref<256x64xf32, #tpu.memory_space<vmem>>, vector<16xf32>,
      %scan3A_448 = arith.constant 0 : i32
      scf.yield %scan3A_448 : i32
    }
    %scan3A_206 = arith.constant 128 : i32
    "tpu.region"() ({
      %run_scoped3A = tpu.sem_alloc : memref<!tpu.dma_semaphore, #tpu.memory_space<semaphore_mem>>
      %dma_start3A_408 = arith.constant 0 : i32
      %dma_start3A_409 = arith.constant 0 : i32
      %dma_start3A_410 = tpu.memref_slice %arg13[%dma_start3A_408, %dma_start3A_409] : memref<256x64xf32, #tpu.memory_space<vmem>> -> memref<128x64xf32, #tpu.memory_space<vmem>>
      %dma_start3A_411 = arith.constant 0 : i32
      %dma_start3A_412 = tpu.memref_slice %arg15[%add3A_191, %dma_start3A_411] : memref<10240x64xf32, #tpu.memory_space<vmem_shared>> -> memref<128x64xf32, #tpu.memory_space<vmem_shared>>
      %dma_start3A_413 = arith.constant 0 : i32
      %dma_start3A_414 = tpu.memref_slice %arg15[%add3A_191, %dma_start3A_413] : memref<10240x64xf32, #tpu.memory_space<vmem_shared>> -> memref<128x64xf32, #tpu.memory_space<vmem_shared>>
      %dma_start3A_415 = arith.constant 0 : i32
      %dma_start3A_416 = arith.constant 0 : i32
      %dma_start3A_417 = tpu.memref_slice %arg13[%dma_start3A_415, %dma_start3A_416] : memref<256x64xf32, #tpu.memory_space<vmem>> -> memref<128x64xf32, #tpu.memory_space<vmem>>
      tpu.enqueue_dma source(%dma_start3A_417 : memref<128x64xf32, #tpu.memory_space<vmem>>) target(%dma_start3A_414 : memref<128x64xf32, #tpu.memory_space<vmem_shared>>) target_semaphore(%run_scoped3A : memref<!tpu.dma_semaphore, #tpu.memory_space<semaphore_mem>>)
      %dma_wait3A_418 = arith.constant 0 : i32
      %dma_wait3A_419 = arith.constant 0 : i32
      %dma_wait3A_420 = tpu.memref_slice %arg13[%dma_wait3A_418, %dma_wait3A_419] : memref<256x64xf32, #tpu.memory_space<vmem>> -> memref<128x64xf32, #tpu.memory_space<vmem>>
      %dma_wait3A_421 = arith.constant 0 : i32
      %dma_wait3A_422 = tpu.memref_slice %arg15[%add3A_191, %dma_wait3A_421] : memref<10240x64xf32, #tpu.memory_space<vmem_shared>> -> memref<128x64xf32, #tpu.memory_space<vmem_shared>>
      %dma_wait3A_423 = arith.constant 0 : i32
      %dma_wait3A_424 = tpu.memref_slice %arg15[%add3A_191, %dma_wait3A_423] : memref<10240x64xf32, #tpu.memory_space<vmem_shared>> -> memref<128x64xf32, #tpu.memory_space<vmem_shared>>
      %dma_wait3A_425 = arith.constant 0 : i32
      %dma_wait3A_426 = arith.constant 0 : i32
      %dma_wait3A_427 = tpu.memref_slice %arg13[%dma_wait3A_425, %dma_wait3A_426] : memref<256x64xf32, #tpu.memory_space<vmem>> -> memref<128x64xf32, #tpu.memory_space<vmem>>
      tpu.wait_dma2 semaphore(%run_scoped3A : memref<!tpu.dma_semaphore, #tpu.memory_space<semaphore_mem>>) src(%dma_wait3A_427 : memref<128x64xf32, #tpu.memory_space<vmem>>) dst(%dma_wait3A_424 : memref<128x64xf32, #tpu.memory_space<vmem_shared>>)
      tpu.yield
    }) : () -> ()
    %add3A_207 = arith.constant 384 : i32
    %add3A_208 = arith.addi %mul3A_2, %add3A_207 : i32
    %add3A_209 = arith.addi %mul3A_4, %add3A_208 : i32
    "tpu.region"() ({
      %run_scoped3A = tpu.sem_alloc : memref<!tpu.dma_semaphore, #tpu.memory_space<semaphore_mem>>
      %dma_start3A_408 = arith.constant 0 : i32
      %dma_start3A_409 = arith.constant 0 : i32
      %dma_start3A_410 = tpu.memref_slice %arg13[%dma_start3A_408, %dma_start3A_409] : memref<256x64xf32, #tpu.memory_space<vmem>> -> memref<128x64xf32, #tpu.memory_space<vmem>>
      %dma_start3A_411 = arith.constant 0 : i32
      %dma_start3A_412 = tpu.memref_slice %arg16[%add3A_208, %dma_start3A_411] : memref<10240x64xf32, #tpu.memory_space<vmem_shared>> -> memref<128x64xf32, #tpu.memory_space<vmem_shared>>
      %dma_start3A_413 = arith.constant 0 : i32
      %dma_start3A_414 = arith.constant 0 : i32
      %dma_start3A_415 = tpu.memref_slice %arg13[%dma_start3A_413, %dma_start3A_414] : memref<256x64xf32, #tpu.memory_space<vmem>> -> memref<128x64xf32, #tpu.memory_space<vmem>>
      %dma_start3A_416 = arith.constant 0 : i32
      %dma_start3A_417 = tpu.memref_slice %arg16[%add3A_208, %dma_start3A_416] : memref<10240x64xf32, #tpu.memory_space<vmem_shared>> -> memref<128x64xf32, #tpu.memory_space<vmem_shared>>
      tpu.enqueue_dma source(%dma_start3A_417 : memref<128x64xf32, #tpu.memory_space<vmem_shared>>) target(%dma_start3A_415 : memref<128x64xf32, #tpu.memory_space<vmem>>) target_semaphore(%run_scoped3A : memref<!tpu.dma_semaphore, #tpu.memory_space<semaphore_mem>>)
      %dma_wait3A_418 = arith.constant 0 : i32
      %dma_wait3A_419 = arith.constant 0 : i32
      %dma_wait3A_420 = tpu.memref_slice %arg13[%dma_wait3A_418, %dma_wait3A_419] : memref<256x64xf32, #tpu.memory_space<vmem>> -> memref<128x64xf32, #tpu.memory_space<vmem>>
      %dma_wait3A_421 = arith.constant 0 : i32
      %dma_wait3A_422 = tpu.memref_slice %arg16[%add3A_208, %dma_wait3A_421] : memref<10240x64xf32, #tpu.memory_space<vmem_shared>> -> memref<128x64xf32, #tpu.memory_space<vmem_shared>>
      %dma_wait3A_423 = arith.constant 0 : i32
      %dma_wait3A_424 = arith.constant 0 : i32
      %dma_wait3A_425 = tpu.memref_slice %arg13[%dma_wait3A_423, %dma_wait3A_424] : memref<256x64xf32, #tpu.memory_space<vmem>> -> memref<128x64xf32, #tpu.memory_space<vmem>>
      %dma_wait3A_426 = arith.constant 0 : i32
      %dma_wait3A_427 = tpu.memref_slice %arg16[%add3A_208, %dma_wait3A_426] : memref<10240x64xf32, #tpu.memory_space<vmem_shared>> -> memref<128x64xf32, #tpu.memory_space<vmem_shared>>
      tpu.wait_dma2 semaphore(%run_scoped3A : memref<!tpu.dma_semaphore, #tpu.memory_space<semaphore_mem>>) src(%dma_wait3A_427 : memref<128x64xf32, #tpu.memory_space<vmem_shared>>) dst(%dma_wait3A_425 : memref<128x64xf32, #tpu.memory_space<vmem>>)
      tpu.yield
    }) : () -> ()
    "tpu.region"() ({
      %run_scoped3A = tpu.sem_alloc : memref<!tpu.dma_semaphore, #tpu.memory_space<semaphore_mem>>
      %dma_start3A_408 = arith.constant 0 : i32
      %dma_start3A_409 = tpu.memref_slice %arg10[%add3A_209, %dma_start3A_408] : memref<20480x64xf32, #tpu.memory_space<hbm>> -> memref<128x64xf32, #tpu.memory_space<hbm>>
      %dma_start3A_410 = arith.constant 0 : i32
      %dma_start3A_411 = tpu.memref_slice %arg10[%add3A_209, %dma_start3A_410] : memref<20480x64xf32, #tpu.memory_space<hbm>> -> memref<128x64xf32, #tpu.memory_space<hbm>>
      tpu.enqueue_dma source(%dma_start3A_411 : memref<128x64xf32, #tpu.memory_space<hbm>>) target(%arg14 : memref<128x64xf32, #tpu.memory_space<vmem>>) target_semaphore(%run_scoped3A : memref<!tpu.dma_semaphore, #tpu.memory_space<semaphore_mem>>)
      %dma_wait3A_412 = arith.constant 0 : i32
      %dma_wait3A_413 = tpu.memref_slice %arg10[%add3A_209, %dma_wait3A_412] : memref<20480x64xf32, #tpu.memory_space<hbm>> -> memref<128x64xf32, #tpu.memory_space<hbm>>
      %dma_wait3A_414 = arith.constant 0 : i32
      %dma_wait3A_415 = tpu.memref_slice %arg10[%add3A_209, %dma_wait3A_414] : memref<20480x64xf32, #tpu.memory_space<hbm>> -> memref<128x64xf32, #tpu.memory_space<hbm>>
      tpu.wait_dma2 semaphore(%run_scoped3A : memref<!tpu.dma_semaphore, #tpu.memory_space<semaphore_mem>>) src(%dma_wait3A_415 : memref<128x64xf32, #tpu.memory_space<hbm>>) dst(%arg14 : memref<128x64xf32, #tpu.memory_space<vmem>>)
      tpu.yield
    }) : () -> ()
    %scan3A_210 = arith.constant 0 : i32
    %scan3A_211 = arith.constant 0 : i32
    %scan3A_212 = arith.constant 128 : i32
    %scan3A_213 = arith.addi %scan3A_211, %scan3A_212 : i32
    %scan3A_214 = arith.constant 1 : i32
    %scan3A_215 = scf.for %scan3A_408 = %scan3A_211 to %scan3A_213 step %scan3A_214 iter_args(%scan3A_409 = %scan3A_210) -> (i32)  : i32 {
      %get3A = arith.index_cast %scan3A_408 : i32 to index
      %get3A_410 = arith.constant 0 : index
      %get3A_411 = tpu.vector_load %arg14[%get3A, %get3A_410] {strides = array<i32>} : memref<128x64xf32, #tpu.memory_space<vmem>>, vector<16xf32>,
      %get3A_412 = arith.index_cast %scan3A_408 : i32 to index
      %get3A_413 = arith.constant 0 : index
      %get3A_414 = tpu.vector_load %arg13[%get3A_412, %get3A_413] {strides = array<i32>} : memref<256x64xf32, #tpu.memory_space<vmem>>, vector<16xf32>,
      %add3A_415 = arith.addf %get3A_411, %get3A_414 : vector<16xf32>
      %swap3A = arith.index_cast %scan3A_408 : i32 to index
      %swap3A_416 = arith.constant 0 : index
      %swap3A_417 = tpu.vector_load %arg14[%swap3A, %swap3A_416] {strides = array<i32>} : memref<128x64xf32, #tpu.memory_space<vmem>>, vector<16xf32>,
      tpu.vector_store %arg14[%swap3A, %swap3A_416], %add3A_415 {strides = array<i32>} : memref<128x64xf32, #tpu.memory_space<vmem>>, vector<16xf32>,
      %get3A_418 = arith.index_cast %scan3A_408 : i32 to index
      %get3A_419 = arith.constant 16 : index
      %get3A_420 = tpu.vector_load %arg14[%get3A_418, %get3A_419] {strides = array<i32>} : memref<128x64xf32, #tpu.memory_space<vmem>>, vector<16xf32>,
      %get3A_421 = arith.index_cast %scan3A_408 : i32 to index
      %get3A_422 = arith.constant 16 : index
      %get3A_423 = tpu.vector_load %arg13[%get3A_421, %get3A_422] {strides = array<i32>} : memref<256x64xf32, #tpu.memory_space<vmem>>, vector<16xf32>,
      %add3A_424 = arith.addf %get3A_420, %get3A_423 : vector<16xf32>
      %swap3A_425 = arith.index_cast %scan3A_408 : i32 to index
      %swap3A_426 = arith.constant 16 : index
      %swap3A_427 = tpu.vector_load %arg14[%swap3A_425, %swap3A_426] {strides = array<i32>} : memref<128x64xf32, #tpu.memory_space<vmem>>, vector<16xf32>,
      tpu.vector_store %arg14[%swap3A_425, %swap3A_426], %add3A_424 {strides = array<i32>} : memref<128x64xf32, #tpu.memory_space<vmem>>, vector<16xf32>,
      %get3A_428 = arith.index_cast %scan3A_408 : i32 to index
      %get3A_429 = arith.constant 32 : index
      %get3A_430 = tpu.vector_load %arg14[%get3A_428, %get3A_429] {strides = array<i32>} : memref<128x64xf32, #tpu.memory_space<vmem>>, vector<16xf32>,
      %get3A_431 = arith.index_cast %scan3A_408 : i32 to index
      %get3A_432 = arith.constant 32 : index
      %get3A_433 = tpu.vector_load %arg13[%get3A_431, %get3A_432] {strides = array<i32>} : memref<256x64xf32, #tpu.memory_space<vmem>>, vector<16xf32>,
      %add3A_434 = arith.addf %get3A_430, %get3A_433 : vector<16xf32>
      %swap3A_435 = arith.index_cast %scan3A_408 : i32 to index
      %swap3A_436 = arith.constant 32 : index
      %swap3A_437 = tpu.vector_load %arg14[%swap3A_435, %swap3A_436] {strides = array<i32>} : memref<128x64xf32, #tpu.memory_space<vmem>>, vector<16xf32>,
      tpu.vector_store %arg14[%swap3A_435, %swap3A_436], %add3A_434 {strides = array<i32>} : memref<128x64xf32, #tpu.memory_space<vmem>>, vector<16xf32>,
      %get3A_438 = arith.index_cast %scan3A_408 : i32 to index
      %get3A_439 = arith.constant 48 : index
      %get3A_440 = tpu.vector_load %arg14[%get3A_438, %get3A_439] {strides = array<i32>} : memref<128x64xf32, #tpu.memory_space<vmem>>, vector<16xf32>,
      %get3A_441 = arith.index_cast %scan3A_408 : i32 to index
      %get3A_442 = arith.constant 48 : index
      %get3A_443 = tpu.vector_load %arg13[%get3A_441, %get3A_442] {strides = array<i32>} : memref<256x64xf32, #tpu.memory_space<vmem>>, vector<16xf32>,
      %add3A_444 = arith.addf %get3A_440, %get3A_443 : vector<16xf32>
      %swap3A_445 = arith.index_cast %scan3A_408 : i32 to index
      %swap3A_446 = arith.constant 48 : index
      %swap3A_447 = tpu.vector_load %arg14[%swap3A_445, %swap3A_446] {strides = array<i32>} : memref<128x64xf32, #tpu.memory_space<vmem>>, vector<16xf32>,
      tpu.vector_store %arg14[%swap3A_445, %swap3A_446], %add3A_444 {strides = array<i32>} : memref<128x64xf32, #tpu.memory_space<vmem>>, vector<16xf32>,
      %scan3A_448 = arith.constant 0 : i32
      scf.yield %scan3A_448 : i32
    }
    %scan3A_216 = arith.constant 128 : i32
    "tpu.region"() ({
      %run_scoped3A = tpu.sem_alloc : memref<!tpu.dma_semaphore, #tpu.memory_space<semaphore_mem>>
      %dma_start3A_408 = arith.constant 0 : i32
      %dma_start3A_409 = tpu.memref_slice %arg10[%add3A_209, %dma_start3A_408] : memref<20480x64xf32, #tpu.memory_space<hbm>> -> memref<128x64xf32, #tpu.memory_space<hbm>>
      %dma_start3A_410 = arith.constant 0 : i32
      %dma_start3A_411 = tpu.memref_slice %arg10[%add3A_209, %dma_start3A_410] : memref<20480x64xf32, #tpu.memory_space<hbm>> -> memref<128x64xf32, #tpu.memory_space<hbm>>
      tpu.enqueue_dma source(%arg14 : memref<128x64xf32, #tpu.memory_space<vmem>>) target(%dma_start3A_411 : memref<128x64xf32, #tpu.memory_space<hbm>>) target_semaphore(%run_scoped3A : memref<!tpu.dma_semaphore, #tpu.memory_space<semaphore_mem>>)
      %dma_wait3A_412 = arith.constant 0 : i32
      %dma_wait3A_413 = tpu.memref_slice %arg10[%add3A_209, %dma_wait3A_412] : memref<20480x64xf32, #tpu.memory_space<hbm>> -> memref<128x64xf32, #tpu.memory_space<hbm>>
      %dma_wait3A_414 = arith.constant 0 : i32
      %dma_wait3A_415 = tpu.memref_slice %arg10[%add3A_209, %dma_wait3A_414] : memref<20480x64xf32, #tpu.memory_space<hbm>> -> memref<128x64xf32, #tpu.memory_space<hbm>>
      tpu.wait_dma2 semaphore(%run_scoped3A : memref<!tpu.dma_semaphore, #tpu.memory_space<semaphore_mem>>) src(%arg14 : memref<128x64xf32, #tpu.memory_space<vmem>>) dst(%dma_wait3A_415 : memref<128x64xf32, #tpu.memory_space<hbm>>)
      tpu.yield
    }) : () -> ()
    "tpu.region"() ({
      %run_scoped3A = tpu.sem_alloc : memref<!tpu.dma_semaphore, #tpu.memory_space<semaphore_mem>>
      %dma_start3A_408 = arith.constant 0 : i32
      %dma_start3A_409 = tpu.memref_slice %arg5[%add3A_208, %dma_start3A_408] : memref<10240x64xf32, #tpu.memory_space<hbm>> -> memref<128x64xf32, #tpu.memory_space<hbm>>
      %dma_start3A_410 = arith.constant 0 : i32
      %dma_start3A_411 = tpu.memref_slice %arg5[%add3A_208, %dma_start3A_410] : memref<10240x64xf32, #tpu.memory_space<hbm>> -> memref<128x64xf32, #tpu.memory_space<hbm>>
      tpu.enqueue_dma source(%dma_start3A_411 : memref<128x64xf32, #tpu.memory_space<hbm>>) target(%arg14 : memref<128x64xf32, #tpu.memory_space<vmem>>) target_semaphore(%run_scoped3A : memref<!tpu.dma_semaphore, #tpu.memory_space<semaphore_mem>>)
      %dma_wait3A_412 = arith.constant 0 : i32
      %dma_wait3A_413 = tpu.memref_slice %arg5[%add3A_208, %dma_wait3A_412] : memref<10240x64xf32, #tpu.memory_space<hbm>> -> memref<128x64xf32, #tpu.memory_space<hbm>>
      %dma_wait3A_414 = arith.constant 0 : i32
      %dma_wait3A_415 = tpu.memref_slice %arg5[%add3A_208, %dma_wait3A_414] : memref<10240x64xf32, #tpu.memory_space<hbm>> -> memref<128x64xf32, #tpu.memory_space<hbm>>
      tpu.wait_dma2 semaphore(%run_scoped3A : memref<!tpu.dma_semaphore, #tpu.memory_space<semaphore_mem>>) src(%dma_wait3A_415 : memref<128x64xf32, #tpu.memory_space<hbm>>) dst(%arg14 : memref<128x64xf32, #tpu.memory_space<vmem>>)
      tpu.yield
    }) : () -> ()
    %scan3A_217 = arith.constant 0 : i32
    %scan3A_218 = arith.constant 0 : i32
    %scan3A_219 = arith.constant 128 : i32
    %scan3A_220 = arith.addi %scan3A_218, %scan3A_219 : i32
    %scan3A_221 = arith.constant 1 : i32
    %scan3A_222 = scf.for %scan3A_408 = %scan3A_218 to %scan3A_220 step %scan3A_221 iter_args(%scan3A_409 = %scan3A_217) -> (i32)  : i32 {
      %get3A = arith.index_cast %scan3A_408 : i32 to index
      %get3A_410 = arith.constant 0 : index
      %get3A_411 = tpu.vector_load %arg13[%get3A, %get3A_410] {strides = array<i32>} : memref<256x64xf32, #tpu.memory_space<vmem>>, vector<16xf32>,
      %get3A_412 = arith.index_cast %scan3A_408 : i32 to index
      %get3A_413 = arith.constant 0 : index
      %get3A_414 = tpu.vector_load %arg14[%get3A_412, %get3A_413] {strides = array<i32>} : memref<128x64xf32, #tpu.memory_space<vmem>>, vector<16xf32>,
      %mul3A_415 = arith.mulf %get3A_411, %get3A_414 : vector<16xf32>
      %swap3A = arith.index_cast %scan3A_408 : i32 to index
      %swap3A_416 = arith.constant 0 : index
      %swap3A_417 = tpu.vector_load %arg13[%swap3A, %swap3A_416] {strides = array<i32>} : memref<256x64xf32, #tpu.memory_space<vmem>>, vector<16xf32>,
      tpu.vector_store %arg13[%swap3A, %swap3A_416], %mul3A_415 {strides = array<i32>} : memref<256x64xf32, #tpu.memory_space<vmem>>, vector<16xf32>,
      %get3A_418 = arith.index_cast %scan3A_408 : i32 to index
      %get3A_419 = arith.constant 16 : index
      %get3A_420 = tpu.vector_load %arg13[%get3A_418, %get3A_419] {strides = array<i32>} : memref<256x64xf32, #tpu.memory_space<vmem>>, vector<16xf32>,
      %get3A_421 = arith.index_cast %scan3A_408 : i32 to index
      %get3A_422 = arith.constant 16 : index
      %get3A_423 = tpu.vector_load %arg14[%get3A_421, %get3A_422] {strides = array<i32>} : memref<128x64xf32, #tpu.memory_space<vmem>>, vector<16xf32>,
      %mul3A_424 = arith.mulf %get3A_420, %get3A_423 : vector<16xf32>
      %swap3A_425 = arith.index_cast %scan3A_408 : i32 to index
      %swap3A_426 = arith.constant 16 : index
      %swap3A_427 = tpu.vector_load %arg13[%swap3A_425, %swap3A_426] {strides = array<i32>} : memref<256x64xf32, #tpu.memory_space<vmem>>, vector<16xf32>,
      tpu.vector_store %arg13[%swap3A_425, %swap3A_426], %mul3A_424 {strides = array<i32>} : memref<256x64xf32, #tpu.memory_space<vmem>>, vector<16xf32>,
      %get3A_428 = arith.index_cast %scan3A_408 : i32 to index
      %get3A_429 = arith.constant 32 : index
      %get3A_430 = tpu.vector_load %arg13[%get3A_428, %get3A_429] {strides = array<i32>} : memref<256x64xf32, #tpu.memory_space<vmem>>, vector<16xf32>,
      %get3A_431 = arith.index_cast %scan3A_408 : i32 to index
      %get3A_432 = arith.constant 32 : index
      %get3A_433 = tpu.vector_load %arg14[%get3A_431, %get3A_432] {strides = array<i32>} : memref<128x64xf32, #tpu.memory_space<vmem>>, vector<16xf32>,
      %mul3A_434 = arith.mulf %get3A_430, %get3A_433 : vector<16xf32>
      %swap3A_435 = arith.index_cast %scan3A_408 : i32 to index
      %swap3A_436 = arith.constant 32 : index
      %swap3A_437 = tpu.vector_load %arg13[%swap3A_435, %swap3A_436] {strides = array<i32>} : memref<256x64xf32, #tpu.memory_space<vmem>>, vector<16xf32>,
      tpu.vector_store %arg13[%swap3A_435, %swap3A_436], %mul3A_434 {strides = array<i32>} : memref<256x64xf32, #tpu.memory_space<vmem>>, vector<16xf32>,
      %get3A_438 = arith.index_cast %scan3A_408 : i32 to index
      %get3A_439 = arith.constant 48 : index
      %get3A_440 = tpu.vector_load %arg13[%get3A_438, %get3A_439] {strides = array<i32>} : memref<256x64xf32, #tpu.memory_space<vmem>>, vector<16xf32>,
      %get3A_441 = arith.index_cast %scan3A_408 : i32 to index
      %get3A_442 = arith.constant 48 : index
      %get3A_443 = tpu.vector_load %arg14[%get3A_441, %get3A_442] {strides = array<i32>} : memref<128x64xf32, #tpu.memory_space<vmem>>, vector<16xf32>,
      %mul3A_444 = arith.mulf %get3A_440, %get3A_443 : vector<16xf32>
      %swap3A_445 = arith.index_cast %scan3A_408 : i32 to index
      %swap3A_446 = arith.constant 48 : index
      %swap3A_447 = tpu.vector_load %arg13[%swap3A_445, %swap3A_446] {strides = array<i32>} : memref<256x64xf32, #tpu.memory_space<vmem>>, vector<16xf32>,
      tpu.vector_store %arg13[%swap3A_445, %swap3A_446], %mul3A_444 {strides = array<i32>} : memref<256x64xf32, #tpu.memory_space<vmem>>, vector<16xf32>,
      %scan3A_448 = arith.constant 0 : i32
      scf.yield %scan3A_448 : i32
    }
    %scan3A_223 = arith.constant 128 : i32
    "tpu.region"() ({
      %run_scoped3A = tpu.sem_alloc : memref<!tpu.dma_semaphore, #tpu.memory_space<semaphore_mem>>
      %dma_start3A_408 = arith.constant 0 : i32
      %dma_start3A_409 = arith.constant 0 : i32
      %dma_start3A_410 = tpu.memref_slice %arg13[%dma_start3A_408, %dma_start3A_409] : memref<256x64xf32, #tpu.memory_space<vmem>> -> memref<128x64xf32, #tpu.memory_space<vmem>>
      %dma_start3A_411 = arith.constant 0 : i32
      %dma_start3A_412 = tpu.memref_slice %arg15[%add3A_208, %dma_start3A_411] : memref<10240x64xf32, #tpu.memory_space<vmem_shared>> -> memref<128x64xf32, #tpu.memory_space<vmem_shared>>
      %dma_start3A_413 = arith.constant 0 : i32
      %dma_start3A_414 = tpu.memref_slice %arg15[%add3A_208, %dma_start3A_413] : memref<10240x64xf32, #tpu.memory_space<vmem_shared>> -> memref<128x64xf32, #tpu.memory_space<vmem_shared>>
      %dma_start3A_415 = arith.constant 0 : i32
      %dma_start3A_416 = arith.constant 0 : i32
      %dma_start3A_417 = tpu.memref_slice %arg13[%dma_start3A_415, %dma_start3A_416] : memref<256x64xf32, #tpu.memory_space<vmem>> -> memref<128x64xf32, #tpu.memory_space<vmem>>
      tpu.enqueue_dma source(%dma_start3A_417 : memref<128x64xf32, #tpu.memory_space<vmem>>) target(%dma_start3A_414 : memref<128x64xf32, #tpu.memory_space<vmem_shared>>) target_semaphore(%run_scoped3A : memref<!tpu.dma_semaphore, #tpu.memory_space<semaphore_mem>>)
      %dma_wait3A_418 = arith.constant 0 : i32
      %dma_wait3A_419 = arith.constant 0 : i32
      %dma_wait3A_420 = tpu.memref_slice %arg13[%dma_wait3A_418, %dma_wait3A_419] : memref<256x64xf32, #tpu.memory_space<vmem>> -> memref<128x64xf32, #tpu.memory_space<vmem>>
      %dma_wait3A_421 = arith.constant 0 : i32
      %dma_wait3A_422 = tpu.memref_slice %arg15[%add3A_208, %dma_wait3A_421] : memref<10240x64xf32, #tpu.memory_space<vmem_shared>> -> memref<128x64xf32, #tpu.memory_space<vmem_shared>>
      %dma_wait3A_423 = arith.constant 0 : i32
      %dma_wait3A_424 = tpu.memref_slice %arg15[%add3A_208, %dma_wait3A_423] : memref<10240x64xf32, #tpu.memory_space<vmem_shared>> -> memref<128x64xf32, #tpu.memory_space<vmem_shared>>
      %dma_wait3A_425 = arith.constant 0 : i32
      %dma_wait3A_426 = arith.constant 0 : i32
      %dma_wait3A_427 = tpu.memref_slice %arg13[%dma_wait3A_425, %dma_wait3A_426] : memref<256x64xf32, #tpu.memory_space<vmem>> -> memref<128x64xf32, #tpu.memory_space<vmem>>
      tpu.wait_dma2 semaphore(%run_scoped3A : memref<!tpu.dma_semaphore, #tpu.memory_space<semaphore_mem>>) src(%dma_wait3A_427 : memref<128x64xf32, #tpu.memory_space<vmem>>) dst(%dma_wait3A_424 : memref<128x64xf32, #tpu.memory_space<vmem_shared>>)
      tpu.yield
    }) : () -> ()
    %add3A_224 = arith.constant 512 : i32
    %add3A_225 = arith.addi %mul3A_2, %add3A_224 : i32
    %add3A_226 = arith.addi %mul3A_4, %add3A_225 : i32
    "tpu.region"() ({
      %run_scoped3A = tpu.sem_alloc : memref<!tpu.dma_semaphore, #tpu.memory_space<semaphore_mem>>
      %dma_start3A_408 = arith.constant 0 : i32
      %dma_start3A_409 = arith.constant 0 : i32
      %dma_start3A_410 = tpu.memref_slice %arg13[%dma_start3A_408, %dma_start3A_409] : memref<256x64xf32, #tpu.memory_space<vmem>> -> memref<128x64xf32, #tpu.memory_space<vmem>>
      %dma_start3A_411 = arith.constant 0 : i32
      %dma_start3A_412 = tpu.memref_slice %arg16[%add3A_225, %dma_start3A_411] : memref<10240x64xf32, #tpu.memory_space<vmem_shared>> -> memref<128x64xf32, #tpu.memory_space<vmem_shared>>
      %dma_start3A_413 = arith.constant 0 : i32
      %dma_start3A_414 = arith.constant 0 : i32
      %dma_start3A_415 = tpu.memref_slice %arg13[%dma_start3A_413, %dma_start3A_414] : memref<256x64xf32, #tpu.memory_space<vmem>> -> memref<128x64xf32, #tpu.memory_space<vmem>>
      %dma_start3A_416 = arith.constant 0 : i32
      %dma_start3A_417 = tpu.memref_slice %arg16[%add3A_225, %dma_start3A_416] : memref<10240x64xf32, #tpu.memory_space<vmem_shared>> -> memref<128x64xf32, #tpu.memory_space<vmem_shared>>
      tpu.enqueue_dma source(%dma_start3A_417 : memref<128x64xf32, #tpu.memory_space<vmem_shared>>) target(%dma_start3A_415 : memref<128x64xf32, #tpu.memory_space<vmem>>) target_semaphore(%run_scoped3A : memref<!tpu.dma_semaphore, #tpu.memory_space<semaphore_mem>>)
      %dma_wait3A_418 = arith.constant 0 : i32
      %dma_wait3A_419 = arith.constant 0 : i32
      %dma_wait3A_420 = tpu.memref_slice %arg13[%dma_wait3A_418, %dma_wait3A_419] : memref<256x64xf32, #tpu.memory_space<vmem>> -> memref<128x64xf32, #tpu.memory_space<vmem>>
      %dma_wait3A_421 = arith.constant 0 : i32
      %dma_wait3A_422 = tpu.memref_slice %arg16[%add3A_225, %dma_wait3A_421] : memref<10240x64xf32, #tpu.memory_space<vmem_shared>> -> memref<128x64xf32, #tpu.memory_space<vmem_shared>>
      %dma_wait3A_423 = arith.constant 0 : i32
      %dma_wait3A_424 = arith.constant 0 : i32
      %dma_wait3A_425 = tpu.memref_slice %arg13[%dma_wait3A_423, %dma_wait3A_424] : memref<256x64xf32, #tpu.memory_space<vmem>> -> memref<128x64xf32, #tpu.memory_space<vmem>>
      %dma_wait3A_426 = arith.constant 0 : i32
      %dma_wait3A_427 = tpu.memref_slice %arg16[%add3A_225, %dma_wait3A_426] : memref<10240x64xf32, #tpu.memory_space<vmem_shared>> -> memref<128x64xf32, #tpu.memory_space<vmem_shared>>
      tpu.wait_dma2 semaphore(%run_scoped3A : memref<!tpu.dma_semaphore, #tpu.memory_space<semaphore_mem>>) src(%dma_wait3A_427 : memref<128x64xf32, #tpu.memory_space<vmem_shared>>) dst(%dma_wait3A_425 : memref<128x64xf32, #tpu.memory_space<vmem>>)
      tpu.yield
    }) : () -> ()
    "tpu.region"() ({
      %run_scoped3A = tpu.sem_alloc : memref<!tpu.dma_semaphore, #tpu.memory_space<semaphore_mem>>
      %dma_start3A_408 = arith.constant 0 : i32
      %dma_start3A_409 = tpu.memref_slice %arg10[%add3A_226, %dma_start3A_408] : memref<20480x64xf32, #tpu.memory_space<hbm>> -> memref<128x64xf32, #tpu.memory_space<hbm>>
      %dma_start3A_410 = arith.constant 0 : i32
      %dma_start3A_411 = tpu.memref_slice %arg10[%add3A_226, %dma_start3A_410] : memref<20480x64xf32, #tpu.memory_space<hbm>> -> memref<128x64xf32, #tpu.memory_space<hbm>>
      tpu.enqueue_dma source(%dma_start3A_411 : memref<128x64xf32, #tpu.memory_space<hbm>>) target(%arg14 : memref<128x64xf32, #tpu.memory_space<vmem>>) target_semaphore(%run_scoped3A : memref<!tpu.dma_semaphore, #tpu.memory_space<semaphore_mem>>)
      %dma_wait3A_412 = arith.constant 0 : i32
      %dma_wait3A_413 = tpu.memref_slice %arg10[%add3A_226, %dma_wait3A_412] : memref<20480x64xf32, #tpu.memory_space<hbm>> -> memref<128x64xf32, #tpu.memory_space<hbm>>
      %dma_wait3A_414 = arith.constant 0 : i32
      %dma_wait3A_415 = tpu.memref_slice %arg10[%add3A_226, %dma_wait3A_414] : memref<20480x64xf32, #tpu.memory_space<hbm>> -> memref<128x64xf32, #tpu.memory_space<hbm>>
      tpu.wait_dma2 semaphore(%run_scoped3A : memref<!tpu.dma_semaphore, #tpu.memory_space<semaphore_mem>>) src(%dma_wait3A_415 : memref<128x64xf32, #tpu.memory_space<hbm>>) dst(%arg14 : memref<128x64xf32, #tpu.memory_space<vmem>>)
      tpu.yield
    }) : () -> ()
    %scan3A_227 = arith.constant 0 : i32
    %scan3A_228 = arith.constant 0 : i32
    %scan3A_229 = arith.constant 128 : i32
    %scan3A_230 = arith.addi %scan3A_228, %scan3A_229 : i32
    %scan3A_231 = arith.constant 1 : i32
    %scan3A_232 = scf.for %scan3A_408 = %scan3A_228 to %scan3A_230 step %scan3A_231 iter_args(%scan3A_409 = %scan3A_227) -> (i32)  : i32 {
      %get3A = arith.index_cast %scan3A_408 : i32 to index
      %get3A_410 = arith.constant 0 : index
      %get3A_411 = tpu.vector_load %arg14[%get3A, %get3A_410] {strides = array<i32>} : memref<128x64xf32, #tpu.memory_space<vmem>>, vector<16xf32>,
      %get3A_412 = arith.index_cast %scan3A_408 : i32 to index
      %get3A_413 = arith.constant 0 : index
      %get3A_414 = tpu.vector_load %arg13[%get3A_412, %get3A_413] {strides = array<i32>} : memref<256x64xf32, #tpu.memory_space<vmem>>, vector<16xf32>,
      %add3A_415 = arith.addf %get3A_411, %get3A_414 : vector<16xf32>
      %swap3A = arith.index_cast %scan3A_408 : i32 to index
      %swap3A_416 = arith.constant 0 : index
      %swap3A_417 = tpu.vector_load %arg14[%swap3A, %swap3A_416] {strides = array<i32>} : memref<128x64xf32, #tpu.memory_space<vmem>>, vector<16xf32>,
      tpu.vector_store %arg14[%swap3A, %swap3A_416], %add3A_415 {strides = array<i32>} : memref<128x64xf32, #tpu.memory_space<vmem>>, vector<16xf32>,
      %get3A_418 = arith.index_cast %scan3A_408 : i32 to index
      %get3A_419 = arith.constant 16 : index
      %get3A_420 = tpu.vector_load %arg14[%get3A_418, %get3A_419] {strides = array<i32>} : memref<128x64xf32, #tpu.memory_space<vmem>>, vector<16xf32>,
      %get3A_421 = arith.index_cast %scan3A_408 : i32 to index
      %get3A_422 = arith.constant 16 : index
      %get3A_423 = tpu.vector_load %arg13[%get3A_421, %get3A_422] {strides = array<i32>} : memref<256x64xf32, #tpu.memory_space<vmem>>, vector<16xf32>,
      %add3A_424 = arith.addf %get3A_420, %get3A_423 : vector<16xf32>
      %swap3A_425 = arith.index_cast %scan3A_408 : i32 to index
      %swap3A_426 = arith.constant 16 : index
      %swap3A_427 = tpu.vector_load %arg14[%swap3A_425, %swap3A_426] {strides = array<i32>} : memref<128x64xf32, #tpu.memory_space<vmem>>, vector<16xf32>,
      tpu.vector_store %arg14[%swap3A_425, %swap3A_426], %add3A_424 {strides = array<i32>} : memref<128x64xf32, #tpu.memory_space<vmem>>, vector<16xf32>,
      %get3A_428 = arith.index_cast %scan3A_408 : i32 to index
      %get3A_429 = arith.constant 32 : index
      %get3A_430 = tpu.vector_load %arg14[%get3A_428, %get3A_429] {strides = array<i32>} : memref<128x64xf32, #tpu.memory_space<vmem>>, vector<16xf32>,
      %get3A_431 = arith.index_cast %scan3A_408 : i32 to index
      %get3A_432 = arith.constant 32 : index
      %get3A_433 = tpu.vector_load %arg13[%get3A_431, %get3A_432] {strides = array<i32>} : memref<256x64xf32, #tpu.memory_space<vmem>>, vector<16xf32>,
      %add3A_434 = arith.addf %get3A_430, %get3A_433 : vector<16xf32>
      %swap3A_435 = arith.index_cast %scan3A_408 : i32 to index
      %swap3A_436 = arith.constant 32 : index
      %swap3A_437 = tpu.vector_load %arg14[%swap3A_435, %swap3A_436] {strides = array<i32>} : memref<128x64xf32, #tpu.memory_space<vmem>>, vector<16xf32>,
      tpu.vector_store %arg14[%swap3A_435, %swap3A_436], %add3A_434 {strides = array<i32>} : memref<128x64xf32, #tpu.memory_space<vmem>>, vector<16xf32>,
      %get3A_438 = arith.index_cast %scan3A_408 : i32 to index
      %get3A_439 = arith.constant 48 : index
      %get3A_440 = tpu.vector_load %arg14[%get3A_438, %get3A_439] {strides = array<i32>} : memref<128x64xf32, #tpu.memory_space<vmem>>, vector<16xf32>,
      %get3A_441 = arith.index_cast %scan3A_408 : i32 to index
      %get3A_442 = arith.constant 48 : index
      %get3A_443 = tpu.vector_load %arg13[%get3A_441, %get3A_442] {strides = array<i32>} : memref<256x64xf32, #tpu.memory_space<vmem>>, vector<16xf32>,
      %add3A_444 = arith.addf %get3A_440, %get3A_443 : vector<16xf32>
      %swap3A_445 = arith.index_cast %scan3A_408 : i32 to index
      %swap3A_446 = arith.constant 48 : index
      %swap3A_447 = tpu.vector_load %arg14[%swap3A_445, %swap3A_446] {strides = array<i32>} : memref<128x64xf32, #tpu.memory_space<vmem>>, vector<16xf32>,
      tpu.vector_store %arg14[%swap3A_445, %swap3A_446], %add3A_444 {strides = array<i32>} : memref<128x64xf32, #tpu.memory_space<vmem>>, vector<16xf32>,
      %scan3A_448 = arith.constant 0 : i32
      scf.yield %scan3A_448 : i32
    }
    %scan3A_233 = arith.constant 128 : i32
    "tpu.region"() ({
      %run_scoped3A = tpu.sem_alloc : memref<!tpu.dma_semaphore, #tpu.memory_space<semaphore_mem>>
      %dma_start3A_408 = arith.constant 0 : i32
      %dma_start3A_409 = tpu.memref_slice %arg10[%add3A_226, %dma_start3A_408] : memref<20480x64xf32, #tpu.memory_space<hbm>> -> memref<128x64xf32, #tpu.memory_space<hbm>>
      %dma_start3A_410 = arith.constant 0 : i32
      %dma_start3A_411 = tpu.memref_slice %arg10[%add3A_226, %dma_start3A_410] : memref<20480x64xf32, #tpu.memory_space<hbm>> -> memref<128x64xf32, #tpu.memory_space<hbm>>
      tpu.enqueue_dma source(%arg14 : memref<128x64xf32, #tpu.memory_space<vmem>>) target(%dma_start3A_411 : memref<128x64xf32, #tpu.memory_space<hbm>>) target_semaphore(%run_scoped3A : memref<!tpu.dma_semaphore, #tpu.memory_space<semaphore_mem>>)
      %dma_wait3A_412 = arith.constant 0 : i32
      %dma_wait3A_413 = tpu.memref_slice %arg10[%add3A_226, %dma_wait3A_412] : memref<20480x64xf32, #tpu.memory_space<hbm>> -> memref<128x64xf32, #tpu.memory_space<hbm>>
      %dma_wait3A_414 = arith.constant 0 : i32
      %dma_wait3A_415 = tpu.memref_slice %arg10[%add3A_226, %dma_wait3A_414] : memref<20480x64xf32, #tpu.memory_space<hbm>> -> memref<128x64xf32, #tpu.memory_space<hbm>>
      tpu.wait_dma2 semaphore(%run_scoped3A : memref<!tpu.dma_semaphore, #tpu.memory_space<semaphore_mem>>) src(%arg14 : memref<128x64xf32, #tpu.memory_space<vmem>>) dst(%dma_wait3A_415 : memref<128x64xf32, #tpu.memory_space<hbm>>)
      tpu.yield
    }) : () -> ()
    "tpu.region"() ({
      %run_scoped3A = tpu.sem_alloc : memref<!tpu.dma_semaphore, #tpu.memory_space<semaphore_mem>>
      %dma_start3A_408 = arith.constant 0 : i32
      %dma_start3A_409 = tpu.memref_slice %arg5[%add3A_225, %dma_start3A_408] : memref<10240x64xf32, #tpu.memory_space<hbm>> -> memref<128x64xf32, #tpu.memory_space<hbm>>
      %dma_start3A_410 = arith.constant 0 : i32
      %dma_start3A_411 = tpu.memref_slice %arg5[%add3A_225, %dma_start3A_410] : memref<10240x64xf32, #tpu.memory_space<hbm>> -> memref<128x64xf32, #tpu.memory_space<hbm>>
      tpu.enqueue_dma source(%dma_start3A_411 : memref<128x64xf32, #tpu.memory_space<hbm>>) target(%arg14 : memref<128x64xf32, #tpu.memory_space<vmem>>) target_semaphore(%run_scoped3A : memref<!tpu.dma_semaphore, #tpu.memory_space<semaphore_mem>>)
      %dma_wait3A_412 = arith.constant 0 : i32
      %dma_wait3A_413 = tpu.memref_slice %arg5[%add3A_225, %dma_wait3A_412] : memref<10240x64xf32, #tpu.memory_space<hbm>> -> memref<128x64xf32, #tpu.memory_space<hbm>>
      %dma_wait3A_414 = arith.constant 0 : i32
      %dma_wait3A_415 = tpu.memref_slice %arg5[%add3A_225, %dma_wait3A_414] : memref<10240x64xf32, #tpu.memory_space<hbm>> -> memref<128x64xf32, #tpu.memory_space<hbm>>
      tpu.wait_dma2 semaphore(%run_scoped3A : memref<!tpu.dma_semaphore, #tpu.memory_space<semaphore_mem>>) src(%dma_wait3A_415 : memref<128x64xf32, #tpu.memory_space<hbm>>) dst(%arg14 : memref<128x64xf32, #tpu.memory_space<vmem>>)
      tpu.yield
    }) : () -> ()
    %scan3A_234 = arith.constant 0 : i32
    %scan3A_235 = arith.constant 0 : i32
    %scan3A_236 = arith.constant 128 : i32
    %scan3A_237 = arith.addi %scan3A_235, %scan3A_236 : i32
    %scan3A_238 = arith.constant 1 : i32
    %scan3A_239 = scf.for %scan3A_408 = %scan3A_235 to %scan3A_237 step %scan3A_238 iter_args(%scan3A_409 = %scan3A_234) -> (i32)  : i32 {
      %get3A = arith.index_cast %scan3A_408 : i32 to index
      %get3A_410 = arith.constant 0 : index
      %get3A_411 = tpu.vector_load %arg13[%get3A, %get3A_410] {strides = array<i32>} : memref<256x64xf32, #tpu.memory_space<vmem>>, vector<16xf32>,
      %get3A_412 = arith.index_cast %scan3A_408 : i32 to index
      %get3A_413 = arith.constant 0 : index
      %get3A_414 = tpu.vector_load %arg14[%get3A_412, %get3A_413] {strides = array<i32>} : memref<128x64xf32, #tpu.memory_space<vmem>>, vector<16xf32>,
      %mul3A_415 = arith.mulf %get3A_411, %get3A_414 : vector<16xf32>
      %swap3A = arith.index_cast %scan3A_408 : i32 to index
      %swap3A_416 = arith.constant 0 : index
      %swap3A_417 = tpu.vector_load %arg13[%swap3A, %swap3A_416] {strides = array<i32>} : memref<256x64xf32, #tpu.memory_space<vmem>>, vector<16xf32>,
      tpu.vector_store %arg13[%swap3A, %swap3A_416], %mul3A_415 {strides = array<i32>} : memref<256x64xf32, #tpu.memory_space<vmem>>, vector<16xf32>,
      %get3A_418 = arith.index_cast %scan3A_408 : i32 to index
      %get3A_419 = arith.constant 16 : index
      %get3A_420 = tpu.vector_load %arg13[%get3A_418, %get3A_419] {strides = array<i32>} : memref<256x64xf32, #tpu.memory_space<vmem>>, vector<16xf32>,
      %get3A_421 = arith.index_cast %scan3A_408 : i32 to index
      %get3A_422 = arith.constant 16 : index
      %get3A_423 = tpu.vector_load %arg14[%get3A_421, %get3A_422] {strides = array<i32>} : memref<128x64xf32, #tpu.memory_space<vmem>>, vector<16xf32>,
      %mul3A_424 = arith.mulf %get3A_420, %get3A_423 : vector<16xf32>
      %swap3A_425 = arith.index_cast %scan3A_408 : i32 to index
      %swap3A_426 = arith.constant 16 : index
      %swap3A_427 = tpu.vector_load %arg13[%swap3A_425, %swap3A_426] {strides = array<i32>} : memref<256x64xf32, #tpu.memory_space<vmem>>, vector<16xf32>,
      tpu.vector_store %arg13[%swap3A_425, %swap3A_426], %mul3A_424 {strides = array<i32>} : memref<256x64xf32, #tpu.memory_space<vmem>>, vector<16xf32>,
      %get3A_428 = arith.index_cast %scan3A_408 : i32 to index
      %get3A_429 = arith.constant 32 : index
      %get3A_430 = tpu.vector_load %arg13[%get3A_428, %get3A_429] {strides = array<i32>} : memref<256x64xf32, #tpu.memory_space<vmem>>, vector<16xf32>,
      %get3A_431 = arith.index_cast %scan3A_408 : i32 to index
      %get3A_432 = arith.constant 32 : index
      %get3A_433 = tpu.vector_load %arg14[%get3A_431, %get3A_432] {strides = array<i32>} : memref<128x64xf32, #tpu.memory_space<vmem>>, vector<16xf32>,
      %mul3A_434 = arith.mulf %get3A_430, %get3A_433 : vector<16xf32>
      %swap3A_435 = arith.index_cast %scan3A_408 : i32 to index
      %swap3A_436 = arith.constant 32 : index
      %swap3A_437 = tpu.vector_load %arg13[%swap3A_435, %swap3A_436] {strides = array<i32>} : memref<256x64xf32, #tpu.memory_space<vmem>>, vector<16xf32>,
      tpu.vector_store %arg13[%swap3A_435, %swap3A_436], %mul3A_434 {strides = array<i32>} : memref<256x64xf32, #tpu.memory_space<vmem>>, vector<16xf32>,
      %get3A_438 = arith.index_cast %scan3A_408 : i32 to index
      %get3A_439 = arith.constant 48 : index
      %get3A_440 = tpu.vector_load %arg13[%get3A_438, %get3A_439] {strides = array<i32>} : memref<256x64xf32, #tpu.memory_space<vmem>>, vector<16xf32>,
      %get3A_441 = arith.index_cast %scan3A_408 : i32 to index
      %get3A_442 = arith.constant 48 : index
      %get3A_443 = tpu.vector_load %arg14[%get3A_441, %get3A_442] {strides = array<i32>} : memref<128x64xf32, #tpu.memory_space<vmem>>, vector<16xf32>,
      %mul3A_444 = arith.mulf %get3A_440, %get3A_443 : vector<16xf32>
      %swap3A_445 = arith.index_cast %scan3A_408 : i32 to index
      %swap3A_446 = arith.constant 48 : index
      %swap3A_447 = tpu.vector_load %arg13[%swap3A_445, %swap3A_446] {strides = array<i32>} : memref<256x64xf32, #tpu.memory_space<vmem>>, vector<16xf32>,
      tpu.vector_store %arg13[%swap3A_445, %swap3A_446], %mul3A_444 {strides = array<i32>} : memref<256x64xf32, #tpu.memory_space<vmem>>, vector<16xf32>,
      %scan3A_448 = arith.constant 0 : i32
      scf.yield %scan3A_448 : i32
    }
    %scan3A_240 = arith.constant 128 : i32
    "tpu.region"() ({
      %run_scoped3A = tpu.sem_alloc : memref<!tpu.dma_semaphore, #tpu.memory_space<semaphore_mem>>
      %dma_start3A_408 = arith.constant 0 : i32
      %dma_start3A_409 = arith.constant 0 : i32
      %dma_start3A_410 = tpu.memref_slice %arg13[%dma_start3A_408, %dma_start3A_409] : memref<256x64xf32, #tpu.memory_space<vmem>> -> memref<128x64xf32, #tpu.memory_space<vmem>>
      %dma_start3A_411 = arith.constant 0 : i32
      %dma_start3A_412 = tpu.memref_slice %arg15[%add3A_225, %dma_start3A_411] : memref<10240x64xf32, #tpu.memory_space<vmem_shared>> -> memref<128x64xf32, #tpu.memory_space<vmem_shared>>
      %dma_start3A_413 = arith.constant 0 : i32
      %dma_start3A_414 = tpu.memref_slice %arg15[%add3A_225, %dma_start3A_413] : memref<10240x64xf32, #tpu.memory_space<vmem_shared>> -> memref<128x64xf32, #tpu.memory_space<vmem_shared>>
      %dma_start3A_415 = arith.constant 0 : i32
      %dma_start3A_416 = arith.constant 0 : i32
      %dma_start3A_417 = tpu.memref_slice %arg13[%dma_start3A_415, %dma_start3A_416] : memref<256x64xf32, #tpu.memory_space<vmem>> -> memref<128x64xf32, #tpu.memory_space<vmem>>
      tpu.enqueue_dma source(%dma_start3A_417 : memref<128x64xf32, #tpu.memory_space<vmem>>) target(%dma_start3A_414 : memref<128x64xf32, #tpu.memory_space<vmem_shared>>) target_semaphore(%run_scoped3A : memref<!tpu.dma_semaphore, #tpu.memory_space<semaphore_mem>>)
      %dma_wait3A_418 = arith.constant 0 : i32
      %dma_wait3A_419 = arith.constant 0 : i32
      %dma_wait3A_420 = tpu.memref_slice %arg13[%dma_wait3A_418, %dma_wait3A_419] : memref<256x64xf32, #tpu.memory_space<vmem>> -> memref<128x64xf32, #tpu.memory_space<vmem>>
      %dma_wait3A_421 = arith.constant 0 : i32
      %dma_wait3A_422 = tpu.memref_slice %arg15[%add3A_225, %dma_wait3A_421] : memref<10240x64xf32, #tpu.memory_space<vmem_shared>> -> memref<128x64xf32, #tpu.memory_space<vmem_shared>>
      %dma_wait3A_423 = arith.constant 0 : i32
      %dma_wait3A_424 = tpu.memref_slice %arg15[%add3A_225, %dma_wait3A_423] : memref<10240x64xf32, #tpu.memory_space<vmem_shared>> -> memref<128x64xf32, #tpu.memory_space<vmem_shared>>
      %dma_wait3A_425 = arith.constant 0 : i32
      %dma_wait3A_426 = arith.constant 0 : i32
      %dma_wait3A_427 = tpu.memref_slice %arg13[%dma_wait3A_425, %dma_wait3A_426] : memref<256x64xf32, #tpu.memory_space<vmem>> -> memref<128x64xf32, #tpu.memory_space<vmem>>
      tpu.wait_dma2 semaphore(%run_scoped3A : memref<!tpu.dma_semaphore, #tpu.memory_space<semaphore_mem>>) src(%dma_wait3A_427 : memref<128x64xf32, #tpu.memory_space<vmem>>) dst(%dma_wait3A_424 : memref<128x64xf32, #tpu.memory_space<vmem_shared>>)
      tpu.yield
    }) : () -> ()
    %barrier3A_241 = arith.constant 0 : index
    tpu.barrier barrier_id(%barrier3A_241)
    "tpu.region"() ({
      %run_scoped3A = tpu.sem_alloc : memref<!tpu.dma_semaphore, #tpu.memory_space<semaphore_mem>>
      %dma_start3A_408 = arith.constant 0 : i32
      %dma_start3A_409 = tpu.memref_slice %arg16[%mul3A_2, %dma_start3A_408] : memref<10240x64xf32, #tpu.memory_space<vmem_shared>> -> memref<640x64xf32, #tpu.memory_space<vmem_shared>>
      tpu.enqueue_dma source(%arg8 : memref<640x64xf32, #tpu.memory_space<hbm>>) target(%dma_start3A_409 : memref<640x64xf32, #tpu.memory_space<vmem_shared>>) target_semaphore(%run_scoped3A : memref<!tpu.dma_semaphore, #tpu.memory_space<semaphore_mem>>)
      %dma_wait3A_410 = arith.constant 0 : i32
      %dma_wait3A_411 = tpu.memref_slice %arg16[%mul3A_2, %dma_wait3A_410] : memref<10240x64xf32, #tpu.memory_space<vmem_shared>> -> memref<640x64xf32, #tpu.memory_space<vmem_shared>>
      tpu.wait_dma2 semaphore(%run_scoped3A : memref<!tpu.dma_semaphore, #tpu.memory_space<semaphore_mem>>) src(%arg8 : memref<640x64xf32, #tpu.memory_space<hbm>>) dst(%dma_wait3A_411 : memref<640x64xf32, #tpu.memory_space<vmem_shared>>)
      tpu.yield
    }) : () -> ()
    %barrier3A_242 = arith.constant 0 : index
    tpu.barrier barrier_id(%barrier3A_242)
    %add3A_243 = arith.constant 0 : i32
    %add3A_244 = arith.addi %mul3A_0, %add3A_243 : i32
    %dma_start3A_245 = arith.constant 0 : i32
    %dma_start3A_246 = arith.constant 0 : i32
    %dma_start3A_247 = tpu.memref_slice %arg11[%dma_start3A_245, %dma_start3A_246] : memref<32x128xi32, #tpu.memory_space<vmem>> -> memref<16x128xi32, #tpu.memory_space<vmem>>
    %dma_start3A_248 = arith.constant 0 : i32
    %dma_start3A_249 = tpu.memref_slice %arg2[%add3A_244, %dma_start3A_248] : memref<2560x128xi32, #tpu.memory_space<hbm>> -> memref<16x128xi32, #tpu.memory_space<hbm>>
    %dma_start3A_250 = arith.constant 0 : i32
    %dma_start3A_251 = arith.constant 0 : i32
    %dma_start3A_252 = tpu.memref_slice %arg11[%dma_start3A_250, %dma_start3A_251] : memref<32x128xi32, #tpu.memory_space<vmem>> -> memref<16x128xi32, #tpu.memory_space<vmem>>
    %dma_start3A_253 = arith.constant 0 : i32
    %dma_start3A_254 = tpu.memref_slice %arg2[%add3A_244, %dma_start3A_253] : memref<2560x128xi32, #tpu.memory_space<hbm>> -> memref<16x128xi32, #tpu.memory_space<hbm>>
    tpu.enqueue_dma source(%dma_start3A_254 : memref<16x128xi32, #tpu.memory_space<hbm>>) target(%dma_start3A_252 : memref<16x128xi32, #tpu.memory_space<vmem>>) target_semaphore(%arg19 : memref<!tpu.dma_semaphore, #tpu.memory_space<semaphore_mem>>)
    %add3A_255 = arith.constant 0 : i32
    %add3A_256 = arith.addi %mul3A_0, %add3A_255 : i32
    %dma_start3A_257 = arith.constant 0 : i32
    %dma_start3A_258 = arith.constant 0 : i32
    %dma_start3A_259 = tpu.memref_slice %arg12[%dma_start3A_257, %dma_start3A_258] : memref<32x128xi32, #tpu.memory_space<vmem>> -> memref<16x128xi32, #tpu.memory_space<vmem>>
    %dma_start3A_260 = arith.constant 0 : i32
    %dma_start3A_261 = tpu.memref_slice %arg3[%add3A_256, %dma_start3A_260] : memref<2560x128xi32, #tpu.memory_space<hbm>> -> memref<16x128xi32, #tpu.memory_space<hbm>>
    %dma_start3A_262 = arith.constant 0 : i32
    %dma_start3A_263 = arith.constant 0 : i32
    %dma_start3A_264 = tpu.memref_slice %arg12[%dma_start3A_262, %dma_start3A_263] : memref<32x128xi32, #tpu.memory_space<vmem>> -> memref<16x128xi32, #tpu.memory_space<vmem>>
    %dma_start3A_265 = arith.constant 0 : i32
    %dma_start3A_266 = tpu.memref_slice %arg3[%add3A_256, %dma_start3A_265] : memref<2560x128xi32, #tpu.memory_space<hbm>> -> memref<16x128xi32, #tpu.memory_space<hbm>>
    tpu.enqueue_dma source(%dma_start3A_266 : memref<16x128xi32, #tpu.memory_space<hbm>>) target(%dma_start3A_264 : memref<16x128xi32, #tpu.memory_space<vmem>>) target_semaphore(%arg19 : memref<!tpu.dma_semaphore, #tpu.memory_space<semaphore_mem>>)
    %scan3A_267 = arith.constant 0 : i32
    %scan3A_268 = arith.constant 0 : i32
    %scan3A_269 = arith.constant 161 : i32
    %scan3A_270 = arith.addi %scan3A_268, %scan3A_269 : i32
    %scan3A_271 = arith.constant 1 : i32
    %scan3A_272 = scf.for %scan3A_408 = %scan3A_268 to %scan3A_270 step %scan3A_271 iter_args(%scan3A_409 = %scan3A_267) -> (i32)  : i32 {
      %and3A = arith.constant 1 : i32
      %and3A_410 = arith.andi %scan3A_408, %and3A : i32
      %shift_right_arithmetic3A = arith.constant 4 : i32
      %shift_right_arithmetic3A_411 = arith.shrsi %scan3A_408, %shift_right_arithmetic3A : i32
      %and3A_412 = arith.constant 1 : i32
      %and3A_413 = arith.andi %shift_right_arithmetic3A_411, %and3A_412 : i32
      %mul3A_414 = arith.constant 16 : i32
      %mul3A_415 = arith.muli %and3A_413, %mul3A_414 : i32
      %and3A_416 = arith.constant 15 : i32
      %and3A_417 = arith.andi %scan3A_408, %and3A_416 : i32
      %eq3A = arith.constant 0 : i32
      %eq3A_418 = arith.cmpi eq, %and3A_417, %eq3A : i32
      %lt3A = arith.constant 160 : i32
      %lt3A_419 = arith.cmpi slt, %scan3A_408, %lt3A : i32
      %and3A_420 = arith.andi %eq3A_418, %lt3A_419 : i1
      %convert_element_type3A = arith.extui %and3A_420 : i1 to i32
      %cond3A = arith.constant 0 : i32
      %cond3A_421 = arith.cmpi ne, %convert_element_type3A, %cond3A : i32
      scf.if %cond3A_421 {
        %dma_wait3A_447 = arith.constant 0 : i32
        %dma_wait3A_448 = arith.constant 0 : i32
        %dma_wait3A_449 = tpu.memref_slice %arg11[%dma_wait3A_447, %dma_wait3A_448] : memref<32x128xi32, #tpu.memory_space<vmem>> -> memref<16x128xi32, #tpu.memory_space<vmem>>
        %dma_wait3A_450 = arith.constant 0 : i32
        %dma_wait3A_451 = arith.constant 0 : i32
        %dma_wait3A_452 = tpu.memref_slice %arg2[%dma_wait3A_450, %dma_wait3A_451] : memref<2560x128xi32, #tpu.memory_space<hbm>> -> memref<16x128xi32, #tpu.memory_space<hbm>>
        %dma_wait3A_453 = arith.constant 0 : i32
        %dma_wait3A_454 = arith.constant 0 : i32
        %dma_wait3A_455 = tpu.memref_slice %arg11[%dma_wait3A_453, %dma_wait3A_454] : memref<32x128xi32, #tpu.memory_space<vmem>> -> memref<16x128xi32, #tpu.memory_space<vmem>>
        %dma_wait3A_456 = arith.constant 0 : i32
        %dma_wait3A_457 = arith.constant 0 : i32
        %dma_wait3A_458 = tpu.memref_slice %arg2[%dma_wait3A_456, %dma_wait3A_457] : memref<2560x128xi32, #tpu.memory_space<hbm>> -> memref<16x128xi32, #tpu.memory_space<hbm>>
        tpu.wait_dma2 semaphore(%arg19 : memref<!tpu.dma_semaphore, #tpu.memory_space<semaphore_mem>>) src(%dma_wait3A_458 : memref<16x128xi32, #tpu.memory_space<hbm>>) dst(%dma_wait3A_455 : memref<16x128xi32, #tpu.memory_space<vmem>>)
        %dma_wait3A_459 = arith.constant 0 : i32
        %dma_wait3A_460 = arith.constant 0 : i32
        %dma_wait3A_461 = tpu.memref_slice %arg11[%dma_wait3A_459, %dma_wait3A_460] : memref<32x128xi32, #tpu.memory_space<vmem>> -> memref<16x128xi32, #tpu.memory_space<vmem>>
        %dma_wait3A_462 = arith.constant 0 : i32
        %dma_wait3A_463 = arith.constant 0 : i32
        %dma_wait3A_464 = tpu.memref_slice %arg2[%dma_wait3A_462, %dma_wait3A_463] : memref<2560x128xi32, #tpu.memory_space<hbm>> -> memref<16x128xi32, #tpu.memory_space<hbm>>
        %dma_wait3A_465 = arith.constant 0 : i32
        %dma_wait3A_466 = arith.constant 0 : i32
        %dma_wait3A_467 = tpu.memref_slice %arg11[%dma_wait3A_465, %dma_wait3A_466] : memref<32x128xi32, #tpu.memory_space<vmem>> -> memref<16x128xi32, #tpu.memory_space<vmem>>
        %dma_wait3A_468 = arith.constant 0 : i32
        %dma_wait3A_469 = arith.constant 0 : i32
        %dma_wait3A_470 = tpu.memref_slice %arg2[%dma_wait3A_468, %dma_wait3A_469] : memref<2560x128xi32, #tpu.memory_space<hbm>> -> memref<16x128xi32, #tpu.memory_space<hbm>>
        tpu.wait_dma2 semaphore(%arg19 : memref<!tpu.dma_semaphore, #tpu.memory_space<semaphore_mem>>) src(%dma_wait3A_470 : memref<16x128xi32, #tpu.memory_space<hbm>>) dst(%dma_wait3A_467 : memref<16x128xi32, #tpu.memory_space<vmem>>)
      } else {
      }
      %and3A_422 = arith.constant 15 : i32
      %and3A_423 = arith.andi %scan3A_408, %and3A_422 : i32
      %eq3A_424 = arith.constant 2 : i32
      %eq3A_425 = arith.cmpi eq, %and3A_423, %eq3A_424 : i32
      %lt3A_426 = arith.constant 146 : i32
      %lt3A_427 = arith.cmpi slt, %scan3A_408, %lt3A_426 : i32
      %and3A_428 = arith.andi %eq3A_425, %lt3A_427 : i1
      %convert_element_type3A_429 = arith.extui %and3A_428 : i1 to i32
      %cond3A_430 = arith.constant 0 : i32
      %cond3A_431 = arith.cmpi ne, %convert_element_type3A_429, %cond3A_430 : i32
      scf.if %cond3A_431 {
        %add3A_447 = arith.constant 1 : i32
        %add3A_448 = arith.addi %shift_right_arithmetic3A_411, %add3A_447 : i32
        %and3A_449 = arith.constant 1 : i32
        %and3A_450 = arith.andi %add3A_448, %and3A_449 : i32
        %mul3A_451 = arith.constant 16 : i32
        %mul3A_452 = arith.muli %and3A_450, %mul3A_451 : i32
        %mul3A_453 = arith.constant 16 : i32
        %mul3A_454 = arith.muli %add3A_448, %mul3A_453 : i32
        %add3A_455 = arith.addi %mul3A_0, %mul3A_454 : i32
        %dma_start3A_456 = arith.constant 0 : i32
        %dma_start3A_457 = tpu.memref_slice %arg11[%mul3A_452, %dma_start3A_456] : memref<32x128xi32, #tpu.memory_space<vmem>> -> memref<16x128xi32, #tpu.memory_space<vmem>>
        %dma_start3A_458 = arith.constant 0 : i32
        %dma_start3A_459 = tpu.memref_slice %arg2[%add3A_455, %dma_start3A_458] : memref<2560x128xi32, #tpu.memory_space<hbm>> -> memref<16x128xi32, #tpu.memory_space<hbm>>
        %dma_start3A_460 = arith.constant 0 : i32
        %dma_start3A_461 = tpu.memref_slice %arg11[%mul3A_452, %dma_start3A_460] : memref<32x128xi32, #tpu.memory_space<vmem>> -> memref<16x128xi32, #tpu.memory_space<vmem>>
        %dma_start3A_462 = arith.constant 0 : i32
        %dma_start3A_463 = tpu.memref_slice %arg2[%add3A_455, %dma_start3A_462] : memref<2560x128xi32, #tpu.memory_space<hbm>> -> memref<16x128xi32, #tpu.memory_space<hbm>>
        tpu.enqueue_dma source(%dma_start3A_463 : memref<16x128xi32, #tpu.memory_space<hbm>>) target(%dma_start3A_461 : memref<16x128xi32, #tpu.memory_space<vmem>>) target_semaphore(%arg19 : memref<!tpu.dma_semaphore, #tpu.memory_space<semaphore_mem>>)
        %mul3A_464 = arith.constant 16 : i32
        %mul3A_465 = arith.muli %add3A_448, %mul3A_464 : i32
        %add3A_466 = arith.addi %mul3A_0, %mul3A_465 : i32
        %dma_start3A_467 = arith.constant 0 : i32
        %dma_start3A_468 = tpu.memref_slice %arg12[%mul3A_452, %dma_start3A_467] : memref<32x128xi32, #tpu.memory_space<vmem>> -> memref<16x128xi32, #tpu.memory_space<vmem>>
        %dma_start3A_469 = arith.constant 0 : i32
        %dma_start3A_470 = tpu.memref_slice %arg3[%add3A_466, %dma_start3A_469] : memref<2560x128xi32, #tpu.memory_space<hbm>> -> memref<16x128xi32, #tpu.memory_space<hbm>>
        %dma_start3A_471 = arith.constant 0 : i32
        %dma_start3A_472 = tpu.memref_slice %arg12[%mul3A_452, %dma_start3A_471] : memref<32x128xi32, #tpu.memory_space<vmem>> -> memref<16x128xi32, #tpu.memory_space<vmem>>
        %dma_start3A_473 = arith.constant 0 : i32
        %dma_start3A_474 = tpu.memref_slice %arg3[%add3A_466, %dma_start3A_473] : memref<2560x128xi32, #tpu.memory_space<hbm>> -> memref<16x128xi32, #tpu.memory_space<hbm>>
        tpu.enqueue_dma source(%dma_start3A_474 : memref<16x128xi32, #tpu.memory_space<hbm>>) target(%dma_start3A_472 : memref<16x128xi32, #tpu.memory_space<vmem>>) target_semaphore(%arg19 : memref<!tpu.dma_semaphore, #tpu.memory_space<semaphore_mem>>)
      } else {
      }
      %ge3A = arith.constant 2 : i32
      %ge3A_432 = arith.cmpi sge, %scan3A_408, %ge3A : i32
      %convert_element_type3A_433 = arith.extui %ge3A_432 : i1 to i32
      %cond3A_434 = arith.constant 0 : i32
      %cond3A_435 = arith.cmpi ne, %convert_element_type3A_433, %cond3A_434 : i32
      scf.if %cond3A_435 {
        %dma_wait3A_447 = arith.constant 0 : i32
        %dma_wait3A_448 = arith.constant 0 : i32
        %dma_wait3A_449 = tpu.memref_slice %arg13[%dma_wait3A_447, %dma_wait3A_448] : memref<256x64xf32, #tpu.memory_space<vmem>> -> memref<128x64xf32, #tpu.memory_space<vmem>>
        %dma_wait3A_450 = arith.constant 0 : i32
        %dma_wait3A_451 = arith.constant 0 : i32
        %dma_wait3A_452 = tpu.memref_slice %arg4[%dma_wait3A_450, %dma_wait3A_451] : memref<20480x64xf32, #tpu.memory_space<hbm>> -> memref<128x64xf32, #tpu.memory_space<hbm>>
        %dma_wait3A_453 = arith.constant 0 : i32
        %dma_wait3A_454 = arith.constant 0 : i32
        %dma_wait3A_455 = tpu.memref_slice %arg13[%dma_wait3A_453, %dma_wait3A_454] : memref<256x64xf32, #tpu.memory_space<vmem>> -> memref<128x64xf32, #tpu.memory_space<vmem>>
        %dma_wait3A_456 = arith.constant 0 : i32
        %dma_wait3A_457 = arith.constant 0 : i32
        %dma_wait3A_458 = tpu.memref_slice %arg4[%dma_wait3A_456, %dma_wait3A_457] : memref<20480x64xf32, #tpu.memory_space<hbm>> -> memref<128x64xf32, #tpu.memory_space<hbm>>
        tpu.wait_dma2 semaphore(%arg18 : memref<!tpu.dma_semaphore, #tpu.memory_space<semaphore_mem>>) src(%dma_wait3A_458 : memref<128x64xf32, #tpu.memory_space<hbm>>) dst(%dma_wait3A_455 : memref<128x64xf32, #tpu.memory_space<vmem>>)
      } else {
      }
      %lt3A_436 = arith.constant 160 : i32
      %lt3A_437 = arith.cmpi slt, %scan3A_408, %lt3A_436 : i32
      %convert_element_type3A_438 = arith.extui %lt3A_437 : i1 to i32
      %cond3A_439 = arith.constant 0 : i32
      %cond3A_440 = arith.cmpi ne, %convert_element_type3A_438, %cond3A_439 : i32
      scf.if %cond3A_440 {
        %and3A_447 = arith.constant 15 : i32
        %and3A_448 = arith.andi %scan3A_408, %and3A_447 : i32
        %add3A_449 = arith.addi %mul3A_415, %and3A_448 : i32
        %mul3A_450 = arith.constant 128 : i32
        %mul3A_451 = arith.muli %and3A_410, %mul3A_450 : i32
        %dma_start3A_452 = arith.constant 0 : i32
        %dma_start3A_453 = tpu.memref_slice %arg13[%mul3A_451, %dma_start3A_452] : memref<256x64xf32, #tpu.memory_space<vmem>> -> memref<128x64xf32, #tpu.memory_space<vmem>>
        %dma_start3A_454 = arith.constant 0 : i32
        %dma_start3A_455 = tpu.memref_slice %arg11[%add3A_449, %dma_start3A_454] : memref<32x128xi32, #tpu.memory_space<vmem>> -> memref<1x128xi32, #tpu.memory_space<vmem>>
        %dma_start3A_456 = tpu.memref_squeeze %dma_start3A_455 : memref<1x128xi32, #tpu.memory_space<vmem>> -> memref<128xi32, #tpu.memory_space<vmem>>
        %dma_start3A_457 = arith.constant 0 : i32
        %dma_start3A_458 = arith.constant 0 : i32
        %dma_start3A_459 = tpu.memref_slice %arg15[%dma_start3A_457, %dma_start3A_458] : memref<10240x64xf32, #tpu.memory_space<vmem_shared>> -> memref<10240x64xf32, #tpu.memory_space<vmem_shared>>
        tpu.enqueue_indirect_dma source(%dma_start3A_459 : memref<10240x64xf32, #tpu.memory_space<vmem_shared>>) target(%dma_start3A_453 : memref<128x64xf32, #tpu.memory_space<vmem>>) offsets(%dma_start3A_456 : memref<128xi32, #tpu.memory_space<vmem>>) semaphore(%arg17 : memref<!tpu.dma_semaphore, #tpu.memory_space<semaphore_mem>>)
      } else {
      }
      %ge3A_441 = arith.constant 1 : i32
      %ge3A_442 = arith.cmpi sge, %scan3A_408, %ge3A_441 : i32
      %convert_element_type3A_443 = arith.extui %ge3A_442 : i1 to i32
      %cond3A_444 = arith.constant 0 : i32
      %cond3A_445 = arith.cmpi ne, %convert_element_type3A_443, %cond3A_444 : i32
      scf.if %cond3A_445 {
        %sub3A = arith.constant 1 : i32
        %sub3A_447 = arith.subi %sub3A, %and3A_410 : i32
        %sub3A_448 = arith.constant 1 : i32
        %sub3A_449 = arith.subi %scan3A_408, %sub3A_448 : i32
        %shift_right_arithmetic3A_450 = arith.constant 4 : i32
        %shift_right_arithmetic3A_451 = arith.shrsi %sub3A_449, %shift_right_arithmetic3A_450 : i32
        %and3A_452 = arith.constant 1 : i32
        %and3A_453 = arith.andi %shift_right_arithmetic3A_451, %and3A_452 : i32
        %mul3A_454 = arith.constant 16 : i32
        %mul3A_455 = arith.muli %and3A_453, %mul3A_454 : i32
        %dma_wait3A_456 = arith.constant 0 : i32
        %dma_wait3A_457 = arith.constant 0 : i32
        %dma_wait3A_458 = tpu.memref_slice %arg13[%dma_wait3A_456, %dma_wait3A_457] : memref<256x64xf32, #tpu.memory_space<vmem>> -> memref<128x64xf32, #tpu.memory_space<vmem>>
        %dma_wait3A_459 = arith.constant 0 : i32
        %dma_wait3A_460 = arith.constant 0 : i32
        %dma_wait3A_461 = tpu.memref_slice %arg4[%dma_wait3A_459, %dma_wait3A_460] : memref<20480x64xf32, #tpu.memory_space<hbm>> -> memref<128x64xf32, #tpu.memory_space<hbm>>
        %dma_wait3A_462 = arith.constant 0 : i32
        %dma_wait3A_463 = arith.constant 0 : i32
        %dma_wait3A_464 = tpu.memref_slice %arg13[%dma_wait3A_462, %dma_wait3A_463] : memref<256x64xf32, #tpu.memory_space<vmem>> -> memref<128x64xf32, #tpu.memory_space<vmem>>
        %dma_wait3A_465 = arith.constant 0 : i32
        %dma_wait3A_466 = arith.constant 0 : i32
        %dma_wait3A_467 = tpu.memref_slice %arg4[%dma_wait3A_465, %dma_wait3A_466] : memref<20480x64xf32, #tpu.memory_space<hbm>> -> memref<128x64xf32, #tpu.memory_space<hbm>>
        tpu.wait_dma2 semaphore(%arg17 : memref<!tpu.dma_semaphore, #tpu.memory_space<semaphore_mem>>) src(%dma_wait3A_467 : memref<128x64xf32, #tpu.memory_space<hbm>>) dst(%dma_wait3A_464 : memref<128x64xf32, #tpu.memory_space<vmem>>)
        %mul3A_468 = arith.constant 128 : i32
        %mul3A_469 = arith.muli %sub3A_447, %mul3A_468 : i32
        %sub3A_470 = arith.constant 1 : i32
        %sub3A_471 = arith.subi %scan3A_408, %sub3A_470 : i32
        %and3A_472 = arith.constant 15 : i32
        %and3A_473 = arith.andi %sub3A_471, %and3A_472 : i32
        %add3A_474 = arith.addi %mul3A_455, %and3A_473 : i32
        %dma_start3A_475 = arith.constant 0 : i32
        %dma_start3A_476 = tpu.memref_slice %arg13[%mul3A_469, %dma_start3A_475] : memref<256x64xf32, #tpu.memory_space<vmem>> -> memref<128x64xf32, #tpu.memory_space<vmem>>
        %dma_start3A_477 = arith.constant 0 : i32
        %dma_start3A_478 = tpu.memref_slice %arg12[%add3A_474, %dma_start3A_477] : memref<32x128xi32, #tpu.memory_space<vmem>> -> memref<1x128xi32, #tpu.memory_space<vmem>>
        %dma_start3A_479 = tpu.memref_squeeze %dma_start3A_478 : memref<1x128xi32, #tpu.memory_space<vmem>> -> memref<128xi32, #tpu.memory_space<vmem>>
        %dma_start3A_480 = arith.constant 0 : i32
        %dma_start3A_481 = arith.constant 0 : i32
        %dma_start3A_482 = tpu.memref_slice %arg16[%dma_start3A_480, %dma_start3A_481] : memref<10240x64xf32, #tpu.memory_space<vmem_shared>> -> memref<10240x64xf32, #tpu.memory_space<vmem_shared>>
        tpu.enqueue_indirect_dma source(%dma_start3A_476 : memref<128x64xf32, #tpu.memory_space<vmem>>) target(%dma_start3A_482 : memref<10240x64xf32, #tpu.memory_space<vmem_shared>>) offsets(%dma_start3A_479 : memref<128xi32, #tpu.memory_space<vmem>>) semaphore(%arg18 : memref<!tpu.dma_semaphore, #tpu.memory_space<semaphore_mem>>) {add = true}
      } else {
      }
      %scan3A_446 = arith.constant 0 : i32
      scf.yield %scan3A_446 : i32
    }
    %scan3A_273 = arith.constant 161 : i32
    %dma_wait3A_274 = arith.constant 0 : i32
    %dma_wait3A_275 = arith.constant 0 : i32
    %dma_wait3A_276 = tpu.memref_slice %arg13[%dma_wait3A_274, %dma_wait3A_275] : memref<256x64xf32, #tpu.memory_space<vmem>> -> memref<128x64xf32, #tpu.memory_space<vmem>>
    %dma_wait3A_277 = arith.constant 0 : i32
    %dma_wait3A_278 = arith.constant 0 : i32
    %dma_wait3A_279 = tpu.memref_slice %arg4[%dma_wait3A_277, %dma_wait3A_278] : memref<20480x64xf32, #tpu.memory_space<hbm>> -> memref<128x64xf32, #tpu.memory_space<hbm>>
    %dma_wait3A_280 = arith.constant 0 : i32
    %dma_wait3A_281 = arith.constant 0 : i32
    %dma_wait3A_282 = tpu.memref_slice %arg13[%dma_wait3A_280, %dma_wait3A_281] : memref<256x64xf32, #tpu.memory_space<vmem>> -> memref<128x64xf32, #tpu.memory_space<vmem>>
    %dma_wait3A_283 = arith.constant 0 : i32
    %dma_wait3A_284 = arith.constant 0 : i32
    %dma_wait3A_285 = tpu.memref_slice %arg4[%dma_wait3A_283, %dma_wait3A_284] : memref<20480x64xf32, #tpu.memory_space<hbm>> -> memref<128x64xf32, #tpu.memory_space<hbm>>
    tpu.wait_dma2 semaphore(%arg18 : memref<!tpu.dma_semaphore, #tpu.memory_space<semaphore_mem>>) src(%dma_wait3A_285 : memref<128x64xf32, #tpu.memory_space<hbm>>) dst(%dma_wait3A_282 : memref<128x64xf32, #tpu.memory_space<vmem>>)
    %barrier3A_286 = arith.constant 0 : index
    tpu.barrier barrier_id(%barrier3A_286)
    %add3A_287 = arith.constant 0 : i32
    %add3A_288 = arith.addi %mul3A_2, %add3A_287 : i32
    %add3A_289 = arith.addi %mul3A_4, %add3A_288 : i32
    "tpu.region"() ({
      %run_scoped3A = tpu.sem_alloc : memref<!tpu.dma_semaphore, #tpu.memory_space<semaphore_mem>>
      %dma_start3A_408 = arith.constant 0 : i32
      %dma_start3A_409 = arith.constant 0 : i32
      %dma_start3A_410 = tpu.memref_slice %arg13[%dma_start3A_408, %dma_start3A_409] : memref<256x64xf32, #tpu.memory_space<vmem>> -> memref<128x64xf32, #tpu.memory_space<vmem>>
      %dma_start3A_411 = arith.constant 0 : i32
      %dma_start3A_412 = tpu.memref_slice %arg16[%add3A_288, %dma_start3A_411] : memref<10240x64xf32, #tpu.memory_space<vmem_shared>> -> memref<128x64xf32, #tpu.memory_space<vmem_shared>>
      %dma_start3A_413 = arith.constant 0 : i32
      %dma_start3A_414 = arith.constant 0 : i32
      %dma_start3A_415 = tpu.memref_slice %arg13[%dma_start3A_413, %dma_start3A_414] : memref<256x64xf32, #tpu.memory_space<vmem>> -> memref<128x64xf32, #tpu.memory_space<vmem>>
      %dma_start3A_416 = arith.constant 0 : i32
      %dma_start3A_417 = tpu.memref_slice %arg16[%add3A_288, %dma_start3A_416] : memref<10240x64xf32, #tpu.memory_space<vmem_shared>> -> memref<128x64xf32, #tpu.memory_space<vmem_shared>>
      tpu.enqueue_dma source(%dma_start3A_417 : memref<128x64xf32, #tpu.memory_space<vmem_shared>>) target(%dma_start3A_415 : memref<128x64xf32, #tpu.memory_space<vmem>>) target_semaphore(%run_scoped3A : memref<!tpu.dma_semaphore, #tpu.memory_space<semaphore_mem>>)
      %dma_wait3A_418 = arith.constant 0 : i32
      %dma_wait3A_419 = arith.constant 0 : i32
      %dma_wait3A_420 = tpu.memref_slice %arg13[%dma_wait3A_418, %dma_wait3A_419] : memref<256x64xf32, #tpu.memory_space<vmem>> -> memref<128x64xf32, #tpu.memory_space<vmem>>
      %dma_wait3A_421 = arith.constant 0 : i32
      %dma_wait3A_422 = tpu.memref_slice %arg16[%add3A_288, %dma_wait3A_421] : memref<10240x64xf32, #tpu.memory_space<vmem_shared>> -> memref<128x64xf32, #tpu.memory_space<vmem_shared>>
      %dma_wait3A_423 = arith.constant 0 : i32
      %dma_wait3A_424 = arith.constant 0 : i32
      %dma_wait3A_425 = tpu.memref_slice %arg13[%dma_wait3A_423, %dma_wait3A_424] : memref<256x64xf32, #tpu.memory_space<vmem>> -> memref<128x64xf32, #tpu.memory_space<vmem>>
      %dma_wait3A_426 = arith.constant 0 : i32
      %dma_wait3A_427 = tpu.memref_slice %arg16[%add3A_288, %dma_wait3A_426] : memref<10240x64xf32, #tpu.memory_space<vmem_shared>> -> memref<128x64xf32, #tpu.memory_space<vmem_shared>>
      tpu.wait_dma2 semaphore(%run_scoped3A : memref<!tpu.dma_semaphore, #tpu.memory_space<semaphore_mem>>) src(%dma_wait3A_427 : memref<128x64xf32, #tpu.memory_space<vmem_shared>>) dst(%dma_wait3A_425 : memref<128x64xf32, #tpu.memory_space<vmem>>)
      tpu.yield
    }) : () -> ()
    "tpu.region"() ({
      %run_scoped3A = tpu.sem_alloc : memref<!tpu.dma_semaphore, #tpu.memory_space<semaphore_mem>>
      %dma_start3A_408 = arith.constant 0 : i32
      %dma_start3A_409 = tpu.memref_slice %arg10[%add3A_289, %dma_start3A_408] : memref<20480x64xf32, #tpu.memory_space<hbm>> -> memref<128x64xf32, #tpu.memory_space<hbm>>
      %dma_start3A_410 = arith.constant 0 : i32
      %dma_start3A_411 = tpu.memref_slice %arg10[%add3A_289, %dma_start3A_410] : memref<20480x64xf32, #tpu.memory_space<hbm>> -> memref<128x64xf32, #tpu.memory_space<hbm>>
      tpu.enqueue_dma source(%dma_start3A_411 : memref<128x64xf32, #tpu.memory_space<hbm>>) target(%arg14 : memref<128x64xf32, #tpu.memory_space<vmem>>) target_semaphore(%run_scoped3A : memref<!tpu.dma_semaphore, #tpu.memory_space<semaphore_mem>>)
      %dma_wait3A_412 = arith.constant 0 : i32
      %dma_wait3A_413 = tpu.memref_slice %arg10[%add3A_289, %dma_wait3A_412] : memref<20480x64xf32, #tpu.memory_space<hbm>> -> memref<128x64xf32, #tpu.memory_space<hbm>>
      %dma_wait3A_414 = arith.constant 0 : i32
      %dma_wait3A_415 = tpu.memref_slice %arg10[%add3A_289, %dma_wait3A_414] : memref<20480x64xf32, #tpu.memory_space<hbm>> -> memref<128x64xf32, #tpu.memory_space<hbm>>
      tpu.wait_dma2 semaphore(%run_scoped3A : memref<!tpu.dma_semaphore, #tpu.memory_space<semaphore_mem>>) src(%dma_wait3A_415 : memref<128x64xf32, #tpu.memory_space<hbm>>) dst(%arg14 : memref<128x64xf32, #tpu.memory_space<vmem>>)
      tpu.yield
    }) : () -> ()
    %scan3A_290 = arith.constant 0 : i32
    %scan3A_291 = arith.constant 0 : i32
    %scan3A_292 = arith.constant 128 : i32
    %scan3A_293 = arith.addi %scan3A_291, %scan3A_292 : i32
    %scan3A_294 = arith.constant 1 : i32
    %scan3A_295 = scf.for %scan3A_408 = %scan3A_291 to %scan3A_293 step %scan3A_294 iter_args(%scan3A_409 = %scan3A_290) -> (i32)  : i32 {
      %get3A = arith.index_cast %scan3A_408 : i32 to index
      %get3A_410 = arith.constant 0 : index
      %get3A_411 = tpu.vector_load %arg13[%get3A, %get3A_410] {strides = array<i32>} : memref<256x64xf32, #tpu.memory_space<vmem>>, vector<16xf32>,
      %get3A_412 = arith.index_cast %scan3A_408 : i32 to index
      %get3A_413 = arith.constant 0 : index
      %get3A_414 = tpu.vector_load %arg14[%get3A_412, %get3A_413] {strides = array<i32>} : memref<128x64xf32, #tpu.memory_space<vmem>>, vector<16xf32>,
      %add3A_415 = arith.addf %get3A_411, %get3A_414 : vector<16xf32>
      %swap3A = arith.index_cast %scan3A_408 : i32 to index
      %swap3A_416 = arith.constant 0 : index
      %swap3A_417 = tpu.vector_load %arg13[%swap3A, %swap3A_416] {strides = array<i32>} : memref<256x64xf32, #tpu.memory_space<vmem>>, vector<16xf32>,
      tpu.vector_store %arg13[%swap3A, %swap3A_416], %add3A_415 {strides = array<i32>} : memref<256x64xf32, #tpu.memory_space<vmem>>, vector<16xf32>,
      %get3A_418 = arith.index_cast %scan3A_408 : i32 to index
      %get3A_419 = arith.constant 16 : index
      %get3A_420 = tpu.vector_load %arg13[%get3A_418, %get3A_419] {strides = array<i32>} : memref<256x64xf32, #tpu.memory_space<vmem>>, vector<16xf32>,
      %get3A_421 = arith.index_cast %scan3A_408 : i32 to index
      %get3A_422 = arith.constant 16 : index
      %get3A_423 = tpu.vector_load %arg14[%get3A_421, %get3A_422] {strides = array<i32>} : memref<128x64xf32, #tpu.memory_space<vmem>>, vector<16xf32>,
      %add3A_424 = arith.addf %get3A_420, %get3A_423 : vector<16xf32>
      %swap3A_425 = arith.index_cast %scan3A_408 : i32 to index
      %swap3A_426 = arith.constant 16 : index
      %swap3A_427 = tpu.vector_load %arg13[%swap3A_425, %swap3A_426] {strides = array<i32>} : memref<256x64xf32, #tpu.memory_space<vmem>>, vector<16xf32>,
      tpu.vector_store %arg13[%swap3A_425, %swap3A_426], %add3A_424 {strides = array<i32>} : memref<256x64xf32, #tpu.memory_space<vmem>>, vector<16xf32>,
      %get3A_428 = arith.index_cast %scan3A_408 : i32 to index
      %get3A_429 = arith.constant 32 : index
      %get3A_430 = tpu.vector_load %arg13[%get3A_428, %get3A_429] {strides = array<i32>} : memref<256x64xf32, #tpu.memory_space<vmem>>, vector<16xf32>,
      %get3A_431 = arith.index_cast %scan3A_408 : i32 to index
      %get3A_432 = arith.constant 32 : index
      %get3A_433 = tpu.vector_load %arg14[%get3A_431, %get3A_432] {strides = array<i32>} : memref<128x64xf32, #tpu.memory_space<vmem>>, vector<16xf32>,
      %add3A_434 = arith.addf %get3A_430, %get3A_433 : vector<16xf32>
      %swap3A_435 = arith.index_cast %scan3A_408 : i32 to index
      %swap3A_436 = arith.constant 32 : index
      %swap3A_437 = tpu.vector_load %arg13[%swap3A_435, %swap3A_436] {strides = array<i32>} : memref<256x64xf32, #tpu.memory_space<vmem>>, vector<16xf32>,
      tpu.vector_store %arg13[%swap3A_435, %swap3A_436], %add3A_434 {strides = array<i32>} : memref<256x64xf32, #tpu.memory_space<vmem>>, vector<16xf32>,
      %get3A_438 = arith.index_cast %scan3A_408 : i32 to index
      %get3A_439 = arith.constant 48 : index
      %get3A_440 = tpu.vector_load %arg13[%get3A_438, %get3A_439] {strides = array<i32>} : memref<256x64xf32, #tpu.memory_space<vmem>>, vector<16xf32>,
      %get3A_441 = arith.index_cast %scan3A_408 : i32 to index
      %get3A_442 = arith.constant 48 : index
      %get3A_443 = tpu.vector_load %arg14[%get3A_441, %get3A_442] {strides = array<i32>} : memref<128x64xf32, #tpu.memory_space<vmem>>, vector<16xf32>,
      %add3A_444 = arith.addf %get3A_440, %get3A_443 : vector<16xf32>
      %swap3A_445 = arith.index_cast %scan3A_408 : i32 to index
      %swap3A_446 = arith.constant 48 : index
      %swap3A_447 = tpu.vector_load %arg13[%swap3A_445, %swap3A_446] {strides = array<i32>} : memref<256x64xf32, #tpu.memory_space<vmem>>, vector<16xf32>,
      tpu.vector_store %arg13[%swap3A_445, %swap3A_446], %add3A_444 {strides = array<i32>} : memref<256x64xf32, #tpu.memory_space<vmem>>, vector<16xf32>,
      %scan3A_448 = arith.constant 0 : i32
      scf.yield %scan3A_448 : i32
    }
    %scan3A_296 = arith.constant 128 : i32
    "tpu.region"() ({
      %run_scoped3A = tpu.sem_alloc : memref<!tpu.dma_semaphore, #tpu.memory_space<semaphore_mem>>
      %dma_start3A_408 = arith.constant 0 : i32
      %dma_start3A_409 = tpu.memref_slice %arg6[%add3A_288, %dma_start3A_408] : memref<10240x64xf32, #tpu.memory_space<hbm>> -> memref<128x64xf32, #tpu.memory_space<hbm>>
      %dma_start3A_410 = arith.constant 0 : i32
      %dma_start3A_411 = tpu.memref_slice %arg6[%add3A_288, %dma_start3A_410] : memref<10240x64xf32, #tpu.memory_space<hbm>> -> memref<128x64xf32, #tpu.memory_space<hbm>>
      tpu.enqueue_dma source(%dma_start3A_411 : memref<128x64xf32, #tpu.memory_space<hbm>>) target(%arg14 : memref<128x64xf32, #tpu.memory_space<vmem>>) target_semaphore(%run_scoped3A : memref<!tpu.dma_semaphore, #tpu.memory_space<semaphore_mem>>)
      %dma_wait3A_412 = arith.constant 0 : i32
      %dma_wait3A_413 = tpu.memref_slice %arg6[%add3A_288, %dma_wait3A_412] : memref<10240x64xf32, #tpu.memory_space<hbm>> -> memref<128x64xf32, #tpu.memory_space<hbm>>
      %dma_wait3A_414 = arith.constant 0 : i32
      %dma_wait3A_415 = tpu.memref_slice %arg6[%add3A_288, %dma_wait3A_414] : memref<10240x64xf32, #tpu.memory_space<hbm>> -> memref<128x64xf32, #tpu.memory_space<hbm>>
      tpu.wait_dma2 semaphore(%run_scoped3A : memref<!tpu.dma_semaphore, #tpu.memory_space<semaphore_mem>>) src(%dma_wait3A_415 : memref<128x64xf32, #tpu.memory_space<hbm>>) dst(%arg14 : memref<128x64xf32, #tpu.memory_space<vmem>>)
      tpu.yield
    }) : () -> ()
    %scan3A_297 = arith.constant 0 : i32
    %scan3A_298 = arith.constant 0 : i32
    %scan3A_299 = arith.constant 128 : i32
    %scan3A_300 = arith.addi %scan3A_298, %scan3A_299 : i32
    %scan3A_301 = arith.constant 1 : i32
    %scan3A_302 = scf.for %scan3A_408 = %scan3A_298 to %scan3A_300 step %scan3A_301 iter_args(%scan3A_409 = %scan3A_297) -> (i32)  : i32 {
      %get3A = arith.index_cast %scan3A_408 : i32 to index
      %get3A_410 = arith.constant 0 : index
      %get3A_411 = tpu.vector_load %arg13[%get3A, %get3A_410] {strides = array<i32>} : memref<256x64xf32, #tpu.memory_space<vmem>>, vector<16xf32>,
      %get3A_412 = arith.index_cast %scan3A_408 : i32 to index
      %get3A_413 = arith.constant 0 : index
      %get3A_414 = tpu.vector_load %arg14[%get3A_412, %get3A_413] {strides = array<i32>} : memref<128x64xf32, #tpu.memory_space<vmem>>, vector<16xf32>,
      %mul3A_415 = arith.mulf %get3A_411, %get3A_414 : vector<16xf32>
      %swap3A = arith.index_cast %scan3A_408 : i32 to index
      %swap3A_416 = arith.constant 0 : index
      %swap3A_417 = tpu.vector_load %arg13[%swap3A, %swap3A_416] {strides = array<i32>} : memref<256x64xf32, #tpu.memory_space<vmem>>, vector<16xf32>,
      tpu.vector_store %arg13[%swap3A, %swap3A_416], %mul3A_415 {strides = array<i32>} : memref<256x64xf32, #tpu.memory_space<vmem>>, vector<16xf32>,
      %get3A_418 = arith.index_cast %scan3A_408 : i32 to index
      %get3A_419 = arith.constant 16 : index
      %get3A_420 = tpu.vector_load %arg13[%get3A_418, %get3A_419] {strides = array<i32>} : memref<256x64xf32, #tpu.memory_space<vmem>>, vector<16xf32>,
      %get3A_421 = arith.index_cast %scan3A_408 : i32 to index
      %get3A_422 = arith.constant 16 : index
      %get3A_423 = tpu.vector_load %arg14[%get3A_421, %get3A_422] {strides = array<i32>} : memref<128x64xf32, #tpu.memory_space<vmem>>, vector<16xf32>,
      %mul3A_424 = arith.mulf %get3A_420, %get3A_423 : vector<16xf32>
      %swap3A_425 = arith.index_cast %scan3A_408 : i32 to index
      %swap3A_426 = arith.constant 16 : index
      %swap3A_427 = tpu.vector_load %arg13[%swap3A_425, %swap3A_426] {strides = array<i32>} : memref<256x64xf32, #tpu.memory_space<vmem>>, vector<16xf32>,
      tpu.vector_store %arg13[%swap3A_425, %swap3A_426], %mul3A_424 {strides = array<i32>} : memref<256x64xf32, #tpu.memory_space<vmem>>, vector<16xf32>,
      %get3A_428 = arith.index_cast %scan3A_408 : i32 to index
      %get3A_429 = arith.constant 32 : index
      %get3A_430 = tpu.vector_load %arg13[%get3A_428, %get3A_429] {strides = array<i32>} : memref<256x64xf32, #tpu.memory_space<vmem>>, vector<16xf32>,
      %get3A_431 = arith.index_cast %scan3A_408 : i32 to index
      %get3A_432 = arith.constant 32 : index
      %get3A_433 = tpu.vector_load %arg14[%get3A_431, %get3A_432] {strides = array<i32>} : memref<128x64xf32, #tpu.memory_space<vmem>>, vector<16xf32>,
      %mul3A_434 = arith.mulf %get3A_430, %get3A_433 : vector<16xf32>
      %swap3A_435 = arith.index_cast %scan3A_408 : i32 to index
      %swap3A_436 = arith.constant 32 : index
      %swap3A_437 = tpu.vector_load %arg13[%swap3A_435, %swap3A_436] {strides = array<i32>} : memref<256x64xf32, #tpu.memory_space<vmem>>, vector<16xf32>,
      tpu.vector_store %arg13[%swap3A_435, %swap3A_436], %mul3A_434 {strides = array<i32>} : memref<256x64xf32, #tpu.memory_space<vmem>>, vector<16xf32>,
      %get3A_438 = arith.index_cast %scan3A_408 : i32 to index
      %get3A_439 = arith.constant 48 : index
      %get3A_440 = tpu.vector_load %arg13[%get3A_438, %get3A_439] {strides = array<i32>} : memref<256x64xf32, #tpu.memory_space<vmem>>, vector<16xf32>,
      %get3A_441 = arith.index_cast %scan3A_408 : i32 to index
      %get3A_442 = arith.constant 48 : index
      %get3A_443 = tpu.vector_load %arg14[%get3A_441, %get3A_442] {strides = array<i32>} : memref<128x64xf32, #tpu.memory_space<vmem>>, vector<16xf32>,
      %mul3A_444 = arith.mulf %get3A_440, %get3A_443 : vector<16xf32>
      %swap3A_445 = arith.index_cast %scan3A_408 : i32 to index
      %swap3A_446 = arith.constant 48 : index
      %swap3A_447 = tpu.vector_load %arg13[%swap3A_445, %swap3A_446] {strides = array<i32>} : memref<256x64xf32, #tpu.memory_space<vmem>>, vector<16xf32>,
      tpu.vector_store %arg13[%swap3A_445, %swap3A_446], %mul3A_444 {strides = array<i32>} : memref<256x64xf32, #tpu.memory_space<vmem>>, vector<16xf32>,
      %scan3A_448 = arith.constant 0 : i32
      scf.yield %scan3A_448 : i32
    }
    %scan3A_303 = arith.constant 128 : i32
    "tpu.region"() ({
      %run_scoped3A = tpu.sem_alloc : memref<!tpu.dma_semaphore, #tpu.memory_space<semaphore_mem>>
      %dma_start3A_408 = arith.constant 0 : i32
      %dma_start3A_409 = tpu.memref_slice %arg7[%add3A_289, %dma_start3A_408] : memref<20480x64xf32, #tpu.memory_space<hbm>> -> memref<128x64xf32, #tpu.memory_space<hbm>>
      %dma_start3A_410 = arith.constant 0 : i32
      %dma_start3A_411 = tpu.memref_slice %arg7[%add3A_289, %dma_start3A_410] : memref<20480x64xf32, #tpu.memory_space<hbm>> -> memref<128x64xf32, #tpu.memory_space<hbm>>
      tpu.enqueue_dma source(%dma_start3A_411 : memref<128x64xf32, #tpu.memory_space<hbm>>) target(%arg14 : memref<128x64xf32, #tpu.memory_space<vmem>>) target_semaphore(%run_scoped3A : memref<!tpu.dma_semaphore, #tpu.memory_space<semaphore_mem>>)
      %dma_wait3A_412 = arith.constant 0 : i32
      %dma_wait3A_413 = tpu.memref_slice %arg7[%add3A_289, %dma_wait3A_412] : memref<20480x64xf32, #tpu.memory_space<hbm>> -> memref<128x64xf32, #tpu.memory_space<hbm>>
      %dma_wait3A_414 = arith.constant 0 : i32
      %dma_wait3A_415 = tpu.memref_slice %arg7[%add3A_289, %dma_wait3A_414] : memref<20480x64xf32, #tpu.memory_space<hbm>> -> memref<128x64xf32, #tpu.memory_space<hbm>>
      tpu.wait_dma2 semaphore(%run_scoped3A : memref<!tpu.dma_semaphore, #tpu.memory_space<semaphore_mem>>) src(%dma_wait3A_415 : memref<128x64xf32, #tpu.memory_space<hbm>>) dst(%arg14 : memref<128x64xf32, #tpu.memory_space<vmem>>)
      tpu.yield
    }) : () -> ()
    %scan3A_304 = arith.constant 0 : i32
    %scan3A_305 = arith.constant 0 : i32
    %scan3A_306 = arith.constant 128 : i32
    %scan3A_307 = arith.addi %scan3A_305, %scan3A_306 : i32
    %scan3A_308 = arith.constant 1 : i32
    %scan3A_309 = scf.for %scan3A_408 = %scan3A_305 to %scan3A_307 step %scan3A_308 iter_args(%scan3A_409 = %scan3A_304) -> (i32)  : i32 {
      %get3A = arith.index_cast %scan3A_408 : i32 to index
      %get3A_410 = arith.constant 0 : index
      %get3A_411 = tpu.vector_load %arg13[%get3A, %get3A_410] {strides = array<i32>} : memref<256x64xf32, #tpu.memory_space<vmem>>, vector<16xf32>,
      %get3A_412 = arith.index_cast %scan3A_408 : i32 to index
      %get3A_413 = arith.constant 0 : index
      %get3A_414 = tpu.vector_load %arg14[%get3A_412, %get3A_413] {strides = array<i32>} : memref<128x64xf32, #tpu.memory_space<vmem>>, vector<16xf32>,
      %add3A_415 = arith.addf %get3A_411, %get3A_414 : vector<16xf32>
      %swap3A = arith.index_cast %scan3A_408 : i32 to index
      %swap3A_416 = arith.constant 0 : index
      %swap3A_417 = tpu.vector_load %arg13[%swap3A, %swap3A_416] {strides = array<i32>} : memref<256x64xf32, #tpu.memory_space<vmem>>, vector<16xf32>,
      tpu.vector_store %arg13[%swap3A, %swap3A_416], %add3A_415 {strides = array<i32>} : memref<256x64xf32, #tpu.memory_space<vmem>>, vector<16xf32>,
      %get3A_418 = arith.index_cast %scan3A_408 : i32 to index
      %get3A_419 = arith.constant 16 : index
      %get3A_420 = tpu.vector_load %arg13[%get3A_418, %get3A_419] {strides = array<i32>} : memref<256x64xf32, #tpu.memory_space<vmem>>, vector<16xf32>,
      %get3A_421 = arith.index_cast %scan3A_408 : i32 to index
      %get3A_422 = arith.constant 16 : index
      %get3A_423 = tpu.vector_load %arg14[%get3A_421, %get3A_422] {strides = array<i32>} : memref<128x64xf32, #tpu.memory_space<vmem>>, vector<16xf32>,
      %add3A_424 = arith.addf %get3A_420, %get3A_423 : vector<16xf32>
      %swap3A_425 = arith.index_cast %scan3A_408 : i32 to index
      %swap3A_426 = arith.constant 16 : index
      %swap3A_427 = tpu.vector_load %arg13[%swap3A_425, %swap3A_426] {strides = array<i32>} : memref<256x64xf32, #tpu.memory_space<vmem>>, vector<16xf32>,
      tpu.vector_store %arg13[%swap3A_425, %swap3A_426], %add3A_424 {strides = array<i32>} : memref<256x64xf32, #tpu.memory_space<vmem>>, vector<16xf32>,
      %get3A_428 = arith.index_cast %scan3A_408 : i32 to index
      %get3A_429 = arith.constant 32 : index
      %get3A_430 = tpu.vector_load %arg13[%get3A_428, %get3A_429] {strides = array<i32>} : memref<256x64xf32, #tpu.memory_space<vmem>>, vector<16xf32>,
      %get3A_431 = arith.index_cast %scan3A_408 : i32 to index
      %get3A_432 = arith.constant 32 : index
      %get3A_433 = tpu.vector_load %arg14[%get3A_431, %get3A_432] {strides = array<i32>} : memref<128x64xf32, #tpu.memory_space<vmem>>, vector<16xf32>,
      %add3A_434 = arith.addf %get3A_430, %get3A_433 : vector<16xf32>
      %swap3A_435 = arith.index_cast %scan3A_408 : i32 to index
      %swap3A_436 = arith.constant 32 : index
      %swap3A_437 = tpu.vector_load %arg13[%swap3A_435, %swap3A_436] {strides = array<i32>} : memref<256x64xf32, #tpu.memory_space<vmem>>, vector<16xf32>,
      tpu.vector_store %arg13[%swap3A_435, %swap3A_436], %add3A_434 {strides = array<i32>} : memref<256x64xf32, #tpu.memory_space<vmem>>, vector<16xf32>,
      %get3A_438 = arith.index_cast %scan3A_408 : i32 to index
      %get3A_439 = arith.constant 48 : index
      %get3A_440 = tpu.vector_load %arg13[%get3A_438, %get3A_439] {strides = array<i32>} : memref<256x64xf32, #tpu.memory_space<vmem>>, vector<16xf32>,
      %get3A_441 = arith.index_cast %scan3A_408 : i32 to index
      %get3A_442 = arith.constant 48 : index
      %get3A_443 = tpu.vector_load %arg14[%get3A_441, %get3A_442] {strides = array<i32>} : memref<128x64xf32, #tpu.memory_space<vmem>>, vector<16xf32>,
      %add3A_444 = arith.addf %get3A_440, %get3A_443 : vector<16xf32>
      %swap3A_445 = arith.index_cast %scan3A_408 : i32 to index
      %swap3A_446 = arith.constant 48 : index
      %swap3A_447 = tpu.vector_load %arg13[%swap3A_445, %swap3A_446] {strides = array<i32>} : memref<256x64xf32, #tpu.memory_space<vmem>>, vector<16xf32>,
      tpu.vector_store %arg13[%swap3A_445, %swap3A_446], %add3A_444 {strides = array<i32>} : memref<256x64xf32, #tpu.memory_space<vmem>>, vector<16xf32>,
      %scan3A_448 = arith.constant 0 : i32
      scf.yield %scan3A_448 : i32
    }
    %scan3A_310 = arith.constant 128 : i32
    "tpu.region"() ({
      %run_scoped3A = tpu.sem_alloc : memref<!tpu.dma_semaphore, #tpu.memory_space<semaphore_mem>>
      %dma_start3A_408 = arith.constant 0 : i32
      %dma_start3A_409 = arith.constant 0 : i32
      %dma_start3A_410 = tpu.memref_slice %arg13[%dma_start3A_408, %dma_start3A_409] : memref<256x64xf32, #tpu.memory_space<vmem>> -> memref<128x64xf32, #tpu.memory_space<vmem>>
      %dma_start3A_411 = arith.constant 0 : i32
      %dma_start3A_412 = tpu.memref_slice %arg9[%add3A_289, %dma_start3A_411] : memref<20480x64xf32, #tpu.memory_space<hbm>> -> memref<128x64xf32, #tpu.memory_space<hbm>>
      %dma_start3A_413 = arith.constant 0 : i32
      %dma_start3A_414 = tpu.memref_slice %arg9[%add3A_289, %dma_start3A_413] : memref<20480x64xf32, #tpu.memory_space<hbm>> -> memref<128x64xf32, #tpu.memory_space<hbm>>
      %dma_start3A_415 = arith.constant 0 : i32
      %dma_start3A_416 = arith.constant 0 : i32
      %dma_start3A_417 = tpu.memref_slice %arg13[%dma_start3A_415, %dma_start3A_416] : memref<256x64xf32, #tpu.memory_space<vmem>> -> memref<128x64xf32, #tpu.memory_space<vmem>>
      tpu.enqueue_dma source(%dma_start3A_417 : memref<128x64xf32, #tpu.memory_space<vmem>>) target(%dma_start3A_414 : memref<128x64xf32, #tpu.memory_space<hbm>>) target_semaphore(%run_scoped3A : memref<!tpu.dma_semaphore, #tpu.memory_space<semaphore_mem>>)
      %dma_wait3A_418 = arith.constant 0 : i32
      %dma_wait3A_419 = arith.constant 0 : i32
      %dma_wait3A_420 = tpu.memref_slice %arg13[%dma_wait3A_418, %dma_wait3A_419] : memref<256x64xf32, #tpu.memory_space<vmem>> -> memref<128x64xf32, #tpu.memory_space<vmem>>
      %dma_wait3A_421 = arith.constant 0 : i32
      %dma_wait3A_422 = tpu.memref_slice %arg9[%add3A_289, %dma_wait3A_421] : memref<20480x64xf32, #tpu.memory_space<hbm>> -> memref<128x64xf32, #tpu.memory_space<hbm>>
      %dma_wait3A_423 = arith.constant 0 : i32
      %dma_wait3A_424 = tpu.memref_slice %arg9[%add3A_289, %dma_wait3A_423] : memref<20480x64xf32, #tpu.memory_space<hbm>> -> memref<128x64xf32, #tpu.memory_space<hbm>>
      %dma_wait3A_425 = arith.constant 0 : i32
      %dma_wait3A_426 = arith.constant 0 : i32
      %dma_wait3A_427 = tpu.memref_slice %arg13[%dma_wait3A_425, %dma_wait3A_426] : memref<256x64xf32, #tpu.memory_space<vmem>> -> memref<128x64xf32, #tpu.memory_space<vmem>>
      tpu.wait_dma2 semaphore(%run_scoped3A : memref<!tpu.dma_semaphore, #tpu.memory_space<semaphore_mem>>) src(%dma_wait3A_427 : memref<128x64xf32, #tpu.memory_space<vmem>>) dst(%dma_wait3A_424 : memref<128x64xf32, #tpu.memory_space<hbm>>)
      tpu.yield
    }) : () -> ()
    %add3A_311 = arith.constant 128 : i32
    %add3A_312 = arith.addi %mul3A_2, %add3A_311 : i32
    %add3A_313 = arith.addi %mul3A_4, %add3A_312 : i32
    "tpu.region"() ({
      %run_scoped3A = tpu.sem_alloc : memref<!tpu.dma_semaphore, #tpu.memory_space<semaphore_mem>>
      %dma_start3A_408 = arith.constant 0 : i32
      %dma_start3A_409 = arith.constant 0 : i32
      %dma_start3A_410 = tpu.memref_slice %arg13[%dma_start3A_408, %dma_start3A_409] : memref<256x64xf32, #tpu.memory_space<vmem>> -> memref<128x64xf32, #tpu.memory_space<vmem>>
      %dma_start3A_411 = arith.constant 0 : i32
      %dma_start3A_412 = tpu.memref_slice %arg16[%add3A_312, %dma_start3A_411] : memref<10240x64xf32, #tpu.memory_space<vmem_shared>> -> memref<128x64xf32, #tpu.memory_space<vmem_shared>>
      %dma_start3A_413 = arith.constant 0 : i32
      %dma_start3A_414 = arith.constant 0 : i32
      %dma_start3A_415 = tpu.memref_slice %arg13[%dma_start3A_413, %dma_start3A_414] : memref<256x64xf32, #tpu.memory_space<vmem>> -> memref<128x64xf32, #tpu.memory_space<vmem>>
      %dma_start3A_416 = arith.constant 0 : i32
      %dma_start3A_417 = tpu.memref_slice %arg16[%add3A_312, %dma_start3A_416] : memref<10240x64xf32, #tpu.memory_space<vmem_shared>> -> memref<128x64xf32, #tpu.memory_space<vmem_shared>>
      tpu.enqueue_dma source(%dma_start3A_417 : memref<128x64xf32, #tpu.memory_space<vmem_shared>>) target(%dma_start3A_415 : memref<128x64xf32, #tpu.memory_space<vmem>>) target_semaphore(%run_scoped3A : memref<!tpu.dma_semaphore, #tpu.memory_space<semaphore_mem>>)
      %dma_wait3A_418 = arith.constant 0 : i32
      %dma_wait3A_419 = arith.constant 0 : i32
      %dma_wait3A_420 = tpu.memref_slice %arg13[%dma_wait3A_418, %dma_wait3A_419] : memref<256x64xf32, #tpu.memory_space<vmem>> -> memref<128x64xf32, #tpu.memory_space<vmem>>
      %dma_wait3A_421 = arith.constant 0 : i32
      %dma_wait3A_422 = tpu.memref_slice %arg16[%add3A_312, %dma_wait3A_421] : memref<10240x64xf32, #tpu.memory_space<vmem_shared>> -> memref<128x64xf32, #tpu.memory_space<vmem_shared>>
      %dma_wait3A_423 = arith.constant 0 : i32
      %dma_wait3A_424 = arith.constant 0 : i32
      %dma_wait3A_425 = tpu.memref_slice %arg13[%dma_wait3A_423, %dma_wait3A_424] : memref<256x64xf32, #tpu.memory_space<vmem>> -> memref<128x64xf32, #tpu.memory_space<vmem>>
      %dma_wait3A_426 = arith.constant 0 : i32
      %dma_wait3A_427 = tpu.memref_slice %arg16[%add3A_312, %dma_wait3A_426] : memref<10240x64xf32, #tpu.memory_space<vmem_shared>> -> memref<128x64xf32, #tpu.memory_space<vmem_shared>>
      tpu.wait_dma2 semaphore(%run_scoped3A : memref<!tpu.dma_semaphore, #tpu.memory_space<semaphore_mem>>) src(%dma_wait3A_427 : memref<128x64xf32, #tpu.memory_space<vmem_shared>>) dst(%dma_wait3A_425 : memref<128x64xf32, #tpu.memory_space<vmem>>)
      tpu.yield
    }) : () -> ()
    "tpu.region"() ({
      %run_scoped3A = tpu.sem_alloc : memref<!tpu.dma_semaphore, #tpu.memory_space<semaphore_mem>>
      %dma_start3A_408 = arith.constant 0 : i32
      %dma_start3A_409 = tpu.memref_slice %arg10[%add3A_313, %dma_start3A_408] : memref<20480x64xf32, #tpu.memory_space<hbm>> -> memref<128x64xf32, #tpu.memory_space<hbm>>
      %dma_start3A_410 = arith.constant 0 : i32
      %dma_start3A_411 = tpu.memref_slice %arg10[%add3A_313, %dma_start3A_410] : memref<20480x64xf32, #tpu.memory_space<hbm>> -> memref<128x64xf32, #tpu.memory_space<hbm>>
      tpu.enqueue_dma source(%dma_start3A_411 : memref<128x64xf32, #tpu.memory_space<hbm>>) target(%arg14 : memref<128x64xf32, #tpu.memory_space<vmem>>) target_semaphore(%run_scoped3A : memref<!tpu.dma_semaphore, #tpu.memory_space<semaphore_mem>>)
      %dma_wait3A_412 = arith.constant 0 : i32
      %dma_wait3A_413 = tpu.memref_slice %arg10[%add3A_313, %dma_wait3A_412] : memref<20480x64xf32, #tpu.memory_space<hbm>> -> memref<128x64xf32, #tpu.memory_space<hbm>>
      %dma_wait3A_414 = arith.constant 0 : i32
      %dma_wait3A_415 = tpu.memref_slice %arg10[%add3A_313, %dma_wait3A_414] : memref<20480x64xf32, #tpu.memory_space<hbm>> -> memref<128x64xf32, #tpu.memory_space<hbm>>
      tpu.wait_dma2 semaphore(%run_scoped3A : memref<!tpu.dma_semaphore, #tpu.memory_space<semaphore_mem>>) src(%dma_wait3A_415 : memref<128x64xf32, #tpu.memory_space<hbm>>) dst(%arg14 : memref<128x64xf32, #tpu.memory_space<vmem>>)
      tpu.yield
    }) : () -> ()
    %scan3A_314 = arith.constant 0 : i32
    %scan3A_315 = arith.constant 0 : i32
    %scan3A_316 = arith.constant 128 : i32
    %scan3A_317 = arith.addi %scan3A_315, %scan3A_316 : i32
    %scan3A_318 = arith.constant 1 : i32
    %scan3A_319 = scf.for %scan3A_408 = %scan3A_315 to %scan3A_317 step %scan3A_318 iter_args(%scan3A_409 = %scan3A_314) -> (i32)  : i32 {
      %get3A = arith.index_cast %scan3A_408 : i32 to index
      %get3A_410 = arith.constant 0 : index
      %get3A_411 = tpu.vector_load %arg13[%get3A, %get3A_410] {strides = array<i32>} : memref<256x64xf32, #tpu.memory_space<vmem>>, vector<16xf32>,
      %get3A_412 = arith.index_cast %scan3A_408 : i32 to index
      %get3A_413 = arith.constant 0 : index
      %get3A_414 = tpu.vector_load %arg14[%get3A_412, %get3A_413] {strides = array<i32>} : memref<128x64xf32, #tpu.memory_space<vmem>>, vector<16xf32>,
      %add3A_415 = arith.addf %get3A_411, %get3A_414 : vector<16xf32>
      %swap3A = arith.index_cast %scan3A_408 : i32 to index
      %swap3A_416 = arith.constant 0 : index
      %swap3A_417 = tpu.vector_load %arg13[%swap3A, %swap3A_416] {strides = array<i32>} : memref<256x64xf32, #tpu.memory_space<vmem>>, vector<16xf32>,
      tpu.vector_store %arg13[%swap3A, %swap3A_416], %add3A_415 {strides = array<i32>} : memref<256x64xf32, #tpu.memory_space<vmem>>, vector<16xf32>,
      %get3A_418 = arith.index_cast %scan3A_408 : i32 to index
      %get3A_419 = arith.constant 16 : index
      %get3A_420 = tpu.vector_load %arg13[%get3A_418, %get3A_419] {strides = array<i32>} : memref<256x64xf32, #tpu.memory_space<vmem>>, vector<16xf32>,
      %get3A_421 = arith.index_cast %scan3A_408 : i32 to index
      %get3A_422 = arith.constant 16 : index
      %get3A_423 = tpu.vector_load %arg14[%get3A_421, %get3A_422] {strides = array<i32>} : memref<128x64xf32, #tpu.memory_space<vmem>>, vector<16xf32>,
      %add3A_424 = arith.addf %get3A_420, %get3A_423 : vector<16xf32>
      %swap3A_425 = arith.index_cast %scan3A_408 : i32 to index
      %swap3A_426 = arith.constant 16 : index
      %swap3A_427 = tpu.vector_load %arg13[%swap3A_425, %swap3A_426] {strides = array<i32>} : memref<256x64xf32, #tpu.memory_space<vmem>>, vector<16xf32>,
      tpu.vector_store %arg13[%swap3A_425, %swap3A_426], %add3A_424 {strides = array<i32>} : memref<256x64xf32, #tpu.memory_space<vmem>>, vector<16xf32>,
      %get3A_428 = arith.index_cast %scan3A_408 : i32 to index
      %get3A_429 = arith.constant 32 : index
      %get3A_430 = tpu.vector_load %arg13[%get3A_428, %get3A_429] {strides = array<i32>} : memref<256x64xf32, #tpu.memory_space<vmem>>, vector<16xf32>,
      %get3A_431 = arith.index_cast %scan3A_408 : i32 to index
      %get3A_432 = arith.constant 32 : index
      %get3A_433 = tpu.vector_load %arg14[%get3A_431, %get3A_432] {strides = array<i32>} : memref<128x64xf32, #tpu.memory_space<vmem>>, vector<16xf32>,
      %add3A_434 = arith.addf %get3A_430, %get3A_433 : vector<16xf32>
      %swap3A_435 = arith.index_cast %scan3A_408 : i32 to index
      %swap3A_436 = arith.constant 32 : index
      %swap3A_437 = tpu.vector_load %arg13[%swap3A_435, %swap3A_436] {strides = array<i32>} : memref<256x64xf32, #tpu.memory_space<vmem>>, vector<16xf32>,
      tpu.vector_store %arg13[%swap3A_435, %swap3A_436], %add3A_434 {strides = array<i32>} : memref<256x64xf32, #tpu.memory_space<vmem>>, vector<16xf32>,
      %get3A_438 = arith.index_cast %scan3A_408 : i32 to index
      %get3A_439 = arith.constant 48 : index
      %get3A_440 = tpu.vector_load %arg13[%get3A_438, %get3A_439] {strides = array<i32>} : memref<256x64xf32, #tpu.memory_space<vmem>>, vector<16xf32>,
      %get3A_441 = arith.index_cast %scan3A_408 : i32 to index
      %get3A_442 = arith.constant 48 : index
      %get3A_443 = tpu.vector_load %arg14[%get3A_441, %get3A_442] {strides = array<i32>} : memref<128x64xf32, #tpu.memory_space<vmem>>, vector<16xf32>,
      %add3A_444 = arith.addf %get3A_440, %get3A_443 : vector<16xf32>
      %swap3A_445 = arith.index_cast %scan3A_408 : i32 to index
      %swap3A_446 = arith.constant 48 : index
      %swap3A_447 = tpu.vector_load %arg13[%swap3A_445, %swap3A_446] {strides = array<i32>} : memref<256x64xf32, #tpu.memory_space<vmem>>, vector<16xf32>,
      tpu.vector_store %arg13[%swap3A_445, %swap3A_446], %add3A_444 {strides = array<i32>} : memref<256x64xf32, #tpu.memory_space<vmem>>, vector<16xf32>,
      %scan3A_448 = arith.constant 0 : i32
      scf.yield %scan3A_448 : i32
    }
    %scan3A_320 = arith.constant 128 : i32
    "tpu.region"() ({
      %run_scoped3A = tpu.sem_alloc : memref<!tpu.dma_semaphore, #tpu.memory_space<semaphore_mem>>
      %dma_start3A_408 = arith.constant 0 : i32
      %dma_start3A_409 = tpu.memref_slice %arg6[%add3A_312, %dma_start3A_408] : memref<10240x64xf32, #tpu.memory_space<hbm>> -> memref<128x64xf32, #tpu.memory_space<hbm>>
      %dma_start3A_410 = arith.constant 0 : i32
      %dma_start3A_411 = tpu.memref_slice %arg6[%add3A_312, %dma_start3A_410] : memref<10240x64xf32, #tpu.memory_space<hbm>> -> memref<128x64xf32, #tpu.memory_space<hbm>>
      tpu.enqueue_dma source(%dma_start3A_411 : memref<128x64xf32, #tpu.memory_space<hbm>>) target(%arg14 : memref<128x64xf32, #tpu.memory_space<vmem>>) target_semaphore(%run_scoped3A : memref<!tpu.dma_semaphore, #tpu.memory_space<semaphore_mem>>)
      %dma_wait3A_412 = arith.constant 0 : i32
      %dma_wait3A_413 = tpu.memref_slice %arg6[%add3A_312, %dma_wait3A_412] : memref<10240x64xf32, #tpu.memory_space<hbm>> -> memref<128x64xf32, #tpu.memory_space<hbm>>
      %dma_wait3A_414 = arith.constant 0 : i32
      %dma_wait3A_415 = tpu.memref_slice %arg6[%add3A_312, %dma_wait3A_414] : memref<10240x64xf32, #tpu.memory_space<hbm>> -> memref<128x64xf32, #tpu.memory_space<hbm>>
      tpu.wait_dma2 semaphore(%run_scoped3A : memref<!tpu.dma_semaphore, #tpu.memory_space<semaphore_mem>>) src(%dma_wait3A_415 : memref<128x64xf32, #tpu.memory_space<hbm>>) dst(%arg14 : memref<128x64xf32, #tpu.memory_space<vmem>>)
      tpu.yield
    }) : () -> ()
    %scan3A_321 = arith.constant 0 : i32
    %scan3A_322 = arith.constant 0 : i32
    %scan3A_323 = arith.constant 128 : i32
    %scan3A_324 = arith.addi %scan3A_322, %scan3A_323 : i32
    %scan3A_325 = arith.constant 1 : i32
    %scan3A_326 = scf.for %scan3A_408 = %scan3A_322 to %scan3A_324 step %scan3A_325 iter_args(%scan3A_409 = %scan3A_321) -> (i32)  : i32 {
      %get3A = arith.index_cast %scan3A_408 : i32 to index
      %get3A_410 = arith.constant 0 : index
      %get3A_411 = tpu.vector_load %arg13[%get3A, %get3A_410] {strides = array<i32>} : memref<256x64xf32, #tpu.memory_space<vmem>>, vector<16xf32>,
      %get3A_412 = arith.index_cast %scan3A_408 : i32 to index
      %get3A_413 = arith.constant 0 : index
      %get3A_414 = tpu.vector_load %arg14[%get3A_412, %get3A_413] {strides = array<i32>} : memref<128x64xf32, #tpu.memory_space<vmem>>, vector<16xf32>,
      %mul3A_415 = arith.mulf %get3A_411, %get3A_414 : vector<16xf32>
      %swap3A = arith.index_cast %scan3A_408 : i32 to index
      %swap3A_416 = arith.constant 0 : index
      %swap3A_417 = tpu.vector_load %arg13[%swap3A, %swap3A_416] {strides = array<i32>} : memref<256x64xf32, #tpu.memory_space<vmem>>, vector<16xf32>,
      tpu.vector_store %arg13[%swap3A, %swap3A_416], %mul3A_415 {strides = array<i32>} : memref<256x64xf32, #tpu.memory_space<vmem>>, vector<16xf32>,
      %get3A_418 = arith.index_cast %scan3A_408 : i32 to index
      %get3A_419 = arith.constant 16 : index
      %get3A_420 = tpu.vector_load %arg13[%get3A_418, %get3A_419] {strides = array<i32>} : memref<256x64xf32, #tpu.memory_space<vmem>>, vector<16xf32>,
      %get3A_421 = arith.index_cast %scan3A_408 : i32 to index
      %get3A_422 = arith.constant 16 : index
      %get3A_423 = tpu.vector_load %arg14[%get3A_421, %get3A_422] {strides = array<i32>} : memref<128x64xf32, #tpu.memory_space<vmem>>, vector<16xf32>,
      %mul3A_424 = arith.mulf %get3A_420, %get3A_423 : vector<16xf32>
      %swap3A_425 = arith.index_cast %scan3A_408 : i32 to index
      %swap3A_426 = arith.constant 16 : index
      %swap3A_427 = tpu.vector_load %arg13[%swap3A_425, %swap3A_426] {strides = array<i32>} : memref<256x64xf32, #tpu.memory_space<vmem>>, vector<16xf32>,
      tpu.vector_store %arg13[%swap3A_425, %swap3A_426], %mul3A_424 {strides = array<i32>} : memref<256x64xf32, #tpu.memory_space<vmem>>, vector<16xf32>,
      %get3A_428 = arith.index_cast %scan3A_408 : i32 to index
      %get3A_429 = arith.constant 32 : index
      %get3A_430 = tpu.vector_load %arg13[%get3A_428, %get3A_429] {strides = array<i32>} : memref<256x64xf32, #tpu.memory_space<vmem>>, vector<16xf32>,
      %get3A_431 = arith.index_cast %scan3A_408 : i32 to index
      %get3A_432 = arith.constant 32 : index
      %get3A_433 = tpu.vector_load %arg14[%get3A_431, %get3A_432] {strides = array<i32>} : memref<128x64xf32, #tpu.memory_space<vmem>>, vector<16xf32>,
      %mul3A_434 = arith.mulf %get3A_430, %get3A_433 : vector<16xf32>
      %swap3A_435 = arith.index_cast %scan3A_408 : i32 to index
      %swap3A_436 = arith.constant 32 : index
      %swap3A_437 = tpu.vector_load %arg13[%swap3A_435, %swap3A_436] {strides = array<i32>} : memref<256x64xf32, #tpu.memory_space<vmem>>, vector<16xf32>,
      tpu.vector_store %arg13[%swap3A_435, %swap3A_436], %mul3A_434 {strides = array<i32>} : memref<256x64xf32, #tpu.memory_space<vmem>>, vector<16xf32>,
      %get3A_438 = arith.index_cast %scan3A_408 : i32 to index
      %get3A_439 = arith.constant 48 : index
      %get3A_440 = tpu.vector_load %arg13[%get3A_438, %get3A_439] {strides = array<i32>} : memref<256x64xf32, #tpu.memory_space<vmem>>, vector<16xf32>,
      %get3A_441 = arith.index_cast %scan3A_408 : i32 to index
      %get3A_442 = arith.constant 48 : index
      %get3A_443 = tpu.vector_load %arg14[%get3A_441, %get3A_442] {strides = array<i32>} : memref<128x64xf32, #tpu.memory_space<vmem>>, vector<16xf32>,
      %mul3A_444 = arith.mulf %get3A_440, %get3A_443 : vector<16xf32>
      %swap3A_445 = arith.index_cast %scan3A_408 : i32 to index
      %swap3A_446 = arith.constant 48 : index
      %swap3A_447 = tpu.vector_load %arg13[%swap3A_445, %swap3A_446] {strides = array<i32>} : memref<256x64xf32, #tpu.memory_space<vmem>>, vector<16xf32>,
      tpu.vector_store %arg13[%swap3A_445, %swap3A_446], %mul3A_444 {strides = array<i32>} : memref<256x64xf32, #tpu.memory_space<vmem>>, vector<16xf32>,
      %scan3A_448 = arith.constant 0 : i32
      scf.yield %scan3A_448 : i32
    }
    %scan3A_327 = arith.constant 128 : i32
    "tpu.region"() ({
      %run_scoped3A = tpu.sem_alloc : memref<!tpu.dma_semaphore, #tpu.memory_space<semaphore_mem>>
      %dma_start3A_408 = arith.constant 0 : i32
      %dma_start3A_409 = tpu.memref_slice %arg7[%add3A_313, %dma_start3A_408] : memref<20480x64xf32, #tpu.memory_space<hbm>> -> memref<128x64xf32, #tpu.memory_space<hbm>>
      %dma_start3A_410 = arith.constant 0 : i32
      %dma_start3A_411 = tpu.memref_slice %arg7[%add3A_313, %dma_start3A_410] : memref<20480x64xf32, #tpu.memory_space<hbm>> -> memref<128x64xf32, #tpu.memory_space<hbm>>
      tpu.enqueue_dma source(%dma_start3A_411 : memref<128x64xf32, #tpu.memory_space<hbm>>) target(%arg14 : memref<128x64xf32, #tpu.memory_space<vmem>>) target_semaphore(%run_scoped3A : memref<!tpu.dma_semaphore, #tpu.memory_space<semaphore_mem>>)
      %dma_wait3A_412 = arith.constant 0 : i32
      %dma_wait3A_413 = tpu.memref_slice %arg7[%add3A_313, %dma_wait3A_412] : memref<20480x64xf32, #tpu.memory_space<hbm>> -> memref<128x64xf32, #tpu.memory_space<hbm>>
      %dma_wait3A_414 = arith.constant 0 : i32
      %dma_wait3A_415 = tpu.memref_slice %arg7[%add3A_313, %dma_wait3A_414] : memref<20480x64xf32, #tpu.memory_space<hbm>> -> memref<128x64xf32, #tpu.memory_space<hbm>>
      tpu.wait_dma2 semaphore(%run_scoped3A : memref<!tpu.dma_semaphore, #tpu.memory_space<semaphore_mem>>) src(%dma_wait3A_415 : memref<128x64xf32, #tpu.memory_space<hbm>>) dst(%arg14 : memref<128x64xf32, #tpu.memory_space<vmem>>)
      tpu.yield
    }) : () -> ()
    %scan3A_328 = arith.constant 0 : i32
    %scan3A_329 = arith.constant 0 : i32
    %scan3A_330 = arith.constant 128 : i32
    %scan3A_331 = arith.addi %scan3A_329, %scan3A_330 : i32
    %scan3A_332 = arith.constant 1 : i32
    %scan3A_333 = scf.for %scan3A_408 = %scan3A_329 to %scan3A_331 step %scan3A_332 iter_args(%scan3A_409 = %scan3A_328) -> (i32)  : i32 {
      %get3A = arith.index_cast %scan3A_408 : i32 to index
      %get3A_410 = arith.constant 0 : index
      %get3A_411 = tpu.vector_load %arg13[%get3A, %get3A_410] {strides = array<i32>} : memref<256x64xf32, #tpu.memory_space<vmem>>, vector<16xf32>,
      %get3A_412 = arith.index_cast %scan3A_408 : i32 to index
      %get3A_413 = arith.constant 0 : index
      %get3A_414 = tpu.vector_load %arg14[%get3A_412, %get3A_413] {strides = array<i32>} : memref<128x64xf32, #tpu.memory_space<vmem>>, vector<16xf32>,
      %add3A_415 = arith.addf %get3A_411, %get3A_414 : vector<16xf32>
      %swap3A = arith.index_cast %scan3A_408 : i32 to index
      %swap3A_416 = arith.constant 0 : index
      %swap3A_417 = tpu.vector_load %arg13[%swap3A, %swap3A_416] {strides = array<i32>} : memref<256x64xf32, #tpu.memory_space<vmem>>, vector<16xf32>,
      tpu.vector_store %arg13[%swap3A, %swap3A_416], %add3A_415 {strides = array<i32>} : memref<256x64xf32, #tpu.memory_space<vmem>>, vector<16xf32>,
      %get3A_418 = arith.index_cast %scan3A_408 : i32 to index
      %get3A_419 = arith.constant 16 : index
      %get3A_420 = tpu.vector_load %arg13[%get3A_418, %get3A_419] {strides = array<i32>} : memref<256x64xf32, #tpu.memory_space<vmem>>, vector<16xf32>,
      %get3A_421 = arith.index_cast %scan3A_408 : i32 to index
      %get3A_422 = arith.constant 16 : index
      %get3A_423 = tpu.vector_load %arg14[%get3A_421, %get3A_422] {strides = array<i32>} : memref<128x64xf32, #tpu.memory_space<vmem>>, vector<16xf32>,
      %add3A_424 = arith.addf %get3A_420, %get3A_423 : vector<16xf32>
      %swap3A_425 = arith.index_cast %scan3A_408 : i32 to index
      %swap3A_426 = arith.constant 16 : index
      %swap3A_427 = tpu.vector_load %arg13[%swap3A_425, %swap3A_426] {strides = array<i32>} : memref<256x64xf32, #tpu.memory_space<vmem>>, vector<16xf32>,
      tpu.vector_store %arg13[%swap3A_425, %swap3A_426], %add3A_424 {strides = array<i32>} : memref<256x64xf32, #tpu.memory_space<vmem>>, vector<16xf32>,
      %get3A_428 = arith.index_cast %scan3A_408 : i32 to index
      %get3A_429 = arith.constant 32 : index
      %get3A_430 = tpu.vector_load %arg13[%get3A_428, %get3A_429] {strides = array<i32>} : memref<256x64xf32, #tpu.memory_space<vmem>>, vector<16xf32>,
      %get3A_431 = arith.index_cast %scan3A_408 : i32 to index
      %get3A_432 = arith.constant 32 : index
      %get3A_433 = tpu.vector_load %arg14[%get3A_431, %get3A_432] {strides = array<i32>} : memref<128x64xf32, #tpu.memory_space<vmem>>, vector<16xf32>,
      %add3A_434 = arith.addf %get3A_430, %get3A_433 : vector<16xf32>
      %swap3A_435 = arith.index_cast %scan3A_408 : i32 to index
      %swap3A_436 = arith.constant 32 : index
      %swap3A_437 = tpu.vector_load %arg13[%swap3A_435, %swap3A_436] {strides = array<i32>} : memref<256x64xf32, #tpu.memory_space<vmem>>, vector<16xf32>,
      tpu.vector_store %arg13[%swap3A_435, %swap3A_436], %add3A_434 {strides = array<i32>} : memref<256x64xf32, #tpu.memory_space<vmem>>, vector<16xf32>,
      %get3A_438 = arith.index_cast %scan3A_408 : i32 to index
      %get3A_439 = arith.constant 48 : index
      %get3A_440 = tpu.vector_load %arg13[%get3A_438, %get3A_439] {strides = array<i32>} : memref<256x64xf32, #tpu.memory_space<vmem>>, vector<16xf32>,
      %get3A_441 = arith.index_cast %scan3A_408 : i32 to index
      %get3A_442 = arith.constant 48 : index
      %get3A_443 = tpu.vector_load %arg14[%get3A_441, %get3A_442] {strides = array<i32>} : memref<128x64xf32, #tpu.memory_space<vmem>>, vector<16xf32>,
      %add3A_444 = arith.addf %get3A_440, %get3A_443 : vector<16xf32>
      %swap3A_445 = arith.index_cast %scan3A_408 : i32 to index
      %swap3A_446 = arith.constant 48 : index
      %swap3A_447 = tpu.vector_load %arg13[%swap3A_445, %swap3A_446] {strides = array<i32>} : memref<256x64xf32, #tpu.memory_space<vmem>>, vector<16xf32>,
      tpu.vector_store %arg13[%swap3A_445, %swap3A_446], %add3A_444 {strides = array<i32>} : memref<256x64xf32, #tpu.memory_space<vmem>>, vector<16xf32>,
      %scan3A_448 = arith.constant 0 : i32
      scf.yield %scan3A_448 : i32
    }
    %scan3A_334 = arith.constant 128 : i32
    "tpu.region"() ({
      %run_scoped3A = tpu.sem_alloc : memref<!tpu.dma_semaphore, #tpu.memory_space<semaphore_mem>>
      %dma_start3A_408 = arith.constant 0 : i32
      %dma_start3A_409 = arith.constant 0 : i32
      %dma_start3A_410 = tpu.memref_slice %arg13[%dma_start3A_408, %dma_start3A_409] : memref<256x64xf32, #tpu.memory_space<vmem>> -> memref<128x64xf32, #tpu.memory_space<vmem>>
      %dma_start3A_411 = arith.constant 0 : i32
      %dma_start3A_412 = tpu.memref_slice %arg9[%add3A_313, %dma_start3A_411] : memref<20480x64xf32, #tpu.memory_space<hbm>> -> memref<128x64xf32, #tpu.memory_space<hbm>>
      %dma_start3A_413 = arith.constant 0 : i32
      %dma_start3A_414 = tpu.memref_slice %arg9[%add3A_313, %dma_start3A_413] : memref<20480x64xf32, #tpu.memory_space<hbm>> -> memref<128x64xf32, #tpu.memory_space<hbm>>
      %dma_start3A_415 = arith.constant 0 : i32
      %dma_start3A_416 = arith.constant 0 : i32
      %dma_start3A_417 = tpu.memref_slice %arg13[%dma_start3A_415, %dma_start3A_416] : memref<256x64xf32, #tpu.memory_space<vmem>> -> memref<128x64xf32, #tpu.memory_space<vmem>>
      tpu.enqueue_dma source(%dma_start3A_417 : memref<128x64xf32, #tpu.memory_space<vmem>>) target(%dma_start3A_414 : memref<128x64xf32, #tpu.memory_space<hbm>>) target_semaphore(%run_scoped3A : memref<!tpu.dma_semaphore, #tpu.memory_space<semaphore_mem>>)
      %dma_wait3A_418 = arith.constant 0 : i32
      %dma_wait3A_419 = arith.constant 0 : i32
      %dma_wait3A_420 = tpu.memref_slice %arg13[%dma_wait3A_418, %dma_wait3A_419] : memref<256x64xf32, #tpu.memory_space<vmem>> -> memref<128x64xf32, #tpu.memory_space<vmem>>
      %dma_wait3A_421 = arith.constant 0 : i32
      %dma_wait3A_422 = tpu.memref_slice %arg9[%add3A_313, %dma_wait3A_421] : memref<20480x64xf32, #tpu.memory_space<hbm>> -> memref<128x64xf32, #tpu.memory_space<hbm>>
      %dma_wait3A_423 = arith.constant 0 : i32
      %dma_wait3A_424 = tpu.memref_slice %arg9[%add3A_313, %dma_wait3A_423] : memref<20480x64xf32, #tpu.memory_space<hbm>> -> memref<128x64xf32, #tpu.memory_space<hbm>>
      %dma_wait3A_425 = arith.constant 0 : i32
      %dma_wait3A_426 = arith.constant 0 : i32
      %dma_wait3A_427 = tpu.memref_slice %arg13[%dma_wait3A_425, %dma_wait3A_426] : memref<256x64xf32, #tpu.memory_space<vmem>> -> memref<128x64xf32, #tpu.memory_space<vmem>>
      tpu.wait_dma2 semaphore(%run_scoped3A : memref<!tpu.dma_semaphore, #tpu.memory_space<semaphore_mem>>) src(%dma_wait3A_427 : memref<128x64xf32, #tpu.memory_space<vmem>>) dst(%dma_wait3A_424 : memref<128x64xf32, #tpu.memory_space<hbm>>)
      tpu.yield
    }) : () -> ()
    %add3A_335 = arith.constant 256 : i32
    %add3A_336 = arith.addi %mul3A_2, %add3A_335 : i32
    %add3A_337 = arith.addi %mul3A_4, %add3A_336 : i32
    "tpu.region"() ({
      %run_scoped3A = tpu.sem_alloc : memref<!tpu.dma_semaphore, #tpu.memory_space<semaphore_mem>>
      %dma_start3A_408 = arith.constant 0 : i32
      %dma_start3A_409 = arith.constant 0 : i32
      %dma_start3A_410 = tpu.memref_slice %arg13[%dma_start3A_408, %dma_start3A_409] : memref<256x64xf32, #tpu.memory_space<vmem>> -> memref<128x64xf32, #tpu.memory_space<vmem>>
      %dma_start3A_411 = arith.constant 0 : i32
      %dma_start3A_412 = tpu.memref_slice %arg16[%add3A_336, %dma_start3A_411] : memref<10240x64xf32, #tpu.memory_space<vmem_shared>> -> memref<128x64xf32, #tpu.memory_space<vmem_shared>>
      %dma_start3A_413 = arith.constant 0 : i32
      %dma_start3A_414 = arith.constant 0 : i32
      %dma_start3A_415 = tpu.memref_slice %arg13[%dma_start3A_413, %dma_start3A_414] : memref<256x64xf32, #tpu.memory_space<vmem>> -> memref<128x64xf32, #tpu.memory_space<vmem>>
      %dma_start3A_416 = arith.constant 0 : i32
      %dma_start3A_417 = tpu.memref_slice %arg16[%add3A_336, %dma_start3A_416] : memref<10240x64xf32, #tpu.memory_space<vmem_shared>> -> memref<128x64xf32, #tpu.memory_space<vmem_shared>>
      tpu.enqueue_dma source(%dma_start3A_417 : memref<128x64xf32, #tpu.memory_space<vmem_shared>>) target(%dma_start3A_415 : memref<128x64xf32, #tpu.memory_space<vmem>>) target_semaphore(%run_scoped3A : memref<!tpu.dma_semaphore, #tpu.memory_space<semaphore_mem>>)
      %dma_wait3A_418 = arith.constant 0 : i32
      %dma_wait3A_419 = arith.constant 0 : i32
      %dma_wait3A_420 = tpu.memref_slice %arg13[%dma_wait3A_418, %dma_wait3A_419] : memref<256x64xf32, #tpu.memory_space<vmem>> -> memref<128x64xf32, #tpu.memory_space<vmem>>
      %dma_wait3A_421 = arith.constant 0 : i32
      %dma_wait3A_422 = tpu.memref_slice %arg16[%add3A_336, %dma_wait3A_421] : memref<10240x64xf32, #tpu.memory_space<vmem_shared>> -> memref<128x64xf32, #tpu.memory_space<vmem_shared>>
      %dma_wait3A_423 = arith.constant 0 : i32
      %dma_wait3A_424 = arith.constant 0 : i32
      %dma_wait3A_425 = tpu.memref_slice %arg13[%dma_wait3A_423, %dma_wait3A_424] : memref<256x64xf32, #tpu.memory_space<vmem>> -> memref<128x64xf32, #tpu.memory_space<vmem>>
      %dma_wait3A_426 = arith.constant 0 : i32
      %dma_wait3A_427 = tpu.memref_slice %arg16[%add3A_336, %dma_wait3A_426] : memref<10240x64xf32, #tpu.memory_space<vmem_shared>> -> memref<128x64xf32, #tpu.memory_space<vmem_shared>>
      tpu.wait_dma2 semaphore(%run_scoped3A : memref<!tpu.dma_semaphore, #tpu.memory_space<semaphore_mem>>) src(%dma_wait3A_427 : memref<128x64xf32, #tpu.memory_space<vmem_shared>>) dst(%dma_wait3A_425 : memref<128x64xf32, #tpu.memory_space<vmem>>)
      tpu.yield
    }) : () -> ()
    "tpu.region"() ({
      %run_scoped3A = tpu.sem_alloc : memref<!tpu.dma_semaphore, #tpu.memory_space<semaphore_mem>>
      %dma_start3A_408 = arith.constant 0 : i32
      %dma_start3A_409 = tpu.memref_slice %arg10[%add3A_337, %dma_start3A_408] : memref<20480x64xf32, #tpu.memory_space<hbm>> -> memref<128x64xf32, #tpu.memory_space<hbm>>
      %dma_start3A_410 = arith.constant 0 : i32
      %dma_start3A_411 = tpu.memref_slice %arg10[%add3A_337, %dma_start3A_410] : memref<20480x64xf32, #tpu.memory_space<hbm>> -> memref<128x64xf32, #tpu.memory_space<hbm>>
      tpu.enqueue_dma source(%dma_start3A_411 : memref<128x64xf32, #tpu.memory_space<hbm>>) target(%arg14 : memref<128x64xf32, #tpu.memory_space<vmem>>) target_semaphore(%run_scoped3A : memref<!tpu.dma_semaphore, #tpu.memory_space<semaphore_mem>>)
      %dma_wait3A_412 = arith.constant 0 : i32
      %dma_wait3A_413 = tpu.memref_slice %arg10[%add3A_337, %dma_wait3A_412] : memref<20480x64xf32, #tpu.memory_space<hbm>> -> memref<128x64xf32, #tpu.memory_space<hbm>>
      %dma_wait3A_414 = arith.constant 0 : i32
      %dma_wait3A_415 = tpu.memref_slice %arg10[%add3A_337, %dma_wait3A_414] : memref<20480x64xf32, #tpu.memory_space<hbm>> -> memref<128x64xf32, #tpu.memory_space<hbm>>
      tpu.wait_dma2 semaphore(%run_scoped3A : memref<!tpu.dma_semaphore, #tpu.memory_space<semaphore_mem>>) src(%dma_wait3A_415 : memref<128x64xf32, #tpu.memory_space<hbm>>) dst(%arg14 : memref<128x64xf32, #tpu.memory_space<vmem>>)
      tpu.yield
    }) : () -> ()
    %scan3A_338 = arith.constant 0 : i32
    %scan3A_339 = arith.constant 0 : i32
    %scan3A_340 = arith.constant 128 : i32
    %scan3A_341 = arith.addi %scan3A_339, %scan3A_340 : i32
    %scan3A_342 = arith.constant 1 : i32
    %scan3A_343 = scf.for %scan3A_408 = %scan3A_339 to %scan3A_341 step %scan3A_342 iter_args(%scan3A_409 = %scan3A_338) -> (i32)  : i32 {
      %get3A = arith.index_cast %scan3A_408 : i32 to index
      %get3A_410 = arith.constant 0 : index
      %get3A_411 = tpu.vector_load %arg13[%get3A, %get3A_410] {strides = array<i32>} : memref<256x64xf32, #tpu.memory_space<vmem>>, vector<16xf32>,
      %get3A_412 = arith.index_cast %scan3A_408 : i32 to index
      %get3A_413 = arith.constant 0 : index
      %get3A_414 = tpu.vector_load %arg14[%get3A_412, %get3A_413] {strides = array<i32>} : memref<128x64xf32, #tpu.memory_space<vmem>>, vector<16xf32>,
      %add3A_415 = arith.addf %get3A_411, %get3A_414 : vector<16xf32>
      %swap3A = arith.index_cast %scan3A_408 : i32 to index
      %swap3A_416 = arith.constant 0 : index
      %swap3A_417 = tpu.vector_load %arg13[%swap3A, %swap3A_416] {strides = array<i32>} : memref<256x64xf32, #tpu.memory_space<vmem>>, vector<16xf32>,
      tpu.vector_store %arg13[%swap3A, %swap3A_416], %add3A_415 {strides = array<i32>} : memref<256x64xf32, #tpu.memory_space<vmem>>, vector<16xf32>,
      %get3A_418 = arith.index_cast %scan3A_408 : i32 to index
      %get3A_419 = arith.constant 16 : index
      %get3A_420 = tpu.vector_load %arg13[%get3A_418, %get3A_419] {strides = array<i32>} : memref<256x64xf32, #tpu.memory_space<vmem>>, vector<16xf32>,
      %get3A_421 = arith.index_cast %scan3A_408 : i32 to index
      %get3A_422 = arith.constant 16 : index
      %get3A_423 = tpu.vector_load %arg14[%get3A_421, %get3A_422] {strides = array<i32>} : memref<128x64xf32, #tpu.memory_space<vmem>>, vector<16xf32>,
      %add3A_424 = arith.addf %get3A_420, %get3A_423 : vector<16xf32>
      %swap3A_425 = arith.index_cast %scan3A_408 : i32 to index
      %swap3A_426 = arith.constant 16 : index
      %swap3A_427 = tpu.vector_load %arg13[%swap3A_425, %swap3A_426] {strides = array<i32>} : memref<256x64xf32, #tpu.memory_space<vmem>>, vector<16xf32>,
      tpu.vector_store %arg13[%swap3A_425, %swap3A_426], %add3A_424 {strides = array<i32>} : memref<256x64xf32, #tpu.memory_space<vmem>>, vector<16xf32>,
      %get3A_428 = arith.index_cast %scan3A_408 : i32 to index
      %get3A_429 = arith.constant 32 : index
      %get3A_430 = tpu.vector_load %arg13[%get3A_428, %get3A_429] {strides = array<i32>} : memref<256x64xf32, #tpu.memory_space<vmem>>, vector<16xf32>,
      %get3A_431 = arith.index_cast %scan3A_408 : i32 to index
      %get3A_432 = arith.constant 32 : index
      %get3A_433 = tpu.vector_load %arg14[%get3A_431, %get3A_432] {strides = array<i32>} : memref<128x64xf32, #tpu.memory_space<vmem>>, vector<16xf32>,
      %add3A_434 = arith.addf %get3A_430, %get3A_433 : vector<16xf32>
      %swap3A_435 = arith.index_cast %scan3A_408 : i32 to index
      %swap3A_436 = arith.constant 32 : index
      %swap3A_437 = tpu.vector_load %arg13[%swap3A_435, %swap3A_436] {strides = array<i32>} : memref<256x64xf32, #tpu.memory_space<vmem>>, vector<16xf32>,
      tpu.vector_store %arg13[%swap3A_435, %swap3A_436], %add3A_434 {strides = array<i32>} : memref<256x64xf32, #tpu.memory_space<vmem>>, vector<16xf32>,
      %get3A_438 = arith.index_cast %scan3A_408 : i32 to index
      %get3A_439 = arith.constant 48 : index
      %get3A_440 = tpu.vector_load %arg13[%get3A_438, %get3A_439] {strides = array<i32>} : memref<256x64xf32, #tpu.memory_space<vmem>>, vector<16xf32>,
      %get3A_441 = arith.index_cast %scan3A_408 : i32 to index
      %get3A_442 = arith.constant 48 : index
      %get3A_443 = tpu.vector_load %arg14[%get3A_441, %get3A_442] {strides = array<i32>} : memref<128x64xf32, #tpu.memory_space<vmem>>, vector<16xf32>,
      %add3A_444 = arith.addf %get3A_440, %get3A_443 : vector<16xf32>
      %swap3A_445 = arith.index_cast %scan3A_408 : i32 to index
      %swap3A_446 = arith.constant 48 : index
      %swap3A_447 = tpu.vector_load %arg13[%swap3A_445, %swap3A_446] {strides = array<i32>} : memref<256x64xf32, #tpu.memory_space<vmem>>, vector<16xf32>,
      tpu.vector_store %arg13[%swap3A_445, %swap3A_446], %add3A_444 {strides = array<i32>} : memref<256x64xf32, #tpu.memory_space<vmem>>, vector<16xf32>,
      %scan3A_448 = arith.constant 0 : i32
      scf.yield %scan3A_448 : i32
    }
    %scan3A_344 = arith.constant 128 : i32
    "tpu.region"() ({
      %run_scoped3A = tpu.sem_alloc : memref<!tpu.dma_semaphore, #tpu.memory_space<semaphore_mem>>
      %dma_start3A_408 = arith.constant 0 : i32
      %dma_start3A_409 = tpu.memref_slice %arg6[%add3A_336, %dma_start3A_408] : memref<10240x64xf32, #tpu.memory_space<hbm>> -> memref<128x64xf32, #tpu.memory_space<hbm>>
      %dma_start3A_410 = arith.constant 0 : i32
      %dma_start3A_411 = tpu.memref_slice %arg6[%add3A_336, %dma_start3A_410] : memref<10240x64xf32, #tpu.memory_space<hbm>> -> memref<128x64xf32, #tpu.memory_space<hbm>>
      tpu.enqueue_dma source(%dma_start3A_411 : memref<128x64xf32, #tpu.memory_space<hbm>>) target(%arg14 : memref<128x64xf32, #tpu.memory_space<vmem>>) target_semaphore(%run_scoped3A : memref<!tpu.dma_semaphore, #tpu.memory_space<semaphore_mem>>)
      %dma_wait3A_412 = arith.constant 0 : i32
      %dma_wait3A_413 = tpu.memref_slice %arg6[%add3A_336, %dma_wait3A_412] : memref<10240x64xf32, #tpu.memory_space<hbm>> -> memref<128x64xf32, #tpu.memory_space<hbm>>
      %dma_wait3A_414 = arith.constant 0 : i32
      %dma_wait3A_415 = tpu.memref_slice %arg6[%add3A_336, %dma_wait3A_414] : memref<10240x64xf32, #tpu.memory_space<hbm>> -> memref<128x64xf32, #tpu.memory_space<hbm>>
      tpu.wait_dma2 semaphore(%run_scoped3A : memref<!tpu.dma_semaphore, #tpu.memory_space<semaphore_mem>>) src(%dma_wait3A_415 : memref<128x64xf32, #tpu.memory_space<hbm>>) dst(%arg14 : memref<128x64xf32, #tpu.memory_space<vmem>>)
      tpu.yield
    }) : () -> ()
    %scan3A_345 = arith.constant 0 : i32
    %scan3A_346 = arith.constant 0 : i32
    %scan3A_347 = arith.constant 128 : i32
    %scan3A_348 = arith.addi %scan3A_346, %scan3A_347 : i32
    %scan3A_349 = arith.constant 1 : i32
    %scan3A_350 = scf.for %scan3A_408 = %scan3A_346 to %scan3A_348 step %scan3A_349 iter_args(%scan3A_409 = %scan3A_345) -> (i32)  : i32 {
      %get3A = arith.index_cast %scan3A_408 : i32 to index
      %get3A_410 = arith.constant 0 : index
      %get3A_411 = tpu.vector_load %arg13[%get3A, %get3A_410] {strides = array<i32>} : memref<256x64xf32, #tpu.memory_space<vmem>>, vector<16xf32>,
      %get3A_412 = arith.index_cast %scan3A_408 : i32 to index
      %get3A_413 = arith.constant 0 : index
      %get3A_414 = tpu.vector_load %arg14[%get3A_412, %get3A_413] {strides = array<i32>} : memref<128x64xf32, #tpu.memory_space<vmem>>, vector<16xf32>,
      %mul3A_415 = arith.mulf %get3A_411, %get3A_414 : vector<16xf32>
      %swap3A = arith.index_cast %scan3A_408 : i32 to index
      %swap3A_416 = arith.constant 0 : index
      %swap3A_417 = tpu.vector_load %arg13[%swap3A, %swap3A_416] {strides = array<i32>} : memref<256x64xf32, #tpu.memory_space<vmem>>, vector<16xf32>,
      tpu.vector_store %arg13[%swap3A, %swap3A_416], %mul3A_415 {strides = array<i32>} : memref<256x64xf32, #tpu.memory_space<vmem>>, vector<16xf32>,
      %get3A_418 = arith.index_cast %scan3A_408 : i32 to index
      %get3A_419 = arith.constant 16 : index
      %get3A_420 = tpu.vector_load %arg13[%get3A_418, %get3A_419] {strides = array<i32>} : memref<256x64xf32, #tpu.memory_space<vmem>>, vector<16xf32>,
      %get3A_421 = arith.index_cast %scan3A_408 : i32 to index
      %get3A_422 = arith.constant 16 : index
      %get3A_423 = tpu.vector_load %arg14[%get3A_421, %get3A_422] {strides = array<i32>} : memref<128x64xf32, #tpu.memory_space<vmem>>, vector<16xf32>,
      %mul3A_424 = arith.mulf %get3A_420, %get3A_423 : vector<16xf32>
      %swap3A_425 = arith.index_cast %scan3A_408 : i32 to index
      %swap3A_426 = arith.constant 16 : index
      %swap3A_427 = tpu.vector_load %arg13[%swap3A_425, %swap3A_426] {strides = array<i32>} : memref<256x64xf32, #tpu.memory_space<vmem>>, vector<16xf32>,
      tpu.vector_store %arg13[%swap3A_425, %swap3A_426], %mul3A_424 {strides = array<i32>} : memref<256x64xf32, #tpu.memory_space<vmem>>, vector<16xf32>,
      %get3A_428 = arith.index_cast %scan3A_408 : i32 to index
      %get3A_429 = arith.constant 32 : index
      %get3A_430 = tpu.vector_load %arg13[%get3A_428, %get3A_429] {strides = array<i32>} : memref<256x64xf32, #tpu.memory_space<vmem>>, vector<16xf32>,
      %get3A_431 = arith.index_cast %scan3A_408 : i32 to index
      %get3A_432 = arith.constant 32 : index
      %get3A_433 = tpu.vector_load %arg14[%get3A_431, %get3A_432] {strides = array<i32>} : memref<128x64xf32, #tpu.memory_space<vmem>>, vector<16xf32>,
      %mul3A_434 = arith.mulf %get3A_430, %get3A_433 : vector<16xf32>
      %swap3A_435 = arith.index_cast %scan3A_408 : i32 to index
      %swap3A_436 = arith.constant 32 : index
      %swap3A_437 = tpu.vector_load %arg13[%swap3A_435, %swap3A_436] {strides = array<i32>} : memref<256x64xf32, #tpu.memory_space<vmem>>, vector<16xf32>,
      tpu.vector_store %arg13[%swap3A_435, %swap3A_436], %mul3A_434 {strides = array<i32>} : memref<256x64xf32, #tpu.memory_space<vmem>>, vector<16xf32>,
      %get3A_438 = arith.index_cast %scan3A_408 : i32 to index
      %get3A_439 = arith.constant 48 : index
      %get3A_440 = tpu.vector_load %arg13[%get3A_438, %get3A_439] {strides = array<i32>} : memref<256x64xf32, #tpu.memory_space<vmem>>, vector<16xf32>,
      %get3A_441 = arith.index_cast %scan3A_408 : i32 to index
      %get3A_442 = arith.constant 48 : index
      %get3A_443 = tpu.vector_load %arg14[%get3A_441, %get3A_442] {strides = array<i32>} : memref<128x64xf32, #tpu.memory_space<vmem>>, vector<16xf32>,
      %mul3A_444 = arith.mulf %get3A_440, %get3A_443 : vector<16xf32>
      %swap3A_445 = arith.index_cast %scan3A_408 : i32 to index
      %swap3A_446 = arith.constant 48 : index
      %swap3A_447 = tpu.vector_load %arg13[%swap3A_445, %swap3A_446] {strides = array<i32>} : memref<256x64xf32, #tpu.memory_space<vmem>>, vector<16xf32>,
      tpu.vector_store %arg13[%swap3A_445, %swap3A_446], %mul3A_444 {strides = array<i32>} : memref<256x64xf32, #tpu.memory_space<vmem>>, vector<16xf32>,
      %scan3A_448 = arith.constant 0 : i32
      scf.yield %scan3A_448 : i32
    }
    %scan3A_351 = arith.constant 128 : i32
    "tpu.region"() ({
      %run_scoped3A = tpu.sem_alloc : memref<!tpu.dma_semaphore, #tpu.memory_space<semaphore_mem>>
      %dma_start3A_408 = arith.constant 0 : i32
      %dma_start3A_409 = tpu.memref_slice %arg7[%add3A_337, %dma_start3A_408] : memref<20480x64xf32, #tpu.memory_space<hbm>> -> memref<128x64xf32, #tpu.memory_space<hbm>>
      %dma_start3A_410 = arith.constant 0 : i32
      %dma_start3A_411 = tpu.memref_slice %arg7[%add3A_337, %dma_start3A_410] : memref<20480x64xf32, #tpu.memory_space<hbm>> -> memref<128x64xf32, #tpu.memory_space<hbm>>
      tpu.enqueue_dma source(%dma_start3A_411 : memref<128x64xf32, #tpu.memory_space<hbm>>) target(%arg14 : memref<128x64xf32, #tpu.memory_space<vmem>>) target_semaphore(%run_scoped3A : memref<!tpu.dma_semaphore, #tpu.memory_space<semaphore_mem>>)
      %dma_wait3A_412 = arith.constant 0 : i32
      %dma_wait3A_413 = tpu.memref_slice %arg7[%add3A_337, %dma_wait3A_412] : memref<20480x64xf32, #tpu.memory_space<hbm>> -> memref<128x64xf32, #tpu.memory_space<hbm>>
      %dma_wait3A_414 = arith.constant 0 : i32
      %dma_wait3A_415 = tpu.memref_slice %arg7[%add3A_337, %dma_wait3A_414] : memref<20480x64xf32, #tpu.memory_space<hbm>> -> memref<128x64xf32, #tpu.memory_space<hbm>>
      tpu.wait_dma2 semaphore(%run_scoped3A : memref<!tpu.dma_semaphore, #tpu.memory_space<semaphore_mem>>) src(%dma_wait3A_415 : memref<128x64xf32, #tpu.memory_space<hbm>>) dst(%arg14 : memref<128x64xf32, #tpu.memory_space<vmem>>)
      tpu.yield
    }) : () -> ()
    %scan3A_352 = arith.constant 0 : i32
    %scan3A_353 = arith.constant 0 : i32
    %scan3A_354 = arith.constant 128 : i32
    %scan3A_355 = arith.addi %scan3A_353, %scan3A_354 : i32
    %scan3A_356 = arith.constant 1 : i32
    %scan3A_357 = scf.for %scan3A_408 = %scan3A_353 to %scan3A_355 step %scan3A_356 iter_args(%scan3A_409 = %scan3A_352) -> (i32)  : i32 {
      %get3A = arith.index_cast %scan3A_408 : i32 to index
      %get3A_410 = arith.constant 0 : index
      %get3A_411 = tpu.vector_load %arg13[%get3A, %get3A_410] {strides = array<i32>} : memref<256x64xf32, #tpu.memory_space<vmem>>, vector<16xf32>,
      %get3A_412 = arith.index_cast %scan3A_408 : i32 to index
      %get3A_413 = arith.constant 0 : index
      %get3A_414 = tpu.vector_load %arg14[%get3A_412, %get3A_413] {strides = array<i32>} : memref<128x64xf32, #tpu.memory_space<vmem>>, vector<16xf32>,
      %add3A_415 = arith.addf %get3A_411, %get3A_414 : vector<16xf32>
      %swap3A = arith.index_cast %scan3A_408 : i32 to index
      %swap3A_416 = arith.constant 0 : index
      %swap3A_417 = tpu.vector_load %arg13[%swap3A, %swap3A_416] {strides = array<i32>} : memref<256x64xf32, #tpu.memory_space<vmem>>, vector<16xf32>,
      tpu.vector_store %arg13[%swap3A, %swap3A_416], %add3A_415 {strides = array<i32>} : memref<256x64xf32, #tpu.memory_space<vmem>>, vector<16xf32>,
      %get3A_418 = arith.index_cast %scan3A_408 : i32 to index
      %get3A_419 = arith.constant 16 : index
      %get3A_420 = tpu.vector_load %arg13[%get3A_418, %get3A_419] {strides = array<i32>} : memref<256x64xf32, #tpu.memory_space<vmem>>, vector<16xf32>,
      %get3A_421 = arith.index_cast %scan3A_408 : i32 to index
      %get3A_422 = arith.constant 16 : index
      %get3A_423 = tpu.vector_load %arg14[%get3A_421, %get3A_422] {strides = array<i32>} : memref<128x64xf32, #tpu.memory_space<vmem>>, vector<16xf32>,
      %add3A_424 = arith.addf %get3A_420, %get3A_423 : vector<16xf32>
      %swap3A_425 = arith.index_cast %scan3A_408 : i32 to index
      %swap3A_426 = arith.constant 16 : index
      %swap3A_427 = tpu.vector_load %arg13[%swap3A_425, %swap3A_426] {strides = array<i32>} : memref<256x64xf32, #tpu.memory_space<vmem>>, vector<16xf32>,
      tpu.vector_store %arg13[%swap3A_425, %swap3A_426], %add3A_424 {strides = array<i32>} : memref<256x64xf32, #tpu.memory_space<vmem>>, vector<16xf32>,
      %get3A_428 = arith.index_cast %scan3A_408 : i32 to index
      %get3A_429 = arith.constant 32 : index
      %get3A_430 = tpu.vector_load %arg13[%get3A_428, %get3A_429] {strides = array<i32>} : memref<256x64xf32, #tpu.memory_space<vmem>>, vector<16xf32>,
      %get3A_431 = arith.index_cast %scan3A_408 : i32 to index
      %get3A_432 = arith.constant 32 : index
      %get3A_433 = tpu.vector_load %arg14[%get3A_431, %get3A_432] {strides = array<i32>} : memref<128x64xf32, #tpu.memory_space<vmem>>, vector<16xf32>,
      %add3A_434 = arith.addf %get3A_430, %get3A_433 : vector<16xf32>
      %swap3A_435 = arith.index_cast %scan3A_408 : i32 to index
      %swap3A_436 = arith.constant 32 : index
      %swap3A_437 = tpu.vector_load %arg13[%swap3A_435, %swap3A_436] {strides = array<i32>} : memref<256x64xf32, #tpu.memory_space<vmem>>, vector<16xf32>,
      tpu.vector_store %arg13[%swap3A_435, %swap3A_436], %add3A_434 {strides = array<i32>} : memref<256x64xf32, #tpu.memory_space<vmem>>, vector<16xf32>,
      %get3A_438 = arith.index_cast %scan3A_408 : i32 to index
      %get3A_439 = arith.constant 48 : index
      %get3A_440 = tpu.vector_load %arg13[%get3A_438, %get3A_439] {strides = array<i32>} : memref<256x64xf32, #tpu.memory_space<vmem>>, vector<16xf32>,
      %get3A_441 = arith.index_cast %scan3A_408 : i32 to index
      %get3A_442 = arith.constant 48 : index
      %get3A_443 = tpu.vector_load %arg14[%get3A_441, %get3A_442] {strides = array<i32>} : memref<128x64xf32, #tpu.memory_space<vmem>>, vector<16xf32>,
      %add3A_444 = arith.addf %get3A_440, %get3A_443 : vector<16xf32>
      %swap3A_445 = arith.index_cast %scan3A_408 : i32 to index
      %swap3A_446 = arith.constant 48 : index
      %swap3A_447 = tpu.vector_load %arg13[%swap3A_445, %swap3A_446] {strides = array<i32>} : memref<256x64xf32, #tpu.memory_space<vmem>>, vector<16xf32>,
      tpu.vector_store %arg13[%swap3A_445, %swap3A_446], %add3A_444 {strides = array<i32>} : memref<256x64xf32, #tpu.memory_space<vmem>>, vector<16xf32>,
      %scan3A_448 = arith.constant 0 : i32
      scf.yield %scan3A_448 : i32
    }
    %scan3A_358 = arith.constant 128 : i32
    "tpu.region"() ({
      %run_scoped3A = tpu.sem_alloc : memref<!tpu.dma_semaphore, #tpu.memory_space<semaphore_mem>>
      %dma_start3A_408 = arith.constant 0 : i32
      %dma_start3A_409 = arith.constant 0 : i32
      %dma_start3A_410 = tpu.memref_slice %arg13[%dma_start3A_408, %dma_start3A_409] : memref<256x64xf32, #tpu.memory_space<vmem>> -> memref<128x64xf32, #tpu.memory_space<vmem>>
      %dma_start3A_411 = arith.constant 0 : i32
      %dma_start3A_412 = tpu.memref_slice %arg9[%add3A_337, %dma_start3A_411] : memref<20480x64xf32, #tpu.memory_space<hbm>> -> memref<128x64xf32, #tpu.memory_space<hbm>>
      %dma_start3A_413 = arith.constant 0 : i32
      %dma_start3A_414 = tpu.memref_slice %arg9[%add3A_337, %dma_start3A_413] : memref<20480x64xf32, #tpu.memory_space<hbm>> -> memref<128x64xf32, #tpu.memory_space<hbm>>
      %dma_start3A_415 = arith.constant 0 : i32
      %dma_start3A_416 = arith.constant 0 : i32
      %dma_start3A_417 = tpu.memref_slice %arg13[%dma_start3A_415, %dma_start3A_416] : memref<256x64xf32, #tpu.memory_space<vmem>> -> memref<128x64xf32, #tpu.memory_space<vmem>>
      tpu.enqueue_dma source(%dma_start3A_417 : memref<128x64xf32, #tpu.memory_space<vmem>>) target(%dma_start3A_414 : memref<128x64xf32, #tpu.memory_space<hbm>>) target_semaphore(%run_scoped3A : memref<!tpu.dma_semaphore, #tpu.memory_space<semaphore_mem>>)
      %dma_wait3A_418 = arith.constant 0 : i32
      %dma_wait3A_419 = arith.constant 0 : i32
      %dma_wait3A_420 = tpu.memref_slice %arg13[%dma_wait3A_418, %dma_wait3A_419] : memref<256x64xf32, #tpu.memory_space<vmem>> -> memref<128x64xf32, #tpu.memory_space<vmem>>
      %dma_wait3A_421 = arith.constant 0 : i32
      %dma_wait3A_422 = tpu.memref_slice %arg9[%add3A_337, %dma_wait3A_421] : memref<20480x64xf32, #tpu.memory_space<hbm>> -> memref<128x64xf32, #tpu.memory_space<hbm>>
      %dma_wait3A_423 = arith.constant 0 : i32
      %dma_wait3A_424 = tpu.memref_slice %arg9[%add3A_337, %dma_wait3A_423] : memref<20480x64xf32, #tpu.memory_space<hbm>> -> memref<128x64xf32, #tpu.memory_space<hbm>>
      %dma_wait3A_425 = arith.constant 0 : i32
      %dma_wait3A_426 = arith.constant 0 : i32
      %dma_wait3A_427 = tpu.memref_slice %arg13[%dma_wait3A_425, %dma_wait3A_426] : memref<256x64xf32, #tpu.memory_space<vmem>> -> memref<128x64xf32, #tpu.memory_space<vmem>>
      tpu.wait_dma2 semaphore(%run_scoped3A : memref<!tpu.dma_semaphore, #tpu.memory_space<semaphore_mem>>) src(%dma_wait3A_427 : memref<128x64xf32, #tpu.memory_space<vmem>>) dst(%dma_wait3A_424 : memref<128x64xf32, #tpu.memory_space<hbm>>)
      tpu.yield
    }) : () -> ()
    %add3A_359 = arith.constant 384 : i32
    %add3A_360 = arith.addi %mul3A_2, %add3A_359 : i32
    %add3A_361 = arith.addi %mul3A_4, %add3A_360 : i32
    "tpu.region"() ({
      %run_scoped3A = tpu.sem_alloc : memref<!tpu.dma_semaphore, #tpu.memory_space<semaphore_mem>>
      %dma_start3A_408 = arith.constant 0 : i32
      %dma_start3A_409 = arith.constant 0 : i32
      %dma_start3A_410 = tpu.memref_slice %arg13[%dma_start3A_408, %dma_start3A_409] : memref<256x64xf32, #tpu.memory_space<vmem>> -> memref<128x64xf32, #tpu.memory_space<vmem>>
      %dma_start3A_411 = arith.constant 0 : i32
      %dma_start3A_412 = tpu.memref_slice %arg16[%add3A_360, %dma_start3A_411] : memref<10240x64xf32, #tpu.memory_space<vmem_shared>> -> memref<128x64xf32, #tpu.memory_space<vmem_shared>>
      %dma_start3A_413 = arith.constant 0 : i32
      %dma_start3A_414 = arith.constant 0 : i32
      %dma_start3A_415 = tpu.memref_slice %arg13[%dma_start3A_413, %dma_start3A_414] : memref<256x64xf32, #tpu.memory_space<vmem>> -> memref<128x64xf32, #tpu.memory_space<vmem>>
      %dma_start3A_416 = arith.constant 0 : i32
      %dma_start3A_417 = tpu.memref_slice %arg16[%add3A_360, %dma_start3A_416] : memref<10240x64xf32, #tpu.memory_space<vmem_shared>> -> memref<128x64xf32, #tpu.memory_space<vmem_shared>>
      tpu.enqueue_dma source(%dma_start3A_417 : memref<128x64xf32, #tpu.memory_space<vmem_shared>>) target(%dma_start3A_415 : memref<128x64xf32, #tpu.memory_space<vmem>>) target_semaphore(%run_scoped3A : memref<!tpu.dma_semaphore, #tpu.memory_space<semaphore_mem>>)
      %dma_wait3A_418 = arith.constant 0 : i32
      %dma_wait3A_419 = arith.constant 0 : i32
      %dma_wait3A_420 = tpu.memref_slice %arg13[%dma_wait3A_418, %dma_wait3A_419] : memref<256x64xf32, #tpu.memory_space<vmem>> -> memref<128x64xf32, #tpu.memory_space<vmem>>
      %dma_wait3A_421 = arith.constant 0 : i32
      %dma_wait3A_422 = tpu.memref_slice %arg16[%add3A_360, %dma_wait3A_421] : memref<10240x64xf32, #tpu.memory_space<vmem_shared>> -> memref<128x64xf32, #tpu.memory_space<vmem_shared>>
      %dma_wait3A_423 = arith.constant 0 : i32
      %dma_wait3A_424 = arith.constant 0 : i32
      %dma_wait3A_425 = tpu.memref_slice %arg13[%dma_wait3A_423, %dma_wait3A_424] : memref<256x64xf32, #tpu.memory_space<vmem>> -> memref<128x64xf32, #tpu.memory_space<vmem>>
      %dma_wait3A_426 = arith.constant 0 : i32
      %dma_wait3A_427 = tpu.memref_slice %arg16[%add3A_360, %dma_wait3A_426] : memref<10240x64xf32, #tpu.memory_space<vmem_shared>> -> memref<128x64xf32, #tpu.memory_space<vmem_shared>>
      tpu.wait_dma2 semaphore(%run_scoped3A : memref<!tpu.dma_semaphore, #tpu.memory_space<semaphore_mem>>) src(%dma_wait3A_427 : memref<128x64xf32, #tpu.memory_space<vmem_shared>>) dst(%dma_wait3A_425 : memref<128x64xf32, #tpu.memory_space<vmem>>)
      tpu.yield
    }) : () -> ()
    "tpu.region"() ({
      %run_scoped3A = tpu.sem_alloc : memref<!tpu.dma_semaphore, #tpu.memory_space<semaphore_mem>>
      %dma_start3A_408 = arith.constant 0 : i32
      %dma_start3A_409 = tpu.memref_slice %arg10[%add3A_361, %dma_start3A_408] : memref<20480x64xf32, #tpu.memory_space<hbm>> -> memref<128x64xf32, #tpu.memory_space<hbm>>
      %dma_start3A_410 = arith.constant 0 : i32
      %dma_start3A_411 = tpu.memref_slice %arg10[%add3A_361, %dma_start3A_410] : memref<20480x64xf32, #tpu.memory_space<hbm>> -> memref<128x64xf32, #tpu.memory_space<hbm>>
      tpu.enqueue_dma source(%dma_start3A_411 : memref<128x64xf32, #tpu.memory_space<hbm>>) target(%arg14 : memref<128x64xf32, #tpu.memory_space<vmem>>) target_semaphore(%run_scoped3A : memref<!tpu.dma_semaphore, #tpu.memory_space<semaphore_mem>>)
      %dma_wait3A_412 = arith.constant 0 : i32
      %dma_wait3A_413 = tpu.memref_slice %arg10[%add3A_361, %dma_wait3A_412] : memref<20480x64xf32, #tpu.memory_space<hbm>> -> memref<128x64xf32, #tpu.memory_space<hbm>>
      %dma_wait3A_414 = arith.constant 0 : i32
      %dma_wait3A_415 = tpu.memref_slice %arg10[%add3A_361, %dma_wait3A_414] : memref<20480x64xf32, #tpu.memory_space<hbm>> -> memref<128x64xf32, #tpu.memory_space<hbm>>
      tpu.wait_dma2 semaphore(%run_scoped3A : memref<!tpu.dma_semaphore, #tpu.memory_space<semaphore_mem>>) src(%dma_wait3A_415 : memref<128x64xf32, #tpu.memory_space<hbm>>) dst(%arg14 : memref<128x64xf32, #tpu.memory_space<vmem>>)
      tpu.yield
    }) : () -> ()
    %scan3A_362 = arith.constant 0 : i32
    %scan3A_363 = arith.constant 0 : i32
    %scan3A_364 = arith.constant 128 : i32
    %scan3A_365 = arith.addi %scan3A_363, %scan3A_364 : i32
    %scan3A_366 = arith.constant 1 : i32
    %scan3A_367 = scf.for %scan3A_408 = %scan3A_363 to %scan3A_365 step %scan3A_366 iter_args(%scan3A_409 = %scan3A_362) -> (i32)  : i32 {
      %get3A = arith.index_cast %scan3A_408 : i32 to index
      %get3A_410 = arith.constant 0 : index
      %get3A_411 = tpu.vector_load %arg13[%get3A, %get3A_410] {strides = array<i32>} : memref<256x64xf32, #tpu.memory_space<vmem>>, vector<16xf32>,
      %get3A_412 = arith.index_cast %scan3A_408 : i32 to index
      %get3A_413 = arith.constant 0 : index
      %get3A_414 = tpu.vector_load %arg14[%get3A_412, %get3A_413] {strides = array<i32>} : memref<128x64xf32, #tpu.memory_space<vmem>>, vector<16xf32>,
      %add3A_415 = arith.addf %get3A_411, %get3A_414 : vector<16xf32>
      %swap3A = arith.index_cast %scan3A_408 : i32 to index
      %swap3A_416 = arith.constant 0 : index
      %swap3A_417 = tpu.vector_load %arg13[%swap3A, %swap3A_416] {strides = array<i32>} : memref<256x64xf32, #tpu.memory_space<vmem>>, vector<16xf32>,
      tpu.vector_store %arg13[%swap3A, %swap3A_416], %add3A_415 {strides = array<i32>} : memref<256x64xf32, #tpu.memory_space<vmem>>, vector<16xf32>,
      %get3A_418 = arith.index_cast %scan3A_408 : i32 to index
      %get3A_419 = arith.constant 16 : index
      %get3A_420 = tpu.vector_load %arg13[%get3A_418, %get3A_419] {strides = array<i32>} : memref<256x64xf32, #tpu.memory_space<vmem>>, vector<16xf32>,
      %get3A_421 = arith.index_cast %scan3A_408 : i32 to index
      %get3A_422 = arith.constant 16 : index
      %get3A_423 = tpu.vector_load %arg14[%get3A_421, %get3A_422] {strides = array<i32>} : memref<128x64xf32, #tpu.memory_space<vmem>>, vector<16xf32>,
      %add3A_424 = arith.addf %get3A_420, %get3A_423 : vector<16xf32>
      %swap3A_425 = arith.index_cast %scan3A_408 : i32 to index
      %swap3A_426 = arith.constant 16 : index
      %swap3A_427 = tpu.vector_load %arg13[%swap3A_425, %swap3A_426] {strides = array<i32>} : memref<256x64xf32, #tpu.memory_space<vmem>>, vector<16xf32>,
      tpu.vector_store %arg13[%swap3A_425, %swap3A_426], %add3A_424 {strides = array<i32>} : memref<256x64xf32, #tpu.memory_space<vmem>>, vector<16xf32>,
      %get3A_428 = arith.index_cast %scan3A_408 : i32 to index
      %get3A_429 = arith.constant 32 : index
      %get3A_430 = tpu.vector_load %arg13[%get3A_428, %get3A_429] {strides = array<i32>} : memref<256x64xf32, #tpu.memory_space<vmem>>, vector<16xf32>,
      %get3A_431 = arith.index_cast %scan3A_408 : i32 to index
      %get3A_432 = arith.constant 32 : index
      %get3A_433 = tpu.vector_load %arg14[%get3A_431, %get3A_432] {strides = array<i32>} : memref<128x64xf32, #tpu.memory_space<vmem>>, vector<16xf32>,
      %add3A_434 = arith.addf %get3A_430, %get3A_433 : vector<16xf32>
      %swap3A_435 = arith.index_cast %scan3A_408 : i32 to index
      %swap3A_436 = arith.constant 32 : index
      %swap3A_437 = tpu.vector_load %arg13[%swap3A_435, %swap3A_436] {strides = array<i32>} : memref<256x64xf32, #tpu.memory_space<vmem>>, vector<16xf32>,
      tpu.vector_store %arg13[%swap3A_435, %swap3A_436], %add3A_434 {strides = array<i32>} : memref<256x64xf32, #tpu.memory_space<vmem>>, vector<16xf32>,
      %get3A_438 = arith.index_cast %scan3A_408 : i32 to index
      %get3A_439 = arith.constant 48 : index
      %get3A_440 = tpu.vector_load %arg13[%get3A_438, %get3A_439] {strides = array<i32>} : memref<256x64xf32, #tpu.memory_space<vmem>>, vector<16xf32>,
      %get3A_441 = arith.index_cast %scan3A_408 : i32 to index
      %get3A_442 = arith.constant 48 : index
      %get3A_443 = tpu.vector_load %arg14[%get3A_441, %get3A_442] {strides = array<i32>} : memref<128x64xf32, #tpu.memory_space<vmem>>, vector<16xf32>,
      %add3A_444 = arith.addf %get3A_440, %get3A_443 : vector<16xf32>
      %swap3A_445 = arith.index_cast %scan3A_408 : i32 to index
      %swap3A_446 = arith.constant 48 : index
      %swap3A_447 = tpu.vector_load %arg13[%swap3A_445, %swap3A_446] {strides = array<i32>} : memref<256x64xf32, #tpu.memory_space<vmem>>, vector<16xf32>,
      tpu.vector_store %arg13[%swap3A_445, %swap3A_446], %add3A_444 {strides = array<i32>} : memref<256x64xf32, #tpu.memory_space<vmem>>, vector<16xf32>,
      %scan3A_448 = arith.constant 0 : i32
      scf.yield %scan3A_448 : i32
    }
    %scan3A_368 = arith.constant 128 : i32
    "tpu.region"() ({
      %run_scoped3A = tpu.sem_alloc : memref<!tpu.dma_semaphore, #tpu.memory_space<semaphore_mem>>
      %dma_start3A_408 = arith.constant 0 : i32
      %dma_start3A_409 = tpu.memref_slice %arg6[%add3A_360, %dma_start3A_408] : memref<10240x64xf32, #tpu.memory_space<hbm>> -> memref<128x64xf32, #tpu.memory_space<hbm>>
      %dma_start3A_410 = arith.constant 0 : i32
      %dma_start3A_411 = tpu.memref_slice %arg6[%add3A_360, %dma_start3A_410] : memref<10240x64xf32, #tpu.memory_space<hbm>> -> memref<128x64xf32, #tpu.memory_space<hbm>>
      tpu.enqueue_dma source(%dma_start3A_411 : memref<128x64xf32, #tpu.memory_space<hbm>>) target(%arg14 : memref<128x64xf32, #tpu.memory_space<vmem>>) target_semaphore(%run_scoped3A : memref<!tpu.dma_semaphore, #tpu.memory_space<semaphore_mem>>)
      %dma_wait3A_412 = arith.constant 0 : i32
      %dma_wait3A_413 = tpu.memref_slice %arg6[%add3A_360, %dma_wait3A_412] : memref<10240x64xf32, #tpu.memory_space<hbm>> -> memref<128x64xf32, #tpu.memory_space<hbm>>
      %dma_wait3A_414 = arith.constant 0 : i32
      %dma_wait3A_415 = tpu.memref_slice %arg6[%add3A_360, %dma_wait3A_414] : memref<10240x64xf32, #tpu.memory_space<hbm>> -> memref<128x64xf32, #tpu.memory_space<hbm>>
      tpu.wait_dma2 semaphore(%run_scoped3A : memref<!tpu.dma_semaphore, #tpu.memory_space<semaphore_mem>>) src(%dma_wait3A_415 : memref<128x64xf32, #tpu.memory_space<hbm>>) dst(%arg14 : memref<128x64xf32, #tpu.memory_space<vmem>>)
      tpu.yield
    }) : () -> ()
    %scan3A_369 = arith.constant 0 : i32
    %scan3A_370 = arith.constant 0 : i32
    %scan3A_371 = arith.constant 128 : i32
    %scan3A_372 = arith.addi %scan3A_370, %scan3A_371 : i32
    %scan3A_373 = arith.constant 1 : i32
    %scan3A_374 = scf.for %scan3A_408 = %scan3A_370 to %scan3A_372 step %scan3A_373 iter_args(%scan3A_409 = %scan3A_369) -> (i32)  : i32 {
      %get3A = arith.index_cast %scan3A_408 : i32 to index
      %get3A_410 = arith.constant 0 : index
      %get3A_411 = tpu.vector_load %arg13[%get3A, %get3A_410] {strides = array<i32>} : memref<256x64xf32, #tpu.memory_space<vmem>>, vector<16xf32>,
      %get3A_412 = arith.index_cast %scan3A_408 : i32 to index
      %get3A_413 = arith.constant 0 : index
      %get3A_414 = tpu.vector_load %arg14[%get3A_412, %get3A_413] {strides = array<i32>} : memref<128x64xf32, #tpu.memory_space<vmem>>, vector<16xf32>,
      %mul3A_415 = arith.mulf %get3A_411, %get3A_414 : vector<16xf32>
      %swap3A = arith.index_cast %scan3A_408 : i32 to index
      %swap3A_416 = arith.constant 0 : index
      %swap3A_417 = tpu.vector_load %arg13[%swap3A, %swap3A_416] {strides = array<i32>} : memref<256x64xf32, #tpu.memory_space<vmem>>, vector<16xf32>,
      tpu.vector_store %arg13[%swap3A, %swap3A_416], %mul3A_415 {strides = array<i32>} : memref<256x64xf32, #tpu.memory_space<vmem>>, vector<16xf32>,
      %get3A_418 = arith.index_cast %scan3A_408 : i32 to index
      %get3A_419 = arith.constant 16 : index
      %get3A_420 = tpu.vector_load %arg13[%get3A_418, %get3A_419] {strides = array<i32>} : memref<256x64xf32, #tpu.memory_space<vmem>>, vector<16xf32>,
      %get3A_421 = arith.index_cast %scan3A_408 : i32 to index
      %get3A_422 = arith.constant 16 : index
      %get3A_423 = tpu.vector_load %arg14[%get3A_421, %get3A_422] {strides = array<i32>} : memref<128x64xf32, #tpu.memory_space<vmem>>, vector<16xf32>,
      %mul3A_424 = arith.mulf %get3A_420, %get3A_423 : vector<16xf32>
      %swap3A_425 = arith.index_cast %scan3A_408 : i32 to index
      %swap3A_426 = arith.constant 16 : index
      %swap3A_427 = tpu.vector_load %arg13[%swap3A_425, %swap3A_426] {strides = array<i32>} : memref<256x64xf32, #tpu.memory_space<vmem>>, vector<16xf32>,
      tpu.vector_store %arg13[%swap3A_425, %swap3A_426], %mul3A_424 {strides = array<i32>} : memref<256x64xf32, #tpu.memory_space<vmem>>, vector<16xf32>,
      %get3A_428 = arith.index_cast %scan3A_408 : i32 to index
      %get3A_429 = arith.constant 32 : index
      %get3A_430 = tpu.vector_load %arg13[%get3A_428, %get3A_429] {strides = array<i32>} : memref<256x64xf32, #tpu.memory_space<vmem>>, vector<16xf32>,
      %get3A_431 = arith.index_cast %scan3A_408 : i32 to index
      %get3A_432 = arith.constant 32 : index
      %get3A_433 = tpu.vector_load %arg14[%get3A_431, %get3A_432] {strides = array<i32>} : memref<128x64xf32, #tpu.memory_space<vmem>>, vector<16xf32>,
      %mul3A_434 = arith.mulf %get3A_430, %get3A_433 : vector<16xf32>
      %swap3A_435 = arith.index_cast %scan3A_408 : i32 to index
      %swap3A_436 = arith.constant 32 : index
      %swap3A_437 = tpu.vector_load %arg13[%swap3A_435, %swap3A_436] {strides = array<i32>} : memref<256x64xf32, #tpu.memory_space<vmem>>, vector<16xf32>,
      tpu.vector_store %arg13[%swap3A_435, %swap3A_436], %mul3A_434 {strides = array<i32>} : memref<256x64xf32, #tpu.memory_space<vmem>>, vector<16xf32>,
      %get3A_438 = arith.index_cast %scan3A_408 : i32 to index
      %get3A_439 = arith.constant 48 : index
      %get3A_440 = tpu.vector_load %arg13[%get3A_438, %get3A_439] {strides = array<i32>} : memref<256x64xf32, #tpu.memory_space<vmem>>, vector<16xf32>,
      %get3A_441 = arith.index_cast %scan3A_408 : i32 to index
      %get3A_442 = arith.constant 48 : index
      %get3A_443 = tpu.vector_load %arg14[%get3A_441, %get3A_442] {strides = array<i32>} : memref<128x64xf32, #tpu.memory_space<vmem>>, vector<16xf32>,
      %mul3A_444 = arith.mulf %get3A_440, %get3A_443 : vector<16xf32>
      %swap3A_445 = arith.index_cast %scan3A_408 : i32 to index
      %swap3A_446 = arith.constant 48 : index
      %swap3A_447 = tpu.vector_load %arg13[%swap3A_445, %swap3A_446] {strides = array<i32>} : memref<256x64xf32, #tpu.memory_space<vmem>>, vector<16xf32>,
      tpu.vector_store %arg13[%swap3A_445, %swap3A_446], %mul3A_444 {strides = array<i32>} : memref<256x64xf32, #tpu.memory_space<vmem>>, vector<16xf32>,
      %scan3A_448 = arith.constant 0 : i32
      scf.yield %scan3A_448 : i32
    }
    %scan3A_375 = arith.constant 128 : i32
    "tpu.region"() ({
      %run_scoped3A = tpu.sem_alloc : memref<!tpu.dma_semaphore, #tpu.memory_space<semaphore_mem>>
      %dma_start3A_408 = arith.constant 0 : i32
      %dma_start3A_409 = tpu.memref_slice %arg7[%add3A_361, %dma_start3A_408] : memref<20480x64xf32, #tpu.memory_space<hbm>> -> memref<128x64xf32, #tpu.memory_space<hbm>>
      %dma_start3A_410 = arith.constant 0 : i32
      %dma_start3A_411 = tpu.memref_slice %arg7[%add3A_361, %dma_start3A_410] : memref<20480x64xf32, #tpu.memory_space<hbm>> -> memref<128x64xf32, #tpu.memory_space<hbm>>
      tpu.enqueue_dma source(%dma_start3A_411 : memref<128x64xf32, #tpu.memory_space<hbm>>) target(%arg14 : memref<128x64xf32, #tpu.memory_space<vmem>>) target_semaphore(%run_scoped3A : memref<!tpu.dma_semaphore, #tpu.memory_space<semaphore_mem>>)
      %dma_wait3A_412 = arith.constant 0 : i32
      %dma_wait3A_413 = tpu.memref_slice %arg7[%add3A_361, %dma_wait3A_412] : memref<20480x64xf32, #tpu.memory_space<hbm>> -> memref<128x64xf32, #tpu.memory_space<hbm>>
      %dma_wait3A_414 = arith.constant 0 : i32
      %dma_wait3A_415 = tpu.memref_slice %arg7[%add3A_361, %dma_wait3A_414] : memref<20480x64xf32, #tpu.memory_space<hbm>> -> memref<128x64xf32, #tpu.memory_space<hbm>>
      tpu.wait_dma2 semaphore(%run_scoped3A : memref<!tpu.dma_semaphore, #tpu.memory_space<semaphore_mem>>) src(%dma_wait3A_415 : memref<128x64xf32, #tpu.memory_space<hbm>>) dst(%arg14 : memref<128x64xf32, #tpu.memory_space<vmem>>)
      tpu.yield
    }) : () -> ()
    %scan3A_376 = arith.constant 0 : i32
    %scan3A_377 = arith.constant 0 : i32
    %scan3A_378 = arith.constant 128 : i32
    %scan3A_379 = arith.addi %scan3A_377, %scan3A_378 : i32
    %scan3A_380 = arith.constant 1 : i32
    %scan3A_381 = scf.for %scan3A_408 = %scan3A_377 to %scan3A_379 step %scan3A_380 iter_args(%scan3A_409 = %scan3A_376) -> (i32)  : i32 {
      %get3A = arith.index_cast %scan3A_408 : i32 to index
      %get3A_410 = arith.constant 0 : index
      %get3A_411 = tpu.vector_load %arg13[%get3A, %get3A_410] {strides = array<i32>} : memref<256x64xf32, #tpu.memory_space<vmem>>, vector<16xf32>,
      %get3A_412 = arith.index_cast %scan3A_408 : i32 to index
      %get3A_413 = arith.constant 0 : index
      %get3A_414 = tpu.vector_load %arg14[%get3A_412, %get3A_413] {strides = array<i32>} : memref<128x64xf32, #tpu.memory_space<vmem>>, vector<16xf32>,
      %add3A_415 = arith.addf %get3A_411, %get3A_414 : vector<16xf32>
      %swap3A = arith.index_cast %scan3A_408 : i32 to index
      %swap3A_416 = arith.constant 0 : index
      %swap3A_417 = tpu.vector_load %arg13[%swap3A, %swap3A_416] {strides = array<i32>} : memref<256x64xf32, #tpu.memory_space<vmem>>, vector<16xf32>,
      tpu.vector_store %arg13[%swap3A, %swap3A_416], %add3A_415 {strides = array<i32>} : memref<256x64xf32, #tpu.memory_space<vmem>>, vector<16xf32>,
      %get3A_418 = arith.index_cast %scan3A_408 : i32 to index
      %get3A_419 = arith.constant 16 : index
      %get3A_420 = tpu.vector_load %arg13[%get3A_418, %get3A_419] {strides = array<i32>} : memref<256x64xf32, #tpu.memory_space<vmem>>, vector<16xf32>,
      %get3A_421 = arith.index_cast %scan3A_408 : i32 to index
      %get3A_422 = arith.constant 16 : index
      %get3A_423 = tpu.vector_load %arg14[%get3A_421, %get3A_422] {strides = array<i32>} : memref<128x64xf32, #tpu.memory_space<vmem>>, vector<16xf32>,
      %add3A_424 = arith.addf %get3A_420, %get3A_423 : vector<16xf32>
      %swap3A_425 = arith.index_cast %scan3A_408 : i32 to index
      %swap3A_426 = arith.constant 16 : index
      %swap3A_427 = tpu.vector_load %arg13[%swap3A_425, %swap3A_426] {strides = array<i32>} : memref<256x64xf32, #tpu.memory_space<vmem>>, vector<16xf32>,
      tpu.vector_store %arg13[%swap3A_425, %swap3A_426], %add3A_424 {strides = array<i32>} : memref<256x64xf32, #tpu.memory_space<vmem>>, vector<16xf32>,
      %get3A_428 = arith.index_cast %scan3A_408 : i32 to index
      %get3A_429 = arith.constant 32 : index
      %get3A_430 = tpu.vector_load %arg13[%get3A_428, %get3A_429] {strides = array<i32>} : memref<256x64xf32, #tpu.memory_space<vmem>>, vector<16xf32>,
      %get3A_431 = arith.index_cast %scan3A_408 : i32 to index
      %get3A_432 = arith.constant 32 : index
      %get3A_433 = tpu.vector_load %arg14[%get3A_431, %get3A_432] {strides = array<i32>} : memref<128x64xf32, #tpu.memory_space<vmem>>, vector<16xf32>,
      %add3A_434 = arith.addf %get3A_430, %get3A_433 : vector<16xf32>
      %swap3A_435 = arith.index_cast %scan3A_408 : i32 to index
      %swap3A_436 = arith.constant 32 : index
      %swap3A_437 = tpu.vector_load %arg13[%swap3A_435, %swap3A_436] {strides = array<i32>} : memref<256x64xf32, #tpu.memory_space<vmem>>, vector<16xf32>,
      tpu.vector_store %arg13[%swap3A_435, %swap3A_436], %add3A_434 {strides = array<i32>} : memref<256x64xf32, #tpu.memory_space<vmem>>, vector<16xf32>,
      %get3A_438 = arith.index_cast %scan3A_408 : i32 to index
      %get3A_439 = arith.constant 48 : index
      %get3A_440 = tpu.vector_load %arg13[%get3A_438, %get3A_439] {strides = array<i32>} : memref<256x64xf32, #tpu.memory_space<vmem>>, vector<16xf32>,
      %get3A_441 = arith.index_cast %scan3A_408 : i32 to index
      %get3A_442 = arith.constant 48 : index
      %get3A_443 = tpu.vector_load %arg14[%get3A_441, %get3A_442] {strides = array<i32>} : memref<128x64xf32, #tpu.memory_space<vmem>>, vector<16xf32>,
      %add3A_444 = arith.addf %get3A_440, %get3A_443 : vector<16xf32>
      %swap3A_445 = arith.index_cast %scan3A_408 : i32 to index
      %swap3A_446 = arith.constant 48 : index
      %swap3A_447 = tpu.vector_load %arg13[%swap3A_445, %swap3A_446] {strides = array<i32>} : memref<256x64xf32, #tpu.memory_space<vmem>>, vector<16xf32>,
      tpu.vector_store %arg13[%swap3A_445, %swap3A_446], %add3A_444 {strides = array<i32>} : memref<256x64xf32, #tpu.memory_space<vmem>>, vector<16xf32>,
      %scan3A_448 = arith.constant 0 : i32
      scf.yield %scan3A_448 : i32
    }
    %scan3A_382 = arith.constant 128 : i32
    "tpu.region"() ({
      %run_scoped3A = tpu.sem_alloc : memref<!tpu.dma_semaphore, #tpu.memory_space<semaphore_mem>>
      %dma_start3A_408 = arith.constant 0 : i32
      %dma_start3A_409 = arith.constant 0 : i32
      %dma_start3A_410 = tpu.memref_slice %arg13[%dma_start3A_408, %dma_start3A_409] : memref<256x64xf32, #tpu.memory_space<vmem>> -> memref<128x64xf32, #tpu.memory_space<vmem>>
      %dma_start3A_411 = arith.constant 0 : i32
      %dma_start3A_412 = tpu.memref_slice %arg9[%add3A_361, %dma_start3A_411] : memref<20480x64xf32, #tpu.memory_space<hbm>> -> memref<128x64xf32, #tpu.memory_space<hbm>>
      %dma_start3A_413 = arith.constant 0 : i32
      %dma_start3A_414 = tpu.memref_slice %arg9[%add3A_361, %dma_start3A_413] : memref<20480x64xf32, #tpu.memory_space<hbm>> -> memref<128x64xf32, #tpu.memory_space<hbm>>
      %dma_start3A_415 = arith.constant 0 : i32
      %dma_start3A_416 = arith.constant 0 : i32
      %dma_start3A_417 = tpu.memref_slice %arg13[%dma_start3A_415, %dma_start3A_416] : memref<256x64xf32, #tpu.memory_space<vmem>> -> memref<128x64xf32, #tpu.memory_space<vmem>>
      tpu.enqueue_dma source(%dma_start3A_417 : memref<128x64xf32, #tpu.memory_space<vmem>>) target(%dma_start3A_414 : memref<128x64xf32, #tpu.memory_space<hbm>>) target_semaphore(%run_scoped3A : memref<!tpu.dma_semaphore, #tpu.memory_space<semaphore_mem>>)
      %dma_wait3A_418 = arith.constant 0 : i32
      %dma_wait3A_419 = arith.constant 0 : i32
      %dma_wait3A_420 = tpu.memref_slice %arg13[%dma_wait3A_418, %dma_wait3A_419] : memref<256x64xf32, #tpu.memory_space<vmem>> -> memref<128x64xf32, #tpu.memory_space<vmem>>
      %dma_wait3A_421 = arith.constant 0 : i32
      %dma_wait3A_422 = tpu.memref_slice %arg9[%add3A_361, %dma_wait3A_421] : memref<20480x64xf32, #tpu.memory_space<hbm>> -> memref<128x64xf32, #tpu.memory_space<hbm>>
      %dma_wait3A_423 = arith.constant 0 : i32
      %dma_wait3A_424 = tpu.memref_slice %arg9[%add3A_361, %dma_wait3A_423] : memref<20480x64xf32, #tpu.memory_space<hbm>> -> memref<128x64xf32, #tpu.memory_space<hbm>>
      %dma_wait3A_425 = arith.constant 0 : i32
      %dma_wait3A_426 = arith.constant 0 : i32
      %dma_wait3A_427 = tpu.memref_slice %arg13[%dma_wait3A_425, %dma_wait3A_426] : memref<256x64xf32, #tpu.memory_space<vmem>> -> memref<128x64xf32, #tpu.memory_space<vmem>>
      tpu.wait_dma2 semaphore(%run_scoped3A : memref<!tpu.dma_semaphore, #tpu.memory_space<semaphore_mem>>) src(%dma_wait3A_427 : memref<128x64xf32, #tpu.memory_space<vmem>>) dst(%dma_wait3A_424 : memref<128x64xf32, #tpu.memory_space<hbm>>)
      tpu.yield
    }) : () -> ()
    %add3A_383 = arith.constant 512 : i32
    %add3A_384 = arith.addi %mul3A_2, %add3A_383 : i32
    %add3A_385 = arith.addi %mul3A_4, %add3A_384 : i32
    "tpu.region"() ({
      %run_scoped3A = tpu.sem_alloc : memref<!tpu.dma_semaphore, #tpu.memory_space<semaphore_mem>>
      %dma_start3A_408 = arith.constant 0 : i32
      %dma_start3A_409 = arith.constant 0 : i32
      %dma_start3A_410 = tpu.memref_slice %arg13[%dma_start3A_408, %dma_start3A_409] : memref<256x64xf32, #tpu.memory_space<vmem>> -> memref<128x64xf32, #tpu.memory_space<vmem>>
      %dma_start3A_411 = arith.constant 0 : i32
      %dma_start3A_412 = tpu.memref_slice %arg16[%add3A_384, %dma_start3A_411] : memref<10240x64xf32, #tpu.memory_space<vmem_shared>> -> memref<128x64xf32, #tpu.memory_space<vmem_shared>>
      %dma_start3A_413 = arith.constant 0 : i32
      %dma_start3A_414 = arith.constant 0 : i32
      %dma_start3A_415 = tpu.memref_slice %arg13[%dma_start3A_413, %dma_start3A_414] : memref<256x64xf32, #tpu.memory_space<vmem>> -> memref<128x64xf32, #tpu.memory_space<vmem>>
      %dma_start3A_416 = arith.constant 0 : i32
      %dma_start3A_417 = tpu.memref_slice %arg16[%add3A_384, %dma_start3A_416] : memref<10240x64xf32, #tpu.memory_space<vmem_shared>> -> memref<128x64xf32, #tpu.memory_space<vmem_shared>>
      tpu.enqueue_dma source(%dma_start3A_417 : memref<128x64xf32, #tpu.memory_space<vmem_shared>>) target(%dma_start3A_415 : memref<128x64xf32, #tpu.memory_space<vmem>>) target_semaphore(%run_scoped3A : memref<!tpu.dma_semaphore, #tpu.memory_space<semaphore_mem>>)
      %dma_wait3A_418 = arith.constant 0 : i32
      %dma_wait3A_419 = arith.constant 0 : i32
      %dma_wait3A_420 = tpu.memref_slice %arg13[%dma_wait3A_418, %dma_wait3A_419] : memref<256x64xf32, #tpu.memory_space<vmem>> -> memref<128x64xf32, #tpu.memory_space<vmem>>
      %dma_wait3A_421 = arith.constant 0 : i32
      %dma_wait3A_422 = tpu.memref_slice %arg16[%add3A_384, %dma_wait3A_421] : memref<10240x64xf32, #tpu.memory_space<vmem_shared>> -> memref<128x64xf32, #tpu.memory_space<vmem_shared>>
      %dma_wait3A_423 = arith.constant 0 : i32
      %dma_wait3A_424 = arith.constant 0 : i32
      %dma_wait3A_425 = tpu.memref_slice %arg13[%dma_wait3A_423, %dma_wait3A_424] : memref<256x64xf32, #tpu.memory_space<vmem>> -> memref<128x64xf32, #tpu.memory_space<vmem>>
      %dma_wait3A_426 = arith.constant 0 : i32
      %dma_wait3A_427 = tpu.memref_slice %arg16[%add3A_384, %dma_wait3A_426] : memref<10240x64xf32, #tpu.memory_space<vmem_shared>> -> memref<128x64xf32, #tpu.memory_space<vmem_shared>>
      tpu.wait_dma2 semaphore(%run_scoped3A : memref<!tpu.dma_semaphore, #tpu.memory_space<semaphore_mem>>) src(%dma_wait3A_427 : memref<128x64xf32, #tpu.memory_space<vmem_shared>>) dst(%dma_wait3A_425 : memref<128x64xf32, #tpu.memory_space<vmem>>)
      tpu.yield
    }) : () -> ()
    "tpu.region"() ({
      %run_scoped3A = tpu.sem_alloc : memref<!tpu.dma_semaphore, #tpu.memory_space<semaphore_mem>>
      %dma_start3A_408 = arith.constant 0 : i32
      %dma_start3A_409 = tpu.memref_slice %arg10[%add3A_385, %dma_start3A_408] : memref<20480x64xf32, #tpu.memory_space<hbm>> -> memref<128x64xf32, #tpu.memory_space<hbm>>
      %dma_start3A_410 = arith.constant 0 : i32
      %dma_start3A_411 = tpu.memref_slice %arg10[%add3A_385, %dma_start3A_410] : memref<20480x64xf32, #tpu.memory_space<hbm>> -> memref<128x64xf32, #tpu.memory_space<hbm>>
      tpu.enqueue_dma source(%dma_start3A_411 : memref<128x64xf32, #tpu.memory_space<hbm>>) target(%arg14 : memref<128x64xf32, #tpu.memory_space<vmem>>) target_semaphore(%run_scoped3A : memref<!tpu.dma_semaphore, #tpu.memory_space<semaphore_mem>>)
      %dma_wait3A_412 = arith.constant 0 : i32
      %dma_wait3A_413 = tpu.memref_slice %arg10[%add3A_385, %dma_wait3A_412] : memref<20480x64xf32, #tpu.memory_space<hbm>> -> memref<128x64xf32, #tpu.memory_space<hbm>>
      %dma_wait3A_414 = arith.constant 0 : i32
      %dma_wait3A_415 = tpu.memref_slice %arg10[%add3A_385, %dma_wait3A_414] : memref<20480x64xf32, #tpu.memory_space<hbm>> -> memref<128x64xf32, #tpu.memory_space<hbm>>
      tpu.wait_dma2 semaphore(%run_scoped3A : memref<!tpu.dma_semaphore, #tpu.memory_space<semaphore_mem>>) src(%dma_wait3A_415 : memref<128x64xf32, #tpu.memory_space<hbm>>) dst(%arg14 : memref<128x64xf32, #tpu.memory_space<vmem>>)
      tpu.yield
    }) : () -> ()
    %scan3A_386 = arith.constant 0 : i32
    %scan3A_387 = arith.constant 0 : i32
    %scan3A_388 = arith.constant 128 : i32
    %scan3A_389 = arith.addi %scan3A_387, %scan3A_388 : i32
    %scan3A_390 = arith.constant 1 : i32
    %scan3A_391 = scf.for %scan3A_408 = %scan3A_387 to %scan3A_389 step %scan3A_390 iter_args(%scan3A_409 = %scan3A_386) -> (i32)  : i32 {
      %get3A = arith.index_cast %scan3A_408 : i32 to index
      %get3A_410 = arith.constant 0 : index
      %get3A_411 = tpu.vector_load %arg13[%get3A, %get3A_410] {strides = array<i32>} : memref<256x64xf32, #tpu.memory_space<vmem>>, vector<16xf32>,
      %get3A_412 = arith.index_cast %scan3A_408 : i32 to index
      %get3A_413 = arith.constant 0 : index
      %get3A_414 = tpu.vector_load %arg14[%get3A_412, %get3A_413] {strides = array<i32>} : memref<128x64xf32, #tpu.memory_space<vmem>>, vector<16xf32>,
      %add3A_415 = arith.addf %get3A_411, %get3A_414 : vector<16xf32>
      %swap3A = arith.index_cast %scan3A_408 : i32 to index
      %swap3A_416 = arith.constant 0 : index
      %swap3A_417 = tpu.vector_load %arg13[%swap3A, %swap3A_416] {strides = array<i32>} : memref<256x64xf32, #tpu.memory_space<vmem>>, vector<16xf32>,
      tpu.vector_store %arg13[%swap3A, %swap3A_416], %add3A_415 {strides = array<i32>} : memref<256x64xf32, #tpu.memory_space<vmem>>, vector<16xf32>,
      %get3A_418 = arith.index_cast %scan3A_408 : i32 to index
      %get3A_419 = arith.constant 16 : index
      %get3A_420 = tpu.vector_load %arg13[%get3A_418, %get3A_419] {strides = array<i32>} : memref<256x64xf32, #tpu.memory_space<vmem>>, vector<16xf32>,
      %get3A_421 = arith.index_cast %scan3A_408 : i32 to index
      %get3A_422 = arith.constant 16 : index
      %get3A_423 = tpu.vector_load %arg14[%get3A_421, %get3A_422] {strides = array<i32>} : memref<128x64xf32, #tpu.memory_space<vmem>>, vector<16xf32>,
      %add3A_424 = arith.addf %get3A_420, %get3A_423 : vector<16xf32>
      %swap3A_425 = arith.index_cast %scan3A_408 : i32 to index
      %swap3A_426 = arith.constant 16 : index
      %swap3A_427 = tpu.vector_load %arg13[%swap3A_425, %swap3A_426] {strides = array<i32>} : memref<256x64xf32, #tpu.memory_space<vmem>>, vector<16xf32>,
      tpu.vector_store %arg13[%swap3A_425, %swap3A_426], %add3A_424 {strides = array<i32>} : memref<256x64xf32, #tpu.memory_space<vmem>>, vector<16xf32>,
      %get3A_428 = arith.index_cast %scan3A_408 : i32 to index
      %get3A_429 = arith.constant 32 : index
      %get3A_430 = tpu.vector_load %arg13[%get3A_428, %get3A_429] {strides = array<i32>} : memref<256x64xf32, #tpu.memory_space<vmem>>, vector<16xf32>,
      %get3A_431 = arith.index_cast %scan3A_408 : i32 to index
      %get3A_432 = arith.constant 32 : index
      %get3A_433 = tpu.vector_load %arg14[%get3A_431, %get3A_432] {strides = array<i32>} : memref<128x64xf32, #tpu.memory_space<vmem>>, vector<16xf32>,
      %add3A_434 = arith.addf %get3A_430, %get3A_433 : vector<16xf32>
      %swap3A_435 = arith.index_cast %scan3A_408 : i32 to index
      %swap3A_436 = arith.constant 32 : index
      %swap3A_437 = tpu.vector_load %arg13[%swap3A_435, %swap3A_436] {strides = array<i32>} : memref<256x64xf32, #tpu.memory_space<vmem>>, vector<16xf32>,
      tpu.vector_store %arg13[%swap3A_435, %swap3A_436], %add3A_434 {strides = array<i32>} : memref<256x64xf32, #tpu.memory_space<vmem>>, vector<16xf32>,
      %get3A_438 = arith.index_cast %scan3A_408 : i32 to index
      %get3A_439 = arith.constant 48 : index
      %get3A_440 = tpu.vector_load %arg13[%get3A_438, %get3A_439] {strides = array<i32>} : memref<256x64xf32, #tpu.memory_space<vmem>>, vector<16xf32>,
      %get3A_441 = arith.index_cast %scan3A_408 : i32 to index
      %get3A_442 = arith.constant 48 : index
      %get3A_443 = tpu.vector_load %arg14[%get3A_441, %get3A_442] {strides = array<i32>} : memref<128x64xf32, #tpu.memory_space<vmem>>, vector<16xf32>,
      %add3A_444 = arith.addf %get3A_440, %get3A_443 : vector<16xf32>
      %swap3A_445 = arith.index_cast %scan3A_408 : i32 to index
      %swap3A_446 = arith.constant 48 : index
      %swap3A_447 = tpu.vector_load %arg13[%swap3A_445, %swap3A_446] {strides = array<i32>} : memref<256x64xf32, #tpu.memory_space<vmem>>, vector<16xf32>,
      tpu.vector_store %arg13[%swap3A_445, %swap3A_446], %add3A_444 {strides = array<i32>} : memref<256x64xf32, #tpu.memory_space<vmem>>, vector<16xf32>,
      %scan3A_448 = arith.constant 0 : i32
      scf.yield %scan3A_448 : i32
    }
    %scan3A_392 = arith.constant 128 : i32
    "tpu.region"() ({
      %run_scoped3A = tpu.sem_alloc : memref<!tpu.dma_semaphore, #tpu.memory_space<semaphore_mem>>
      %dma_start3A_408 = arith.constant 0 : i32
      %dma_start3A_409 = tpu.memref_slice %arg6[%add3A_384, %dma_start3A_408] : memref<10240x64xf32, #tpu.memory_space<hbm>> -> memref<128x64xf32, #tpu.memory_space<hbm>>
      %dma_start3A_410 = arith.constant 0 : i32
      %dma_start3A_411 = tpu.memref_slice %arg6[%add3A_384, %dma_start3A_410] : memref<10240x64xf32, #tpu.memory_space<hbm>> -> memref<128x64xf32, #tpu.memory_space<hbm>>
      tpu.enqueue_dma source(%dma_start3A_411 : memref<128x64xf32, #tpu.memory_space<hbm>>) target(%arg14 : memref<128x64xf32, #tpu.memory_space<vmem>>) target_semaphore(%run_scoped3A : memref<!tpu.dma_semaphore, #tpu.memory_space<semaphore_mem>>)
      %dma_wait3A_412 = arith.constant 0 : i32
      %dma_wait3A_413 = tpu.memref_slice %arg6[%add3A_384, %dma_wait3A_412] : memref<10240x64xf32, #tpu.memory_space<hbm>> -> memref<128x64xf32, #tpu.memory_space<hbm>>
      %dma_wait3A_414 = arith.constant 0 : i32
      %dma_wait3A_415 = tpu.memref_slice %arg6[%add3A_384, %dma_wait3A_414] : memref<10240x64xf32, #tpu.memory_space<hbm>> -> memref<128x64xf32, #tpu.memory_space<hbm>>
      tpu.wait_dma2 semaphore(%run_scoped3A : memref<!tpu.dma_semaphore, #tpu.memory_space<semaphore_mem>>) src(%dma_wait3A_415 : memref<128x64xf32, #tpu.memory_space<hbm>>) dst(%arg14 : memref<128x64xf32, #tpu.memory_space<vmem>>)
      tpu.yield
    }) : () -> ()
    %scan3A_393 = arith.constant 0 : i32
    %scan3A_394 = arith.constant 0 : i32
    %scan3A_395 = arith.constant 128 : i32
    %scan3A_396 = arith.addi %scan3A_394, %scan3A_395 : i32
    %scan3A_397 = arith.constant 1 : i32
    %scan3A_398 = scf.for %scan3A_408 = %scan3A_394 to %scan3A_396 step %scan3A_397 iter_args(%scan3A_409 = %scan3A_393) -> (i32)  : i32 {
      %get3A = arith.index_cast %scan3A_408 : i32 to index
      %get3A_410 = arith.constant 0 : index
      %get3A_411 = tpu.vector_load %arg13[%get3A, %get3A_410] {strides = array<i32>} : memref<256x64xf32, #tpu.memory_space<vmem>>, vector<16xf32>,
      %get3A_412 = arith.index_cast %scan3A_408 : i32 to index
      %get3A_413 = arith.constant 0 : index
      %get3A_414 = tpu.vector_load %arg14[%get3A_412, %get3A_413] {strides = array<i32>} : memref<128x64xf32, #tpu.memory_space<vmem>>, vector<16xf32>,
      %mul3A_415 = arith.mulf %get3A_411, %get3A_414 : vector<16xf32>
      %swap3A = arith.index_cast %scan3A_408 : i32 to index
      %swap3A_416 = arith.constant 0 : index
      %swap3A_417 = tpu.vector_load %arg13[%swap3A, %swap3A_416] {strides = array<i32>} : memref<256x64xf32, #tpu.memory_space<vmem>>, vector<16xf32>,
      tpu.vector_store %arg13[%swap3A, %swap3A_416], %mul3A_415 {strides = array<i32>} : memref<256x64xf32, #tpu.memory_space<vmem>>, vector<16xf32>,
      %get3A_418 = arith.index_cast %scan3A_408 : i32 to index
      %get3A_419 = arith.constant 16 : index
      %get3A_420 = tpu.vector_load %arg13[%get3A_418, %get3A_419] {strides = array<i32>} : memref<256x64xf32, #tpu.memory_space<vmem>>, vector<16xf32>,
      %get3A_421 = arith.index_cast %scan3A_408 : i32 to index
      %get3A_422 = arith.constant 16 : index
      %get3A_423 = tpu.vector_load %arg14[%get3A_421, %get3A_422] {strides = array<i32>} : memref<128x64xf32, #tpu.memory_space<vmem>>, vector<16xf32>,
      %mul3A_424 = arith.mulf %get3A_420, %get3A_423 : vector<16xf32>
      %swap3A_425 = arith.index_cast %scan3A_408 : i32 to index
      %swap3A_426 = arith.constant 16 : index
      %swap3A_427 = tpu.vector_load %arg13[%swap3A_425, %swap3A_426] {strides = array<i32>} : memref<256x64xf32, #tpu.memory_space<vmem>>, vector<16xf32>,
      tpu.vector_store %arg13[%swap3A_425, %swap3A_426], %mul3A_424 {strides = array<i32>} : memref<256x64xf32, #tpu.memory_space<vmem>>, vector<16xf32>,
      %get3A_428 = arith.index_cast %scan3A_408 : i32 to index
      %get3A_429 = arith.constant 32 : index
      %get3A_430 = tpu.vector_load %arg13[%get3A_428, %get3A_429] {strides = array<i32>} : memref<256x64xf32, #tpu.memory_space<vmem>>, vector<16xf32>,
      %get3A_431 = arith.index_cast %scan3A_408 : i32 to index
      %get3A_432 = arith.constant 32 : index
      %get3A_433 = tpu.vector_load %arg14[%get3A_431, %get3A_432] {strides = array<i32>} : memref<128x64xf32, #tpu.memory_space<vmem>>, vector<16xf32>,
      %mul3A_434 = arith.mulf %get3A_430, %get3A_433 : vector<16xf32>
      %swap3A_435 = arith.index_cast %scan3A_408 : i32 to index
      %swap3A_436 = arith.constant 32 : index
      %swap3A_437 = tpu.vector_load %arg13[%swap3A_435, %swap3A_436] {strides = array<i32>} : memref<256x64xf32, #tpu.memory_space<vmem>>, vector<16xf32>,
      tpu.vector_store %arg13[%swap3A_435, %swap3A_436], %mul3A_434 {strides = array<i32>} : memref<256x64xf32, #tpu.memory_space<vmem>>, vector<16xf32>,
      %get3A_438 = arith.index_cast %scan3A_408 : i32 to index
      %get3A_439 = arith.constant 48 : index
      %get3A_440 = tpu.vector_load %arg13[%get3A_438, %get3A_439] {strides = array<i32>} : memref<256x64xf32, #tpu.memory_space<vmem>>, vector<16xf32>,
      %get3A_441 = arith.index_cast %scan3A_408 : i32 to index
      %get3A_442 = arith.constant 48 : index
      %get3A_443 = tpu.vector_load %arg14[%get3A_441, %get3A_442] {strides = array<i32>} : memref<128x64xf32, #tpu.memory_space<vmem>>, vector<16xf32>,
      %mul3A_444 = arith.mulf %get3A_440, %get3A_443 : vector<16xf32>
      %swap3A_445 = arith.index_cast %scan3A_408 : i32 to index
      %swap3A_446 = arith.constant 48 : index
      %swap3A_447 = tpu.vector_load %arg13[%swap3A_445, %swap3A_446] {strides = array<i32>} : memref<256x64xf32, #tpu.memory_space<vmem>>, vector<16xf32>,
      tpu.vector_store %arg13[%swap3A_445, %swap3A_446], %mul3A_444 {strides = array<i32>} : memref<256x64xf32, #tpu.memory_space<vmem>>, vector<16xf32>,
      %scan3A_448 = arith.constant 0 : i32
      scf.yield %scan3A_448 : i32
    }
    %scan3A_399 = arith.constant 128 : i32
    "tpu.region"() ({
      %run_scoped3A = tpu.sem_alloc : memref<!tpu.dma_semaphore, #tpu.memory_space<semaphore_mem>>
      %dma_start3A_408 = arith.constant 0 : i32
      %dma_start3A_409 = tpu.memref_slice %arg7[%add3A_385, %dma_start3A_408] : memref<20480x64xf32, #tpu.memory_space<hbm>> -> memref<128x64xf32, #tpu.memory_space<hbm>>
      %dma_start3A_410 = arith.constant 0 : i32
      %dma_start3A_411 = tpu.memref_slice %arg7[%add3A_385, %dma_start3A_410] : memref<20480x64xf32, #tpu.memory_space<hbm>> -> memref<128x64xf32, #tpu.memory_space<hbm>>
      tpu.enqueue_dma source(%dma_start3A_411 : memref<128x64xf32, #tpu.memory_space<hbm>>) target(%arg14 : memref<128x64xf32, #tpu.memory_space<vmem>>) target_semaphore(%run_scoped3A : memref<!tpu.dma_semaphore, #tpu.memory_space<semaphore_mem>>)
      %dma_wait3A_412 = arith.constant 0 : i32
      %dma_wait3A_413 = tpu.memref_slice %arg7[%add3A_385, %dma_wait3A_412] : memref<20480x64xf32, #tpu.memory_space<hbm>> -> memref<128x64xf32, #tpu.memory_space<hbm>>
      %dma_wait3A_414 = arith.constant 0 : i32
      %dma_wait3A_415 = tpu.memref_slice %arg7[%add3A_385, %dma_wait3A_414] : memref<20480x64xf32, #tpu.memory_space<hbm>> -> memref<128x64xf32, #tpu.memory_space<hbm>>
      tpu.wait_dma2 semaphore(%run_scoped3A : memref<!tpu.dma_semaphore, #tpu.memory_space<semaphore_mem>>) src(%dma_wait3A_415 : memref<128x64xf32, #tpu.memory_space<hbm>>) dst(%arg14 : memref<128x64xf32, #tpu.memory_space<vmem>>)
      tpu.yield
    }) : () -> ()
    %scan3A_400 = arith.constant 0 : i32
    %scan3A_401 = arith.constant 0 : i32
    %scan3A_402 = arith.constant 128 : i32
    %scan3A_403 = arith.addi %scan3A_401, %scan3A_402 : i32
    %scan3A_404 = arith.constant 1 : i32
    %scan3A_405 = scf.for %scan3A_408 = %scan3A_401 to %scan3A_403 step %scan3A_404 iter_args(%scan3A_409 = %scan3A_400) -> (i32)  : i32 {
      %get3A = arith.index_cast %scan3A_408 : i32 to index
      %get3A_410 = arith.constant 0 : index
      %get3A_411 = tpu.vector_load %arg13[%get3A, %get3A_410] {strides = array<i32>} : memref<256x64xf32, #tpu.memory_space<vmem>>, vector<16xf32>,
      %get3A_412 = arith.index_cast %scan3A_408 : i32 to index
      %get3A_413 = arith.constant 0 : index
      %get3A_414 = tpu.vector_load %arg14[%get3A_412, %get3A_413] {strides = array<i32>} : memref<128x64xf32, #tpu.memory_space<vmem>>, vector<16xf32>,
      %add3A_415 = arith.addf %get3A_411, %get3A_414 : vector<16xf32>
      %swap3A = arith.index_cast %scan3A_408 : i32 to index
      %swap3A_416 = arith.constant 0 : index
      %swap3A_417 = tpu.vector_load %arg13[%swap3A, %swap3A_416] {strides = array<i32>} : memref<256x64xf32, #tpu.memory_space<vmem>>, vector<16xf32>,
      tpu.vector_store %arg13[%swap3A, %swap3A_416], %add3A_415 {strides = array<i32>} : memref<256x64xf32, #tpu.memory_space<vmem>>, vector<16xf32>,
      %get3A_418 = arith.index_cast %scan3A_408 : i32 to index
      %get3A_419 = arith.constant 16 : index
      %get3A_420 = tpu.vector_load %arg13[%get3A_418, %get3A_419] {strides = array<i32>} : memref<256x64xf32, #tpu.memory_space<vmem>>, vector<16xf32>,
      %get3A_421 = arith.index_cast %scan3A_408 : i32 to index
      %get3A_422 = arith.constant 16 : index
      %get3A_423 = tpu.vector_load %arg14[%get3A_421, %get3A_422] {strides = array<i32>} : memref<128x64xf32, #tpu.memory_space<vmem>>, vector<16xf32>,
      %add3A_424 = arith.addf %get3A_420, %get3A_423 : vector<16xf32>
      %swap3A_425 = arith.index_cast %scan3A_408 : i32 to index
      %swap3A_426 = arith.constant 16 : index
      %swap3A_427 = tpu.vector_load %arg13[%swap3A_425, %swap3A_426] {strides = array<i32>} : memref<256x64xf32, #tpu.memory_space<vmem>>, vector<16xf32>,
      tpu.vector_store %arg13[%swap3A_425, %swap3A_426], %add3A_424 {strides = array<i32>} : memref<256x64xf32, #tpu.memory_space<vmem>>, vector<16xf32>,
      %get3A_428 = arith.index_cast %scan3A_408 : i32 to index
      %get3A_429 = arith.constant 32 : index
      %get3A_430 = tpu.vector_load %arg13[%get3A_428, %get3A_429] {strides = array<i32>} : memref<256x64xf32, #tpu.memory_space<vmem>>, vector<16xf32>,
      %get3A_431 = arith.index_cast %scan3A_408 : i32 to index
      %get3A_432 = arith.constant 32 : index
      %get3A_433 = tpu.vector_load %arg14[%get3A_431, %get3A_432] {strides = array<i32>} : memref<128x64xf32, #tpu.memory_space<vmem>>, vector<16xf32>,
      %add3A_434 = arith.addf %get3A_430, %get3A_433 : vector<16xf32>
      %swap3A_435 = arith.index_cast %scan3A_408 : i32 to index
      %swap3A_436 = arith.constant 32 : index
      %swap3A_437 = tpu.vector_load %arg13[%swap3A_435, %swap3A_436] {strides = array<i32>} : memref<256x64xf32, #tpu.memory_space<vmem>>, vector<16xf32>,
      tpu.vector_store %arg13[%swap3A_435, %swap3A_436], %add3A_434 {strides = array<i32>} : memref<256x64xf32, #tpu.memory_space<vmem>>, vector<16xf32>,
      %get3A_438 = arith.index_cast %scan3A_408 : i32 to index
      %get3A_439 = arith.constant 48 : index
      %get3A_440 = tpu.vector_load %arg13[%get3A_438, %get3A_439] {strides = array<i32>} : memref<256x64xf32, #tpu.memory_space<vmem>>, vector<16xf32>,
      %get3A_441 = arith.index_cast %scan3A_408 : i32 to index
      %get3A_442 = arith.constant 48 : index
      %get3A_443 = tpu.vector_load %arg14[%get3A_441, %get3A_442] {strides = array<i32>} : memref<128x64xf32, #tpu.memory_space<vmem>>, vector<16xf32>,
      %add3A_444 = arith.addf %get3A_440, %get3A_443 : vector<16xf32>
      %swap3A_445 = arith.index_cast %scan3A_408 : i32 to index
      %swap3A_446 = arith.constant 48 : index
      %swap3A_447 = tpu.vector_load %arg13[%swap3A_445, %swap3A_446] {strides = array<i32>} : memref<256x64xf32, #tpu.memory_space<vmem>>, vector<16xf32>,
      tpu.vector_store %arg13[%swap3A_445, %swap3A_446], %add3A_444 {strides = array<i32>} : memref<256x64xf32, #tpu.memory_space<vmem>>, vector<16xf32>,
      %scan3A_448 = arith.constant 0 : i32
      scf.yield %scan3A_448 : i32
    }
    %scan3A_406 = arith.constant 128 : i32
    "tpu.region"() ({
      %run_scoped3A = tpu.sem_alloc : memref<!tpu.dma_semaphore, #tpu.memory_space<semaphore_mem>>
      %dma_start3A_408 = arith.constant 0 : i32
      %dma_start3A_409 = arith.constant 0 : i32
      %dma_start3A_410 = tpu.memref_slice %arg13[%dma_start3A_408, %dma_start3A_409] : memref<256x64xf32, #tpu.memory_space<vmem>> -> memref<128x64xf32, #tpu.memory_space<vmem>>
      %dma_start3A_411 = arith.constant 0 : i32
      %dma_start3A_412 = tpu.memref_slice %arg9[%add3A_385, %dma_start3A_411] : memref<20480x64xf32, #tpu.memory_space<hbm>> -> memref<128x64xf32, #tpu.memory_space<hbm>>
      %dma_start3A_413 = arith.constant 0 : i32
      %dma_start3A_414 = tpu.memref_slice %arg9[%add3A_385, %dma_start3A_413] : memref<20480x64xf32, #tpu.memory_space<hbm>> -> memref<128x64xf32, #tpu.memory_space<hbm>>
      %dma_start3A_415 = arith.constant 0 : i32
      %dma_start3A_416 = arith.constant 0 : i32
      %dma_start3A_417 = tpu.memref_slice %arg13[%dma_start3A_415, %dma_start3A_416] : memref<256x64xf32, #tpu.memory_space<vmem>> -> memref<128x64xf32, #tpu.memory_space<vmem>>
      tpu.enqueue_dma source(%dma_start3A_417 : memref<128x64xf32, #tpu.memory_space<vmem>>) target(%dma_start3A_414 : memref<128x64xf32, #tpu.memory_space<hbm>>) target_semaphore(%run_scoped3A : memref<!tpu.dma_semaphore, #tpu.memory_space<semaphore_mem>>)
      %dma_wait3A_418 = arith.constant 0 : i32
      %dma_wait3A_419 = arith.constant 0 : i32
      %dma_wait3A_420 = tpu.memref_slice %arg13[%dma_wait3A_418, %dma_wait3A_419] : memref<256x64xf32, #tpu.memory_space<vmem>> -> memref<128x64xf32, #tpu.memory_space<vmem>>
      %dma_wait3A_421 = arith.constant 0 : i32
      %dma_wait3A_422 = tpu.memref_slice %arg9[%add3A_385, %dma_wait3A_421] : memref<20480x64xf32, #tpu.memory_space<hbm>> -> memref<128x64xf32, #tpu.memory_space<hbm>>
      %dma_wait3A_423 = arith.constant 0 : i32
      %dma_wait3A_424 = tpu.memref_slice %arg9[%add3A_385, %dma_wait3A_423] : memref<20480x64xf32, #tpu.memory_space<hbm>> -> memref<128x64xf32, #tpu.memory_space<hbm>>
      %dma_wait3A_425 = arith.constant 0 : i32
      %dma_wait3A_426 = arith.constant 0 : i32
      %dma_wait3A_427 = tpu.memref_slice %arg13[%dma_wait3A_425, %dma_wait3A_426] : memref<256x64xf32, #tpu.memory_space<vmem>> -> memref<128x64xf32, #tpu.memory_space<vmem>>
      tpu.wait_dma2 semaphore(%run_scoped3A : memref<!tpu.dma_semaphore, #tpu.memory_space<semaphore_mem>>) src(%dma_wait3A_427 : memref<128x64xf32, #tpu.memory_space<vmem>>) dst(%dma_wait3A_424 : memref<128x64xf32, #tpu.memory_space<hbm>>)
      tpu.yield
    }) : () -> ()
    %barrier3A_407 = arith.constant 0 : index
    tpu.barrier barrier_id(%barrier3A_407)
    return
  }
}

module attributes {stable_mosaic.version = 14 : i64} {
  func.func @_prep_body(%arg0: i32, %arg1: memref<32x2048xf32, #tpu.memory_space<vmem>>, %arg2: memref<2048x128xf32, #tpu.memory_space<vmem>>, %arg3: memref<2x2048x64xf32, #tpu.memory_space<vmem>>, %arg4: memref<2048x64xf32, #tpu.memory_space<vmem>>, %arg5: memref<2048x64xf32, #tpu.memory_space<vmem>>, %arg6: memref<2x2048x64xf32, #tpu.memory_space<vmem>>) attributes {dimension_semantics = [#tpu.dimension_semantics<arbitrary>], iteration_bounds = array<i64: 5>, scalar_prefetch = 0 : i64, scratch_operands = 0 : i64, tpu.core_type = #tpu.core_type<tc>, window_params = [{transform_indices = @transform_0, window_bounds = array<i64: 32, 2048>}, {transform_indices = @transform_1, window_bounds = array<i64: 2048, 128>}, {transform_indices = @transform_2, window_bounds = array<i64: 2, 2048, 64>}, {transform_indices = @transform_3, window_bounds = array<i64: 2048, 64>}, {transform_indices = @transform_4, window_bounds = array<i64: 2048, 64>}, {transform_indices = @transform_5, window_bounds = array<i64: 2, 2048, 64>}]} {
    %get3A = arith.constant 0 : index
    %get3A_0 = arith.constant 0 : index
    %get3A_1 = vector.load %arg1[%get3A, %get3A_0] : memref<32x2048xf32, #tpu.memory_space<vmem>>, vector<32x2048xf32>
    %reduce_sum3A = arith.constant dense<0.000000e+00> : vector<2048xf32>
    %reduce_sum3A_2 = vector.multi_reduction <add>, %get3A_1, %reduce_sum3A [0] : vector<32x2048xf32> to vector<2048xf32>
    %gt3A = arith.constant 0.000000e+00 : f32
    %gt3A_3 = vector.broadcast %gt3A : f32 to vector<2048xf32>
    %gt3A_4 = arith.cmpf ogt, %reduce_sum3A_2, %gt3A_3 : vector<2048xf32>
    %jit3A = arith.constant 1.000000e+00 : f32
    %broadcast_in_dim3A = vector.broadcast %jit3A : f32 to vector<2048xf32>
    %select_n3A = arith.select %gt3A_4, %reduce_sum3A_2, %broadcast_in_dim3A : vector<2048xi1>, vector<2048xf32>
    %rsqrt3A = math.rsqrt %select_n3A : vector<2048xf32>
    %jit3A_5 = arith.constant 0.000000e+00 : f32
    %broadcast_in_dim3A_6 = vector.broadcast %jit3A_5 : f32 to vector<2048xf32>
    %select_n3A_7 = arith.select %gt3A_4, %rsqrt3A, %broadcast_in_dim3A_6 : vector<2048xi1>, vector<2048xf32>
    %get3A_8 = arith.constant 0 : index
    %get3A_9 = arith.constant 0 : index
    %get3A_10 = vector.load %arg2[%get3A_8, %get3A_9] : memref<2048x128xf32, #tpu.memory_space<vmem>>, vector<2048x128xf32>
    %slice3A = vector.extract_strided_slice %get3A_10 {offsets = [0, 0], sizes = [2048, 64], strides = [1, 1]} : vector<2048x128xf32> to vector<2048x64xf32>
    %slice3A_11 = vector.extract_strided_slice %get3A_10 {offsets = [0, 64], sizes = [2048, 64], strides = [1, 1]} : vector<2048x128xf32> to vector<2048x64xf32>
    %broadcast_in_dim3A_12 = vector.shape_cast %select_n3A_7 : vector<2048xf32> to vector<2048x1xf32>
    %mul3A = vector.broadcast %broadcast_in_dim3A_12 : vector<2048x1xf32> to vector<2048x64xf32>
    %mul3A_13 = arith.mulf %mul3A, %slice3A : vector<2048x64xf32>
    %swap3A = arith.constant 0 : index
    %swap3A_14 = arith.constant 0 : index
    %swap3A_15 = arith.constant 0 : index
    %swap3A_16 = vector.load %arg3[%swap3A, %swap3A_14, %swap3A_15] : memref<2x2048x64xf32, #tpu.memory_space<vmem>>, vector<1x2048x64xf32>
    %swap3A_17 = vector.shape_cast %swap3A_16 : vector<1x2048x64xf32> to vector<2048x64xf32>
    %swap3A_18 = vector.shape_cast %mul3A_13 : vector<2048x64xf32> to vector<1x2048x64xf32>
    tpu.vector_store %arg3[%swap3A, %swap3A_14, %swap3A_15], %swap3A_18 {strides = array<i32>} : memref<2x2048x64xf32, #tpu.memory_space<vmem>>, vector<1x2048x64xf32>,
    %broadcast_in_dim3A_19 = vector.shape_cast %select_n3A_7 : vector<2048xf32> to vector<2048x1xf32>
    %mul3A_20 = vector.broadcast %broadcast_in_dim3A_19 : vector<2048x1xf32> to vector<2048x64xf32>
    %mul3A_21 = arith.mulf %mul3A_20, %slice3A_11 : vector<2048x64xf32>
    %swap3A_22 = arith.constant 1 : index
    %swap3A_23 = arith.constant 0 : index
    %swap3A_24 = arith.constant 0 : index
    %swap3A_25 = vector.load %arg3[%swap3A_22, %swap3A_23, %swap3A_24] : memref<2x2048x64xf32, #tpu.memory_space<vmem>>, vector<1x2048x64xf32>
    %swap3A_26 = vector.shape_cast %swap3A_25 : vector<1x2048x64xf32> to vector<2048x64xf32>
    %swap3A_27 = vector.shape_cast %mul3A_21 : vector<2048x64xf32> to vector<1x2048x64xf32>
    tpu.vector_store %arg3[%swap3A_22, %swap3A_23, %swap3A_24], %swap3A_27 {strides = array<i32>} : memref<2x2048x64xf32, #tpu.memory_space<vmem>>, vector<1x2048x64xf32>,
    %mul3A_28 = arith.mulf %select_n3A_7, %select_n3A_7 : vector<2048xf32>
    %broadcast_in_dim3A_29 = vector.shape_cast %mul3A_28 : vector<2048xf32> to vector<2048x1xf32>
    %broadcast_in_dim3A_30 = vector.shape_cast %broadcast_in_dim3A_29 : vector<2048x1xf32> to vector<2048x1xf32>
    %broadcast_in_dim3A_31 = vector.broadcast %broadcast_in_dim3A_30 : vector<2048x1xf32> to vector<2048x64xf32>
    %swap3A_32 = arith.constant 0 : index
    %swap3A_33 = arith.constant 0 : index
    %swap3A_34 = vector.load %arg4[%swap3A_32, %swap3A_33] : memref<2048x64xf32, #tpu.memory_space<vmem>>, vector<2048x64xf32>
    tpu.vector_store %arg4[%swap3A_32, %swap3A_33], %broadcast_in_dim3A_31 {strides = array<i32>} : memref<2048x64xf32, #tpu.memory_space<vmem>>, vector<2048x64xf32>,
    %mul3A_35 = arith.constant 2.500000e-01 : f32
    %mul3A_36 = vector.broadcast %mul3A_35 : f32 to vector<2048xf32>
    %mul3A_37 = arith.mulf %select_n3A_7, %mul3A_36 : vector<2048xf32>
    %broadcast_in_dim3A_38 = vector.shape_cast %mul3A_37 : vector<2048xf32> to vector<2048x1xf32>
    %broadcast_in_dim3A_39 = vector.shape_cast %broadcast_in_dim3A_38 : vector<2048x1xf32> to vector<2048x1xf32>
    %broadcast_in_dim3A_40 = vector.broadcast %broadcast_in_dim3A_39 : vector<2048x1xf32> to vector<2048x64xf32>
    %swap3A_41 = arith.constant 0 : index
    %swap3A_42 = arith.constant 0 : index
    %swap3A_43 = vector.load %arg5[%swap3A_41, %swap3A_42] : memref<2048x64xf32, #tpu.memory_space<vmem>>, vector<2048x64xf32>
    tpu.vector_store %arg5[%swap3A_41, %swap3A_42], %broadcast_in_dim3A_40 {strides = array<i32>} : memref<2048x64xf32, #tpu.memory_space<vmem>>, vector<2048x64xf32>,
    %mul3A_44 = arith.constant 2.500000e-01 : f32
    %mul3A_45 = vector.broadcast %mul3A_44 : f32 to vector<2048x64xf32>
    %mul3A_46 = arith.mulf %slice3A, %mul3A_45 : vector<2048x64xf32>
    %swap3A_47 = arith.constant 0 : index
    %swap3A_48 = arith.constant 0 : index
    %swap3A_49 = arith.constant 0 : index
    %swap3A_50 = vector.load %arg6[%swap3A_47, %swap3A_48, %swap3A_49] : memref<2x2048x64xf32, #tpu.memory_space<vmem>>, vector<1x2048x64xf32>
    %swap3A_51 = vector.shape_cast %swap3A_50 : vector<1x2048x64xf32> to vector<2048x64xf32>
    %swap3A_52 = vector.shape_cast %mul3A_46 : vector<2048x64xf32> to vector<1x2048x64xf32>
    tpu.vector_store %arg6[%swap3A_47, %swap3A_48, %swap3A_49], %swap3A_52 {strides = array<i32>} : memref<2x2048x64xf32, #tpu.memory_space<vmem>>, vector<1x2048x64xf32>,
    %mul3A_53 = arith.constant 2.500000e-01 : f32
    %mul3A_54 = vector.broadcast %mul3A_53 : f32 to vector<2048x64xf32>
    %mul3A_55 = arith.mulf %slice3A_11, %mul3A_54 : vector<2048x64xf32>
    %swap3A_56 = arith.constant 1 : index
    %swap3A_57 = arith.constant 0 : index
    %swap3A_58 = arith.constant 0 : index
    %swap3A_59 = vector.load %arg6[%swap3A_56, %swap3A_57, %swap3A_58] : memref<2x2048x64xf32, #tpu.memory_space<vmem>>, vector<1x2048x64xf32>
    %swap3A_60 = vector.shape_cast %swap3A_59 : vector<1x2048x64xf32> to vector<2048x64xf32>
    %swap3A_61 = vector.shape_cast %mul3A_55 : vector<2048x64xf32> to vector<1x2048x64xf32>
    tpu.vector_store %arg6[%swap3A_56, %swap3A_57, %swap3A_58], %swap3A_61 {strides = array<i32>} : memref<2x2048x64xf32, #tpu.memory_space<vmem>>, vector<1x2048x64xf32>,
    return
  }
  func.func @transform_0(%arg0: i32) -> (i32, i32) {
    %c0_i32 = arith.constant 0 : i32
    %c0_i32_0 = arith.constant 0 : i32
    return %c0_i32, %arg0 : i32, i32
  }
  func.func @transform_1(%arg0: i32) -> (i32, i32) {
    %c0_i32 = arith.constant 0 : i32
    %c0_i32_0 = arith.constant 0 : i32
    return %arg0, %c0_i32 : i32, i32
  }
  func.func @transform_2(%arg0: i32) -> (i32, i32, i32) {
    %c0_i32 = arith.constant 0 : i32
    %c0_i32_0 = arith.constant 0 : i32
    %c0_i32_1 = arith.constant 0 : i32
    return %c0_i32, %arg0, %c0_i32_0 : i32, i32, i32
  }
  func.func @transform_3(%arg0: i32) -> (i32, i32) {
    %c0_i32 = arith.constant 0 : i32
    %c0_i32_0 = arith.constant 0 : i32
    return %arg0, %c0_i32 : i32, i32
  }
  func.func @transform_4(%arg0: i32) -> (i32, i32) {
    %c0_i32 = arith.constant 0 : i32
    %c0_i32_0 = arith.constant 0 : i32
    return %arg0, %c0_i32 : i32, i32
  }
  func.func @transform_5(%arg0: i32) -> (i32, i32, i32) {
    %c0_i32 = arith.constant 0 : i32
    %c0_i32_0 = arith.constant 0 : i32
    %c0_i32_1 = arith.constant 0 : i32
    return %c0_i32, %arg0, %c0_i32_0 : i32, i32, i32
  }
}

</mosaic_0001>

<sc_bundles>
// kernel: kernel.5.cloned.1.call-start
scs
__scs_entry_jumppad:
0x0: {  	(pc) =	sbr.rel $0x88, $3  }
0x1: {  	(tag) =	ssettag $0x0;
	lr =	simm.s32 $0x1  }
0x2: {  	[smem:$0x3F9E] =	sst lr;
	_ =	strace $0xD0000000  }
0x3: {  	_ = 	snop  }
0x4: {  	_ = 	snop  }
0x5: {  	_ = 	snop  }
0x6: {  	_ = 	snop  }
0x7: {  	_ = 	snop  }
__scs_overlays_trampoline_lowered:
0x8: {  	[smem:$0x3FAD] =	sst s0  }
0x9: {  	[smem:$0x3FAE] =	sst s1  }
0xa: {  	[smem:$0x3FAF] =	sst s2  }
0xb: {  	[smem:$0x3FB0] =	sst s3  }
0xc: {  	[smem:$0x3FB1] =	sst s4  }
0xd: {  	[smem:$0x3FB2] =	sst s5  }
0xe: {  	[smem:$0x3FB3] =	sst s6  }
0xf: {  	[smem:$0x3FB4] =	sst s7  }
0x10: {  	[smem:$0x3FB5] =	sst s8  }
0x11: {  	[smem:$0x3FB6] =	sst s9;
	s0 =	simm.s32 @!p0 $0x0  }
0x12: {  	s1 =	sld [smem:$0x3F9C];
	s0 =	simm.s32 @p0 $0x1  }
0x13: {  	[smem:$0x3FB7] =	sst s0;
	s0 =	simm.s32 @!p1 $0x0  }
0x14: {  	s2 =	sld [smem:$0x3F9B];
	s0 =	simm.s32 @p1 $0x1  }
0x15: {  	[smem:$0x3FB8] =	sst s0;
	s0 =	simm.s32 @!p2 $0x0  }
0x16: {  	s3 =	sld [smem:$0x3FDB];
	s0 =	simm.s32 @p2 $0x1  }
0x17: {  	s4 =	simm.s32 $0x1BF5;
	[smem:$0x3FBA] =	sst s0  }
0x18: {  	s0 =	sld [smem:$0x3F9D];
	_ =	swait.ge [sflag:s4], $0x0  }
0x19: {  	s7 =	sld [smem:$0x3F9E]  }
0x1a: {  	s8 =	sadd.s32 $0xFFFFE003, lr  }
0x1b: {  	s9 =	sadd.s32 $0xFFFFFEF7, lr;
	s5 =	simm.s32 $0xFFFFFFFF;
	p2 =	slt.u32 s8, $0xFFFFF086  }
0x1c: {  	p1 =	slt.u32 s9, $0xF7A;
	s5 =	simm.s32 @!p2 $0x0  }
0x1d: {  	s5 =	simm.s32 @p1 $0x1;
	p0 =	seq.s32 s7, s2  }
0x1e: {  	s7 =	smul.u32 @!p0 $0xF7A, s2;
	p2 =	seq.s32 @!p0 s5, $0x0  }
0x1f: {  	s9 =	smul.u32 $0xF7A, s1;
	s8 =	simm.s32 @!p0 $0x1BF5;
	p2 =	por !p2, p0  }
0x20: {  	[sflag:s8] =	ssyncset.s32 @!p0 $0xFFFFF086;
	s6 =	sadd.s32 @!p0 s3, s7;
	s7 =	simm.s32 @!p0 $0x108  }
0x21: {  	s3 =	sadd.s32 s3, s9;
	s6 =	sadd.s32 @!p0 $0x88, s6;
	s7 =	simm.s32 @p2 $0x1082  }
0x22: {  	[simem:s7], [sflag:s8] =	dma.local @!p0 [hbm:s6], $0xF7A  }
0x23: {  	s9 =	sor.u32 $0xD0000000, s2;
	s6 =	simm.s32 $0x108;
	_ =	swait.ge @!p0 [sflag:s8], $0x0  }
0x24: {  	s3 =	sadd.s32 $0x88, s3;
	s6 =	simm.s32 @!p1 $0x1082;
	[sflag:s4] =	ssyncset.s32 $0xFFFFF086  }
0x25: {  	[simem:s6], [sflag:s4] =	dma.local [hbm:s3], $0xF7A  }
0x26: {  	[smem:$0x3F9E] =	sst s1;
	(tag) =	ssettag s2;
	_ =	strace s9  }
0x27: {  	s1 =	sld [smem:$0x3FAE]  }
0x28: {  	s2 =	sld [smem:$0x3FAF]  }
0x29: {  	s4 =	sld [smem:$0x3FB1]  }
0x2a: {  	p0 =	seq.s32 s5, $0x0;
	s5 =	sld [smem:$0x3FB2]  }
0x2b: {  	s6 =	sld [smem:$0x3FB3]  }
0x2c: {  	s7 =	sld [smem:$0x3FB4]  }
0x2d: {  	s3 =	simm.s32 $0x108;
	s8 =	sld [smem:$0x3FB5]  }
0x2e: {  	s3 =	simm.s32 @!p0 $0x1082;
	s9 =	sld [smem:$0x3FB6]  }
0x2f: {  	lr =	sadd.s32 s0, s3;
	s0 =	sld [smem:$0x3FAD]  }
0x30: {  	s3 =	sld [smem:$0x3FB0]  }
0x31: {  	[smem:$0x3FB9] =	sst s10  }
0x32: {  	s10 =	sld [smem:$0x3FB7];
	_ =	sdelay $0x3  }
0x33: {  	p0 =	seq.s32 s10, $0x1;
	s10 =	sld [smem:$0x3FB9];
	_ =	sdelay $0x3  }
0x34: {  	[smem:$0x3FB9] =	sst s10  }
0x35: {  	s10 =	sld [smem:$0x3FB8];
	_ =	sdelay $0x3  }
0x36: {  	p1 =	seq.s32 s10, $0x1;
	s10 =	sld [smem:$0x3FB9];
	_ =	sdelay $0x3  }
0x37: {  	[smem:$0x3FB9] =	sst s10  }
0x38: {  	s10 =	sld [smem:$0x3FBA]  }
0x39: {  	_ = 	snop;
	(pc) =	sbr.ind lr, $3  }
0x3a: {  	_ = 	snop  }
0x3b: {  	_ = 	snop  }
0x3c: {  	p2 =	seq.s32 s10, $0x1;
	s10 =	sld [smem:$0x3FB9]  }
0x3d: {  	_ =	shalt  }
0x3e: {  	_ =	shalt  }
0x3f: {  	_ =	shalt  }
0x40: {  	_ =	shalt  }
0x41: {  	_ =	shalt  }
0x42: {  	_ =	shalt  }
0x43: {  	_ =	shalt  }
0x44: {  	_ =	shalt  }
0x45: {  	_ =	shalt  }
0x46: {  	_ =	shalt  }
0x47: {  	_ =	shalt  }
0x48: {  	_ =	shalt  }
0x49: {  	_ =	shalt  }
0x4a: {  	_ =	shalt  }
0x4b: {  	_ =	shalt  }
0x4c: {  	_ =	shalt  }
0x4d: {  	_ =	shalt  }
0x4e: {  	_ =	shalt  }
0x4f: {  	_ =	shalt  }
0x50: {  	_ =	shalt  }
0x51: {  	_ =	shalt  }
0x52: {  	_ =	shalt  }
0x53: {  	_ =	shalt  }
0x54: {  	_ =	shalt  }
0x55: {  	_ =	shalt  }
0x56: {  	_ =	shalt  }
0x57: {  	_ =	shalt  }
0x58: {  	_ =	shalt  }
0x59: {  	_ =	shalt  }
0x5a: {  	_ =	shalt  }
0x5b: {  	_ =	shalt  }
0x5c: {  	_ =	shalt  }
0x5d: {  	_ =	shalt  }
0x5e: {  	_ =	shalt  }
0x5f: {  	_ =	shalt  }
0x60: {  	_ =	shalt  }
0x61: {  	_ =	shalt  }
0x62: {  	_ =	shalt  }
0x63: {  	_ =	shalt  }
0x64: {  	_ =	shalt  }
0x65: {  	_ =	shalt  }
0x66: {  	_ =	shalt  }
0x67: {  	_ =	shalt  }
0x68: {  	_ =	shalt  }
0x69: {  	_ =	shalt  }
0x6a: {  	_ =	shalt  }
0x6b: {  	_ =	shalt  }
0x6c: {  	_ =	shalt  }
0x6d: {  	_ =	shalt  }
0x6e: {  	_ =	shalt  }
0x6f: {  	_ =	shalt  }
0x70: {  	_ =	shalt  }
0x71: {  	_ =	shalt  }
0x72: {  	_ =	shalt  }
0x73: {  	_ =	shalt  }
0x74: {  	_ =	shalt  }
0x75: {  	_ =	shalt  }
0x76: {  	_ =	shalt  }
0x77: {  	_ =	shalt  }
0x78: {  	_ =	shalt  }
0x79: {  	_ =	shalt  }
0x7a: {  	_ =	shalt  }
0x7b: {  	_ =	shalt  }
0x7c: {  	_ =	shalt  }
0x7d: {  	_ =	shalt  }
0x7e: {  	_ =	shalt  }
0x7f: {  	_ =	shalt  }
0x80: {  	_ =	shalt  }
0x81: {  	_ =	shalt  }
0x82: {  	_ =	shalt  }
0x83: {  	_ =	shalt  }
0x84: {  	_ =	shalt  }
0x85: {  	_ =	shalt  }
0x86: {  	_ =	shalt  }
0x87: {  	_ =	shalt  }
.Lfunc_end0:
.L_simem_size_0:
called_computation_lowered:
.L_overlay_start_0:
0x88: {  	s2 =	sld [smem:$0x3FD9]  }
0x89: {  	s3 =	sld [smem:$0x3FFE];
	_ =	sdelay $0x1  }
0x8a: {  	s1 =	srdreg.scid  }
0x8b: {  	s0 =	sand.u32 $0x1, s1  }
0x8c: {  	s14 =	sshll.u32 s0, $0xA;
	s2 =	sadd.s32 s3, s2  }
0x8d: {  	s2 =	sadd.s32 s2, s14  }
0x8e: {  	[smem:$0x3FC5] =	sst s2  }
0x8f: {  	_ = 	snop  }
0x90: {  	s2 =	sld [smem:$0x3FD0];
	_ =	sdelay $0x2  }
0x91: {  	s15 =	simm.s32 $0xA;
	s4 =	simm.s32 $0x10  }
0x92: {  	[smem:s4], [sflag:s15] =	dma.local [hbm:s2], $0x1  }
0x93: {  	_ =	swait.eq [sflag:s15], $0x1  }
0x94: {  	[sflag:s15] =	ssyncset.done $0x0  }
0x95: {  	[sflag:s15] =	ssyncadd.s32 $0xFFFFFFFF  }
0x96: {  	s16 =	sld [smem:$0x11];
	(tm) =	ssettm $0x1  }
0x97: {  	s17 =	sld [smem:$0x3FFB];
	_ =	sdelay $0x3  }
0x98: {  	_ =	strace s17  }
0x99: {  	s3 =	sld [smem:$0x3FFC];
	_ =	sdelay $0x3  }
0x9a: {  	_ =	strace s3  }
0x9b: {  	s3 =	sld [smem:$0x3FFD];
	_ =	sdelay $0x3  }
0x9c: {  	_ =	strace s3  }
0x9d: {  	_ =	strace $0x8FFFFFFF  }
0x9e: {  	s18 =	sld [smem:$0x3FDB];
	_ =	sdelay $0x1  }
0x9f: {  	s19 =	simm.s32 $_scs_section_size  }
0xa0: {  	s5 =	simm.s32 $_size__tile_overlayer_lowered;
	s6 =	simm.s32 $_tile_overlayer_lowered  }
0xa1: {  	s22 =	simm.s32 $0x1BFF;
	s21 =	sshll.u32 s6, $0x1;
	s3 =	sadd.s32 s19, s18  }
0xa2: {  	s7 =	simm.s32 $0x0;
	s20 =	sshll.u32 s5, $0x1;
	s5 =	sadd.s32 s21, s3  }
0xa3: {  	[timem:s7], [sflag:s22] =	dma.local [hbm:s5], s20  }
0xa4: {  	_ =	swait.ge [sflag:s22], s20  }
0xa5: {  	s4 =	ssub.s32 $0x0, s20;
	[sflag:s22] =	ssyncset.done $0x0  }
0xa6: {  	[sflag:s22] =	ssyncadd.s32 s4;
	_ =	sdelay $0x1  }
0xa7: {  	s23 =	simm.s32 $0x1B8B  }
0xa8: {  	_ =	swait.ge [sflag:s23], $0x1  }
0xa9: {  	[sflag:s23] =	ssyncset.done $0x0  }
0xaa: {  	s25 =	simm.s32 $0x1B8E;
	s24 =	sld [smem:$0x3FFE];
	[sflag:s23] =	ssyncadd.s32 $0xFFFFFFFF  }
0xab: {  	s26 =	simm.s32 $execute0_lowered;
	[smem:$0x3FD2] =	sst s25  }
0xac: {  	s5 =	sshll.u32 s26, $0x1;
	_ =	strace $0x80000046;
	[dreg:$0x1] =	wrdreg $0xFFFFFFFF  }
0xad: {  	s28 =	simm.s32 $_size_execute0_lowered;
	s3 =	sadd.s32 s3, s5;
	[dreg:$0x0] =	wrdreg $0x0  }
0xae: {  	s5 =	sshll.u32 s28, $0x1;
	[dreg:$0x2] =	wrdreg s3  }
0xaf: {  	[dreg:$0x3] =	wrdreg s5  }
0xb0: {  	[dreg:$0x4] =	wrdreg $0xC0  }
0xb1: {  	_ =	task [dreg:s7], $0x5FFFF  }
0xb2: {  	[dreg:$0x1] =	wrdreg $0xFFFFFFFF  }
0xb3: {  	[dreg:$0x0] =	wrdreg $0x60  }
0xb4: {  	[dreg:$0x2] =	wrdreg s16  }
0xb5: {  	[dreg:$0x3] =	wrdreg s24  }
0xb6: {  	[dreg:$0x4] =	wrdreg $0x9  }
0xb7: {  	_ =	task.clear_ibuf [dreg:s7], $0x5FFFF;
	_ =	strace $0x90000046  }
0xb8: {  	s29 =	simm.s32 $0x9;
	_ =	strace $0x80000048  }
0xb9: {  	_ =	swait.ge [sflag:s29], $0x1  }
0xba: {  	[sflag:s29] =	ssyncadd.s32 $0xFFFFFFFF  }
0xbb: {  	_ =	strace $0x90000048  }
0xbc: {  	_ =	sfence  }
0xbd: {  	s30 =	sld [smem:$0x0];
	_ =	sdelay $0x2  }
0xbe: {  	s31 =	sshll.u32 s1, $0xD;
	s1 =	sshrl.u32 s1, $0x2  }
0xbf: {  	s3 =	sand.u32 $0x4000, s31;
	s1 =	sadd.s32 s1, s30  }
0xc0: {  	s0 =	sor.u32 s3, s0;
	s1 =	sshll.u32 s1, $0x11  }
0xc1: {  	s0 =	sor.u32 s1, s0  }
0xc2: {  	s0 =	sadd.s32 $0x8F2B, s0  }
0xc3: {  	[sflag:s0] =	ssyncadd.remote.s32 $0x1  }
0xc4: {  	_ =	sfence.sel $0xFFFF  }
0xc5: {  	[dreg:$0x0] =	wrdreg $0xFFFFFFFF;
	(pc) =	sbr.abs _section_cstart, $3  }
0xc6: {  	[dreg:$0x1] =	wrdreg $0xFFFFFFFF  }
0xc7: {  	_ =	task.clear_ibuf [dreg:s7], $0x2FFFF;
	_ =	strace $0x9FFFFFFF  }
0xc8: {  	(tm) =	ssettm $0x7FFFFFFF  }
0xc9: {  	_ =	shalt  }
tec
execute0_lowered:
.L_overlay_start_1:
0x0: {  	(tag) =	ssettag $0x1  }
0x1: {  	s3 =	rddreg [dreg:$0x0]  }
0x2: {  	s1 =	srdreg.scid;
	s0 =	stileid.u32  }
0x3: {  	s4 =	rddreg [dreg:$0x1];
	s5 =	sand.u32 $0x1, s1;
	s2 =	sshll.u32 s0, $0x1  }
0x4: {  	s1 =	rddreg [dreg:$0x2];
	s6 =	sor.u32 s5, s2  }
0x5: {  	s2 =	simm.s32 $0x0;
	s5 =	ssub.s32 $0x2, s5;
	s7 =	smul.u32 $0x2800, s6  }
0x6: {  	[smem:$0x7FF] =	sst s2;
	s8 =	sshrl.u32 s5, $0x1;
	s6 =	smul.u32 $0x500, s6  }
0x7: {  	_ =	strace $0x80000047;
	s5 =	ssub.s32 s5, s8;
	s8 =	simm.s32 $0x0  }
0x8: {  	s4 =	sadd.s32 s7, s4;
	s3 =	sadd.s32 s3, s6;
	s5 =	smax.u32 s5, $0x1  }
0x9: {  	v0 =	vimm.f32 $0.0e+00;
	v1 =	vimm.f32 $1.000000000e+00;
	s6 =	simm.s32 $0x1;
	s7 =	simm.s32 $0x2800;
	s4 =	sadd.s32 $0xB200, s4  }
.LBB2_1:
0xa: {  	[tilespmem:s2], [sflag:$0x1] =	stream.linear.gather [hbm4b:s3+s2], $0x2800, $0x38;
	[tilespmem:$0x16800] =	vst v63  }
0xb: {  	_ =	swait.ge [sflag:s6], $0x2800  }
0xc: {  	[sflag:s6] =	ssyncset.done $0x0  }
0xd: {  	s9 =	simm.s32 $0x0;
	[sflag:s6] =	ssyncadd.s32 $0xFFFFD800  }
.LBB2_2:
0xe: {  	p0 =	sne.s32 s9, $0x4FE00  }
.Ltmp0:
0xf: {  	_ = 	snop;
	(pc) =	sbr.rel @p0 .LBB2_2-.Ltmp0, $3  }
0x10: {  	_ =	sdelay $0x1  }
0x11: {  	s10 =	sshra.s32 s9, $0x2  }
0x12: {  	s9 =	sadd.s32 $0x200, s9;
	[tilespmem:s10+$0x2800] =	vst v0  }
0x13: {  	s9 =	simm.s32 $0x0  }
0x14: {  	s10 =	sand.u32 $0xFE00, s9  }
0x15: {  	s9 =	sand.u32 $0x70, s9;
	s10 =	sshrl.u32 s10, $0x2  }
0x16: {  	s9 =	sor.u32 s9, s10  }
0x17: {  	v2 =	vld [tilespmem:s9+$0x0];
	_ =	sdelay $0x4  }
0x18: {  	v3 =	vshll.u32 v2, $0x3  }
0x19: {  	v2 =	vand.u32 $0xF, v2;
	v3 =	vand.u32 $0xFFFFFF80, v3  }
0x1a: {  	v2 =	vor.u32 v2, v3;
	_ =	sdelay $0x1  }
0x1b: {  	s31 =	simm.s32 $0x40  }
0x1c: {  	s11 =	sand.u32 $0xFE00, s31;
	s10 =	simm.s32 $0x80;
	s9 =	simm.s32 $0x10  }
.LBB2_4:
0x1d: {  	p0 =	sne.s32 s10, $0x9FC0;
	s12 =	sand.u32 $0x70, s9;
	s11 =	sshrl.u32 s11, $0x2  }
0x1e: {  	s11 =	sor.u32 s12, s11;
	[tilespmem:v2+s7+$0x0] =	vst.idx.add.f32.msk $0xffff, v1  }
0x1f: {  	v2 =	vld [tilespmem:s11+$0x0];
	_ =	sdelay $0x4  }
0x20: {  	v3 =	vshll.u32 v2, $0x3  }
.Ltmp1:
0x21: {  	v2 =	vand.u32 $0xF, v2;
	v3 =	vand.u32 $0xFFFFFF80, v3;
	(pc) =	sbr.rel @p0 .LBB2_4-.Ltmp1, $2  }
0x22: {  	v2 =	vor.u32 v2, v3;
	_ =	sdelay $0x2  }
0x23: {  	s9 =	sadd.s32 $0x10, s9;
	s11 =	sand.u32 $0xFE00, s10;
	s10 =	sadd.s32 $0x40, s10  }
0x24: {  	_ =	sdelay $0x2  }
0x25: {  	s9 =	sand.u32 $0x70, s9;
	s10 =	sshrl.u32 s11, $0x2  }
0x26: {  	[tilespmem:v2+s7+$0x0] =	vst.idx.add.f32.msk $0xffff, v1;
	s9 =	sor.u32 s9, s10  }
0x27: {  	v2 =	vld [tilespmem:s9+$0x0];
	_ =	sdelay $0x4  }
0x28: {  	v3 =	vshll.u32 v2, $0x3  }
0x29: {  	v2 =	vand.u32 $0xF, v2;
	v3 =	vand.u32 $0xFFFFFF80, v3  }
0x2a: {  	v2 =	vor.u32 v2, v3;
	_ =	sdelay $0x2  }
0x2b: {  	s8 =	sadd.s32 $0x1, s8  }
0x2c: {  	p0 =	sne.s32 s8, s5  }
.Ltmp2:
0x2d: {  	[tilespmem:v2+s7+$0x0] =	vst.idx.add.f32.msk $0xffff, v1;
	(pc) =	sbr.rel @p0 .LBB2_1-.Ltmp2, $4  }
0x2e: {  	[hbm4b:s4+s2] =	stream.linear.scatter [tilespmem:s7], [sflag:$0x1], $0x14000, $0x38;
	[tilespmem:$0x16800] =	vst v63  }
0x2f: {  	_ =	swait.ge [sflag:s6], $0x14000  }
0x30: {  	[sflag:s6] =	ssyncset.done $0x0  }
0x31: {  	[sflag:s6] =	ssyncadd.s32 $0xFFFEC000  }
0x32: {  	_ =	sfence.sel $0x180000  }
0x33: {  	[bflag:$0x0] =	sbarrier.arrive $0xFFFF  }
0x34: {  	p0 =	sne.s32 s0, $0x0;
	_ =	strace $0x90000047  }
0x35: {  	s0 =	sadd.s32 @!p0 $0x100000, s1;
	[bflag:$0x2] =	sbarrier.arrive $0xFFFF  }
0x36: {  	[sflag:s0] =	ssyncadd.tile.s32 @!p0 $0x1;
	_ =	shalt  }
.Lfunc_end2:
_tile_overlayer_lowered:
.L_overlay_start_2:
0x37: {  	(tag) =	ssettag $0x2  }
0x38: {  	s0 =	rddreg [dreg:$0x0];
	s2 =	stileid.u32  }
0x39: {  	s1 =	rddreg [dreg:$0x1];
	p0 =	sne.s32 s2, $0x0  }
0x3a: {  	s3 =	rddreg [dreg:$0x2];
	[bflag:$0x3] =	sbarrier.arrive $0xFFFF;
	s2 =	simm.s32 @!p0 $0x1C01  }
0x3b: {  	[timem:s3], [sflag:s2] =	dma.local @!p0 [hbm:s0], s1  }
0x3c: {  	s0 =	simm.s32 @!p0 $0x1  }
0x3d: {  	_ =	swait.ge @!p0 [sflag:s0], s1  }
0x3e: {  	s1 =	ssub.s32 @!p0 $0x0, s1;
	[sflag:s0] =	ssyncset.done @!p0 $0x0  }
0x3f: {  	[sflag:s0] =	ssyncadd.s32 @!p0 s1  }
0x40: {  	[bflag:$0x3] =	sbarrier.arrive $0xFFFF  }
0x41: {  	_ =	shalt  }

// kernel: kernel.8.cloned.1.call-start
scs
__scs_entry_jumppad:
0x0: {  	(pc) =	sbr.rel $0x88, $3  }
0x1: {  	(tag) =	ssettag $0x0;
	lr =	simm.s32 $0x1  }
0x2: {  	[smem:$0x3F9E] =	sst lr;
	_ =	strace $0xD0000000  }
0x3: {  	_ = 	snop  }
0x4: {  	_ = 	snop  }
0x5: {  	_ = 	snop  }
0x6: {  	_ = 	snop  }
0x7: {  	_ = 	snop  }
__scs_overlays_trampoline_lowered:
0x8: {  	[smem:$0x3FAD] =	sst s0  }
0x9: {  	[smem:$0x3FAE] =	sst s1  }
0xa: {  	[smem:$0x3FAF] =	sst s2  }
0xb: {  	[smem:$0x3FB0] =	sst s3  }
0xc: {  	[smem:$0x3FB1] =	sst s4  }
0xd: {  	[smem:$0x3FB2] =	sst s5  }
0xe: {  	[smem:$0x3FB3] =	sst s6  }
0xf: {  	[smem:$0x3FB4] =	sst s7  }
0x10: {  	[smem:$0x3FB5] =	sst s8  }
0x11: {  	[smem:$0x3FB6] =	sst s9;
	s0 =	simm.s32 @!p0 $0x0  }
0x12: {  	s1 =	sld [smem:$0x3F9C];
	s0 =	simm.s32 @p0 $0x1  }
0x13: {  	[smem:$0x3FB7] =	sst s0;
	s0 =	simm.s32 @!p1 $0x0  }
0x14: {  	s2 =	sld [smem:$0x3F9B];
	s0 =	simm.s32 @p1 $0x1  }
0x15: {  	[smem:$0x3FB8] =	sst s0;
	s0 =	simm.s32 @!p2 $0x0  }
0x16: {  	s3 =	sld [smem:$0x3FDB];
	s0 =	simm.s32 @p2 $0x1  }
0x17: {  	s4 =	simm.s32 $0x1BF5;
	[smem:$0x3FBA] =	sst s0  }
0x18: {  	s0 =	sld [smem:$0x3F9D];
	_ =	swait.ge [sflag:s4], $0x0  }
0x19: {  	s7 =	sld [smem:$0x3F9E]  }
0x1a: {  	s8 =	sadd.s32 $0xFFFFE003, lr  }
0x1b: {  	s9 =	sadd.s32 $0xFFFFFEF7, lr;
	s5 =	simm.s32 $0xFFFFFFFF;
	p2 =	slt.u32 s8, $0xFFFFF086  }
0x1c: {  	p1 =	slt.u32 s9, $0xF7A;
	s5 =	simm.s32 @!p2 $0x0  }
0x1d: {  	s5 =	simm.s32 @p1 $0x1;
	p0 =	seq.s32 s7, s2  }
0x1e: {  	s7 =	smul.u32 @!p0 $0xF7A, s2;
	p2 =	seq.s32 @!p0 s5, $0x0  }
0x1f: {  	s9 =	smul.u32 $0xF7A, s1;
	s8 =	simm.s32 @!p0 $0x1BF5;
	p2 =	por !p2, p0  }
0x20: {  	[sflag:s8] =	ssyncset.s32 @!p0 $0xFFFFF086;
	s6 =	sadd.s32 @!p0 s3, s7;
	s7 =	simm.s32 @!p0 $0x108  }
0x21: {  	s3 =	sadd.s32 s3, s9;
	s6 =	sadd.s32 @!p0 $0x88, s6;
	s7 =	simm.s32 @p2 $0x1082  }
0x22: {  	[simem:s7], [sflag:s8] =	dma.local @!p0 [hbm:s6], $0xF7A  }
0x23: {  	s9 =	sor.u32 $0xD0000000, s2;
	s6 =	simm.s32 $0x108;
	_ =	swait.ge @!p0 [sflag:s8], $0x0  }
0x24: {  	s3 =	sadd.s32 $0x88, s3;
	s6 =	simm.s32 @!p1 $0x1082;
	[sflag:s4] =	ssyncset.s32 $0xFFFFF086  }
0x25: {  	[simem:s6], [sflag:s4] =	dma.local [hbm:s3], $0xF7A  }
0x26: {  	[smem:$0x3F9E] =	sst s1;
	(tag) =	ssettag s2;
	_ =	strace s9  }
0x27: {  	s1 =	sld [smem:$0x3FAE]  }
0x28: {  	s2 =	sld [smem:$0x3FAF]  }
0x29: {  	s4 =	sld [smem:$0x3FB1]  }
0x2a: {  	p0 =	seq.s32 s5, $0x0;
	s5 =	sld [smem:$0x3FB2]  }
0x2b: {  	s6 =	sld [smem:$0x3FB3]  }
0x2c: {  	s7 =	sld [smem:$0x3FB4]  }
0x2d: {  	s3 =	simm.s32 $0x108;
	s8 =	sld [smem:$0x3FB5]  }
0x2e: {  	s3 =	simm.s32 @!p0 $0x1082;
	s9 =	sld [smem:$0x3FB6]  }
0x2f: {  	lr =	sadd.s32 s0, s3;
	s0 =	sld [smem:$0x3FAD]  }
0x30: {  	s3 =	sld [smem:$0x3FB0]  }
0x31: {  	[smem:$0x3FB9] =	sst s10  }
0x32: {  	s10 =	sld [smem:$0x3FB7];
	_ =	sdelay $0x3  }
0x33: {  	p0 =	seq.s32 s10, $0x1;
	s10 =	sld [smem:$0x3FB9];
	_ =	sdelay $0x3  }
0x34: {  	[smem:$0x3FB9] =	sst s10  }
0x35: {  	s10 =	sld [smem:$0x3FB8];
	_ =	sdelay $0x3  }
0x36: {  	p1 =	seq.s32 s10, $0x1;
	s10 =	sld [smem:$0x3FB9];
	_ =	sdelay $0x3  }
0x37: {  	[smem:$0x3FB9] =	sst s10  }
0x38: {  	s10 =	sld [smem:$0x3FBA]  }
0x39: {  	_ = 	snop;
	(pc) =	sbr.ind lr, $3  }
0x3a: {  	_ = 	snop  }
0x3b: {  	_ = 	snop  }
0x3c: {  	p2 =	seq.s32 s10, $0x1;
	s10 =	sld [smem:$0x3FB9]  }
0x3d: {  	_ =	shalt  }
0x3e: {  	_ =	shalt  }
0x3f: {  	_ =	shalt  }
0x40: {  	_ =	shalt  }
0x41: {  	_ =	shalt  }
0x42: {  	_ =	shalt  }
0x43: {  	_ =	shalt  }
0x44: {  	_ =	shalt  }
0x45: {  	_ =	shalt  }
0x46: {  	_ =	shalt  }
0x47: {  	_ =	shalt  }
0x48: {  	_ =	shalt  }
0x49: {  	_ =	shalt  }
0x4a: {  	_ =	shalt  }
0x4b: {  	_ =	shalt  }
0x4c: {  	_ =	shalt  }
0x4d: {  	_ =	shalt  }
0x4e: {  	_ =	shalt  }
0x4f: {  	_ =	shalt  }
0x50: {  	_ =	shalt  }
0x51: {  	_ =	shalt  }
0x52: {  	_ =	shalt  }
0x53: {  	_ =	shalt  }
0x54: {  	_ =	shalt  }
0x55: {  	_ =	shalt  }
0x56: {  	_ =	shalt  }
0x57: {  	_ =	shalt  }
0x58: {  	_ =	shalt  }
0x59: {  	_ =	shalt  }
0x5a: {  	_ =	shalt  }
0x5b: {  	_ =	shalt  }
0x5c: {  	_ =	shalt  }
0x5d: {  	_ =	shalt  }
0x5e: {  	_ =	shalt  }
0x5f: {  	_ =	shalt  }
0x60: {  	_ =	shalt  }
0x61: {  	_ =	shalt  }
0x62: {  	_ =	shalt  }
0x63: {  	_ =	shalt  }
0x64: {  	_ =	shalt  }
0x65: {  	_ =	shalt  }
0x66: {  	_ =	shalt  }
0x67: {  	_ =	shalt  }
0x68: {  	_ =	shalt  }
0x69: {  	_ =	shalt  }
0x6a: {  	_ =	shalt  }
0x6b: {  	_ =	shalt  }
0x6c: {  	_ =	shalt  }
0x6d: {  	_ =	shalt  }
0x6e: {  	_ =	shalt  }
0x6f: {  	_ =	shalt  }
0x70: {  	_ =	shalt  }
0x71: {  	_ =	shalt  }
0x72: {  	_ =	shalt  }
0x73: {  	_ =	shalt  }
0x74: {  	_ =	shalt  }
0x75: {  	_ =	shalt  }
0x76: {  	_ =	shalt  }
0x77: {  	_ =	shalt  }
0x78: {  	_ =	shalt  }
0x79: {  	_ =	shalt  }
0x7a: {  	_ =	shalt  }
0x7b: {  	_ =	shalt  }
0x7c: {  	_ =	shalt  }
0x7d: {  	_ =	shalt  }
0x7e: {  	_ =	shalt  }
0x7f: {  	_ =	shalt  }
0x80: {  	_ =	shalt  }
0x81: {  	_ =	shalt  }
0x82: {  	_ =	shalt  }
0x83: {  	_ =	shalt  }
0x84: {  	_ =	shalt  }
0x85: {  	_ =	shalt  }
0x86: {  	_ =	shalt  }
0x87: {  	_ =	shalt  }
.Lfunc_end0:
.L_simem_size_0:
called_computation.1_lowered:
.L_overlay_start_0:
0x88: {  	s2 =	sld [smem:$0x3FD9]  }
0x89: {  	s3 =	sld [smem:$0x3FFE];
	_ =	sdelay $0x1  }
0x8a: {  	s1 =	srdreg.scid  }
0x8b: {  	s0 =	sand.u32 $0x1, s1  }
0x8c: {  	s14 =	sshll.u32 s0, $0xA;
	s2 =	sadd.s32 s3, s2  }
0x8d: {  	s2 =	sadd.s32 s2, s14  }
0x8e: {  	[smem:$0x3FC5] =	sst s2  }
0x8f: {  	_ = 	snop  }
0x90: {  	s2 =	sld [smem:$0x3FD0];
	_ =	sdelay $0x2  }
0x91: {  	s15 =	simm.s32 $0xA;
	s4 =	simm.s32 $0x10  }
0x92: {  	[smem:s4], [sflag:s15] =	dma.local [hbm:s2], $0x1  }
0x93: {  	_ =	swait.eq [sflag:s15], $0x1  }
0x94: {  	[sflag:s15] =	ssyncset.done $0x0  }
0x95: {  	s16 =	sld [smem:$0x10];
	[sflag:s15] =	ssyncadd.s32 $0xFFFFFFFF  }
0x96: {  	s17 =	sld [smem:$0x11];
	(tm) =	ssettm $0x1  }
0x97: {  	s18 =	sld [smem:$0x3FFB];
	_ =	sdelay $0x3  }
0x98: {  	_ =	strace s18  }
0x99: {  	s4 =	sld [smem:$0x3FFC];
	_ =	sdelay $0x3  }
0x9a: {  	_ =	strace s4  }
0x9b: {  	s4 =	sld [smem:$0x3FFD];
	_ =	sdelay $0x3  }
0x9c: {  	_ =	strace s4  }
0x9d: {  	_ =	strace $0x8FFFFFFF  }
0x9e: {  	s19 =	sld [smem:$0x3FDB];
	_ =	sdelay $0x1  }
0x9f: {  	s5 =	simm.s32 $_scs_section_size  }
0xa0: {  	s6 =	simm.s32 $_size__tile_overlayer_lowered;
	s7 =	simm.s32 $_tile_overlayer_lowered  }
0xa1: {  	s22 =	simm.s32 $0x1BFF;
	s21 =	sshll.u32 s7, $0x1;
	s4 =	sadd.s32 s5, s19  }
0xa2: {  	s8 =	simm.s32 $0x0;
	s20 =	sshll.u32 s6, $0x1;
	s6 =	sadd.s32 s21, s4  }
0xa3: {  	[timem:s8], [sflag:s22] =	dma.local [hbm:s6], s20  }
0xa4: {  	_ =	swait.ge [sflag:s22], s20  }
0xa5: {  	s5 =	ssub.s32 $0x0, s20;
	[sflag:s22] =	ssyncset.done $0x0  }
0xa6: {  	[sflag:s22] =	ssyncadd.s32 s5;
	_ =	sdelay $0x1  }
0xa7: {  	s23 =	simm.s32 $0x1B8B  }
0xa8: {  	_ =	swait.ge [sflag:s23], $0x1  }
0xa9: {  	[sflag:s23] =	ssyncset.done $0x0  }
0xaa: {  	s25 =	simm.s32 $0x1B8E;
	s24 =	sld [smem:$0x3FFE];
	[sflag:s23] =	ssyncadd.s32 $0xFFFFFFFF  }
0xab: {  	s26 =	simm.s32 $execute0_lowered;
	[smem:$0x3FD2] =	sst s25  }
0xac: {  	s6 =	sshll.u32 s26, $0x1;
	_ =	strace $0x80000049;
	[dreg:$0x1] =	wrdreg $0xFFFFFFFF  }
0xad: {  	s28 =	simm.s32 $_size_execute0_lowered;
	s4 =	sadd.s32 s4, s6;
	[dreg:$0x0] =	wrdreg $0x0  }
0xae: {  	s6 =	sshll.u32 s28, $0x1;
	[dreg:$0x2] =	wrdreg s4  }
0xaf: {  	[dreg:$0x3] =	wrdreg s6  }
0xb0: {  	[dreg:$0x4] =	wrdreg $0xC0  }
0xb1: {  	_ =	task [dreg:s8], $0x5FFFF  }
0xb2: {  	[dreg:$0x1] =	wrdreg $0xFFFFFFFF  }
0xb3: {  	[dreg:$0x0] =	wrdreg $0x60  }
0xb4: {  	[dreg:$0x2] =	wrdreg s16  }
0xb5: {  	[dreg:$0x3] =	wrdreg s24  }
0xb6: {  	[dreg:$0x4] =	wrdreg s17  }
0xb7: {  	[dreg:$0x5] =	wrdreg $0x80000  }
0xb8: {  	[dreg:$0x6] =	wrdreg $0x120000  }
0xb9: {  	[dreg:$0x7] =	wrdreg $0x9  }
0xba: {  	_ =	task.clear_ibuf [dreg:s8], $0x8FFFF;
	_ =	strace $0x90000049  }
0xbb: {  	s29 =	simm.s32 $0x9;
	_ =	strace $0x8000004B  }
0xbc: {  	_ =	swait.ge [sflag:s29], $0x1  }
0xbd: {  	[sflag:s29] =	ssyncadd.s32 $0xFFFFFFFF  }
0xbe: {  	_ =	strace $0x9000004B  }
0xbf: {  	_ =	sfence  }
0xc0: {  	s30 =	sld [smem:$0x0];
	_ =	sdelay $0x2  }
0xc1: {  	s31 =	sshll.u32 s1, $0xD;
	s1 =	sshrl.u32 s1, $0x2  }
0xc2: {  	s3 =	sand.u32 $0x4000, s31;
	s1 =	sadd.s32 s1, s30  }
0xc3: {  	s0 =	sor.u32 s3, s0;
	s1 =	sshll.u32 s1, $0x11  }
0xc4: {  	s0 =	sor.u32 s1, s0  }
0xc5: {  	s0 =	sadd.s32 $0x8F2B, s0  }
0xc6: {  	[sflag:s0] =	ssyncadd.remote.s32 $0x1  }
0xc7: {  	_ =	sfence.sel $0xFFFF  }
0xc8: {  	[dreg:$0x0] =	wrdreg $0xFFFFFFFF;
	(pc) =	sbr.abs _section_cstart, $3  }
0xc9: {  	[dreg:$0x1] =	wrdreg $0xFFFFFFFF  }
0xca: {  	_ =	task.clear_ibuf [dreg:s8], $0x2FFFF;
	_ =	strace $0x9FFFFFFF  }
0xcb: {  	(tm) =	ssettm $0x7FFFFFFF  }
tec
execute0_lowered:
.L_overlay_start_1:
0x0: {  	(tag) =	ssettag $0x1  }
0x1: {  	s3 =	rddreg [dreg:$0x1]  }
0x2: {  	s1 =	simm.s32 $0x0;
	s0 =	srdreg.scid;
	s30 =	rddreg [dreg:$0x3]  }
0x3: {  	s23 =	stileid.u32;
	[smem:$0x7FF] =	sst s1;
	s0 =	sand.u32 $0x1, s0  }
0x4: {  	s4 =	smul.u32 $0x280, s23;
	s5 =	sadd.s32 $0xB200, s3;
	s6 =	sadd.s32 $0x47200, s3  }
0x5: {  	s7 =	sadd.s32 $0x33200, s3;
	s13 =	smul.u32 $0xA000, s23;
	s2 =	ssub.s32 $0x2, s0  }
0x6: {  	s9 =	sadd.s32 $0x5B200, s3;
	s0 =	smul.u32 $0x2800, s0;
	s8 =	sshrl.u32 s2, $0x1  }
0x7: {  	s10 =	sadd.s32 $0x80, s4;
	s12 =	sadd.s32 $0x100, s4;
	s16 =	sshrl.u32 s13, $0x3  }
0x8: {  	s15 =	sadd.s32 $0x180, s4;
	s2 =	ssub.s32 s2, s8;
	s18 =	sadd.s32 s6, s16  }
0x9: {  	s17 =	sshll.u32 s10, $0x3;
	s28 =	sadd.s32 s7, s16;
	[dreg:$0x6] =	wrdreg s18  }
0xa: {  	s25 =	sshll.u32 s12, $0x3;
	s24 =	sadd.s32 s6, s17;
	[dreg:$0xb] =	wrdreg s28  }
0xb: {  	s26 =	sshll.u32 s15, $0x3;
	s19 =	sadd.s32 s6, s25;
	[dreg:$0x7] =	wrdreg s24  }
0xc: {  	s22 =	sadd.s32 s4, s0;
	s21 =	sadd.s32 s6, s26;
	[dreg:$0x8] =	wrdreg s19  }
0xd: {  	s11 =	sadd.s32 s0, s10;
	s16 =	sadd.s32 s7, s17;
	[dreg:$0x9] =	wrdreg s21  }
0xe: {  	s4 =	sadd.s32 $0x200, s4;
	s17 =	sadd.s32 s7, s25;
	[dreg:$0xc] =	wrdreg s16  }
0xf: {  	s20 =	sshll.u32 s4, $0x3;
	s18 =	sadd.s32 s7, s26;
	[dreg:$0xd] =	wrdreg s17  }
0x10: {  	s14 =	sadd.s32 s0, s12;
	s6 =	sadd.s32 s6, s20;
	[dreg:$0xe] =	wrdreg s18  }
0x11: {  	s8 =	sshll.u32 s22, $0x3;
	s19 =	sadd.s32 s7, s20;
	[dreg:$0xa] =	wrdreg s6  }
0x12: {  	s11 =	sshll.u32 s11, $0x3;
	s21 =	sadd.s32 s5, s8;
	[dreg:$0xf] =	wrdreg s19  }
0x13: {  	s14 =	sshll.u32 s14, $0x3;
	s22 =	sadd.s32 s5, s11;
	[dreg:$0x10] =	wrdreg s21  }
0x14: {  	s20 =	sadd.s32 s0, s15;
	s24 =	sadd.s32 s5, s14;
	[dreg:$0x11] =	wrdreg s22  }
0x15: {  	s0 =	sadd.s32 s0, s4;
	s17 =	sadd.s32 s9, s8;
	[dreg:$0x12] =	wrdreg s24  }
0x16: {  	s18 =	sadd.s32 s9, s11;
	s6 =	sshll.u32 s20, $0x3;
	s22 =	rddreg [dreg:$0x0]  }
0x17: {  	s7 =	sshll.u32 s0, $0x3;
	s19 =	sadd.s32 s9, s14;
	s0 =	rddreg [dreg:$0x4]  }
0x18: {  	s25 =	sadd.s32 s5, s6;
	s26 =	sadd.s32 s5, s7;
	s20 =	sadd.s32 s9, s6  }
0x19: {  	s21 =	sadd.s32 s9, s7;
	s5 =	sadd.s32 $0xAB200, s3;
	[dreg:$0x13] =	wrdreg s25  }
0x1a: {  	s9 =	sadd.s32 $0x83200, s3;
	[dreg:$0x14] =	wrdreg s26;
	s28 =	sadd.s32 s5, s8  }
0x1b: {  	s12 =	sshll.u32 s12, $0x6;
	s8 =	sadd.s32 s9, s8;
	[dreg:$0x15] =	wrdreg s28  }
0x1c: {  	s2 =	smax.u32 s2, $0x1;
	s16 =	sadd.s32 s5, s11;
	[dreg:$0x16] =	wrdreg s8  }
0x1d: {  	s4 =	sshll.u32 s4, $0x6;
	s24 =	sadd.s32 s9, s11;
	[dreg:$0x17] =	wrdreg s16  }
0x1e: {  	s29 =	sadd.s32 s4, s30;
	s25 =	sadd.s32 s5, s14;
	[dreg:$0x18] =	wrdreg s24  }
0x1f: {  	s26 =	sadd.s32 s9, s14;
	s11 =	sadd.s32 $0x1200, s3;
	[dreg:$0x19] =	wrdreg s25  }
0x20: {  	s14 =	sshll.u32 s15, $0x6;
	[dreg:$0x1a] =	wrdreg s26;
	s28 =	sadd.s32 s5, s6  }
0x21: {  	s15 =	sadd.s32 s13, s30;
	s6 =	sadd.s32 s9, s6;
	[dreg:$0x1b] =	wrdreg s28  }
0x22: {  	s13 =	sadd.s32 s13, s0;
	s5 =	sadd.s32 s5, s7;
	[dreg:$0x1c] =	wrdreg s6  }
0x23: {  	s8 =	sadd.s32 s9, s7;
	s9 =	sshll.u32 s10, $0x6;
	[dreg:$0x1d] =	wrdreg s5  }
0x24: {  	s10 =	smul.u32 $0xA00, s23;
	s25 =	sadd.s32 s12, s30;
	[dreg:$0x1e] =	wrdreg s8  }
0x25: {  	s24 =	sadd.s32 s9, s30;
	_ =	strace $0x8000004A;
	[dreg:$0x1f] =	wrdreg s15  }
0x26: {  	s26 =	sadd.s32 s12, s0;
	s3 =	sadd.s32 s9, s0;
	[smem:$0x7F8] =	sst s24  }
0x27: {  	s31 =	sadd.s32 s14, s0;
	s7 =	sadd.s32 s4, s0;
	[smem:$0x7F9] =	sst s3  }
0x28: {  	s4 =	simm.s32 $0x1;
	s12 =	simm.s32 $0x0;
	[smem:$0x7FA] =	sst s25  }
0x29: {  	s28 =	sadd.s32 s14, s30;
	s9 =	smul.u32 $0x5000, s23;
	[smem:$0x7FB] =	sst s26  }
0x2a: {  	s8 =	simm.s32 $0x4;
	s6 =	simm.s32 $0x6000;
	[smem:$0x7FC] =	sst s28  }
0x2b: {  	s16 =	sadd.s32 s22, s10;
	s5 =	sadd.s32 s11, s10;
	[smem:$0x7FD] =	sst s2  }
0x2c: {  	s10 =	simm.s32 $0x2000;
	s2 =	simm.s32 $0x3;
	[smem:$0x7F6] =	sst s16  }
0x2d: {  	s3 =	simm.s32 $0x80;
	[smem:$0x7F7] =	sst s5;
	s5 =	simm.s32 $0x2  }
.LBB2_1:
0x2e: {  	s14 =	rddreg [dreg:$0x10]  }
0x2f: {  	[tilespmem:s10], [sflag:$0x4] =	stream.linear.gather [hbm4b:s14+s1], $0x2000, $0x38;
	[tilespmem:$0x1C000] =	vst v63  }
0x30: {  	_ =	swait.ge [sflag:s8], $0x2000  }
0x31: {  	[sflag:s8] =	ssyncset.done $0x0  }
0x32: {  	s23 =	rddreg [dreg:$0x1f];
	[sflag:s8] =	ssyncadd.s32 $0xFFFFE000  }
0x33: {  	[spmem:s23] =	stream.linear.scatter [tilespmem:s10], [sflag:$0x4], $0x2000, $0x38;
	[tilespmem:$0x1C000] =	vst v63  }
0x34: {  	_ =	swait.ge [sflag:s8], $0x2000  }
0x35: {  	[sflag:s8] =	ssyncset.done $0x0  }
0x36: {  	s24 =	rddreg [dreg:$0x11];
	[sflag:s8] =	ssyncadd.s32 $0xFFFFE000  }
0x37: {  	[tilespmem:s10], [sflag:$0x4] =	stream.linear.gather [hbm4b:s24+s1], $0x2000, $0x38;
	[tilespmem:$0x1C000] =	vst v63  }
0x38: {  	_ =	swait.ge [sflag:s8], $0x2000  }
0x39: {  	s25 =	sld [smem:$0x7F8]  }
0x3a: {  	[sflag:s8] =	ssyncset.done $0x0  }
0x3b: {  	[sflag:s8] =	ssyncadd.s32 $0xFFFFE000  }
0x3c: {  	[spmem:s25] =	stream.linear.scatter [tilespmem:s10], [sflag:$0x4], $0x2000, $0x38;
	[tilespmem:$0x1C000] =	vst v63  }
0x3d: {  	_ =	swait.ge [sflag:s8], $0x2000  }
0x3e: {  	[sflag:s8] =	ssyncset.done $0x0  }
0x3f: {  	s26 =	rddreg [dreg:$0x12];
	[sflag:s8] =	ssyncadd.s32 $0xFFFFE000  }
0x40: {  	[tilespmem:s10], [sflag:$0x4] =	stream.linear.gather [hbm4b:s26+s1], $0x2000, $0x38;
	[tilespmem:$0x1C000] =	vst v63  }
0x41: {  	_ =	swait.ge [sflag:s8], $0x2000  }
0x42: {  	s28 =	sld [smem:$0x7FA]  }
0x43: {  	[sflag:s8] =	ssyncset.done $0x0  }
0x44: {  	[sflag:s8] =	ssyncadd.s32 $0xFFFFE000  }
0x45: {  	[spmem:s28] =	stream.linear.scatter [tilespmem:s10], [sflag:$0x4], $0x2000, $0x38;
	[tilespmem:$0x1C000] =	vst v63  }
0x46: {  	_ =	swait.ge [sflag:s8], $0x2000  }
0x47: {  	[sflag:s8] =	ssyncset.done $0x0  }
0x48: {  	s15 =	rddreg [dreg:$0x13];
	[sflag:s8] =	ssyncadd.s32 $0xFFFFE000  }
0x49: {  	[tilespmem:s10], [sflag:$0x4] =	stream.linear.gather [hbm4b:s15+s1], $0x2000, $0x38;
	[tilespmem:$0x1C000] =	vst v63  }
0x4a: {  	_ =	swait.ge [sflag:s8], $0x2000  }
0x4b: {  	s16 =	sld [smem:$0x7FC]  }
0x4c: {  	[sflag:s8] =	ssyncset.done $0x0  }
0x4d: {  	[sflag:s8] =	ssyncadd.s32 $0xFFFFE000  }
0x4e: {  	[spmem:s16] =	stream.linear.scatter [tilespmem:s10], [sflag:$0x4], $0x2000, $0x38;
	[tilespmem:$0x1C000] =	vst v63  }
0x4f: {  	_ =	swait.ge [sflag:s8], $0x2000  }
0x50: {  	[sflag:s8] =	ssyncset.done $0x0  }
0x51: {  	s23 =	rddreg [dreg:$0x14];
	[sflag:s8] =	ssyncadd.s32 $0xFFFFE000  }
0x52: {  	[tilespmem:s10], [sflag:$0x4] =	stream.linear.gather [hbm4b:s23+s1], $0x2000, $0x38;
	[tilespmem:$0x1C000] =	vst v63  }
0x53: {  	_ =	swait.ge [sflag:s8], $0x2000  }
0x54: {  	[sflag:s8] =	ssyncset.done $0x0  }
0x55: {  	[sflag:s8] =	ssyncadd.s32 $0xFFFFE000  }
0x56: {  	[spmem:s29] =	stream.linear.scatter [tilespmem:s10], [sflag:$0x4], $0x2000, $0x38;
	[tilespmem:$0x1C000] =	vst v63  }
0x57: {  	_ =	swait.ge [sflag:s8], $0x2000  }
0x58: {  	s24 =	stileid.u32;
	[sflag:s8] =	ssyncset.done $0x0  }
0x59: {  	s14 =	sshll.u32 s24, $0x6;
	[sflag:s8] =	ssyncadd.s32 $0xFFFFE000  }
0x5a: {  	s14 =	sor.u32 $0x1C04, s14;
	s15 =	sshrl.u32 s13, $0x3;
	s16 =	rddreg [dreg:$0x2]  }
0x5b: {  	[spmem:s15], [sflag:s14] =	dma.local [hbm:s16], $0x1400  }
0x5c: {  	_ =	swait.ge [sflag:s8], $0x1400  }
0x5d: {  	[sflag:s8] =	ssyncset.done $0x0  }
0x5e: {  	[sflag:s8] =	ssyncadd.s32 $0xFFFFEC00  }
0x5f: {  	[bflag:$0x0] =	sbarrier.arrive $0xFFFF  }
0x60: {  	s25 =	sld [smem:$0x7F6];
	_ =	sdelay $0x1  }
0x61: {  	s26 =	sld [smem:$0x7F7]  }
0x62: {  	[tilespmem:s1], [sflag:$0x3] =	stream.linear.gather [hbm4b:s25+s1], $0x800, $0x38;
	[tilespmem:$0x1C000] =	vst v63  }
0x63: {  	s23 =	simm.s32 $0x1000  }
0x64: {  	[tilespmem:s23], [sflag:$0x3] =	stream.linear.gather [hbm4b:s26+s1], $0x800, $0x38;
	[tilespmem:$0x1C000] =	vst v63  }
0x65: {  	_ =	swait.ge [sflag:s2], $0x800  }
0x66: {  	[sflag:s2] =	ssyncset.done $0x0  }
0x67: {  	[sflag:s2] =	ssyncadd.s32 $0xFFFFF800  }
0x68: {  	_ =	swait.ge [sflag:s2], $0x800  }
0x69: {  	[sflag:s2] =	ssyncset.done $0x0  }
0x6a: {  	[sflag:s2] =	ssyncadd.s32 $0xFFFFF800  }
0x6b: {  	[tilespmem:s10], [sflag:$0x1] =	stream.indirect.gather [spmem:s30], $0x40, s1, s3, $0xb8;
	[tilespmem:$0x1C000] =	vst v63  }
0x6c: {  	s28 =	simm.s32 $0x4000  }
0x6d: {  	[tilespmem:s28], [sflag:$0x1] =	stream.indirect.gather [spmem:s30], $0x40, s3, s3, $0xb8;
	[tilespmem:$0x1C000] =	vst v63  }
.Ltmp0:
0x6e: {  	_ = 	snop;
	(pc) =	sbr.rel .LBB2_2-.Ltmp0, $4  }
0x6f: {  	_ =	swait.ge [sflag:s4], $0x2000  }
0x70: {  	[sflag:s4] =	ssyncset.done $0x0  }
0x71: {  	s16 =	simm.s32 $0x1080;
	s25 =	simm.s32 $0x2;
	[sflag:s4] =	ssyncadd.s32 $0xFFFFE000  }
0x72: {  	[spmem:s0] =	stream.indirect.scatter.add.f32 [tilespmem:s10], [sflag:$0x2], $0x40, s23, s3, $0xb8;
	[tilespmem:$0x1C000] =	vst v63  }
.LBB2_5:
0x73: {  	p1 =	sgt.u32 s25, $0x91  }
0x74: {  	p2 =	sne.s32 @!p1 s24, $0x2  }
0x75: {  	p1 =	por p1, p2  }
.Ltmp1:
0x76: {  	_ = 	snop;
	(pc) =	sbr.rel @p1 .LBB2_4-.Ltmp1, $1  }
0x77: {  	_ =	sdelay $0x3  }
0x78: {  	s24 =	sadd.s32 $0xFFFFF080, s16  }
0x79: {  	s24 =	sand.u32 $0x7800, s24  }
0x7a: {  	s24 =	sadd.s32 $0x800, s24  }
0x7b: {  	s26 =	sadd.s32 s9, s24  }
0x7c: {  	s26 =	sshrl.u32 s26, $0x3  }
0x7d: {  	s24 =	sand.u32 $0x800, s24;
	s28 =	sadd.s32 s22, s26  }
0x7e: {  	[tilespmem:s24], [sflag:$0x3] =	stream.linear.gather [hbm4b:s28+s1], $0x800, $0x38;
	[tilespmem:$0x1C000] =	vst v63  }
0x7f: {  	s26 =	sadd.s32 s11, s26;
	s24 =	sor.u32 $0x1000, s24  }
0x80: {  	[tilespmem:s24], [sflag:$0x3] =	stream.linear.gather [hbm4b:s26+s1], $0x800, $0x38;
	[tilespmem:$0x1C000] =	vst v63  }
0x81: {  	_ =	swait.ge [sflag:s5], $0x2000  }
0x82: {  	[sflag:s5] =	ssyncset.done $0x0  }
0x83: {  	[sflag:s5] =	ssyncadd.s32 $0xFFFFE000  }
.LBB2_7:
0x84: {  	s24 =	sshll.u32 s23, $0xD;
	s26 =	sadd.s32 $0xFFFFF080, s16  }
0x85: {  	s24 =	sadd.s32 $0x2000, s24;
	s26 =	sand.u32 $0xF80, s26  }
0x86: {  	[tilespmem:s24], [sflag:$0x1] =	stream.indirect.gather [spmem:s30], $0x40, s26, s3, $0xb8;
	[tilespmem:$0x1C000] =	vst v63  }
0x87: {  	s24 =	sand.u32 $0xF80, s16  }
.LBB2_8:
0x88: {  	s16 =	sadd.s32 $0x80, s16  }
0x89: {  	p0 =	sne.s32 s16, $0x6000  }
.Ltmp2:
0x8a: {  	_ = 	snop;
	(pc) =	sbr.rel @!p0 .LBB2_9-.Ltmp2, $4  }
0x8b: {  	_ =	swait.ge [sflag:s4], $0x2000;
	s23 =	sshll.u32 s23, $0xD  }
0x8c: {  	s24 =	sor.u32 $0x1000, s24;
	[sflag:s4] =	ssyncset.done $0x0;
	s23 =	sxor.u32 $0x2000, s23  }
0x8d: {  	s25 =	sadd.s32 $0x1, s25;
	[sflag:s4] =	ssyncadd.s32 $0xFFFFE000;
	s23 =	sadd.s32 $0x2000, s23  }
0x8e: {  	[spmem:s0] =	stream.indirect.scatter.add.f32 [tilespmem:s23], [sflag:$0x2], $0x40, s24, s3, $0xb8;
	[tilespmem:$0x1C000] =	vst v63  }
.LBB2_2:
0x8f: {  	s24 =	sand.u32 $0xF, s25;
	p0 =	seq.s32 s25, $0xA0  }
0x90: {  	p1 =	sne.s32 @!p0 s24, $0x0  }
0x91: {  	p1 =	por p0, p1  }
.Ltmp3:
0x92: {  	_ = 	snop;
	(pc) =	sbr.rel @p1 .LBB2_5-.Ltmp3, $2  }
0x93: {  	_ =	sdelay $0x2  }
0x94: {  	s23 =	sand.u32 $0x1, s25  }
0x95: {  	_ =	swait.ge [sflag:s2], $0x800  }
0x96: {  	[sflag:s2] =	ssyncset.done $0x0  }
0x97: {  	[sflag:s2] =	ssyncadd.s32 $0xFFFFF800  }
0x98: {  	_ =	swait.ge [sflag:s2], $0x800  }
0x99: {  	[sflag:s2] =	ssyncset.done $0x0  }
0x9a: {  	[sflag:s2] =	ssyncadd.s32 $0xFFFFF800  }
.LBB2_4:
.Ltmp4:
0x9b: {  	(pc) =	sbr.rel @p0 .LBB2_8-.Ltmp4, $4  }
.Ltmp5:
0x9c: {  	(pc) =	sbr.rel @!p0 .LBB2_7-.Ltmp5, $4  }
0x9d: {  	_ =	swait.ge [sflag:s5], $0x2000  }
0x9e: {  	[sflag:s5] =	ssyncset.done $0x0  }
0x9f: {  	s24 =	simm.s32 $0xF80;
	[sflag:s5] =	ssyncadd.s32 $0xFFFFE000  }
0xa0: {  	_ = 	snop  }
.LBB2_9:
0xa1: {  	_ =	swait.ge [sflag:s5], $0x2000  }
0xa2: {  	[sflag:s5] =	ssyncset.done $0x0  }
0xa3: {  	[sflag:s5] =	ssyncadd.s32 $0xFFFFE000  }
0xa4: {  	[bflag:$0x0] =	sbarrier.arrive $0xFFFF  }
0xa5: {  	[tilespmem:s10], [sflag:$0x4] =	stream.linear.gather [spmem:s13], $0x2000, $0x38;
	[tilespmem:$0x1C000] =	vst v63  }
0xa6: {  	_ =	swait.ge [sflag:s8], $0x2000  }
0xa7: {  	[sflag:s8] =	ssyncset.done $0x0  }
0xa8: {  	s16 =	simm.s32 $0x0;
	[sflag:s8] =	ssyncadd.s32 $0xFFFFE000  }
0xa9: {  	[hbm4b:s17+s16] =	stream.linear.scatter [tilespmem:s10], [sflag:$0x4], $0x2000, $0x38;
	[tilespmem:$0x1C000] =	vst v63  }
0xaa: {  	_ =	swait.ge [sflag:s8], $0x2000  }
0xab: {  	[sflag:s8] =	ssyncset.done $0x0  }
0xac: {  	s23 =	rddreg [dreg:$0x6];
	[sflag:s8] =	ssyncadd.s32 $0xFFFFE000  }
0xad: {  	[tilespmem:s6], [sflag:$0x4] =	stream.linear.gather [hbm4b:s23+s16], $0x2000, $0x38;
	[tilespmem:$0x1C000] =	vst v63  }
0xae: {  	_ =	swait.ge [sflag:s8], $0x2000  }
0xaf: {  	[sflag:s8] =	ssyncset.done $0x0  }
0xb0: {  	s16 =	simm.s32 $0x0;
	[sflag:s8] =	ssyncadd.s32 $0xFFFFE000  }
0xb1: {  	v5 =	vld [tilespmem:s16+$0x6000]  }
0xb2: {  	v6 =	vld [tilespmem:s16+$0x6010]  }
0xb3: {  	v1 =	vld [tilespmem:s16+$0x6020]  }
0xb4: {  	v0 =	vld [tilespmem:s16+$0x6030]  }
0xb5: {  	v2 =	vld [tilespmem:s16+$0x2000]  }
0xb6: {  	v4 =	vld [tilespmem:s16+$0x2010]  }
0xb7: {  	s23 =	simm.s32 $0x100;
	v3 =	vld [tilespmem:s16+$0x2020]  }
.LBB2_10:
0xb8: {  	s24 =	sshra.s32 s23, $0x2;
	p0 =	sne.s32 s23, $0x7F00;
	v7 =	vld [tilespmem:s16+$0x2030];
	v8 =	vmov v1  }
0xb9: {  	v9 =	vld [tilespmem:s24+$0x6000];
	v10 =	vmov v0  }
0xba: {  	v11 =	vld [tilespmem:s24+$0x6010];
	v2 =	vmul.f32 v5, v2  }
.Ltmp6:
0xbb: {  	v1 =	vld [tilespmem:s24+$0x6020];
	v4 =	vmul.f32 v6, v4;
	(pc) =	sbr.rel @p0 .LBB2_10-.Ltmp6, $4  }
0xbc: {  	v0 =	vld [tilespmem:s24+$0x6030];
	[tilespmem:s16+$0x2000] =	vst v2;
	v3 =	vmul.f32 v8, v3  }
0xbd: {  	v2 =	vld [tilespmem:s24+$0x2000];
	[tilespmem:s16+$0x2010] =	vst v4;
	v7 =	vmul.f32 v10, v7  }
0xbe: {  	v4 =	vld [tilespmem:s24+$0x2010];
	[tilespmem:s16+$0x2020] =	vst v3;
	v5 =	vmov v9  }
0xbf: {  	s23 =	sadd.s32 $0x100, s23;
	v3 =	vld [tilespmem:s24+$0x2020];
	[tilespmem:s16+$0x2030] =	vst v7;
	v6 =	vmov v11;
	s16 =	smov.u32 s24  }
0xc0: {  	v7 =	vld [tilespmem:s16+$0x2030];
	_ =	sdelay $0x1  }
0xc1: {  	v2 =	vmul.f32 v5, v2  }
0xc2: {  	v4 =	vmul.f32 v6, v4  }
0xc3: {  	[tilespmem:s16+$0x2000] =	vst v2;
	v1 =	vmul.f32 v1, v3  }
0xc4: {  	[tilespmem:s16+$0x2010] =	vst v4;
	v0 =	vmul.f32 v0, v7  }
0xc5: {  	[tilespmem:s16+$0x2020] =	vst v1  }
0xc6: {  	s25 =	rddreg [dreg:$0x1f];
	[tilespmem:s16+$0x2030] =	vst v0  }
0xc7: {  	[spmem:s25] =	stream.linear.scatter [tilespmem:s10], [sflag:$0x4], $0x2000, $0x38;
	[tilespmem:$0x1C000] =	vst v63  }
0xc8: {  	_ =	swait.ge [sflag:s8], $0x2000  }
0xc9: {  	s26 =	sld [smem:$0x7F9]  }
0xca: {  	[sflag:s8] =	ssyncset.done $0x0  }
0xcb: {  	[sflag:s8] =	ssyncadd.s32 $0xFFFFE000  }
0xcc: {  	[tilespmem:s10], [sflag:$0x4] =	stream.linear.gather [spmem:s26], $0x2000, $0x38;
	[tilespmem:$0x1C000] =	vst v63  }
0xcd: {  	_ =	swait.ge [sflag:s8], $0x2000  }
0xce: {  	[sflag:s8] =	ssyncset.done $0x0  }
0xcf: {  	s28 =	simm.s32 $0x0;
	[sflag:s8] =	ssyncadd.s32 $0xFFFFE000  }
0xd0: {  	[hbm4b:s18+s28] =	stream.linear.scatter [tilespmem:s10], [sflag:$0x4], $0x2000, $0x38;
	[tilespmem:$0x1C000] =	vst v63  }
0xd1: {  	_ =	swait.ge [sflag:s8], $0x2000  }
0xd2: {  	[sflag:s8] =	ssyncset.done $0x0  }
0xd3: {  	s23 =	rddreg [dreg:$0x7];
	[sflag:s8] =	ssyncadd.s32 $0xFFFFE000  }
0xd4: {  	[tilespmem:s6], [sflag:$0x4] =	stream.linear.gather [hbm4b:s23+s28], $0x2000, $0x38;
	[tilespmem:$0x1C000] =	vst v63  }
0xd5: {  	_ =	swait.ge [sflag:s8], $0x2000  }
0xd6: {  	[sflag:s8] =	ssyncset.done $0x0  }
0xd7: {  	s16 =	simm.s32 $0x0;
	[sflag:s8] =	ssyncadd.s32 $0xFFFFE000  }
0xd8: {  	v5 =	vld [tilespmem:s16+$0x6000]  }
0xd9: {  	v6 =	vld [tilespmem:s16+$0x6010]  }
0xda: {  	v1 =	vld [tilespmem:s16+$0x6020]  }
0xdb: {  	v0 =	vld [tilespmem:s16+$0x6030]  }
0xdc: {  	v2 =	vld [tilespmem:s16+$0x2000]  }
0xdd: {  	v4 =	vld [tilespmem:s16+$0x2010]  }
0xde: {  	s23 =	simm.s32 $0x100;
	v3 =	vld [tilespmem:s16+$0x2020]  }
.LBB2_12:
0xdf: {  	s24 =	sshra.s32 s23, $0x2;
	p0 =	sne.s32 s23, $0x7F00;
	v7 =	vld [tilespmem:s16+$0x2030];
	v8 =	vmov v1  }
0xe0: {  	v9 =	vld [tilespmem:s24+$0x6000];
	v10 =	vmov v0  }
0xe1: {  	v11 =	vld [tilespmem:s24+$0x6010];
	v2 =	vmul.f32 v5, v2  }
.Ltmp7:
0xe2: {  	v1 =	vld [tilespmem:s24+$0x6020];
	v4 =	vmul.f32 v6, v4;
	(pc) =	sbr.rel @p0 .LBB2_12-.Ltmp7, $4  }
0xe3: {  	v0 =	vld [tilespmem:s24+$0x6030];
	[tilespmem:s16+$0x2000] =	vst v2;
	v3 =	vmul.f32 v8, v3  }
0xe4: {  	v2 =	vld [tilespmem:s24+$0x2000];
	[tilespmem:s16+$0x2010] =	vst v4;
	v7 =	vmul.f32 v10, v7  }
0xe5: {  	v4 =	vld [tilespmem:s24+$0x2010];
	[tilespmem:s16+$0x2020] =	vst v3;
	v5 =	vmov v9  }
0xe6: {  	s23 =	sadd.s32 $0x100, s23;
	v3 =	vld [tilespmem:s24+$0x2020];
	[tilespmem:s16+$0x2030] =	vst v7;
	v6 =	vmov v11;
	s16 =	smov.u32 s24  }
0xe7: {  	v7 =	vld [tilespmem:s16+$0x2030];
	_ =	sdelay $0x1  }
0xe8: {  	v2 =	vmul.f32 v5, v2  }
0xe9: {  	v4 =	vmul.f32 v6, v4  }
0xea: {  	[tilespmem:s16+$0x2000] =	vst v2;
	v1 =	vmul.f32 v1, v3  }
0xeb: {  	s25 =	sld [smem:$0x7F8];
	[tilespmem:s16+$0x2010] =	vst v4;
	v0 =	vmul.f32 v0, v7  }
0xec: {  	[tilespmem:s16+$0x2020] =	vst v1  }
0xed: {  	[tilespmem:s16+$0x2030] =	vst v0  }
0xee: {  	[spmem:s25] =	stream.linear.scatter [tilespmem:s10], [sflag:$0x4], $0x2000, $0x38;
	[tilespmem:$0x1C000] =	vst v63  }
0xef: {  	_ =	swait.ge [sflag:s8], $0x2000  }
0xf0: {  	s26 =	sld [smem:$0x7FB]  }
0xf1: {  	[sflag:s8] =	ssyncset.done $0x0  }
0xf2: {  	[sflag:s8] =	ssyncadd.s32 $0xFFFFE000  }
0xf3: {  	[tilespmem:s10], [sflag:$0x4] =	stream.linear.gather [spmem:s26], $0x2000, $0x38;
	[tilespmem:$0x1C000] =	vst v63  }
0xf4: {  	_ =	swait.ge [sflag:s8], $0x2000  }
0xf5: {  	[sflag:s8] =	ssyncset.done $0x0  }
0xf6: {  	s28 =	simm.s32 $0x0;
	[sflag:s8] =	ssyncadd.s32 $0xFFFFE000  }
0xf7: {  	[hbm4b:s19+s28] =	stream.linear.scatter [tilespmem:s10], [sflag:$0x4], $0x2000, $0x38;
	[tilespmem:$0x1C000] =	vst v63  }
0xf8: {  	_ =	swait.ge [sflag:s8], $0x2000  }
0xf9: {  	[sflag:s8] =	ssyncset.done $0x0  }
0xfa: {  	s23 =	rddreg [dreg:$0x8];
	[sflag:s8] =	ssyncadd.s32 $0xFFFFE000  }
0xfb: {  	[tilespmem:s6], [sflag:$0x4] =	stream.linear.gather [hbm4b:s23+s28], $0x2000, $0x38;
	[tilespmem:$0x1C000] =	vst v63  }
0xfc: {  	_ =	swait.ge [sflag:s8], $0x2000  }
0xfd: {  	[sflag:s8] =	ssyncset.done $0x0  }
0xfe: {  	s16 =	simm.s32 $0x0;
	[sflag:s8] =	ssyncadd.s32 $0xFFFFE000  }
0xff: {  	v5 =	vld [tilespmem:s16+$0x6000]  }
0x100: {  	v6 =	vld [tilespmem:s16+$0x6010]  }
0x101: {  	v1 =	vld [tilespmem:s16+$0x6020]  }
0x102: {  	v0 =	vld [tilespmem:s16+$0x6030]  }
0x103: {  	v2 =	vld [tilespmem:s16+$0x2000]  }
0x104: {  	v4 =	vld [tilespmem:s16+$0x2010]  }
0x105: {  	s23 =	simm.s32 $0x100;
	v3 =	vld [tilespmem:s16+$0x2020]  }
.LBB2_14:
0x106: {  	s24 =	sshra.s32 s23, $0x2;
	p0 =	sne.s32 s23, $0x7F00;
	v7 =	vld [tilespmem:s16+$0x2030];
	v8 =	vmov v1  }
0x107: {  	v9 =	vld [tilespmem:s24+$0x6000];
	v10 =	vmov v0  }
0x108: {  	v11 =	vld [tilespmem:s24+$0x6010];
	v2 =	vmul.f32 v5, v2  }
.Ltmp8:
0x109: {  	v1 =	vld [tilespmem:s24+$0x6020];
	v4 =	vmul.f32 v6, v4;
	(pc) =	sbr.rel @p0 .LBB2_14-.Ltmp8, $4  }
0x10a: {  	v0 =	vld [tilespmem:s24+$0x6030];
	[tilespmem:s16+$0x2000] =	vst v2;
	v3 =	vmul.f32 v8, v3  }
0x10b: {  	v2 =	vld [tilespmem:s24+$0x2000];
	[tilespmem:s16+$0x2010] =	vst v4;
	v7 =	vmul.f32 v10, v7  }
0x10c: {  	v4 =	vld [tilespmem:s24+$0x2010];
	[tilespmem:s16+$0x2020] =	vst v3;
	v5 =	vmov v9  }
0x10d: {  	s23 =	sadd.s32 $0x100, s23;
	v3 =	vld [tilespmem:s24+$0x2020];
	[tilespmem:s16+$0x2030] =	vst v7;
	v6 =	vmov v11;
	s16 =	smov.u32 s24  }
0x10e: {  	v7 =	vld [tilespmem:s16+$0x2030];
	_ =	sdelay $0x1  }
0x10f: {  	v2 =	vmul.f32 v5, v2  }
0x110: {  	v4 =	vmul.f32 v6, v4  }
0x111: {  	[tilespmem:s16+$0x2000] =	vst v2;
	v1 =	vmul.f32 v1, v3  }
0x112: {  	s26 =	sld [smem:$0x7FA];
	[tilespmem:s16+$0x2010] =	vst v4;
	v0 =	vmul.f32 v0, v7  }
0x113: {  	[tilespmem:s16+$0x2020] =	vst v1  }
0x114: {  	[tilespmem:s16+$0x2030] =	vst v0  }
0x115: {  	[spmem:s26] =	stream.linear.scatter [tilespmem:s10], [sflag:$0x4], $0x2000, $0x38;
	[tilespmem:$0x1C000] =	vst v63  }
0x116: {  	_ =	swait.ge [sflag:s8], $0x2000  }
0x117: {  	[sflag:s8] =	ssyncset.done $0x0  }
0x118: {  	[sflag:s8] =	ssyncadd.s32 $0xFFFFE000  }
0x119: {  	[tilespmem:s10], [sflag:$0x4] =	stream.linear.gather [spmem:s31], $0x2000, $0x38;
	[tilespmem:$0x1C000] =	vst v63  }
0x11a: {  	_ =	swait.ge [sflag:s8], $0x2000  }
0x11b: {  	[sflag:s8] =	ssyncset.done $0x0  }
0x11c: {  	s28 =	simm.s32 $0x0;
	[sflag:s8] =	ssyncadd.s32 $0xFFFFE000  }
0x11d: {  	[hbm4b:s20+s28] =	stream.linear.scatter [tilespmem:s10], [sflag:$0x4], $0x2000, $0x38;
	[tilespmem:$0x1C000] =	vst v63  }
0x11e: {  	_ =	swait.ge [sflag:s8], $0x2000  }
0x11f: {  	[sflag:s8] =	ssyncset.done $0x0  }
0x120: {  	s23 =	rddreg [dreg:$0x9];
	[sflag:s8] =	ssyncadd.s32 $0xFFFFE000  }
0x121: {  	[tilespmem:s6], [sflag:$0x4] =	stream.linear.gather [hbm4b:s23+s28], $0x2000, $0x38;
	[tilespmem:$0x1C000] =	vst v63  }
0x122: {  	_ =	swait.ge [sflag:s8], $0x2000  }
0x123: {  	[sflag:s8] =	ssyncset.done $0x0  }
0x124: {  	s16 =	simm.s32 $0x0;
	[sflag:s8] =	ssyncadd.s32 $0xFFFFE000  }
0x125: {  	v5 =	vld [tilespmem:s16+$0x6000]  }
0x126: {  	v6 =	vld [tilespmem:s16+$0x6010]  }
0x127: {  	v1 =	vld [tilespmem:s16+$0x6020]  }
0x128: {  	v0 =	vld [tilespmem:s16+$0x6030]  }
0x129: {  	v2 =	vld [tilespmem:s16+$0x2000]  }
0x12a: {  	v4 =	vld [tilespmem:s16+$0x2010]  }
0x12b: {  	s23 =	simm.s32 $0x100;
	v3 =	vld [tilespmem:s16+$0x2020]  }
.LBB2_16:
0x12c: {  	s24 =	sshra.s32 s23, $0x2;
	p0 =	sne.s32 s23, $0x7F00;
	v7 =	vld [tilespmem:s16+$0x2030];
	v8 =	vmov v1  }
0x12d: {  	v9 =	vld [tilespmem:s24+$0x6000];
	v10 =	vmov v0  }
0x12e: {  	v11 =	vld [tilespmem:s24+$0x6010];
	v2 =	vmul.f32 v5, v2  }
.Ltmp9:
0x12f: {  	v1 =	vld [tilespmem:s24+$0x6020];
	v4 =	vmul.f32 v6, v4;
	(pc) =	sbr.rel @p0 .LBB2_16-.Ltmp9, $4  }
0x130: {  	v0 =	vld [tilespmem:s24+$0x6030];
	[tilespmem:s16+$0x2000] =	vst v2;
	v3 =	vmul.f32 v8, v3  }
0x131: {  	v2 =	vld [tilespmem:s24+$0x2000];
	[tilespmem:s16+$0x2010] =	vst v4;
	v7 =	vmul.f32 v10, v7  }
0x132: {  	v4 =	vld [tilespmem:s24+$0x2010];
	[tilespmem:s16+$0x2020] =	vst v3;
	v5 =	vmov v9  }
0x133: {  	s23 =	sadd.s32 $0x100, s23;
	v3 =	vld [tilespmem:s24+$0x2020];
	[tilespmem:s16+$0x2030] =	vst v7;
	v6 =	vmov v11;
	s16 =	smov.u32 s24  }
0x134: {  	v7 =	vld [tilespmem:s16+$0x2030];
	_ =	sdelay $0x1  }
0x135: {  	v2 =	vmul.f32 v5, v2  }
0x136: {  	v4 =	vmul.f32 v6, v4  }
0x137: {  	[tilespmem:s16+$0x2000] =	vst v2;
	v1 =	vmul.f32 v1, v3  }
0x138: {  	s26 =	sld [smem:$0x7FC];
	[tilespmem:s16+$0x2010] =	vst v4;
	v0 =	vmul.f32 v0, v7  }
0x139: {  	[tilespmem:s16+$0x2020] =	vst v1  }
0x13a: {  	[tilespmem:s16+$0x2030] =	vst v0  }
0x13b: {  	[spmem:s26] =	stream.linear.scatter [tilespmem:s10], [sflag:$0x4], $0x2000, $0x38;
	[tilespmem:$0x1C000] =	vst v63  }
0x13c: {  	_ =	swait.ge [sflag:s8], $0x2000  }
0x13d: {  	[sflag:s8] =	ssyncset.done $0x0  }
0x13e: {  	[sflag:s8] =	ssyncadd.s32 $0xFFFFE000  }
0x13f: {  	[tilespmem:s10], [sflag:$0x4] =	stream.linear.gather [spmem:s7], $0x2000, $0x38;
	[tilespmem:$0x1C000] =	vst v63  }
0x140: {  	_ =	swait.ge [sflag:s8], $0x2000  }
0x141: {  	[sflag:s8] =	ssyncset.done $0x0  }
0x142: {  	s28 =	simm.s32 $0x0;
	[sflag:s8] =	ssyncadd.s32 $0xFFFFE000  }
0x143: {  	[hbm4b:s21+s28] =	stream.linear.scatter [tilespmem:s10], [sflag:$0x4], $0x2000, $0x38;
	[tilespmem:$0x1C000] =	vst v63  }
0x144: {  	_ =	swait.ge [sflag:s8], $0x2000  }
0x145: {  	[sflag:s8] =	ssyncset.done $0x0  }
0x146: {  	s23 =	rddreg [dreg:$0xa];
	[sflag:s8] =	ssyncadd.s32 $0xFFFFE000  }
0x147: {  	[tilespmem:s6], [sflag:$0x4] =	stream.linear.gather [hbm4b:s23+s28], $0x2000, $0x38;
	[tilespmem:$0x1C000] =	vst v63  }
0x148: {  	_ =	swait.ge [sflag:s8], $0x2000  }
0x149: {  	[sflag:s8] =	ssyncset.done $0x0  }
0x14a: {  	s16 =	simm.s32 $0x0;
	[sflag:s8] =	ssyncadd.s32 $0xFFFFE000  }
0x14b: {  	v5 =	vld [tilespmem:s16+$0x6000]  }
0x14c: {  	v6 =	vld [tilespmem:s16+$0x6010]  }
0x14d: {  	v1 =	vld [tilespmem:s16+$0x6020]  }
0x14e: {  	v0 =	vld [tilespmem:s16+$0x6030]  }
0x14f: {  	v2 =	vld [tilespmem:s16+$0x2000]  }
0x150: {  	v4 =	vld [tilespmem:s16+$0x2010]  }
0x151: {  	s23 =	simm.s32 $0x100;
	v3 =	vld [tilespmem:s16+$0x2020]  }
.LBB2_18:
0x152: {  	s24 =	sshra.s32 s23, $0x2;
	p0 =	sne.s32 s23, $0x7F00;
	v7 =	vld [tilespmem:s16+$0x2030];
	v8 =	vmov v1  }
0x153: {  	v9 =	vld [tilespmem:s24+$0x6000];
	v10 =	vmov v0  }
0x154: {  	v11 =	vld [tilespmem:s24+$0x6010];
	v2 =	vmul.f32 v5, v2  }
.Ltmp10:
0x155: {  	v1 =	vld [tilespmem:s24+$0x6020];
	v4 =	vmul.f32 v6, v4;
	(pc) =	sbr.rel @p0 .LBB2_18-.Ltmp10, $4  }
0x156: {  	v0 =	vld [tilespmem:s24+$0x6030];
	[tilespmem:s16+$0x2000] =	vst v2;
	v3 =	vmul.f32 v8, v3  }
0x157: {  	v2 =	vld [tilespmem:s24+$0x2000];
	[tilespmem:s16+$0x2010] =	vst v4;
	v7 =	vmul.f32 v10, v7  }
0x158: {  	v4 =	vld [tilespmem:s24+$0x2010];
	[tilespmem:s16+$0x2020] =	vst v3;
	v5 =	vmov v9  }
0x159: {  	s23 =	sadd.s32 $0x100, s23;
	v3 =	vld [tilespmem:s24+$0x2020];
	[tilespmem:s16+$0x2030] =	vst v7;
	v6 =	vmov v11;
	s16 =	smov.u32 s24  }
0x15a: {  	v7 =	vld [tilespmem:s16+$0x2030];
	_ =	sdelay $0x1  }
0x15b: {  	v2 =	vmul.f32 v5, v2  }
0x15c: {  	v4 =	vmul.f32 v6, v4  }
0x15d: {  	[tilespmem:s16+$0x2000] =	vst v2;
	v1 =	vmul.f32 v1, v3  }
0x15e: {  	[tilespmem:s16+$0x2010] =	vst v4;
	v0 =	vmul.f32 v0, v7  }
0x15f: {  	[tilespmem:s16+$0x2020] =	vst v1  }
0x160: {  	[tilespmem:s16+$0x2030] =	vst v0  }
0x161: {  	[spmem:s29] =	stream.linear.scatter [tilespmem:s10], [sflag:$0x4], $0x2000, $0x38;
	[tilespmem:$0x1C000] =	vst v63  }
0x162: {  	_ =	swait.ge [sflag:s8], $0x2000  }
0x163: {  	[sflag:s8] =	ssyncset.done $0x0  }
0x164: {  	[sflag:s8] =	ssyncadd.s32 $0xFFFFE000  }
0x165: {  	[bflag:$0x0] =	sbarrier.arrive $0xFFFF  }
0x166: {  	s24 =	rddreg [dreg:$0x2]  }
0x167: {  	[spmem:s15], [sflag:s14] =	dma.local [hbm:s24], $0x1400  }
0x168: {  	_ =	swait.ge [sflag:s8], $0x1400  }
0x169: {  	[sflag:s8] =	ssyncset.done $0x0  }
0x16a: {  	[sflag:s8] =	ssyncadd.s32 $0xFFFFEC00  }
0x16b: {  	[bflag:$0x0] =	sbarrier.arrive $0xFFFF  }
0x16c: {  	s25 =	sld [smem:$0x7F6];
	_ =	sdelay $0x1  }
0x16d: {  	s26 =	sld [smem:$0x7F7]  }
0x16e: {  	[tilespmem:s1], [sflag:$0x3] =	stream.linear.gather [hbm4b:s25+s1], $0x800, $0x38;
	[tilespmem:$0x1C000] =	vst v63  }
0x16f: {  	s23 =	simm.s32 $0x1000  }
0x170: {  	[tilespmem:s23], [sflag:$0x3] =	stream.linear.gather [hbm4b:s26+s1], $0x800, $0x38;
	[tilespmem:$0x1C000] =	vst v63  }
0x171: {  	_ =	swait.ge [sflag:s2], $0x800  }
0x172: {  	[sflag:s2] =	ssyncset.done $0x0  }
0x173: {  	[sflag:s2] =	ssyncadd.s32 $0xFFFFF800  }
0x174: {  	_ =	swait.ge [sflag:s2], $0x800  }
0x175: {  	[sflag:s2] =	ssyncset.done $0x0  }
0x176: {  	[sflag:s2] =	ssyncadd.s32 $0xFFFFF800  }
0x177: {  	[tilespmem:s10], [sflag:$0x1] =	stream.indirect.gather [spmem:s30], $0x40, s1, s3, $0xb8;
	[tilespmem:$0x1C000] =	vst v63  }
0x178: {  	s28 =	simm.s32 $0x4000  }
0x179: {  	[tilespmem:s28], [sflag:$0x1] =	stream.indirect.gather [spmem:s30], $0x40, s3, s3, $0xb8;
	[tilespmem:$0x1C000] =	vst v63  }
.Ltmp11:
0x17a: {  	_ = 	snop;
	(pc) =	sbr.rel .LBB2_20-.Ltmp11, $4  }
0x17b: {  	_ =	swait.ge [sflag:s4], $0x2000  }
0x17c: {  	[sflag:s4] =	ssyncset.done $0x0  }
0x17d: {  	s16 =	simm.s32 $0x2;
	s25 =	simm.s32 $0x1080;
	[sflag:s4] =	ssyncadd.s32 $0xFFFFE000  }
0x17e: {  	[spmem:s0] =	stream.indirect.scatter.add.f32 [tilespmem:s10], [sflag:$0x2], $0x40, s23, s3, $0xb8;
	[tilespmem:$0x1C000] =	vst v63  }
.LBB2_23:
0x17f: {  	p1 =	sgt.u32 s16, $0x91  }
0x180: {  	p2 =	sne.s32 @!p1 s24, $0x2  }
0x181: {  	p1 =	por p1, p2  }
.Ltmp12:
0x182: {  	_ = 	snop;
	(pc) =	sbr.rel @p1 .LBB2_22-.Ltmp12, $1  }
0x183: {  	_ =	sdelay $0x3  }
0x184: {  	s24 =	sadd.s32 $0xFFFFF080, s25  }
0x185: {  	s24 =	sand.u32 $0x7800, s24  }
0x186: {  	s24 =	sadd.s32 $0x800, s24  }
0x187: {  	s26 =	sadd.s32 s9, s24  }
0x188: {  	s26 =	sshrl.u32 s26, $0x3  }
0x189: {  	s24 =	sand.u32 $0x800, s24;
	s28 =	sadd.s32 s22, s26  }
0x18a: {  	[tilespmem:s24], [sflag:$0x3] =	stream.linear.gather [hbm4b:s28+s1], $0x800, $0x38;
	[tilespmem:$0x1C000] =	vst v63  }
0x18b: {  	s26 =	sadd.s32 s11, s26;
	s24 =	sor.u32 $0x1000, s24  }
0x18c: {  	[tilespmem:s24], [sflag:$0x3] =	stream.linear.gather [hbm4b:s26+s1], $0x800, $0x38;
	[tilespmem:$0x1C000] =	vst v63  }
0x18d: {  	_ =	swait.ge [sflag:s5], $0x2000  }
0x18e: {  	[sflag:s5] =	ssyncset.done $0x0  }
0x18f: {  	[sflag:s5] =	ssyncadd.s32 $0xFFFFE000  }
.LBB2_25:
0x190: {  	s24 =	sshll.u32 s23, $0xD;
	s26 =	sadd.s32 $0xFFFFF080, s25  }
0x191: {  	s24 =	sadd.s32 $0x2000, s24;
	s26 =	sand.u32 $0xF80, s26  }
0x192: {  	[tilespmem:s24], [sflag:$0x1] =	stream.indirect.gather [spmem:s30], $0x40, s26, s3, $0xb8;
	[tilespmem:$0x1C000] =	vst v63  }
0x193: {  	s24 =	sand.u32 $0xF80, s25  }
.LBB2_26:
0x194: {  	s25 =	sadd.s32 $0x80, s25  }
0x195: {  	p0 =	sne.s32 s25, $0x6000  }
.Ltmp13:
0x196: {  	_ = 	snop;
	(pc) =	sbr.rel @!p0 .LBB2_27-.Ltmp13, $4  }
0x197: {  	_ =	swait.ge [sflag:s4], $0x2000;
	s23 =	sshll.u32 s23, $0xD  }
0x198: {  	s24 =	sor.u32 $0x1000, s24;
	[sflag:s4] =	ssyncset.done $0x0;
	s23 =	sxor.u32 $0x2000, s23  }
0x199: {  	s16 =	sadd.s32 $0x1, s16;
	[sflag:s4] =	ssyncadd.s32 $0xFFFFE000;
	s23 =	sadd.s32 $0x2000, s23  }
0x19a: {  	[spmem:s0] =	stream.indirect.scatter.add.f32 [tilespmem:s23], [sflag:$0x2], $0x40, s24, s3, $0xb8;
	[tilespmem:$0x1C000] =	vst v63  }
.LBB2_20:
0x19b: {  	s24 =	sand.u32 $0xF, s16;
	p0 =	seq.s32 s16, $0xA0  }
0x19c: {  	p1 =	sne.s32 @!p0 s24, $0x0  }
0x19d: {  	p1 =	por p0, p1  }
.Ltmp14:
0x19e: {  	_ = 	snop;
	(pc) =	sbr.rel @p1 .LBB2_23-.Ltmp14, $2  }
0x19f: {  	_ =	sdelay $0x2  }
0x1a0: {  	s23 =	sand.u32 $0x1, s16  }
0x1a1: {  	_ =	swait.ge [sflag:s2], $0x800  }
0x1a2: {  	[sflag:s2] =	ssyncset.done $0x0  }
0x1a3: {  	[sflag:s2] =	ssyncadd.s32 $0xFFFFF800  }
0x1a4: {  	_ =	swait.ge [sflag:s2], $0x800  }
0x1a5: {  	[sflag:s2] =	ssyncset.done $0x0  }
0x1a6: {  	[sflag:s2] =	ssyncadd.s32 $0xFFFFF800  }
.LBB2_22:
.Ltmp15:
0x1a7: {  	(pc) =	sbr.rel @p0 .LBB2_26-.Ltmp15, $4  }
.Ltmp16:
0x1a8: {  	(pc) =	sbr.rel @!p0 .LBB2_25-.Ltmp16, $4  }
0x1a9: {  	_ =	swait.ge [sflag:s5], $0x2000  }
0x1aa: {  	[sflag:s5] =	ssyncset.done $0x0  }
0x1ab: {  	s24 =	simm.s32 $0xF80;
	[sflag:s5] =	ssyncadd.s32 $0xFFFFE000  }
0x1ac: {  	_ = 	snop  }
.LBB2_27:
0x1ad: {  	_ =	swait.ge [sflag:s5], $0x2000  }
0x1ae: {  	[sflag:s5] =	ssyncset.done $0x0  }
0x1af: {  	[sflag:s5] =	ssyncadd.s32 $0xFFFFE000  }
0x1b0: {  	[bflag:$0x0] =	sbarrier.arrive $0xFFFF  }
0x1b1: {  	[tilespmem:s10], [sflag:$0x4] =	stream.linear.gather [spmem:s13], $0x2000, $0x38;
	[tilespmem:$0x1C000] =	vst v63  }
0x1b2: {  	_ =	swait.ge [sflag:s8], $0x2000  }
0x1b3: {  	[sflag:s8] =	ssyncset.done $0x0  }
0x1b4: {  	s16 =	simm.s32 $0x0;
	[sflag:s8] =	ssyncadd.s32 $0xFFFFE000  }
0x1b5: {  	[tilespmem:s6], [sflag:$0x4] =	stream.linear.gather [hbm4b:s17+s16], $0x2000, $0x38;
	[tilespmem:$0x1C000] =	vst v63  }
0x1b6: {  	_ =	swait.ge [sflag:s8], $0x2000  }
0x1b7: {  	[sflag:s8] =	ssyncset.done $0x0  }
0x1b8: {  	s16 =	simm.s32 $0x0;
	[sflag:s8] =	ssyncadd.s32 $0xFFFFE000  }
0x1b9: {  	v5 =	vld [tilespmem:s16+$0x2000]  }
0x1ba: {  	v6 =	vld [tilespmem:s16+$0x2010]  }
0x1bb: {  	v1 =	vld [tilespmem:s16+$0x2020]  }
0x1bc: {  	v0 =	vld [tilespmem:s16+$0x2030]  }
0x1bd: {  	v2 =	vld [tilespmem:s16+$0x6000]  }
0x1be: {  	v4 =	vld [tilespmem:s16+$0x6010]  }
0x1bf: {  	s23 =	simm.s32 $0x100;
	v3 =	vld [tilespmem:s16+$0x6020]  }
.LBB2_28:
0x1c0: {  	s24 =	sshra.s32 s23, $0x2;
	p0 =	sne.s32 s23, $0x7F00;
	v7 =	vld [tilespmem:s16+$0x6030];
	v8 =	vmov v1  }
0x1c1: {  	v9 =	vld [tilespmem:s24+$0x2000];
	v10 =	vmov v0  }
0x1c2: {  	v11 =	vld [tilespmem:s24+$0x2010];
	v2 =	vadd.f32 v5, v2  }
.Ltmp17:
0x1c3: {  	v1 =	vld [tilespmem:s24+$0x2020];
	v4 =	vadd.f32 v6, v4;
	(pc) =	sbr.rel @p0 .LBB2_28-.Ltmp17, $4  }
0x1c4: {  	v0 =	vld [tilespmem:s24+$0x2030];
	[tilespmem:s16+$0x6000] =	vst v2;
	v3 =	vadd.f32 v8, v3  }
0x1c5: {  	v2 =	vld [tilespmem:s24+$0x6000];
	[tilespmem:s16+$0x6010] =	vst v4;
	v7 =	vadd.f32 v10, v7  }
0x1c6: {  	v4 =	vld [tilespmem:s24+$0x6010];
	[tilespmem:s16+$0x6020] =	vst v3;
	v5 =	vmov v9  }
0x1c7: {  	s23 =	sadd.s32 $0x100, s23;
	v3 =	vld [tilespmem:s24+$0x6020];
	[tilespmem:s16+$0x6030] =	vst v7;
	v6 =	vmov v11;
	s16 =	smov.u32 s24  }
0x1c8: {  	v7 =	vld [tilespmem:s16+$0x6030];
	_ =	sdelay $0x1  }
0x1c9: {  	v2 =	vadd.f32 v5, v2  }
0x1ca: {  	v4 =	vadd.f32 v6, v4  }
0x1cb: {  	[tilespmem:s16+$0x6000] =	vst v2;
	v1 =	vadd.f32 v1, v3  }
0x1cc: {  	[tilespmem:s16+$0x6010] =	vst v4;
	v0 =	vadd.f32 v0, v7  }
0x1cd: {  	[tilespmem:s16+$0x6020] =	vst v1  }
0x1ce: {  	s28 =	simm.s32 $0x0;
	[tilespmem:s16+$0x6030] =	vst v0  }
0x1cf: {  	[hbm4b:s17+s28] =	stream.linear.scatter [tilespmem:s6], [sflag:$0x4], $0x2000, $0x38;
	[tilespmem:$0x1C000] =	vst v63  }
0x1d0: {  	_ =	swait.ge [sflag:s8], $0x2000  }
0x1d1: {  	[sflag:s8] =	ssyncset.done $0x0  }
0x1d2: {  	s23 =	rddreg [dreg:$0x6];
	[sflag:s8] =	ssyncadd.s32 $0xFFFFE000  }
0x1d3: {  	[tilespmem:s6], [sflag:$0x4] =	stream.linear.gather [hbm4b:s23+s28], $0x2000, $0x38;
	[tilespmem:$0x1C000] =	vst v63  }
0x1d4: {  	_ =	swait.ge [sflag:s8], $0x2000  }
0x1d5: {  	[sflag:s8] =	ssyncset.done $0x0  }
0x1d6: {  	s16 =	simm.s32 $0x0;
	[sflag:s8] =	ssyncadd.s32 $0xFFFFE000  }
0x1d7: {  	v5 =	vld [tilespmem:s16+$0x6000]  }
0x1d8: {  	v6 =	vld [tilespmem:s16+$0x6010]  }
0x1d9: {  	v1 =	vld [tilespmem:s16+$0x6020]  }
0x1da: {  	v0 =	vld [tilespmem:s16+$0x6030]  }
0x1db: {  	v2 =	vld [tilespmem:s16+$0x2000]  }
0x1dc: {  	v4 =	vld [tilespmem:s16+$0x2010]  }
0x1dd: {  	s23 =	simm.s32 $0x100;
	v3 =	vld [tilespmem:s16+$0x2020]  }
.LBB2_30:
0x1de: {  	s24 =	sshra.s32 s23, $0x2;
	p0 =	sne.s32 s23, $0x7F00;
	v7 =	vld [tilespmem:s16+$0x2030];
	v8 =	vmov v1  }
0x1df: {  	v9 =	vld [tilespmem:s24+$0x6000];
	v10 =	vmov v0  }
0x1e0: {  	v11 =	vld [tilespmem:s24+$0x6010];
	v2 =	vmul.f32 v5, v2  }
.Ltmp18:
0x1e1: {  	v1 =	vld [tilespmem:s24+$0x6020];
	v4 =	vmul.f32 v6, v4;
	(pc) =	sbr.rel @p0 .LBB2_30-.Ltmp18, $4  }
0x1e2: {  	v0 =	vld [tilespmem:s24+$0x6030];
	[tilespmem:s16+$0x2000] =	vst v2;
	v3 =	vmul.f32 v8, v3  }
0x1e3: {  	v2 =	vld [tilespmem:s24+$0x2000];
	[tilespmem:s16+$0x2010] =	vst v4;
	v7 =	vmul.f32 v10, v7  }
0x1e4: {  	v4 =	vld [tilespmem:s24+$0x2010];
	[tilespmem:s16+$0x2020] =	vst v3;
	v5 =	vmov v9  }
0x1e5: {  	s23 =	sadd.s32 $0x100, s23;
	v3 =	vld [tilespmem:s24+$0x2020];
	[tilespmem:s16+$0x2030] =	vst v7;
	v6 =	vmov v11;
	s16 =	smov.u32 s24  }
0x1e6: {  	v7 =	vld [tilespmem:s16+$0x2030];
	_ =	sdelay $0x1  }
0x1e7: {  	v2 =	vmul.f32 v5, v2  }
0x1e8: {  	v4 =	vmul.f32 v6, v4  }
0x1e9: {  	[tilespmem:s16+$0x2000] =	vst v2;
	v1 =	vmul.f32 v1, v3  }
0x1ea: {  	[tilespmem:s16+$0x2010] =	vst v4;
	v0 =	vmul.f32 v0, v7  }
0x1eb: {  	[tilespmem:s16+$0x2020] =	vst v1  }
0x1ec: {  	s25 =	rddreg [dreg:$0x1f];
	[tilespmem:s16+$0x2030] =	vst v0  }
0x1ed: {  	[spmem:s25] =	stream.linear.scatter [tilespmem:s10], [sflag:$0x4], $0x2000, $0x38;
	[tilespmem:$0x1C000] =	vst v63  }
0x1ee: {  	_ =	swait.ge [sflag:s8], $0x2000  }
0x1ef: {  	s26 =	sld [smem:$0x7F9]  }
0x1f0: {  	[sflag:s8] =	ssyncset.done $0x0  }
0x1f1: {  	[sflag:s8] =	ssyncadd.s32 $0xFFFFE000  }
0x1f2: {  	[tilespmem:s10], [sflag:$0x4] =	stream.linear.gather [spmem:s26], $0x2000, $0x38;
	[tilespmem:$0x1C000] =	vst v63  }
0x1f3: {  	_ =	swait.ge [sflag:s8], $0x2000  }
0x1f4: {  	[sflag:s8] =	ssyncset.done $0x0  }
0x1f5: {  	s28 =	simm.s32 $0x0;
	[sflag:s8] =	ssyncadd.s32 $0xFFFFE000  }
0x1f6: {  	[tilespmem:s6], [sflag:$0x4] =	stream.linear.gather [hbm4b:s18+s28], $0x2000, $0x38;
	[tilespmem:$0x1C000] =	vst v63  }
0x1f7: {  	_ =	swait.ge [sflag:s8], $0x2000  }
0x1f8: {  	[sflag:s8] =	ssyncset.done $0x0  }
0x1f9: {  	s16 =	simm.s32 $0x0;
	[sflag:s8] =	ssyncadd.s32 $0xFFFFE000  }
0x1fa: {  	v5 =	vld [tilespmem:s16+$0x2000]  }
0x1fb: {  	v6 =	vld [tilespmem:s16+$0x2010]  }
0x1fc: {  	v1 =	vld [tilespmem:s16+$0x2020]  }
0x1fd: {  	v0 =	vld [tilespmem:s16+$0x2030]  }
0x1fe: {  	v2 =	vld [tilespmem:s16+$0x6000]  }
0x1ff: {  	v4 =	vld [tilespmem:s16+$0x6010]  }
0x200: {  	s23 =	simm.s32 $0x100;
	v3 =	vld [tilespmem:s16+$0x6020]  }
.LBB2_32:
0x201: {  	s24 =	sshra.s32 s23, $0x2;
	p0 =	sne.s32 s23, $0x7F00;
	v7 =	vld [tilespmem:s16+$0x6030];
	v8 =	vmov v1  }
0x202: {  	v9 =	vld [tilespmem:s24+$0x2000];
	v10 =	vmov v0  }
0x203: {  	v11 =	vld [tilespmem:s24+$0x2010];
	v2 =	vadd.f32 v5, v2  }
.Ltmp19:
0x204: {  	v1 =	vld [tilespmem:s24+$0x2020];
	v4 =	vadd.f32 v6, v4;
	(pc) =	sbr.rel @p0 .LBB2_32-.Ltmp19, $4  }
0x205: {  	v0 =	vld [tilespmem:s24+$0x2030];
	[tilespmem:s16+$0x6000] =	vst v2;
	v3 =	vadd.f32 v8, v3  }
0x206: {  	v2 =	vld [tilespmem:s24+$0x6000];
	[tilespmem:s16+$0x6010] =	vst v4;
	v7 =	vadd.f32 v10, v7  }
0x207: {  	v4 =	vld [tilespmem:s24+$0x6010];
	[tilespmem:s16+$0x6020] =	vst v3;
	v5 =	vmov v9  }
0x208: {  	s23 =	sadd.s32 $0x100, s23;
	v3 =	vld [tilespmem:s24+$0x6020];
	[tilespmem:s16+$0x6030] =	vst v7;
	v6 =	vmov v11;
	s16 =	smov.u32 s24  }
0x209: {  	v7 =	vld [tilespmem:s16+$0x6030];
	_ =	sdelay $0x1  }
0x20a: {  	v2 =	vadd.f32 v5, v2  }
0x20b: {  	v4 =	vadd.f32 v6, v4  }
0x20c: {  	[tilespmem:s16+$0x6000] =	vst v2;
	v1 =	vadd.f32 v1, v3  }
0x20d: {  	[tilespmem:s16+$0x6010] =	vst v4;
	v0 =	vadd.f32 v0, v7  }
0x20e: {  	[tilespmem:s16+$0x6020] =	vst v1  }
0x20f: {  	s28 =	simm.s32 $0x0;
	[tilespmem:s16+$0x6030] =	vst v0  }
0x210: {  	[hbm4b:s18+s28] =	stream.linear.scatter [tilespmem:s6], [sflag:$0x4], $0x2000, $0x38;
	[tilespmem:$0x1C000] =	vst v63  }
0x211: {  	_ =	swait.ge [sflag:s8], $0x2000  }
0x212: {  	[sflag:s8] =	ssyncset.done $0x0  }
0x213: {  	s23 =	rddreg [dreg:$0x7];
	[sflag:s8] =	ssyncadd.s32 $0xFFFFE000  }
0x214: {  	[tilespmem:s6], [sflag:$0x4] =	stream.linear.gather [hbm4b:s23+s28], $0x2000, $0x38;
	[tilespmem:$0x1C000] =	vst v63  }
0x215: {  	_ =	swait.ge [sflag:s8], $0x2000  }
0x216: {  	[sflag:s8] =	ssyncset.done $0x0  }
0x217: {  	s16 =	simm.s32 $0x0;
	[sflag:s8] =	ssyncadd.s32 $0xFFFFE000  }
0x218: {  	v5 =	vld [tilespmem:s16+$0x6000]  }
0x219: {  	v6 =	vld [tilespmem:s16+$0x6010]  }
0x21a: {  	v1 =	vld [tilespmem:s16+$0x6020]  }
0x21b: {  	v0 =	vld [tilespmem:s16+$0x6030]  }
0x21c: {  	v2 =	vld [tilespmem:s16+$0x2000]  }
0x21d: {  	v4 =	vld [tilespmem:s16+$0x2010]  }
0x21e: {  	s23 =	simm.s32 $0x100;
	v3 =	vld [tilespmem:s16+$0x2020]  }
.LBB2_34:
0x21f: {  	s24 =	sshra.s32 s23, $0x2;
	p0 =	sne.s32 s23, $0x7F00;
	v7 =	vld [tilespmem:s16+$0x2030];
	v8 =	vmov v1  }
0x220: {  	v9 =	vld [tilespmem:s24+$0x6000];
	v10 =	vmov v0  }
0x221: {  	v11 =	vld [tilespmem:s24+$0x6010];
	v2 =	vmul.f32 v5, v2  }
.Ltmp20:
0x222: {  	v1 =	vld [tilespmem:s24+$0x6020];
	v4 =	vmul.f32 v6, v4;
	(pc) =	sbr.rel @p0 .LBB2_34-.Ltmp20, $4  }
0x223: {  	v0 =	vld [tilespmem:s24+$0x6030];
	[tilespmem:s16+$0x2000] =	vst v2;
	v3 =	vmul.f32 v8, v3  }
0x224: {  	v2 =	vld [tilespmem:s24+$0x2000];
	[tilespmem:s16+$0x2010] =	vst v4;
	v7 =	vmul.f32 v10, v7  }
0x225: {  	v4 =	vld [tilespmem:s24+$0x2010];
	[tilespmem:s16+$0x2020] =	vst v3;
	v5 =	vmov v9  }
0x226: {  	s23 =	sadd.s32 $0x100, s23;
	v3 =	vld [tilespmem:s24+$0x2020];
	[tilespmem:s16+$0x2030] =	vst v7;
	v6 =	vmov v11;
	s16 =	smov.u32 s24  }
0x227: {  	v7 =	vld [tilespmem:s16+$0x2030];
	_ =	sdelay $0x1  }
0x228: {  	v2 =	vmul.f32 v5, v2  }
0x229: {  	v4 =	vmul.f32 v6, v4  }
0x22a: {  	[tilespmem:s16+$0x2000] =	vst v2;
	v1 =	vmul.f32 v1, v3  }
0x22b: {  	s25 =	sld [smem:$0x7F8];
	[tilespmem:s16+$0x2010] =	vst v4;
	v0 =	vmul.f32 v0, v7  }
0x22c: {  	[tilespmem:s16+$0x2020] =	vst v1  }
0x22d: {  	[tilespmem:s16+$0x2030] =	vst v0  }
0x22e: {  	[spmem:s25] =	stream.linear.scatter [tilespmem:s10], [sflag:$0x4], $0x2000, $0x38;
	[tilespmem:$0x1C000] =	vst v63  }
0x22f: {  	_ =	swait.ge [sflag:s8], $0x2000  }
0x230: {  	s26 =	sld [smem:$0x7FB]  }
0x231: {  	[sflag:s8] =	ssyncset.done $0x0  }
0x232: {  	[sflag:s8] =	ssyncadd.s32 $0xFFFFE000  }
0x233: {  	[tilespmem:s10], [sflag:$0x4] =	stream.linear.gather [spmem:s26], $0x2000, $0x38;
	[tilespmem:$0x1C000] =	vst v63  }
0x234: {  	_ =	swait.ge [sflag:s8], $0x2000  }
0x235: {  	[sflag:s8] =	ssyncset.done $0x0  }
0x236: {  	s28 =	simm.s32 $0x0;
	[sflag:s8] =	ssyncadd.s32 $0xFFFFE000  }
0x237: {  	[tilespmem:s6], [sflag:$0x4] =	stream.linear.gather [hbm4b:s19+s28], $0x2000, $0x38;
	[tilespmem:$0x1C000] =	vst v63  }
0x238: {  	_ =	swait.ge [sflag:s8], $0x2000  }
0x239: {  	[sflag:s8] =	ssyncset.done $0x0  }
0x23a: {  	s16 =	simm.s32 $0x0;
	[sflag:s8] =	ssyncadd.s32 $0xFFFFE000  }
0x23b: {  	v5 =	vld [tilespmem:s16+$0x2000]  }
0x23c: {  	v6 =	vld [tilespmem:s16+$0x2010]  }
0x23d: {  	v1 =	vld [tilespmem:s16+$0x2020]  }
0x23e: {  	v0 =	vld [tilespmem:s16+$0x2030]  }
0x23f: {  	v2 =	vld [tilespmem:s16+$0x6000]  }
0x240: {  	v4 =	vld [tilespmem:s16+$0x6010]  }
0x241: {  	s23 =	simm.s32 $0x100;
	v3 =	vld [tilespmem:s16+$0x6020]  }
.LBB2_36:
0x242: {  	s24 =	sshra.s32 s23, $0x2;
	p0 =	sne.s32 s23, $0x7F00;
	v7 =	vld [tilespmem:s16+$0x6030];
	v8 =	vmov v1  }
0x243: {  	v9 =	vld [tilespmem:s24+$0x2000];
	v10 =	vmov v0  }
0x244: {  	v11 =	vld [tilespmem:s24+$0x2010];
	v2 =	vadd.f32 v5, v2  }
.Ltmp21:
0x245: {  	v1 =	vld [tilespmem:s24+$0x2020];
	v4 =	vadd.f32 v6, v4;
	(pc) =	sbr.rel @p0 .LBB2_36-.Ltmp21, $4  }
0x246: {  	v0 =	vld [tilespmem:s24+$0x2030];
	[tilespmem:s16+$0x6000] =	vst v2;
	v3 =	vadd.f32 v8, v3  }
0x247: {  	v2 =	vld [tilespmem:s24+$0x6000];
	[tilespmem:s16+$0x6010] =	vst v4;
	v7 =	vadd.f32 v10, v7  }
0x248: {  	v4 =	vld [tilespmem:s24+$0x6010];
	[tilespmem:s16+$0x6020] =	vst v3;
	v5 =	vmov v9  }
0x249: {  	s23 =	sadd.s32 $0x100, s23;
	v3 =	vld [tilespmem:s24+$0x6020];
	[tilespmem:s16+$0x6030] =	vst v7;
	v6 =	vmov v11;
	s16 =	smov.u32 s24  }
0x24a: {  	v7 =	vld [tilespmem:s16+$0x6030];
	_ =	sdelay $0x1  }
0x24b: {  	v2 =	vadd.f32 v5, v2  }
0x24c: {  	v4 =	vadd.f32 v6, v4  }
0x24d: {  	[tilespmem:s16+$0x6000] =	vst v2;
	v1 =	vadd.f32 v1, v3  }
0x24e: {  	[tilespmem:s16+$0x6010] =	vst v4;
	v0 =	vadd.f32 v0, v7  }
0x24f: {  	[tilespmem:s16+$0x6020] =	vst v1  }
0x250: {  	s28 =	simm.s32 $0x0;
	[tilespmem:s16+$0x6030] =	vst v0  }
0x251: {  	[hbm4b:s19+s28] =	stream.linear.scatter [tilespmem:s6], [sflag:$0x4], $0x2000, $0x38;
	[tilespmem:$0x1C000] =	vst v63  }
0x252: {  	_ =	swait.ge [sflag:s8], $0x2000  }
0x253: {  	[sflag:s8] =	ssyncset.done $0x0  }
0x254: {  	s23 =	rddreg [dreg:$0x8];
	[sflag:s8] =	ssyncadd.s32 $0xFFFFE000  }
0x255: {  	[tilespmem:s6], [sflag:$0x4] =	stream.linear.gather [hbm4b:s23+s28], $0x2000, $0x38;
	[tilespmem:$0x1C000] =	vst v63  }
0x256: {  	_ =	swait.ge [sflag:s8], $0x2000  }
0x257: {  	[sflag:s8] =	ssyncset.done $0x0  }
0x258: {  	s16 =	simm.s32 $0x0;
	[sflag:s8] =	ssyncadd.s32 $0xFFFFE000  }
0x259: {  	v5 =	vld [tilespmem:s16+$0x6000]  }
0x25a: {  	v6 =	vld [tilespmem:s16+$0x6010]  }
0x25b: {  	v1 =	vld [tilespmem:s16+$0x6020]  }
0x25c: {  	v0 =	vld [tilespmem:s16+$0x6030]  }
0x25d: {  	v2 =	vld [tilespmem:s16+$0x2000]  }
0x25e: {  	v4 =	vld [tilespmem:s16+$0x2010]  }
0x25f: {  	s23 =	simm.s32 $0x100;
	v3 =	vld [tilespmem:s16+$0x2020]  }
.LBB2_38:
0x260: {  	s24 =	sshra.s32 s23, $0x2;
	p0 =	sne.s32 s23, $0x7F00;
	v7 =	vld [tilespmem:s16+$0x2030];
	v8 =	vmov v1  }
0x261: {  	v9 =	vld [tilespmem:s24+$0x6000];
	v10 =	vmov v0  }
0x262: {  	v11 =	vld [tilespmem:s24+$0x6010];
	v2 =	vmul.f32 v5, v2  }
.Ltmp22:
0x263: {  	v1 =	vld [tilespmem:s24+$0x6020];
	v4 =	vmul.f32 v6, v4;
	(pc) =	sbr.rel @p0 .LBB2_38-.Ltmp22, $4  }
0x264: {  	v0 =	vld [tilespmem:s24+$0x6030];
	[tilespmem:s16+$0x2000] =	vst v2;
	v3 =	vmul.f32 v8, v3  }
0x265: {  	v2 =	vld [tilespmem:s24+$0x2000];
	[tilespmem:s16+$0x2010] =	vst v4;
	v7 =	vmul.f32 v10, v7  }
0x266: {  	v4 =	vld [tilespmem:s24+$0x2010];
	[tilespmem:s16+$0x2020] =	vst v3;
	v5 =	vmov v9  }
0x267: {  	s23 =	sadd.s32 $0x100, s23;
	v3 =	vld [tilespmem:s24+$0x2020];
	[tilespmem:s16+$0x2030] =	vst v7;
	v6 =	vmov v11;
	s16 =	smov.u32 s24  }
0x268: {  	v7 =	vld [tilespmem:s16+$0x2030];
	_ =	sdelay $0x1  }
0x269: {  	v2 =	vmul.f32 v5, v2  }
0x26a: {  	v4 =	vmul.f32 v6, v4  }
0x26b: {  	[tilespmem:s16+$0x2000] =	vst v2;
	v1 =	vmul.f32 v1, v3  }
0x26c: {  	s26 =	sld [smem:$0x7FA];
	[tilespmem:s16+$0x2010] =	vst v4;
	v0 =	vmul.f32 v0, v7  }
0x26d: {  	[tilespmem:s16+$0x2020] =	vst v1  }
0x26e: {  	[tilespmem:s16+$0x2030] =	vst v0  }
0x26f: {  	[spmem:s26] =	stream.linear.scatter [tilespmem:s10], [sflag:$0x4], $0x2000, $0x38;
	[tilespmem:$0x1C000] =	vst v63  }
0x270: {  	_ =	swait.ge [sflag:s8], $0x2000  }
0x271: {  	[sflag:s8] =	ssyncset.done $0x0  }
0x272: {  	[sflag:s8] =	ssyncadd.s32 $0xFFFFE000  }
0x273: {  	[tilespmem:s10], [sflag:$0x4] =	stream.linear.gather [spmem:s31], $0x2000, $0x38;
	[tilespmem:$0x1C000] =	vst v63  }
0x274: {  	_ =	swait.ge [sflag:s8], $0x2000  }
0x275: {  	[sflag:s8] =	ssyncset.done $0x0  }
0x276: {  	s28 =	simm.s32 $0x0;
	[sflag:s8] =	ssyncadd.s32 $0xFFFFE000  }
0x277: {  	[tilespmem:s6], [sflag:$0x4] =	stream.linear.gather [hbm4b:s20+s28], $0x2000, $0x38;
	[tilespmem:$0x1C000] =	vst v63  }
0x278: {  	_ =	swait.ge [sflag:s8], $0x2000  }
0x279: {  	[sflag:s8] =	ssyncset.done $0x0  }
0x27a: {  	s16 =	simm.s32 $0x0;
	[sflag:s8] =	ssyncadd.s32 $0xFFFFE000  }
0x27b: {  	v5 =	vld [tilespmem:s16+$0x2000]  }
0x27c: {  	v6 =	vld [tilespmem:s16+$0x2010]  }
0x27d: {  	v1 =	vld [tilespmem:s16+$0x2020]  }
0x27e: {  	v0 =	vld [tilespmem:s16+$0x2030]  }
0x27f: {  	v2 =	vld [tilespmem:s16+$0x6000]  }
0x280: {  	v4 =	vld [tilespmem:s16+$0x6010]  }
0x281: {  	s23 =	simm.s32 $0x100;
	v3 =	vld [tilespmem:s16+$0x6020]  }
.LBB2_40:
0x282: {  	s24 =	sshra.s32 s23, $0x2;
	p0 =	sne.s32 s23, $0x7F00;
	v7 =	vld [tilespmem:s16+$0x6030];
	v8 =	vmov v1  }
0x283: {  	v9 =	vld [tilespmem:s24+$0x2000];
	v10 =	vmov v0  }
0x284: {  	v11 =	vld [tilespmem:s24+$0x2010];
	v2 =	vadd.f32 v5, v2  }
.Ltmp23:
0x285: {  	v1 =	vld [tilespmem:s24+$0x2020];
	v4 =	vadd.f32 v6, v4;
	(pc) =	sbr.rel @p0 .LBB2_40-.Ltmp23, $4  }
0x286: {  	v0 =	vld [tilespmem:s24+$0x2030];
	[tilespmem:s16+$0x6000] =	vst v2;
	v3 =	vadd.f32 v8, v3  }
0x287: {  	v2 =	vld [tilespmem:s24+$0x6000];
	[tilespmem:s16+$0x6010] =	vst v4;
	v7 =	vadd.f32 v10, v7  }
0x288: {  	v4 =	vld [tilespmem:s24+$0x6010];
	[tilespmem:s16+$0x6020] =	vst v3;
	v5 =	vmov v9  }
0x289: {  	s23 =	sadd.s32 $0x100, s23;
	v3 =	vld [tilespmem:s24+$0x6020];
	[tilespmem:s16+$0x6030] =	vst v7;
	v6 =	vmov v11;
	s16 =	smov.u32 s24  }
0x28a: {  	v7 =	vld [tilespmem:s16+$0x6030];
	_ =	sdelay $0x1  }
0x28b: {  	v2 =	vadd.f32 v5, v2  }
0x28c: {  	v4 =	vadd.f32 v6, v4  }
0x28d: {  	[tilespmem:s16+$0x6000] =	vst v2;
	v1 =	vadd.f32 v1, v3  }
0x28e: {  	[tilespmem:s16+$0x6010] =	vst v4;
	v0 =	vadd.f32 v0, v7  }
0x28f: {  	[tilespmem:s16+$0x6020] =	vst v1  }
0x290: {  	s28 =	simm.s32 $0x0;
	[tilespmem:s16+$0x6030] =	vst v0  }
0x291: {  	[hbm4b:s20+s28] =	stream.linear.scatter [tilespmem:s6], [sflag:$0x4], $0x2000, $0x38;
	[tilespmem:$0x1C000] =	vst v63  }
0x292: {  	_ =	swait.ge [sflag:s8], $0x2000  }
0x293: {  	[sflag:s8] =	ssyncset.done $0x0  }
0x294: {  	s23 =	rddreg [dreg:$0x9];
	[sflag:s8] =	ssyncadd.s32 $0xFFFFE000  }
0x295: {  	[tilespmem:s6], [sflag:$0x4] =	stream.linear.gather [hbm4b:s23+s28], $0x2000, $0x38;
	[tilespmem:$0x1C000] =	vst v63  }
0x296: {  	_ =	swait.ge [sflag:s8], $0x2000  }
0x297: {  	[sflag:s8] =	ssyncset.done $0x0  }
0x298: {  	s16 =	simm.s32 $0x0;
	[sflag:s8] =	ssyncadd.s32 $0xFFFFE000  }
0x299: {  	v5 =	vld [tilespmem:s16+$0x6000]  }
0x29a: {  	v6 =	vld [tilespmem:s16+$0x6010]  }
0x29b: {  	v1 =	vld [tilespmem:s16+$0x6020]  }
0x29c: {  	v0 =	vld [tilespmem:s16+$0x6030]  }
0x29d: {  	v2 =	vld [tilespmem:s16+$0x2000]  }
0x29e: {  	v4 =	vld [tilespmem:s16+$0x2010]  }
0x29f: {  	s23 =	simm.s32 $0x100;
	v3 =	vld [tilespmem:s16+$0x2020]  }
.LBB2_42:
0x2a0: {  	s24 =	sshra.s32 s23, $0x2;
	p0 =	sne.s32 s23, $0x7F00;
	v7 =	vld [tilespmem:s16+$0x2030];
	v8 =	vmov v1  }
0x2a1: {  	v9 =	vld [tilespmem:s24+$0x6000];
	v10 =	vmov v0  }
0x2a2: {  	v11 =	vld [tilespmem:s24+$0x6010];
	v2 =	vmul.f32 v5, v2  }
.Ltmp24:
0x2a3: {  	v1 =	vld [tilespmem:s24+$0x6020];
	v4 =	vmul.f32 v6, v4;
	(pc) =	sbr.rel @p0 .LBB2_42-.Ltmp24, $4  }
0x2a4: {  	v0 =	vld [tilespmem:s24+$0x6030];
	[tilespmem:s16+$0x2000] =	vst v2;
	v3 =	vmul.f32 v8, v3  }
0x2a5: {  	v2 =	vld [tilespmem:s24+$0x2000];
	[tilespmem:s16+$0x2010] =	vst v4;
	v7 =	vmul.f32 v10, v7  }
0x2a6: {  	v4 =	vld [tilespmem:s24+$0x2010];
	[tilespmem:s16+$0x2020] =	vst v3;
	v5 =	vmov v9  }
0x2a7: {  	s23 =	sadd.s32 $0x100, s23;
	v3 =	vld [tilespmem:s24+$0x2020];
	[tilespmem:s16+$0x2030] =	vst v7;
	v6 =	vmov v11;
	s16 =	smov.u32 s24  }
0x2a8: {  	v7 =	vld [tilespmem:s16+$0x2030];
	_ =	sdelay $0x1  }
0x2a9: {  	v2 =	vmul.f32 v5, v2  }
0x2aa: {  	v4 =	vmul.f32 v6, v4  }
0x2ab: {  	[tilespmem:s16+$0x2000] =	vst v2;
	v1 =	vmul.f32 v1, v3  }
0x2ac: {  	s26 =	sld [smem:$0x7FC];
	[tilespmem:s16+$0x2010] =	vst v4;
	v0 =	vmul.f32 v0, v7  }
0x2ad: {  	[tilespmem:s16+$0x2020] =	vst v1  }
0x2ae: {  	[tilespmem:s16+$0x2030] =	vst v0  }
0x2af: {  	[spmem:s26] =	stream.linear.scatter [tilespmem:s10], [sflag:$0x4], $0x2000, $0x38;
	[tilespmem:$0x1C000] =	vst v63  }
0x2b0: {  	_ =	swait.ge [sflag:s8], $0x2000  }
0x2b1: {  	[sflag:s8] =	ssyncset.done $0x0  }
0x2b2: {  	[sflag:s8] =	ssyncadd.s32 $0xFFFFE000  }
0x2b3: {  	[tilespmem:s10], [sflag:$0x4] =	stream.linear.gather [spmem:s7], $0x2000, $0x38;
	[tilespmem:$0x1C000] =	vst v63  }
0x2b4: {  	_ =	swait.ge [sflag:s8], $0x2000  }
0x2b5: {  	[sflag:s8] =	ssyncset.done $0x0  }
0x2b6: {  	s28 =	simm.s32 $0x0;
	[sflag:s8] =	ssyncadd.s32 $0xFFFFE000  }
0x2b7: {  	[tilespmem:s6], [sflag:$0x4] =	stream.linear.gather [hbm4b:s21+s28], $0x2000, $0x38;
	[tilespmem:$0x1C000] =	vst v63  }
0x2b8: {  	_ =	swait.ge [sflag:s8], $0x2000  }
0x2b9: {  	[sflag:s8] =	ssyncset.done $0x0  }
0x2ba: {  	s16 =	simm.s32 $0x0;
	[sflag:s8] =	ssyncadd.s32 $0xFFFFE000  }
0x2bb: {  	v5 =	vld [tilespmem:s16+$0x2000]  }
0x2bc: {  	v6 =	vld [tilespmem:s16+$0x2010]  }
0x2bd: {  	v1 =	vld [tilespmem:s16+$0x2020]  }
0x2be: {  	v0 =	vld [tilespmem:s16+$0x2030]  }
0x2bf: {  	v2 =	vld [tilespmem:s16+$0x6000]  }
0x2c0: {  	v4 =	vld [tilespmem:s16+$0x6010]  }
0x2c1: {  	s23 =	simm.s32 $0x100;
	v3 =	vld [tilespmem:s16+$0x6020]  }
.LBB2_44:
0x2c2: {  	s24 =	sshra.s32 s23, $0x2;
	p0 =	sne.s32 s23, $0x7F00;
	v7 =	vld [tilespmem:s16+$0x6030];
	v8 =	vmov v1  }
0x2c3: {  	v9 =	vld [tilespmem:s24+$0x2000];
	v10 =	vmov v0  }
0x2c4: {  	v11 =	vld [tilespmem:s24+$0x2010];
	v2 =	vadd.f32 v5, v2  }
.Ltmp25:
0x2c5: {  	v1 =	vld [tilespmem:s24+$0x2020];
	v4 =	vadd.f32 v6, v4;
	(pc) =	sbr.rel @p0 .LBB2_44-.Ltmp25, $4  }
0x2c6: {  	v0 =	vld [tilespmem:s24+$0x2030];
	[tilespmem:s16+$0x6000] =	vst v2;
	v3 =	vadd.f32 v8, v3  }
0x2c7: {  	v2 =	vld [tilespmem:s24+$0x6000];
	[tilespmem:s16+$0x6010] =	vst v4;
	v7 =	vadd.f32 v10, v7  }
0x2c8: {  	v4 =	vld [tilespmem:s24+$0x6010];
	[tilespmem:s16+$0x6020] =	vst v3;
	v5 =	vmov v9  }
0x2c9: {  	s23 =	sadd.s32 $0x100, s23;
	v3 =	vld [tilespmem:s24+$0x6020];
	[tilespmem:s16+$0x6030] =	vst v7;
	v6 =	vmov v11;
	s16 =	smov.u32 s24  }
0x2ca: {  	v7 =	vld [tilespmem:s16+$0x6030];
	_ =	sdelay $0x1  }
0x2cb: {  	v2 =	vadd.f32 v5, v2  }
0x2cc: {  	v4 =	vadd.f32 v6, v4  }
0x2cd: {  	[tilespmem:s16+$0x6000] =	vst v2;
	v1 =	vadd.f32 v1, v3  }
0x2ce: {  	[tilespmem:s16+$0x6010] =	vst v4;
	v0 =	vadd.f32 v0, v7  }
0x2cf: {  	[tilespmem:s16+$0x6020] =	vst v1  }
0x2d0: {  	s28 =	simm.s32 $0x0;
	[tilespmem:s16+$0x6030] =	vst v0  }
0x2d1: {  	[hbm4b:s21+s28] =	stream.linear.scatter [tilespmem:s6], [sflag:$0x4], $0x2000, $0x38;
	[tilespmem:$0x1C000] =	vst v63  }
0x2d2: {  	_ =	swait.ge [sflag:s8], $0x2000  }
0x2d3: {  	[sflag:s8] =	ssyncset.done $0x0  }
0x2d4: {  	s23 =	rddreg [dreg:$0xa];
	[sflag:s8] =	ssyncadd.s32 $0xFFFFE000  }
0x2d5: {  	[tilespmem:s6], [sflag:$0x4] =	stream.linear.gather [hbm4b:s23+s28], $0x2000, $0x38;
	[tilespmem:$0x1C000] =	vst v63  }
0x2d6: {  	_ =	swait.ge [sflag:s8], $0x2000  }
0x2d7: {  	[sflag:s8] =	ssyncset.done $0x0  }
0x2d8: {  	s16 =	simm.s32 $0x0;
	[sflag:s8] =	ssyncadd.s32 $0xFFFFE000  }
0x2d9: {  	v5 =	vld [tilespmem:s16+$0x6000]  }
0x2da: {  	v6 =	vld [tilespmem:s16+$0x6010]  }
0x2db: {  	v1 =	vld [tilespmem:s16+$0x6020]  }
0x2dc: {  	v0 =	vld [tilespmem:s16+$0x6030]  }
0x2dd: {  	v2 =	vld [tilespmem:s16+$0x2000]  }
0x2de: {  	v4 =	vld [tilespmem:s16+$0x2010]  }
0x2df: {  	s23 =	simm.s32 $0x100;
	v3 =	vld [tilespmem:s16+$0x2020]  }
.LBB2_46:
0x2e0: {  	s24 =	sshra.s32 s23, $0x2;
	p0 =	sne.s32 s23, $0x7F00;
	v7 =	vld [tilespmem:s16+$0x2030];
	v8 =	vmov v1  }
0x2e1: {  	v9 =	vld [tilespmem:s24+$0x6000];
	v10 =	vmov v0  }
0x2e2: {  	v11 =	vld [tilespmem:s24+$0x6010];
	v2 =	vmul.f32 v5, v2  }
.Ltmp26:
0x2e3: {  	v1 =	vld [tilespmem:s24+$0x6020];
	v4 =	vmul.f32 v6, v4;
	(pc) =	sbr.rel @p0 .LBB2_46-.Ltmp26, $4  }
0x2e4: {  	v0 =	vld [tilespmem:s24+$0x6030];
	[tilespmem:s16+$0x2000] =	vst v2;
	v3 =	vmul.f32 v8, v3  }
0x2e5: {  	v2 =	vld [tilespmem:s24+$0x2000];
	[tilespmem:s16+$0x2010] =	vst v4;
	v7 =	vmul.f32 v10, v7  }
0x2e6: {  	v4 =	vld [tilespmem:s24+$0x2010];
	[tilespmem:s16+$0x2020] =	vst v3;
	v5 =	vmov v9  }
0x2e7: {  	s23 =	sadd.s32 $0x100, s23;
	v3 =	vld [tilespmem:s24+$0x2020];
	[tilespmem:s16+$0x2030] =	vst v7;
	v6 =	vmov v11;
	s16 =	smov.u32 s24  }
0x2e8: {  	v7 =	vld [tilespmem:s16+$0x2030];
	_ =	sdelay $0x1  }
0x2e9: {  	v2 =	vmul.f32 v5, v2  }
0x2ea: {  	v4 =	vmul.f32 v6, v4  }
0x2eb: {  	[tilespmem:s16+$0x2000] =	vst v2;
	v1 =	vmul.f32 v1, v3  }
0x2ec: {  	[tilespmem:s16+$0x2010] =	vst v4;
	v0 =	vmul.f32 v0, v7  }
0x2ed: {  	[tilespmem:s16+$0x2020] =	vst v1  }
0x2ee: {  	[tilespmem:s16+$0x2030] =	vst v0  }
0x2ef: {  	[spmem:s29] =	stream.linear.scatter [tilespmem:s10], [sflag:$0x4], $0x2000, $0x38;
	[tilespmem:$0x1C000] =	vst v63  }
0x2f0: {  	_ =	swait.ge [sflag:s8], $0x2000  }
0x2f1: {  	[sflag:s8] =	ssyncset.done $0x0  }
0x2f2: {  	[sflag:s8] =	ssyncadd.s32 $0xFFFFE000  }
0x2f3: {  	[bflag:$0x0] =	sbarrier.arrive $0xFFFF  }
0x2f4: {  	s23 =	rddreg [dreg:$0x2]  }
0x2f5: {  	[spmem:s15], [sflag:s14] =	dma.local [hbm:s23], $0x1400  }
0x2f6: {  	_ =	swait.ge [sflag:s8], $0x1400  }
0x2f7: {  	[sflag:s8] =	ssyncset.done $0x0  }
0x2f8: {  	[sflag:s8] =	ssyncadd.s32 $0xFFFFEC00  }
0x2f9: {  	[bflag:$0x0] =	sbarrier.arrive $0xFFFF  }
0x2fa: {  	s24 =	sld [smem:$0x7F6];
	_ =	sdelay $0x1  }
0x2fb: {  	s25 =	sld [smem:$0x7F7]  }
0x2fc: {  	[tilespmem:s1], [sflag:$0x3] =	stream.linear.gather [hbm4b:s24+s1], $0x800, $0x38;
	[tilespmem:$0x1C000] =	vst v63  }
0x2fd: {  	s26 =	simm.s32 $0x1000  }
0x2fe: {  	[tilespmem:s26], [sflag:$0x3] =	stream.linear.gather [hbm4b:s25+s1], $0x800, $0x38;
	[tilespmem:$0x1C000] =	vst v63  }
0x2ff: {  	_ =	swait.ge [sflag:s2], $0x800  }
0x300: {  	[sflag:s2] =	ssyncset.done $0x0  }
0x301: {  	[sflag:s2] =	ssyncadd.s32 $0xFFFFF800  }
0x302: {  	_ =	swait.ge [sflag:s2], $0x800  }
0x303: {  	[sflag:s2] =	ssyncset.done $0x0  }
0x304: {  	[sflag:s2] =	ssyncadd.s32 $0xFFFFF800  }
0x305: {  	[tilespmem:s10], [sflag:$0x1] =	stream.indirect.gather [spmem:s30], $0x40, s1, s3, $0xb8;
	[tilespmem:$0x1C000] =	vst v63  }
0x306: {  	s28 =	simm.s32 $0x4000  }
0x307: {  	[tilespmem:s28], [sflag:$0x1] =	stream.indirect.gather [spmem:s30], $0x40, s3, s3, $0xb8;
	[tilespmem:$0x1C000] =	vst v63  }
.Ltmp27:
0x308: {  	_ = 	snop;
	(pc) =	sbr.rel .LBB2_48-.Ltmp27, $4  }
0x309: {  	_ =	swait.ge [sflag:s4], $0x2000  }
0x30a: {  	[sflag:s4] =	ssyncset.done $0x0  }
0x30b: {  	s14 =	simm.s32 $0x2;
	s15 =	simm.s32 $0x1080;
	[sflag:s4] =	ssyncadd.s32 $0xFFFFE000  }
0x30c: {  	[spmem:s0] =	stream.indirect.scatter.add.f32 [tilespmem:s10], [sflag:$0x2], $0x40, s26, s3, $0xb8;
	[tilespmem:$0x1C000] =	vst v63  }
.LBB2_51:
0x30d: {  	p1 =	sgt.u32 s14, $0x91  }
0x30e: {  	p2 =	sne.s32 @!p1 s23, $0x2  }
0x30f: {  	p1 =	por p1, p2  }
.Ltmp28:
0x310: {  	_ = 	snop;
	(pc) =	sbr.rel @p1 .LBB2_50-.Ltmp28, $1  }
0x311: {  	_ =	sdelay $0x3  }
0x312: {  	s23 =	sadd.s32 $0xFFFFF080, s15  }
0x313: {  	s23 =	sand.u32 $0x7800, s23  }
0x314: {  	s23 =	sadd.s32 $0x800, s23  }
0x315: {  	s24 =	sadd.s32 s9, s23  }
0x316: {  	s24 =	sshrl.u32 s24, $0x3  }
0x317: {  	s23 =	sand.u32 $0x800, s23;
	s25 =	sadd.s32 s22, s24  }
0x318: {  	[tilespmem:s23], [sflag:$0x3] =	stream.linear.gather [hbm4b:s25+s1], $0x800, $0x38;
	[tilespmem:$0x1C000] =	vst v63  }
0x319: {  	s24 =	sadd.s32 s11, s24;
	s23 =	sor.u32 $0x1000, s23  }
0x31a: {  	[tilespmem:s23], [sflag:$0x3] =	stream.linear.gather [hbm4b:s24+s1], $0x800, $0x38;
	[tilespmem:$0x1C000] =	vst v63  }
0x31b: {  	_ =	swait.ge [sflag:s5], $0x2000  }
0x31c: {  	[sflag:s5] =	ssyncset.done $0x0  }
0x31d: {  	[sflag:s5] =	ssyncadd.s32 $0xFFFFE000  }
.LBB2_53:
0x31e: {  	s23 =	sshll.u32 s16, $0xD;
	s24 =	sadd.s32 $0xFFFFF080, s15  }
0x31f: {  	s23 =	sadd.s32 $0x2000, s23;
	s24 =	sand.u32 $0xF80, s24  }
0x320: {  	[tilespmem:s23], [sflag:$0x1] =	stream.indirect.gather [spmem:s30], $0x40, s24, s3, $0xb8;
	[tilespmem:$0x1C000] =	vst v63  }
0x321: {  	s23 =	sand.u32 $0xF80, s15  }
.LBB2_54:
0x322: {  	s15 =	sadd.s32 $0x80, s15  }
0x323: {  	p0 =	sne.s32 s15, $0x6000  }
.Ltmp29:
0x324: {  	_ = 	snop;
	(pc) =	sbr.rel @!p0 .LBB2_55-.Ltmp29, $4  }
0x325: {  	_ =	swait.ge [sflag:s4], $0x2000;
	s16 =	sshll.u32 s16, $0xD  }
0x326: {  	s23 =	sor.u32 $0x1000, s23;
	[sflag:s4] =	ssyncset.done $0x0;
	s16 =	sxor.u32 $0x2000, s16  }
0x327: {  	s14 =	sadd.s32 $0x1, s14;
	[sflag:s4] =	ssyncadd.s32 $0xFFFFE000;
	s16 =	sadd.s32 $0x2000, s16  }
0x328: {  	[spmem:s0] =	stream.indirect.scatter.add.f32 [tilespmem:s16], [sflag:$0x2], $0x40, s23, s3, $0xb8;
	[tilespmem:$0x1C000] =	vst v63  }
.LBB2_48:
0x329: {  	s23 =	sand.u32 $0xF, s14;
	p0 =	seq.s32 s14, $0xA0  }
0x32a: {  	p1 =	sne.s32 @!p0 s23, $0x0  }
0x32b: {  	p1 =	por p0, p1  }
.Ltmp30:
0x32c: {  	_ = 	snop;
	(pc) =	sbr.rel @p1 .LBB2_51-.Ltmp30, $2  }
0x32d: {  	_ =	sdelay $0x2  }
0x32e: {  	s16 =	sand.u32 $0x1, s14  }
0x32f: {  	_ =	swait.ge [sflag:s2], $0x800  }
0x330: {  	[sflag:s2] =	ssyncset.done $0x0  }
0x331: {  	[sflag:s2] =	ssyncadd.s32 $0xFFFFF800  }
0x332: {  	_ =	swait.ge [sflag:s2], $0x800  }
0x333: {  	[sflag:s2] =	ssyncset.done $0x0  }
0x334: {  	[sflag:s2] =	ssyncadd.s32 $0xFFFFF800  }
.LBB2_50:
.Ltmp31:
0x335: {  	(pc) =	sbr.rel @p0 .LBB2_54-.Ltmp31, $4  }
.Ltmp32:
0x336: {  	(pc) =	sbr.rel @!p0 .LBB2_53-.Ltmp32, $4  }
0x337: {  	_ =	swait.ge [sflag:s5], $0x2000  }
0x338: {  	[sflag:s5] =	ssyncset.done $0x0  }
0x339: {  	s23 =	simm.s32 $0xF80;
	[sflag:s5] =	ssyncadd.s32 $0xFFFFE000  }
0x33a: {  	_ = 	snop  }
.LBB2_55:
0x33b: {  	_ =	swait.ge [sflag:s5], $0x2000  }
0x33c: {  	[sflag:s5] =	ssyncset.done $0x0  }
0x33d: {  	[sflag:s5] =	ssyncadd.s32 $0xFFFFE000  }
0x33e: {  	[bflag:$0x0] =	sbarrier.arrive $0xFFFF  }
0x33f: {  	[tilespmem:s10], [sflag:$0x4] =	stream.linear.gather [spmem:s13], $0x2000, $0x38;
	[tilespmem:$0x1C000] =	vst v63  }
0x340: {  	_ =	swait.ge [sflag:s8], $0x2000  }
0x341: {  	[sflag:s8] =	ssyncset.done $0x0  }
0x342: {  	s14 =	simm.s32 $0x0;
	[sflag:s8] =	ssyncadd.s32 $0xFFFFE000  }
0x343: {  	[tilespmem:s6], [sflag:$0x4] =	stream.linear.gather [hbm4b:s17+s14], $0x2000, $0x38;
	[tilespmem:$0x1C000] =	vst v63  }
0x344: {  	_ =	swait.ge [sflag:s8], $0x2000  }
0x345: {  	[sflag:s8] =	ssyncset.done $0x0  }
0x346: {  	s14 =	simm.s32 $0x0;
	[sflag:s8] =	ssyncadd.s32 $0xFFFFE000  }
0x347: {  	v5 =	vld [tilespmem:s14+$0x6000]  }
0x348: {  	v6 =	vld [tilespmem:s14+$0x6010]  }
0x349: {  	v1 =	vld [tilespmem:s14+$0x6020]  }
0x34a: {  	v0 =	vld [tilespmem:s14+$0x6030]  }
0x34b: {  	v2 =	vld [tilespmem:s14+$0x2000]  }
0x34c: {  	v4 =	vld [tilespmem:s14+$0x2010]  }
0x34d: {  	s15 =	simm.s32 $0x100;
	v3 =	vld [tilespmem:s14+$0x2020]  }
.LBB2_56:
0x34e: {  	s16 =	sshra.s32 s15, $0x2;
	p0 =	sne.s32 s15, $0x7F00;
	v7 =	vld [tilespmem:s14+$0x2030];
	v8 =	vmov v1  }
0x34f: {  	v9 =	vld [tilespmem:s16+$0x6000];
	v10 =	vmov v0  }
0x350: {  	v11 =	vld [tilespmem:s16+$0x6010];
	v2 =	vadd.f32 v5, v2  }
.Ltmp33:
0x351: {  	v1 =	vld [tilespmem:s16+$0x6020];
	v4 =	vadd.f32 v6, v4;
	(pc) =	sbr.rel @p0 .LBB2_56-.Ltmp33, $4  }
0x352: {  	v0 =	vld [tilespmem:s16+$0x6030];
	[tilespmem:s14+$0x2000] =	vst v2;
	v3 =	vadd.f32 v8, v3  }
0x353: {  	v2 =	vld [tilespmem:s16+$0x2000];
	[tilespmem:s14+$0x2010] =	vst v4;
	v7 =	vadd.f32 v10, v7  }
0x354: {  	v4 =	vld [tilespmem:s16+$0x2010];
	[tilespmem:s14+$0x2020] =	vst v3;
	v5 =	vmov v9  }
0x355: {  	s15 =	sadd.s32 $0x100, s15;
	v3 =	vld [tilespmem:s16+$0x2020];
	[tilespmem:s14+$0x2030] =	vst v7;
	v6 =	vmov v11;
	s14 =	smov.u32 s16  }
0x356: {  	v7 =	vld [tilespmem:s14+$0x2030];
	_ =	sdelay $0x1  }
0x357: {  	v2 =	vadd.f32 v5, v2  }
0x358: {  	v4 =	vadd.f32 v6, v4  }
0x359: {  	[tilespmem:s14+$0x2000] =	vst v2;
	v1 =	vadd.f32 v1, v3  }
0x35a: {  	[tilespmem:s14+$0x2010] =	vst v4;
	v0 =	vadd.f32 v0, v7  }
0x35b: {  	[tilespmem:s14+$0x2020] =	vst v1  }
0x35c: {  	s28 =	simm.s32 $0x0;
	s15 =	rddreg [dreg:$0xb];
	[tilespmem:s14+$0x2030] =	vst v0  }
0x35d: {  	[tilespmem:s6], [sflag:$0x4] =	stream.linear.gather [hbm4b:s15+s28], $0x2000, $0x38;
	[tilespmem:$0x1C000] =	vst v63  }
0x35e: {  	_ =	swait.ge [sflag:s8], $0x2000  }
0x35f: {  	[sflag:s8] =	ssyncset.done $0x0  }
0x360: {  	s14 =	simm.s32 $0x0;
	[sflag:s8] =	ssyncadd.s32 $0xFFFFE000  }
0x361: {  	v5 =	vld [tilespmem:s14+$0x6000]  }
0x362: {  	v6 =	vld [tilespmem:s14+$0x6010]  }
0x363: {  	v1 =	vld [tilespmem:s14+$0x6020]  }
0x364: {  	v0 =	vld [tilespmem:s14+$0x6030]  }
0x365: {  	v2 =	vld [tilespmem:s14+$0x2000]  }
0x366: {  	v4 =	vld [tilespmem:s14+$0x2010]  }
0x367: {  	s15 =	simm.s32 $0x100;
	v3 =	vld [tilespmem:s14+$0x2020]  }
.LBB2_58:
0x368: {  	s16 =	sshra.s32 s15, $0x2;
	p0 =	sne.s32 s15, $0x7F00;
	v7 =	vld [tilespmem:s14+$0x2030];
	v8 =	vmov v1  }
0x369: {  	v9 =	vld [tilespmem:s16+$0x6000];
	v10 =	vmov v0  }
0x36a: {  	v11 =	vld [tilespmem:s16+$0x6010];
	v2 =	vmul.f32 v5, v2  }
.Ltmp34:
0x36b: {  	v1 =	vld [tilespmem:s16+$0x6020];
	v4 =	vmul.f32 v6, v4;
	(pc) =	sbr.rel @p0 .LBB2_58-.Ltmp34, $4  }
0x36c: {  	v0 =	vld [tilespmem:s16+$0x6030];
	[tilespmem:s14+$0x2000] =	vst v2;
	v3 =	vmul.f32 v8, v3  }
0x36d: {  	v2 =	vld [tilespmem:s16+$0x2000];
	[tilespmem:s14+$0x2010] =	vst v4;
	v7 =	vmul.f32 v10, v7  }
0x36e: {  	v4 =	vld [tilespmem:s16+$0x2010];
	[tilespmem:s14+$0x2020] =	vst v3;
	v5 =	vmov v9  }
0x36f: {  	s15 =	sadd.s32 $0x100, s15;
	v3 =	vld [tilespmem:s16+$0x2020];
	[tilespmem:s14+$0x2030] =	vst v7;
	v6 =	vmov v11;
	s14 =	smov.u32 s16  }
0x370: {  	v7 =	vld [tilespmem:s14+$0x2030];
	_ =	sdelay $0x1  }
0x371: {  	v2 =	vmul.f32 v5, v2  }
0x372: {  	v4 =	vmul.f32 v6, v4  }
0x373: {  	[tilespmem:s14+$0x2000] =	vst v2;
	v1 =	vmul.f32 v1, v3  }
0x374: {  	[tilespmem:s14+$0x2010] =	vst v4;
	v0 =	vmul.f32 v0, v7  }
0x375: {  	[tilespmem:s14+$0x2020] =	vst v1  }
0x376: {  	s28 =	simm.s32 $0x0;
	s15 =	rddreg [dreg:$0x15];
	[tilespmem:s14+$0x2030] =	vst v0  }
0x377: {  	[tilespmem:s6], [sflag:$0x4] =	stream.linear.gather [hbm4b:s15+s28], $0x2000, $0x38;
	[tilespmem:$0x1C000] =	vst v63  }
0x378: {  	_ =	swait.ge [sflag:s8], $0x2000  }
0x379: {  	[sflag:s8] =	ssyncset.done $0x0  }
0x37a: {  	s14 =	simm.s32 $0x0;
	[sflag:s8] =	ssyncadd.s32 $0xFFFFE000  }
0x37b: {  	v5 =	vld [tilespmem:s14+$0x6000]  }
0x37c: {  	v6 =	vld [tilespmem:s14+$0x6010]  }
0x37d: {  	v1 =	vld [tilespmem:s14+$0x6020]  }
0x37e: {  	v0 =	vld [tilespmem:s14+$0x6030]  }
0x37f: {  	v2 =	vld [tilespmem:s14+$0x2000]  }
0x380: {  	v4 =	vld [tilespmem:s14+$0x2010]  }
0x381: {  	s15 =	simm.s32 $0x100;
	v3 =	vld [tilespmem:s14+$0x2020]  }
.LBB2_60:
0x382: {  	s16 =	sshra.s32 s15, $0x2;
	p0 =	sne.s32 s15, $0x7F00;
	v7 =	vld [tilespmem:s14+$0x2030];
	v8 =	vmov v1  }
0x383: {  	v9 =	vld [tilespmem:s16+$0x6000];
	v10 =	vmov v0  }
0x384: {  	v11 =	vld [tilespmem:s16+$0x6010];
	v2 =	vadd.f32 v5, v2  }
.Ltmp35:
0x385: {  	v1 =	vld [tilespmem:s16+$0x6020];
	v4 =	vadd.f32 v6, v4;
	(pc) =	sbr.rel @p0 .LBB2_60-.Ltmp35, $4  }
0x386: {  	v0 =	vld [tilespmem:s16+$0x6030];
	[tilespmem:s14+$0x2000] =	vst v2;
	v3 =	vadd.f32 v8, v3  }
0x387: {  	v2 =	vld [tilespmem:s16+$0x2000];
	[tilespmem:s14+$0x2010] =	vst v4;
	v7 =	vadd.f32 v10, v7  }
0x388: {  	v4 =	vld [tilespmem:s16+$0x2010];
	[tilespmem:s14+$0x2020] =	vst v3;
	v5 =	vmov v9  }
0x389: {  	s15 =	sadd.s32 $0x100, s15;
	v3 =	vld [tilespmem:s16+$0x2020];
	[tilespmem:s14+$0x2030] =	vst v7;
	v6 =	vmov v11;
	s14 =	smov.u32 s16  }
0x38a: {  	v7 =	vld [tilespmem:s14+$0x2030];
	_ =	sdelay $0x1  }
0x38b: {  	v2 =	vadd.f32 v5, v2  }
0x38c: {  	v4 =	vadd.f32 v6, v4  }
0x38d: {  	[tilespmem:s14+$0x2000] =	vst v2;
	v1 =	vadd.f32 v1, v3  }
0x38e: {  	[tilespmem:s14+$0x2010] =	vst v4;
	v0 =	vadd.f32 v0, v7  }
0x38f: {  	[tilespmem:s14+$0x2020] =	vst v1  }
0x390: {  	s26 =	simm.s32 $0x0;
	s15 =	rddreg [dreg:$0x16];
	[tilespmem:s14+$0x2030] =	vst v0  }
0x391: {  	[hbm4b:s15+s26] =	stream.linear.scatter [tilespmem:s10], [sflag:$0x4], $0x2000, $0x38;
	[tilespmem:$0x1C000] =	vst v63  }
0x392: {  	_ =	swait.ge [sflag:s8], $0x2000  }
0x393: {  	s28 =	sld [smem:$0x7F9]  }
0x394: {  	[sflag:s8] =	ssyncset.done $0x0  }
0x395: {  	[sflag:s8] =	ssyncadd.s32 $0xFFFFE000  }
0x396: {  	[tilespmem:s10], [sflag:$0x4] =	stream.linear.gather [spmem:s28], $0x2000, $0x38;
	[tilespmem:$0x1C000] =	vst v63  }
0x397: {  	_ =	swait.ge [sflag:s8], $0x2000  }
0x398: {  	[sflag:s8] =	ssyncset.done $0x0  }
0x399: {  	[sflag:s8] =	ssyncadd.s32 $0xFFFFE000  }
0x39a: {  	[tilespmem:s6], [sflag:$0x4] =	stream.linear.gather [hbm4b:s18+s26], $0x2000, $0x38;
	[tilespmem:$0x1C000] =	vst v63  }
0x39b: {  	_ =	swait.ge [sflag:s8], $0x2000  }
0x39c: {  	[sflag:s8] =	ssyncset.done $0x0  }
0x39d: {  	s14 =	simm.s32 $0x0;
	[sflag:s8] =	ssyncadd.s32 $0xFFFFE000  }
0x39e: {  	v5 =	vld [tilespmem:s14+$0x6000]  }
0x39f: {  	v6 =	vld [tilespmem:s14+$0x6010]  }
0x3a0: {  	v1 =	vld [tilespmem:s14+$0x6020]  }
0x3a1: {  	v0 =	vld [tilespmem:s14+$0x6030]  }
0x3a2: {  	v2 =	vld [tilespmem:s14+$0x2000]  }
0x3a3: {  	v4 =	vld [tilespmem:s14+$0x2010]  }
0x3a4: {  	s15 =	simm.s32 $0x100;
	v3 =	vld [tilespmem:s14+$0x2020]  }
.LBB2_62:
0x3a5: {  	s16 =	sshra.s32 s15, $0x2;
	p0 =	sne.s32 s15, $0x7F00;
	v7 =	vld [tilespmem:s14+$0x2030];
	v8 =	vmov v1  }
0x3a6: {  	v9 =	vld [tilespmem:s16+$0x6000];
	v10 =	vmov v0  }
0x3a7: {  	v11 =	vld [tilespmem:s16+$0x6010];
	v2 =	vadd.f32 v5, v2  }
.Ltmp36:
0x3a8: {  	v1 =	vld [tilespmem:s16+$0x6020];
	v4 =	vadd.f32 v6, v4;
	(pc) =	sbr.rel @p0 .LBB2_62-.Ltmp36, $4  }
0x3a9: {  	v0 =	vld [tilespmem:s16+$0x6030];
	[tilespmem:s14+$0x2000] =	vst v2;
	v3 =	vadd.f32 v8, v3  }
0x3aa: {  	v2 =	vld [tilespmem:s16+$0x2000];
	[tilespmem:s14+$0x2010] =	vst v4;
	v7 =	vadd.f32 v10, v7  }
0x3ab: {  	v4 =	vld [tilespmem:s16+$0x2010];
	[tilespmem:s14+$0x2020] =	vst v3;
	v5 =	vmov v9  }
0x3ac: {  	s15 =	sadd.s32 $0x100, s15;
	v3 =	vld [tilespmem:s16+$0x2020];
	[tilespmem:s14+$0x2030] =	vst v7;
	v6 =	vmov v11;
	s14 =	smov.u32 s16  }
0x3ad: {  	v7 =	vld [tilespmem:s14+$0x2030];
	_ =	sdelay $0x1  }
0x3ae: {  	v2 =	vadd.f32 v5, v2  }
0x3af: {  	v4 =	vadd.f32 v6, v4  }
0x3b0: {  	[tilespmem:s14+$0x2000] =	vst v2;
	v1 =	vadd.f32 v1, v3  }
0x3b1: {  	[tilespmem:s14+$0x2010] =	vst v4;
	v0 =	vadd.f32 v0, v7  }
0x3b2: {  	[tilespmem:s14+$0x2020] =	vst v1  }
0x3b3: {  	s28 =	simm.s32 $0x0;
	s15 =	rddreg [dreg:$0xc];
	[tilespmem:s14+$0x2030] =	vst v0  }
0x3b4: {  	[tilespmem:s6], [sflag:$0x4] =	stream.linear.gather [hbm4b:s15+s28], $0x2000, $0x38;
	[tilespmem:$0x1C000] =	vst v63  }
0x3b5: {  	_ =	swait.ge [sflag:s8], $0x2000  }
0x3b6: {  	[sflag:s8] =	ssyncset.done $0x0  }
0x3b7: {  	s14 =	simm.s32 $0x0;
	[sflag:s8] =	ssyncadd.s32 $0xFFFFE000  }
0x3b8: {  	v5 =	vld [tilespmem:s14+$0x6000]  }
0x3b9: {  	v6 =	vld [tilespmem:s14+$0x6010]  }
0x3ba: {  	v1 =	vld [tilespmem:s14+$0x6020]  }
0x3bb: {  	v0 =	vld [tilespmem:s14+$0x6030]  }
0x3bc: {  	v2 =	vld [tilespmem:s14+$0x2000]  }
0x3bd: {  	v4 =	vld [tilespmem:s14+$0x2010]  }
0x3be: {  	s15 =	simm.s32 $0x100;
	v3 =	vld [tilespmem:s14+$0x2020]  }
.LBB2_64:
0x3bf: {  	s16 =	sshra.s32 s15, $0x2;
	p0 =	sne.s32 s15, $0x7F00;
	v7 =	vld [tilespmem:s14+$0x2030];
	v8 =	vmov v1  }
0x3c0: {  	v9 =	vld [tilespmem:s16+$0x6000];
	v10 =	vmov v0  }
0x3c1: {  	v11 =	vld [tilespmem:s16+$0x6010];
	v2 =	vmul.f32 v5, v2  }
.Ltmp37:
0x3c2: {  	v1 =	vld [tilespmem:s16+$0x6020];
	v4 =	vmul.f32 v6, v4;
	(pc) =	sbr.rel @p0 .LBB2_64-.Ltmp37, $4  }
0x3c3: {  	v0 =	vld [tilespmem:s16+$0x6030];
	[tilespmem:s14+$0x2000] =	vst v2;
	v3 =	vmul.f32 v8, v3  }
0x3c4: {  	v2 =	vld [tilespmem:s16+$0x2000];
	[tilespmem:s14+$0x2010] =	vst v4;
	v7 =	vmul.f32 v10, v7  }
0x3c5: {  	v4 =	vld [tilespmem:s16+$0x2010];
	[tilespmem:s14+$0x2020] =	vst v3;
	v5 =	vmov v9  }
0x3c6: {  	s15 =	sadd.s32 $0x100, s15;
	v3 =	vld [tilespmem:s16+$0x2020];
	[tilespmem:s14+$0x2030] =	vst v7;
	v6 =	vmov v11;
	s14 =	smov.u32 s16  }
0x3c7: {  	v7 =	vld [tilespmem:s14+$0x2030];
	_ =	sdelay $0x1  }
0x3c8: {  	v2 =	vmul.f32 v5, v2  }
0x3c9: {  	v4 =	vmul.f32 v6, v4  }
0x3ca: {  	[tilespmem:s14+$0x2000] =	vst v2;
	v1 =	vmul.f32 v1, v3  }
0x3cb: {  	[tilespmem:s14+$0x2010] =	vst v4;
	v0 =	vmul.f32 v0, v7  }
0x3cc: {  	[tilespmem:s14+$0x2020] =	vst v1  }
0x3cd: {  	s28 =	simm.s32 $0x0;
	s15 =	rddreg [dreg:$0x17];
	[tilespmem:s14+$0x2030] =	vst v0  }
0x3ce: {  	[tilespmem:s6], [sflag:$0x4] =	stream.linear.gather [hbm4b:s15+s28], $0x2000, $0x38;
	[tilespmem:$0x1C000] =	vst v63  }
0x3cf: {  	_ =	swait.ge [sflag:s8], $0x2000  }
0x3d0: {  	[sflag:s8] =	ssyncset.done $0x0  }
0x3d1: {  	s14 =	simm.s32 $0x0;
	[sflag:s8] =	ssyncadd.s32 $0xFFFFE000  }
0x3d2: {  	v5 =	vld [tilespmem:s14+$0x6000]  }
0x3d3: {  	v6 =	vld [tilespmem:s14+$0x6010]  }
0x3d4: {  	v1 =	vld [tilespmem:s14+$0x6020]  }
0x3d5: {  	v0 =	vld [tilespmem:s14+$0x6030]  }
0x3d6: {  	v2 =	vld [tilespmem:s14+$0x2000]  }
0x3d7: {  	v4 =	vld [tilespmem:s14+$0x2010]  }
0x3d8: {  	s15 =	simm.s32 $0x100;
	v3 =	vld [tilespmem:s14+$0x2020]  }
.LBB2_66:
0x3d9: {  	s16 =	sshra.s32 s15, $0x2;
	p0 =	sne.s32 s15, $0x7F00;
	v7 =	vld [tilespmem:s14+$0x2030];
	v8 =	vmov v1  }
0x3da: {  	v9 =	vld [tilespmem:s16+$0x6000];
	v10 =	vmov v0  }
0x3db: {  	v11 =	vld [tilespmem:s16+$0x6010];
	v2 =	vadd.f32 v5, v2  }
.Ltmp38:
0x3dc: {  	v1 =	vld [tilespmem:s16+$0x6020];
	v4 =	vadd.f32 v6, v4;
	(pc) =	sbr.rel @p0 .LBB2_66-.Ltmp38, $4  }
0x3dd: {  	v0 =	vld [tilespmem:s16+$0x6030];
	[tilespmem:s14+$0x2000] =	vst v2;
	v3 =	vadd.f32 v8, v3  }
0x3de: {  	v2 =	vld [tilespmem:s16+$0x2000];
	[tilespmem:s14+$0x2010] =	vst v4;
	v7 =	vadd.f32 v10, v7  }
0x3df: {  	v4 =	vld [tilespmem:s16+$0x2010];
	[tilespmem:s14+$0x2020] =	vst v3;
	v5 =	vmov v9  }
0x3e0: {  	s15 =	sadd.s32 $0x100, s15;
	v3 =	vld [tilespmem:s16+$0x2020];
	[tilespmem:s14+$0x2030] =	vst v7;
	v6 =	vmov v11;
	s14 =	smov.u32 s16  }
0x3e1: {  	v7 =	vld [tilespmem:s14+$0x2030];
	_ =	sdelay $0x1  }
0x3e2: {  	v2 =	vadd.f32 v5, v2  }
0x3e3: {  	v4 =	vadd.f32 v6, v4  }
0x3e4: {  	[tilespmem:s14+$0x2000] =	vst v2;
	v1 =	vadd.f32 v1, v3  }
0x3e5: {  	[tilespmem:s14+$0x2010] =	vst v4;
	v0 =	vadd.f32 v0, v7  }
0x3e6: {  	[tilespmem:s14+$0x2020] =	vst v1  }
0x3e7: {  	s26 =	simm.s32 $0x0;
	s15 =	rddreg [dreg:$0x18];
	[tilespmem:s14+$0x2030] =	vst v0  }
0x3e8: {  	[hbm4b:s15+s26] =	stream.linear.scatter [tilespmem:s10], [sflag:$0x4], $0x2000, $0x38;
	[tilespmem:$0x1C000] =	vst v63  }
0x3e9: {  	_ =	swait.ge [sflag:s8], $0x2000  }
0x3ea: {  	s28 =	sld [smem:$0x7FB]  }
0x3eb: {  	[sflag:s8] =	ssyncset.done $0x0  }
0x3ec: {  	[sflag:s8] =	ssyncadd.s32 $0xFFFFE000  }
0x3ed: {  	[tilespmem:s10], [sflag:$0x4] =	stream.linear.gather [spmem:s28], $0x2000, $0x38;
	[tilespmem:$0x1C000] =	vst v63  }
0x3ee: {  	_ =	swait.ge [sflag:s8], $0x2000  }
0x3ef: {  	[sflag:s8] =	ssyncset.done $0x0  }
0x3f0: {  	[sflag:s8] =	ssyncadd.s32 $0xFFFFE000  }
0x3f1: {  	[tilespmem:s6], [sflag:$0x4] =	stream.linear.gather [hbm4b:s19+s26], $0x2000, $0x38;
	[tilespmem:$0x1C000] =	vst v63  }
0x3f2: {  	_ =	swait.ge [sflag:s8], $0x2000  }
0x3f3: {  	[sflag:s8] =	ssyncset.done $0x0  }
0x3f4: {  	s14 =	simm.s32 $0x0;
	[sflag:s8] =	ssyncadd.s32 $0xFFFFE000  }
0x3f5: {  	v5 =	vld [tilespmem:s14+$0x6000]  }
0x3f6: {  	v6 =	vld [tilespmem:s14+$0x6010]  }
0x3f7: {  	v1 =	vld [tilespmem:s14+$0x6020]  }
0x3f8: {  	v0 =	vld [tilespmem:s14+$0x6030]  }
0x3f9: {  	v2 =	vld [tilespmem:s14+$0x2000]  }
0x3fa: {  	v4 =	vld [tilespmem:s14+$0x2010]  }
0x3fb: {  	s15 =	simm.s32 $0x100;
	v3 =	vld [tilespmem:s14+$0x2020]  }
.LBB2_68:
0x3fc: {  	s16 =	sshra.s32 s15, $0x2;
	p0 =	sne.s32 s15, $0x7F00;
	v7 =	vld [tilespmem:s14+$0x2030];
	v8 =	vmov v1  }
0x3fd: {  	v9 =	vld [tilespmem:s16+$0x6000];
	v10 =	vmov v0  }
0x3fe: {  	v11 =	vld [tilespmem:s16+$0x6010];
	v2 =	vadd.f32 v5, v2  }
.Ltmp39:
0x3ff: {  	v1 =	vld [tilespmem:s16+$0x6020];
	v4 =	vadd.f32 v6, v4;
	(pc) =	sbr.rel @p0 .LBB2_68-.Ltmp39, $4  }
0x400: {  	v0 =	vld [tilespmem:s16+$0x6030];
	[tilespmem:s14+$0x2000] =	vst v2;
	v3 =	vadd.f32 v8, v3  }
0x401: {  	v2 =	vld [tilespmem:s16+$0x2000];
	[tilespmem:s14+$0x2010] =	vst v4;
	v7 =	vadd.f32 v10, v7  }
0x402: {  	v4 =	vld [tilespmem:s16+$0x2010];
	[tilespmem:s14+$0x2020] =	vst v3;
	v5 =	vmov v9  }
0x403: {  	s15 =	sadd.s32 $0x100, s15;
	v3 =	vld [tilespmem:s16+$0x2020];
	[tilespmem:s14+$0x2030] =	vst v7;
	v6 =	vmov v11;
	s14 =	smov.u32 s16  }
0x404: {  	v7 =	vld [tilespmem:s14+$0x2030];
	_ =	sdelay $0x1  }
0x405: {  	v2 =	vadd.f32 v5, v2  }
0x406: {  	v4 =	vadd.f32 v6, v4  }
0x407: {  	[tilespmem:s14+$0x2000] =	vst v2;
	v1 =	vadd.f32 v1, v3  }
0x408: {  	[tilespmem:s14+$0x2010] =	vst v4;
	v0 =	vadd.f32 v0, v7  }
0x409: {  	[tilespmem:s14+$0x2020] =	vst v1  }
0x40a: {  	s28 =	simm.s32 $0x0;
	s15 =	rddreg [dreg:$0xd];
	[tilespmem:s14+$0x2030] =	vst v0  }
0x40b: {  	[tilespmem:s6], [sflag:$0x4] =	stream.linear.gather [hbm4b:s15+s28], $0x2000, $0x38;
	[tilespmem:$0x1C000] =	vst v63  }
0x40c: {  	_ =	swait.ge [sflag:s8], $0x2000  }
0x40d: {  	[sflag:s8] =	ssyncset.done $0x0  }
0x40e: {  	s14 =	simm.s32 $0x0;
	[sflag:s8] =	ssyncadd.s32 $0xFFFFE000  }
0x40f: {  	v5 =	vld [tilespmem:s14+$0x6000]  }
0x410: {  	v6 =	vld [tilespmem:s14+$0x6010]  }
0x411: {  	v1 =	vld [tilespmem:s14+$0x6020]  }
0x412: {  	v0 =	vld [tilespmem:s14+$0x6030]  }
0x413: {  	v2 =	vld [tilespmem:s14+$0x2000]  }
0x414: {  	v4 =	vld [tilespmem:s14+$0x2010]  }
0x415: {  	s15 =	simm.s32 $0x100;
	v3 =	vld [tilespmem:s14+$0x2020]  }
.LBB2_70:
0x416: {  	s16 =	sshra.s32 s15, $0x2;
	p0 =	sne.s32 s15, $0x7F00;
	v7 =	vld [tilespmem:s14+$0x2030];
	v8 =	vmov v1  }
0x417: {  	v9 =	vld [tilespmem:s16+$0x6000];
	v10 =	vmov v0  }
0x418: {  	v11 =	vld [tilespmem:s16+$0x6010];
	v2 =	vmul.f32 v5, v2  }
.Ltmp40:
0x419: {  	v1 =	vld [tilespmem:s16+$0x6020];
	v4 =	vmul.f32 v6, v4;
	(pc) =	sbr.rel @p0 .LBB2_70-.Ltmp40, $4  }
0x41a: {  	v0 =	vld [tilespmem:s16+$0x6030];
	[tilespmem:s14+$0x2000] =	vst v2;
	v3 =	vmul.f32 v8, v3  }
0x41b: {  	v2 =	vld [tilespmem:s16+$0x2000];
	[tilespmem:s14+$0x2010] =	vst v4;
	v7 =	vmul.f32 v10, v7  }
0x41c: {  	v4 =	vld [tilespmem:s16+$0x2010];
	[tilespmem:s14+$0x2020] =	vst v3;
	v5 =	vmov v9  }
0x41d: {  	s15 =	sadd.s32 $0x100, s15;
	v3 =	vld [tilespmem:s16+$0x2020];
	[tilespmem:s14+$0x2030] =	vst v7;
	v6 =	vmov v11;
	s14 =	smov.u32 s16  }
0x41e: {  	v7 =	vld [tilespmem:s14+$0x2030];
	_ =	sdelay $0x1  }
0x41f: {  	v2 =	vmul.f32 v5, v2  }
0x420: {  	v4 =	vmul.f32 v6, v4  }
0x421: {  	[tilespmem:s14+$0x2000] =	vst v2;
	v1 =	vmul.f32 v1, v3  }
0x422: {  	[tilespmem:s14+$0x2010] =	vst v4;
	v0 =	vmul.f32 v0, v7  }
0x423: {  	[tilespmem:s14+$0x2020] =	vst v1  }
0x424: {  	s28 =	simm.s32 $0x0;
	s15 =	rddreg [dreg:$0x19];
	[tilespmem:s14+$0x2030] =	vst v0  }
0x425: {  	[tilespmem:s6], [sflag:$0x4] =	stream.linear.gather [hbm4b:s15+s28], $0x2000, $0x38;
	[tilespmem:$0x1C000] =	vst v63  }
0x426: {  	_ =	swait.ge [sflag:s8], $0x2000  }
0x427: {  	[sflag:s8] =	ssyncset.done $0x0  }
0x428: {  	s14 =	simm.s32 $0x0;
	[sflag:s8] =	ssyncadd.s32 $0xFFFFE000  }
0x429: {  	v5 =	vld [tilespmem:s14+$0x6000]  }
0x42a: {  	v6 =	vld [tilespmem:s14+$0x6010]  }
0x42b: {  	v1 =	vld [tilespmem:s14+$0x6020]  }
0x42c: {  	v0 =	vld [tilespmem:s14+$0x6030]  }
0x42d: {  	v2 =	vld [tilespmem:s14+$0x2000]  }
0x42e: {  	v4 =	vld [tilespmem:s14+$0x2010]  }
0x42f: {  	s15 =	simm.s32 $0x100;
	v3 =	vld [tilespmem:s14+$0x2020]  }
.LBB2_72:
0x430: {  	s16 =	sshra.s32 s15, $0x2;
	p0 =	sne.s32 s15, $0x7F00;
	v7 =	vld [tilespmem:s14+$0x2030];
	v8 =	vmov v1  }
0x431: {  	v9 =	vld [tilespmem:s16+$0x6000];
	v10 =	vmov v0  }
0x432: {  	v11 =	vld [tilespmem:s16+$0x6010];
	v2 =	vadd.f32 v5, v2  }
.Ltmp41:
0x433: {  	v1 =	vld [tilespmem:s16+$0x6020];
	v4 =	vadd.f32 v6, v4;
	(pc) =	sbr.rel @p0 .LBB2_72-.Ltmp41, $4  }
0x434: {  	v0 =	vld [tilespmem:s16+$0x6030];
	[tilespmem:s14+$0x2000] =	vst v2;
	v3 =	vadd.f32 v8, v3  }
0x435: {  	v2 =	vld [tilespmem:s16+$0x2000];
	[tilespmem:s14+$0x2010] =	vst v4;
	v7 =	vadd.f32 v10, v7  }
0x436: {  	v4 =	vld [tilespmem:s16+$0x2010];
	[tilespmem:s14+$0x2020] =	vst v3;
	v5 =	vmov v9  }
0x437: {  	s15 =	sadd.s32 $0x100, s15;
	v3 =	vld [tilespmem:s16+$0x2020];
	[tilespmem:s14+$0x2030] =	vst v7;
	v6 =	vmov v11;
	s14 =	smov.u32 s16  }
0x438: {  	v7 =	vld [tilespmem:s14+$0x2030];
	_ =	sdelay $0x1  }
0x439: {  	v2 =	vadd.f32 v5, v2  }
0x43a: {  	v4 =	vadd.f32 v6, v4  }
0x43b: {  	[tilespmem:s14+$0x2000] =	vst v2;
	v1 =	vadd.f32 v1, v3  }
0x43c: {  	[tilespmem:s14+$0x2010] =	vst v4;
	v0 =	vadd.f32 v0, v7  }
0x43d: {  	[tilespmem:s14+$0x2020] =	vst v1  }
0x43e: {  	s28 =	simm.s32 $0x0;
	s15 =	rddreg [dreg:$0x1a];
	[tilespmem:s14+$0x2030] =	vst v0  }
0x43f: {  	[hbm4b:s15+s28] =	stream.linear.scatter [tilespmem:s10], [sflag:$0x4], $0x2000, $0x38;
	[tilespmem:$0x1C000] =	vst v63  }
0x440: {  	_ =	swait.ge [sflag:s8], $0x2000  }
0x441: {  	[sflag:s8] =	ssyncset.done $0x0  }
0x442: {  	[sflag:s8] =	ssyncadd.s32 $0xFFFFE000  }
0x443: {  	[tilespmem:s10], [sflag:$0x4] =	stream.linear.gather [spmem:s31], $0x2000, $0x38;
	[tilespmem:$0x1C000] =	vst v63  }
0x444: {  	_ =	swait.ge [sflag:s8], $0x2000  }
0x445: {  	[sflag:s8] =	ssyncset.done $0x0  }
0x446: {  	[sflag:s8] =	ssyncadd.s32 $0xFFFFE000  }
0x447: {  	[tilespmem:s6], [sflag:$0x4] =	stream.linear.gather [hbm4b:s20+s28], $0x2000, $0x38;
	[tilespmem:$0x1C000] =	vst v63  }
0x448: {  	_ =	swait.ge [sflag:s8], $0x2000  }
0x449: {  	[sflag:s8] =	ssyncset.done $0x0  }
0x44a: {  	s14 =	simm.s32 $0x0;
	[sflag:s8] =	ssyncadd.s32 $0xFFFFE000  }
0x44b: {  	v5 =	vld [tilespmem:s14+$0x6000]  }
0x44c: {  	v6 =	vld [tilespmem:s14+$0x6010]  }
0x44d: {  	v1 =	vld [tilespmem:s14+$0x6020]  }
0x44e: {  	v0 =	vld [tilespmem:s14+$0x6030]  }
0x44f: {  	v2 =	vld [tilespmem:s14+$0x2000]  }
0x450: {  	v4 =	vld [tilespmem:s14+$0x2010]  }
0x451: {  	s15 =	simm.s32 $0x100;
	v3 =	vld [tilespmem:s14+$0x2020]  }
.LBB2_74:
0x452: {  	s16 =	sshra.s32 s15, $0x2;
	p0 =	sne.s32 s15, $0x7F00;
	v7 =	vld [tilespmem:s14+$0x2030];
	v8 =	vmov v1  }
0x453: {  	v9 =	vld [tilespmem:s16+$0x6000];
	v10 =	vmov v0  }
0x454: {  	v11 =	vld [tilespmem:s16+$0x6010];
	v2 =	vadd.f32 v5, v2  }
.Ltmp42:
0x455: {  	v1 =	vld [tilespmem:s16+$0x6020];
	v4 =	vadd.f32 v6, v4;
	(pc) =	sbr.rel @p0 .LBB2_74-.Ltmp42, $4  }
0x456: {  	v0 =	vld [tilespmem:s16+$0x6030];
	[tilespmem:s14+$0x2000] =	vst v2;
	v3 =	vadd.f32 v8, v3  }
0x457: {  	v2 =	vld [tilespmem:s16+$0x2000];
	[tilespmem:s14+$0x2010] =	vst v4;
	v7 =	vadd.f32 v10, v7  }
0x458: {  	v4 =	vld [tilespmem:s16+$0x2010];
	[tilespmem:s14+$0x2020] =	vst v3;
	v5 =	vmov v9  }
0x459: {  	s15 =	sadd.s32 $0x100, s15;
	v3 =	vld [tilespmem:s16+$0x2020];
	[tilespmem:s14+$0x2030] =	vst v7;
	v6 =	vmov v11;
	s14 =	smov.u32 s16  }
0x45a: {  	v7 =	vld [tilespmem:s14+$0x2030];
	_ =	sdelay $0x1  }
0x45b: {  	v2 =	vadd.f32 v5, v2  }
0x45c: {  	v4 =	vadd.f32 v6, v4  }
0x45d: {  	[tilespmem:s14+$0x2000] =	vst v2;
	v1 =	vadd.f32 v1, v3  }
0x45e: {  	[tilespmem:s14+$0x2010] =	vst v4;
	v0 =	vadd.f32 v0, v7  }
0x45f: {  	[tilespmem:s14+$0x2020] =	vst v1  }
0x460: {  	s28 =	simm.s32 $0x0;
	s15 =	rddreg [dreg:$0xe];
	[tilespmem:s14+$0x2030] =	vst v0  }
0x461: {  	[tilespmem:s6], [sflag:$0x4] =	stream.linear.gather [hbm4b:s15+s28], $0x2000, $0x38;
	[tilespmem:$0x1C000] =	vst v63  }
0x462: {  	_ =	swait.ge [sflag:s8], $0x2000  }
0x463: {  	[sflag:s8] =	ssyncset.done $0x0  }
0x464: {  	s14 =	simm.s32 $0x0;
	[sflag:s8] =	ssyncadd.s32 $0xFFFFE000  }
0x465: {  	v5 =	vld [tilespmem:s14+$0x6000]  }
0x466: {  	v6 =	vld [tilespmem:s14+$0x6010]  }
0x467: {  	v1 =	vld [tilespmem:s14+$0x6020]  }
0x468: {  	v0 =	vld [tilespmem:s14+$0x6030]  }
0x469: {  	v2 =	vld [tilespmem:s14+$0x2000]  }
0x46a: {  	v4 =	vld [tilespmem:s14+$0x2010]  }
0x46b: {  	s15 =	simm.s32 $0x100;
	v3 =	vld [tilespmem:s14+$0x2020]  }
.LBB2_76:
0x46c: {  	s16 =	sshra.s32 s15, $0x2;
	p0 =	sne.s32 s15, $0x7F00;
	v7 =	vld [tilespmem:s14+$0x2030];
	v8 =	vmov v1  }
0x46d: {  	v9 =	vld [tilespmem:s16+$0x6000];
	v10 =	vmov v0  }
0x46e: {  	v11 =	vld [tilespmem:s16+$0x6010];
	v2 =	vmul.f32 v5, v2  }
.Ltmp43:
0x46f: {  	v1 =	vld [tilespmem:s16+$0x6020];
	v4 =	vmul.f32 v6, v4;
	(pc) =	sbr.rel @p0 .LBB2_76-.Ltmp43, $4  }
0x470: {  	v0 =	vld [tilespmem:s16+$0x6030];
	[tilespmem:s14+$0x2000] =	vst v2;
	v3 =	vmul.f32 v8, v3  }
0x471: {  	v2 =	vld [tilespmem:s16+$0x2000];
	[tilespmem:s14+$0x2010] =	vst v4;
	v7 =	vmul.f32 v10, v7  }
0x472: {  	v4 =	vld [tilespmem:s16+$0x2010];
	[tilespmem:s14+$0x2020] =	vst v3;
	v5 =	vmov v9  }
0x473: {  	s15 =	sadd.s32 $0x100, s15;
	v3 =	vld [tilespmem:s16+$0x2020];
	[tilespmem:s14+$0x2030] =	vst v7;
	v6 =	vmov v11;
	s14 =	smov.u32 s16  }
0x474: {  	v7 =	vld [tilespmem:s14+$0x2030];
	_ =	sdelay $0x1  }
0x475: {  	v2 =	vmul.f32 v5, v2  }
0x476: {  	v4 =	vmul.f32 v6, v4  }
0x477: {  	[tilespmem:s14+$0x2000] =	vst v2;
	v1 =	vmul.f32 v1, v3  }
0x478: {  	[tilespmem:s14+$0x2010] =	vst v4;
	v0 =	vmul.f32 v0, v7  }
0x479: {  	[tilespmem:s14+$0x2020] =	vst v1  }
0x47a: {  	s28 =	simm.s32 $0x0;
	s15 =	rddreg [dreg:$0x1b];
	[tilespmem:s14+$0x2030] =	vst v0  }
0x47b: {  	[tilespmem:s6], [sflag:$0x4] =	stream.linear.gather [hbm4b:s15+s28], $0x2000, $0x38;
	[tilespmem:$0x1C000] =	vst v63  }
0x47c: {  	_ =	swait.ge [sflag:s8], $0x2000  }
0x47d: {  	[sflag:s8] =	ssyncset.done $0x0  }
0x47e: {  	s14 =	simm.s32 $0x0;
	[sflag:s8] =	ssyncadd.s32 $0xFFFFE000  }
0x47f: {  	v5 =	vld [tilespmem:s14+$0x6000]  }
0x480: {  	v6 =	vld [tilespmem:s14+$0x6010]  }
0x481: {  	v1 =	vld [tilespmem:s14+$0x6020]  }
0x482: {  	v0 =	vld [tilespmem:s14+$0x6030]  }
0x483: {  	v2 =	vld [tilespmem:s14+$0x2000]  }
0x484: {  	v4 =	vld [tilespmem:s14+$0x2010]  }
0x485: {  	s15 =	simm.s32 $0x100;
	v3 =	vld [tilespmem:s14+$0x2020]  }
.LBB2_78:
0x486: {  	s16 =	sshra.s32 s15, $0x2;
	p0 =	sne.s32 s15, $0x7F00;
	v7 =	vld [tilespmem:s14+$0x2030];
	v8 =	vmov v1  }
0x487: {  	v9 =	vld [tilespmem:s16+$0x6000];
	v10 =	vmov v0  }
0x488: {  	v11 =	vld [tilespmem:s16+$0x6010];
	v2 =	vadd.f32 v5, v2  }
.Ltmp44:
0x489: {  	v1 =	vld [tilespmem:s16+$0x6020];
	v4 =	vadd.f32 v6, v4;
	(pc) =	sbr.rel @p0 .LBB2_78-.Ltmp44, $4  }
0x48a: {  	v0 =	vld [tilespmem:s16+$0x6030];
	[tilespmem:s14+$0x2000] =	vst v2;
	v3 =	vadd.f32 v8, v3  }
0x48b: {  	v2 =	vld [tilespmem:s16+$0x2000];
	[tilespmem:s14+$0x2010] =	vst v4;
	v7 =	vadd.f32 v10, v7  }
0x48c: {  	v4 =	vld [tilespmem:s16+$0x2010];
	[tilespmem:s14+$0x2020] =	vst v3;
	v5 =	vmov v9  }
0x48d: {  	s15 =	sadd.s32 $0x100, s15;
	v3 =	vld [tilespmem:s16+$0x2020];
	[tilespmem:s14+$0x2030] =	vst v7;
	v6 =	vmov v11;
	s14 =	smov.u32 s16  }
0x48e: {  	v7 =	vld [tilespmem:s14+$0x2030];
	_ =	sdelay $0x1  }
0x48f: {  	v2 =	vadd.f32 v5, v2  }
0x490: {  	v4 =	vadd.f32 v6, v4  }
0x491: {  	[tilespmem:s14+$0x2000] =	vst v2;
	v1 =	vadd.f32 v1, v3  }
0x492: {  	[tilespmem:s14+$0x2010] =	vst v4;
	v0 =	vadd.f32 v0, v7  }
0x493: {  	[tilespmem:s14+$0x2020] =	vst v1  }
0x494: {  	s28 =	simm.s32 $0x0;
	s15 =	rddreg [dreg:$0x1c];
	[tilespmem:s14+$0x2030] =	vst v0  }
0x495: {  	[hbm4b:s15+s28] =	stream.linear.scatter [tilespmem:s10], [sflag:$0x4], $0x2000, $0x38;
	[tilespmem:$0x1C000] =	vst v63  }
0x496: {  	_ =	swait.ge [sflag:s8], $0x2000  }
0x497: {  	[sflag:s8] =	ssyncset.done $0x0  }
0x498: {  	[sflag:s8] =	ssyncadd.s32 $0xFFFFE000  }
0x499: {  	[tilespmem:s10], [sflag:$0x4] =	stream.linear.gather [spmem:s7], $0x2000, $0x38;
	[tilespmem:$0x1C000] =	vst v63  }
0x49a: {  	_ =	swait.ge [sflag:s8], $0x2000  }
0x49b: {  	[sflag:s8] =	ssyncset.done $0x0  }
0x49c: {  	[sflag:s8] =	ssyncadd.s32 $0xFFFFE000  }
0x49d: {  	[tilespmem:s6], [sflag:$0x4] =	stream.linear.gather [hbm4b:s21+s28], $0x2000, $0x38;
	[tilespmem:$0x1C000] =	vst v63  }
0x49e: {  	_ =	swait.ge [sflag:s8], $0x2000  }
0x49f: {  	[sflag:s8] =	ssyncset.done $0x0  }
0x4a0: {  	s14 =	simm.s32 $0x0;
	[sflag:s8] =	ssyncadd.s32 $0xFFFFE000  }
0x4a1: {  	v5 =	vld [tilespmem:s14+$0x6000]  }
0x4a2: {  	v6 =	vld [tilespmem:s14+$0x6010]  }
0x4a3: {  	v1 =	vld [tilespmem:s14+$0x6020]  }
0x4a4: {  	v0 =	vld [tilespmem:s14+$0x6030]  }
0x4a5: {  	v2 =	vld [tilespmem:s14+$0x2000]  }
0x4a6: {  	v4 =	vld [tilespmem:s14+$0x2010]  }
0x4a7: {  	s15 =	simm.s32 $0x100;
	v3 =	vld [tilespmem:s14+$0x2020]  }
.LBB2_80:
0x4a8: {  	s16 =	sshra.s32 s15, $0x2;
	p0 =	sne.s32 s15, $0x7F00;
	v7 =	vld [tilespmem:s14+$0x2030];
	v8 =	vmov v1  }
0x4a9: {  	v9 =	vld [tilespmem:s16+$0x6000];
	v10 =	vmov v0  }
0x4aa: {  	v11 =	vld [tilespmem:s16+$0x6010];
	v2 =	vadd.f32 v5, v2  }
.Ltmp45:
0x4ab: {  	v1 =	vld [tilespmem:s16+$0x6020];
	v4 =	vadd.f32 v6, v4;
	(pc) =	sbr.rel @p0 .LBB2_80-.Ltmp45, $4  }
0x4ac: {  	v0 =	vld [tilespmem:s16+$0x6030];
	[tilespmem:s14+$0x2000] =	vst v2;
	v3 =	vadd.f32 v8, v3  }
0x4ad: {  	v2 =	vld [tilespmem:s16+$0x2000];
	[tilespmem:s14+$0x2010] =	vst v4;
	v7 =	vadd.f32 v10, v7  }
0x4ae: {  	v4 =	vld [tilespmem:s16+$0x2010];
	[tilespmem:s14+$0x2020] =	vst v3;
	v5 =	vmov v9  }
0x4af: {  	s15 =	sadd.s32 $0x100, s15;
	v3 =	vld [tilespmem:s16+$0x2020];
	[tilespmem:s14+$0x2030] =	vst v7;
	v6 =	vmov v11;
	s14 =	smov.u32 s16  }
0x4b0: {  	v7 =	vld [tilespmem:s14+$0x2030];
	_ =	sdelay $0x1  }
0x4b1: {  	v2 =	vadd.f32 v5, v2  }
0x4b2: {  	v4 =	vadd.f32 v6, v4  }
0x4b3: {  	[tilespmem:s14+$0x2000] =	vst v2;
	v1 =	vadd.f32 v1, v3  }
0x4b4: {  	[tilespmem:s14+$0x2010] =	vst v4;
	v0 =	vadd.f32 v0, v7  }
0x4b5: {  	[tilespmem:s14+$0x2020] =	vst v1  }
0x4b6: {  	s28 =	simm.s32 $0x0;
	s15 =	rddreg [dreg:$0xf];
	[tilespmem:s14+$0x2030] =	vst v0  }
0x4b7: {  	[tilespmem:s6], [sflag:$0x4] =	stream.linear.gather [hbm4b:s15+s28], $0x2000, $0x38;
	[tilespmem:$0x1C000] =	vst v63  }
0x4b8: {  	_ =	swait.ge [sflag:s8], $0x2000  }
0x4b9: {  	[sflag:s8] =	ssyncset.done $0x0  }
0x4ba: {  	s14 =	simm.s32 $0x0;
	[sflag:s8] =	ssyncadd.s32 $0xFFFFE000  }
0x4bb: {  	v5 =	vld [tilespmem:s14+$0x6000]  }
0x4bc: {  	v6 =	vld [tilespmem:s14+$0x6010]  }
0x4bd: {  	v1 =	vld [tilespmem:s14+$0x6020]  }
0x4be: {  	v0 =	vld [tilespmem:s14+$0x6030]  }
0x4bf: {  	v2 =	vld [tilespmem:s14+$0x2000]  }
0x4c0: {  	v4 =	vld [tilespmem:s14+$0x2010]  }
0x4c1: {  	s15 =	simm.s32 $0x100;
	v3 =	vld [tilespmem:s14+$0x2020]  }
.LBB2_82:
0x4c2: {  	s16 =	sshra.s32 s15, $0x2;
	p0 =	sne.s32 s15, $0x7F00;
	v7 =	vld [tilespmem:s14+$0x2030];
	v8 =	vmov v1  }
0x4c3: {  	v9 =	vld [tilespmem:s16+$0x6000];
	v10 =	vmov v0  }
0x4c4: {  	v11 =	vld [tilespmem:s16+$0x6010];
	v2 =	vmul.f32 v5, v2  }
.Ltmp46:
0x4c5: {  	v1 =	vld [tilespmem:s16+$0x6020];
	v4 =	vmul.f32 v6, v4;
	(pc) =	sbr.rel @p0 .LBB2_82-.Ltmp46, $4  }
0x4c6: {  	v0 =	vld [tilespmem:s16+$0x6030];
	[tilespmem:s14+$0x2000] =	vst v2;
	v3 =	vmul.f32 v8, v3  }
0x4c7: {  	v2 =	vld [tilespmem:s16+$0x2000];
	[tilespmem:s14+$0x2010] =	vst v4;
	v7 =	vmul.f32 v10, v7  }
0x4c8: {  	v4 =	vld [tilespmem:s16+$0x2010];
	[tilespmem:s14+$0x2020] =	vst v3;
	v5 =	vmov v9  }
0x4c9: {  	s15 =	sadd.s32 $0x100, s15;
	v3 =	vld [tilespmem:s16+$0x2020];
	[tilespmem:s14+$0x2030] =	vst v7;
	v6 =	vmov v11;
	s14 =	smov.u32 s16  }
0x4ca: {  	v7 =	vld [tilespmem:s14+$0x2030];
	_ =	sdelay $0x1  }
0x4cb: {  	v2 =	vmul.f32 v5, v2  }
0x4cc: {  	v4 =	vmul.f32 v6, v4  }
0x4cd: {  	[tilespmem:s14+$0x2000] =	vst v2;
	v1 =	vmul.f32 v1, v3  }
0x4ce: {  	[tilespmem:s14+$0x2010] =	vst v4;
	v0 =	vmul.f32 v0, v7  }
0x4cf: {  	[tilespmem:s14+$0x2020] =	vst v1  }
0x4d0: {  	s28 =	simm.s32 $0x0;
	s15 =	rddreg [dreg:$0x1d];
	[tilespmem:s14+$0x2030] =	vst v0  }
0x4d1: {  	[tilespmem:s6], [sflag:$0x4] =	stream.linear.gather [hbm4b:s15+s28], $0x2000, $0x38;
	[tilespmem:$0x1C000] =	vst v63  }
0x4d2: {  	_ =	swait.ge [sflag:s8], $0x2000  }
0x4d3: {  	[sflag:s8] =	ssyncset.done $0x0  }
0x4d4: {  	s14 =	simm.s32 $0x0;
	[sflag:s8] =	ssyncadd.s32 $0xFFFFE000  }
0x4d5: {  	v5 =	vld [tilespmem:s14+$0x6000]  }
0x4d6: {  	v6 =	vld [tilespmem:s14+$0x6010]  }
0x4d7: {  	v1 =	vld [tilespmem:s14+$0x6020]  }
0x4d8: {  	v0 =	vld [tilespmem:s14+$0x6030]  }
0x4d9: {  	v2 =	vld [tilespmem:s14+$0x2000]  }
0x4da: {  	v4 =	vld [tilespmem:s14+$0x2010]  }
0x4db: {  	s15 =	simm.s32 $0x100;
	v3 =	vld [tilespmem:s14+$0x2020]  }
.LBB2_84:
0x4dc: {  	s16 =	sshra.s32 s15, $0x2;
	p0 =	sne.s32 s15, $0x7F00;
	v7 =	vld [tilespmem:s14+$0x2030];
	v8 =	vmov v1  }
0x4dd: {  	v9 =	vld [tilespmem:s16+$0x6000];
	v10 =	vmov v0  }
0x4de: {  	v11 =	vld [tilespmem:s16+$0x6010];
	v2 =	vadd.f32 v5, v2  }
.Ltmp47:
0x4df: {  	v1 =	vld [tilespmem:s16+$0x6020];
	v4 =	vadd.f32 v6, v4;
	(pc) =	sbr.rel @p0 .LBB2_84-.Ltmp47, $4  }
0x4e0: {  	v0 =	vld [tilespmem:s16+$0x6030];
	[tilespmem:s14+$0x2000] =	vst v2;
	v3 =	vadd.f32 v8, v3  }
0x4e1: {  	v2 =	vld [tilespmem:s16+$0x2000];
	[tilespmem:s14+$0x2010] =	vst v4;
	v7 =	vadd.f32 v10, v7  }
0x4e2: {  	v4 =	vld [tilespmem:s16+$0x2010];
	[tilespmem:s14+$0x2020] =	vst v3;
	v5 =	vmov v9  }
0x4e3: {  	s15 =	sadd.s32 $0x100, s15;
	v3 =	vld [tilespmem:s16+$0x2020];
	[tilespmem:s14+$0x2030] =	vst v7;
	v6 =	vmov v11;
	s14 =	smov.u32 s16  }
0x4e4: {  	v7 =	vld [tilespmem:s14+$0x2030];
	_ =	sdelay $0x1  }
0x4e5: {  	v2 =	vadd.f32 v5, v2  }
0x4e6: {  	v4 =	vadd.f32 v6, v4  }
0x4e7: {  	[tilespmem:s14+$0x2000] =	vst v2;
	v1 =	vadd.f32 v1, v3  }
0x4e8: {  	[tilespmem:s14+$0x2010] =	vst v4;
	v0 =	vadd.f32 v0, v7  }
0x4e9: {  	[tilespmem:s14+$0x2020] =	vst v1  }
0x4ea: {  	s26 =	rddreg [dreg:$0x1e];
	[tilespmem:s14+$0x2030] =	vst v0  }
0x4eb: {  	[hbm4b:s26+s1] =	stream.linear.scatter [tilespmem:s10], [sflag:$0x4], $0x2000, $0x38;
	[tilespmem:$0x1C000] =	vst v63  }
0x4ec: {  	_ =	swait.ge [sflag:s8], $0x2000  }
0x4ed: {  	s28 =	sld [smem:$0x7FD];
	_ =	sdelay $0x1  }
0x4ee: {  	s12 =	sadd.s32 $0x1, s12  }
0x4ef: {  	p0 =	sne.s32 s12, s28  }
.Ltmp48:
0x4f0: {  	_ = 	snop;
	(pc) =	sbr.rel @p0 .LBB2_1-.Ltmp48, $3  }
0x4f1: {  	[sflag:s8] =	ssyncset.done $0x0  }
0x4f2: {  	[sflag:s8] =	ssyncadd.s32 $0xFFFFE000  }
0x4f3: {  	[bflag:$0x0] =	sbarrier.arrive $0xFFFF;
	_ =	sdelay $0x1  }
0x4f4: {  	_ =	sfence.sel $0x180000  }
0x4f5: {  	[bflag:$0x0] =	sbarrier.arrive $0xFFFF  }
0x4f6: {  	_ =	strace $0x9000004A  }
0x4f7: {  	s0 =	stileid.u32;
	[bflag:$0x2] =	sbarrier.arrive $0xFFFF  }
0x4f8: {  	p0 =	sne.s32 s0, $0x0;
	s0 =	rddreg [dreg:$0x5]  }
0x4f9: {  	s0 =	sadd.s32 @!p0 $0x100000, s0  }
0x4fa: {  	[sflag:s0] =	ssyncadd.tile.s32 @!p0 $0x1;
	_ =	shalt  }
.Lfunc_end2:
_tile_overlayer_lowered:
.L_overlay_start_2:
0x4fb: {  	(tag) =	ssettag $0x2  }
0x4fc: {  	s0 =	rddreg [dreg:$0x0];
	s2 =	stileid.u32  }
0x4fd: {  	s1 =	rddreg [dreg:$0x1];
	p0 =	sne.s32 s2, $0x0  }
0x4fe: {  	s3 =	rddreg [dreg:$0x2];
	[bflag:$0x3] =	sbarrier.arrive $0xFFFF;
	s2 =	simm.s32 @!p0 $0x1C04  }
0x4ff: {  	[timem:s3], [sflag:s2] =	dma.local @!p0 [hbm:s0], s1  }
0x500: {  	s0 =	simm.s32 @!p0 $0x4  }
0x501: {  	_ =	swait.ge @!p0 [sflag:s0], s1  }
0x502: {  	s1 =	ssub.s32 @!p0 $0x0, s1;
	[sflag:s0] =	ssyncset.done @!p0 $0x0  }
0x503: {  	[sflag:s0] =	ssyncadd.s32 @!p0 s1  }
0x504: {  	[bflag:$0x3] =	sbarrier.arrive $0xFFFF  }
0x505: {  	_ =	shalt  }

</sc_bundles>
